<compile_context>
chip_gen: v7x
topology: tpu7x:2x2x1
jax: 0.10.2.dev20260603
libtpu: 0.0.44.dev20260713+nightly
codegen_flags: <defaults>
</compile_context>

<pallas_src>
import functools

import jax
import jax.numpy as jnp
from jax import lax
from jax.experimental import pallas as pl
from jax.experimental.pallas import tpu as pltpu
from jax.experimental.pallas import tpu_sc as plsc

_BLK = 2048
_SCAN_BASE = 1


def _mesh():
    return plsc.VectorSubcoreMesh(core_axis_name="c", subcore_axis_name="s")


def _wid():
    info = plsc.get_sparse_core_info()
    return lax.axis_index("s") * info.num_cores + lax.axis_index("c")



def _sc_occ_count(dst, n):
    e = dst.shape[0]
    per = e // 16
    nv = per // 16
    assert per * 16 == e and nv * 16 == per and n % 16 == 0
    ch = 2048
    ntab = ((n + ch - 1) // ch) * ch
    assert ntab % ch == 0 and ch % 16 == 0

    @functools.partial(
        pl.kernel,
        mesh=_mesh(),
        compiler_params=pltpu.CompilerParams(needs_layout_passes=False),
        out_type=(jax.ShapeDtypeStruct((e,), jnp.int32),
                  jax.ShapeDtypeStruct((n,), jnp.int32)),
        scratch_types=[
            pltpu.VMEM((per,), jnp.int32),
            pltpu.VMEM((per,), jnp.int32),
            pltpu.VMEM((ntab,), jnp.int32),
            pltpu.VMEM((ntab,), jnp.int32),
            pltpu.VMEM((16, ch), jnp.int32),
            pltpu.VMEM_SHARED((16, ntab), jnp.int32),
            pltpu.SemaphoreType.DMA,
        ],
    )
    def k(dst_h, t_h, deg_h, dbuf, tbuf, cnt, pfx, stage, shared, sem):
        cid = lax.axis_index("c")
        sid = lax.axis_index("s")
        zero16 = jnp.zeros((16,), jnp.int32)

        @pl.when(cid == 0)
        def _local():
            base = sid * per
            pltpu.sync_copy(dst_h.at[pl.ds(base, per)], dbuf)

            def z(i, c):
                cnt[pl.ds(i * 16, 16)] = zero16
                return c
            lax.fori_loop(0, ntab // 16, z, 0)

            def main(i, c):
                d = dbuf[pl.ds(i * 16, 16)]
                occ, lastm = plsc.scan_count(d)
                occ = occ - _SCAN_BASE
                b = plsc.load_gather(cnt, [d])
                t = b + occ
                tbuf[pl.ds(i * 16, 16)] = t
                plsc.store_scatter(cnt, [d], t + 1, mask=lastm)
                return c
            lax.fori_loop(0, nv, main, 0)
            pltpu.sync_copy(cnt, shared.at[sid])

        plsc.subcore_barrier()

        @pl.when(cid == 0)
        def _stitch():
            def chunk(ci, c):
                pltpu.sync_copy(shared.at[:, pl.ds(ci * ch, ch)], stage)

                def vec(v, c2):
                    acc = zero16
                    tot = zero16
                    for w in range(16):
                        rows = stage[w, pl.ds(v * 16, 16)]
                        tot = tot + rows
                        acc = acc + jnp.where(w < sid, rows, zero16)
                    pfx[pl.ds(ci * ch + v * 16, 16)] = acc

                    @pl.when(sid == 0)
                    def _():
                        cnt[pl.ds(ci * ch + v * 16, 16)] = tot
                    return c2
                lax.fori_loop(0, ch // 16, vec, 0)
                return c
            lax.fori_loop(0, ntab // ch, chunk, 0)

            def fix(i, c):
                d = dbuf[pl.ds(i * 16, 16)]
                t = tbuf[pl.ds(i * 16, 16)] + plsc.load_gather(pfx, [d])
                tbuf[pl.ds(i * 16, 16)] = t
                return c
            lax.fori_loop(0, nv, fix, 0)
            pltpu.sync_copy(tbuf, t_h.at[pl.ds(sid * per, per)])

            @pl.when(sid == 0)
            def _():
                pltpu.sync_copy(cnt.at[pl.ds(0, n)], deg_h)

    return k(dst)



_SCAP = 32768


def _sc_build_pos(dst, src, t_e, node_order, s_arr, degtop):
    e = dst.shape[0]
    n = node_order.shape[0]
    per = e // 16
    nv = per // 16
    assert per * 16 == e and nv * 16 == per
    scap = s_arr.shape[0]

    @functools.partial(
        pl.kernel,
        mesh=_mesh(),
        compiler_params=pltpu.CompilerParams(needs_layout_passes=False,
                                             use_tc_tiling_on_sc=False),
        out_type=(jax.ShapeDtypeStruct((e,), jnp.int32),
                  jax.ShapeDtypeStruct((e,), jnp.int32),
                  jax.ShapeDtypeStruct((n,), jnp.int32)),
        scratch_types=[
            pltpu.VMEM((per,), jnp.int32),
            pltpu.VMEM((per,), jnp.int32),
            pltpu.VMEM((per,), jnp.int32),
            pltpu.VMEM((scap,), jnp.int32),
            pltpu.VMEM((16,), jnp.int32),
            pltpu.VMEM((n,), jnp.int32),
            pltpu.VMEM((n,), jnp.int32),
            pltpu.VMEM((per,), jnp.int32),
            pltpu.VMEM((per,), jnp.int32),
            pltpu.SemaphoreType.DMA,
        ],
    )
    def k(dst_h, src_h, te_h, no_h, sarr_h, dt_h, pos_h, rs_h, rank_h,
          dbuf, sbuf, tebuf, s_tab, dtbuf, nbuf, rank_tab, posbuf, rsbuf,
          sem):
        cid = lax.axis_index("c")
        sid = lax.axis_index("s")
        iota16 = lax.iota(jnp.int32, 16)

        @pl.when(cid == 0)
        def _():
            base = sid * per
            pltpu.sync_copy(dst_h.at[pl.ds(base, per)], dbuf)
            pltpu.sync_copy(src_h.at[pl.ds(base, per)], sbuf)
            pltpu.sync_copy(te_h.at[pl.ds(base, per)], tebuf)
            pltpu.sync_copy(no_h, nbuf)
            pltpu.sync_copy(sarr_h, s_tab)
            pltpu.sync_copy(dt_h, dtbuf)

            def rb(v, c):
                no = nbuf[pl.ds(v * 16, 16)]
                plsc.store_scatter(rank_tab, [no], v * 16 + iota16)
                return c
            lax.fori_loop(0, n // 16, rb, 0)

            def vec(j, c2):
                d = dbuf[pl.ds(j * 16, 16)]
                s = sbuf[pl.ds(j * 16, 16)]
                t = tebuf[pl.ds(j * 16, 16)]
                inb = t < scap
                s0_lo = plsc.load_gather(
                    s_tab, [jnp.minimum(t, scap - 1)])
                ov = jnp.max((t >= scap).astype(jnp.int32))

                def slow():
                    acc = jnp.zeros((16,), jnp.int32)
                    dtv = dtbuf[pl.ds(0, 16)]
                    for kk in range(16):
                        acc = acc + jnp.maximum(dtv[kk] - t, 0)
                    return jnp.where(inb, s0_lo, e - acc)

                s0 = lax.cond(ov > 0, slow, lambda: s0_lo)
                posbuf[pl.ds(j * 16, 16)] = s0 + plsc.load_gather(
                    rank_tab, [d])
                rsbuf[pl.ds(j * 16, 16)] = plsc.load_gather(rank_tab, [s])
                return c2
            lax.fori_loop(0, nv, vec, 0)

            pltpu.sync_copy(posbuf, pos_h.at[pl.ds(base, per)])
            pltpu.sync_copy(rsbuf, rs_h.at[pl.ds(base, per)])

            @pl.when(sid == 0)
            def _():
                pltpu.sync_copy(rank_tab, rank_h)

    return k(dst, src, t_e, node_order, s_arr, degtop)



def _sc_gather(table, idx, tile):
    info = plsc.get_sparse_core_info()
    nw = info.num_cores * info.num_subcores
    b = idx.shape[0]
    d = table.shape[1]
    bpw = b // nw
    nt = bpw // tile
    assert bpw * nw == b and nt * tile == bpw and tile % 8 == 0

    @functools.partial(
        pl.kernel,
        mesh=_mesh(),
        out_type=jax.ShapeDtypeStruct((b, d), jnp.float32),
        scratch_types=[
            pltpu.VMEM((tile,), jnp.int32),
            pltpu.VMEM((tile, d), jnp.float32),
            pltpu.SemaphoreType.DMA,
        ],
    )
    def k(table_hbm, idx_hbm, out_hbm, idx_v, rows_v, sem):
        base = _wid() * bpw

        def body(i, carry):
            off = base + i * tile
            pltpu.sync_copy(idx_hbm.at[pl.ds(off, tile)], idx_v)
            cp = pltpu.make_async_copy(table_hbm.at[idx_v], rows_v, sem)
            cp.start()
            cp.wait()
            pltpu.sync_copy(rows_v, out_hbm.at[pl.ds(off, tile)])
            return carry
        lax.fori_loop(0, nt, body, 0)

    return k(table, idx)


def _sc_gather_scatter(table, gidx, sidx, out_rows, tile):
    info = plsc.get_sparse_core_info()
    nw = info.num_cores * info.num_subcores
    b = gidx.shape[0]
    d = table.shape[1]
    bpw = b // nw
    nt = bpw // tile
    assert bpw * nw == b and nt * tile == bpw and tile % 8 == 0

    @functools.partial(
        pl.kernel,
        mesh=_mesh(),
        out_type=jax.ShapeDtypeStruct((out_rows, d), jnp.float32),
        scratch_types=[
            pltpu.VMEM((tile,), jnp.int32),
            pltpu.VMEM((tile,), jnp.int32),
            pltpu.VMEM((tile, d), jnp.float32),
            pltpu.SemaphoreType.DMA,
        ],
    )
    def k(table_hbm, gidx_hbm, sidx_hbm, out_hbm, gi_v, si_v, rows_v, sem):
        base = _wid() * bpw

        def body(i, carry):
            off = base + i * tile
            pltpu.sync_copy(gidx_hbm.at[pl.ds(off, tile)], gi_v)
            pltpu.sync_copy(sidx_hbm.at[pl.ds(off, tile)], si_v)
            cp = pltpu.make_async_copy(table_hbm.at[gi_v], rows_v, sem)
            cp.start()
            cp.wait()
            cp2 = pltpu.make_async_copy(rows_v, out_hbm.at[si_v], sem)
            cp2.start()
            cp2.wait()
            return carry
        lax.fori_loop(0, nt, body, 0)

    return k(table, gidx, sidx)



def _lstm_body(xr, gh, deg2d, degcol, wih_t, whh_t, bias, fcs_wt, fcs_b,
               fcn_wt, out, h, c, gbuf, sem, *, nb, act, hdim):
    f32 = jnp.float32
    h[...] = jnp.zeros_like(h)
    c[...] = jnp.zeros_like(c)

    def pro(bi, carry):
        xt = xr[pl.ds(bi * _BLK, _BLK), :]
        out[pl.ds(bi * _BLK, _BLK), :] = (
            jnp.dot(xt, fcs_wt[...], preferred_element_type=f32) + fcs_b[...])
        return carry
    lax.fori_loop(0, nb, pro, 0)

    t_max = jnp.max(deg2d[...])

    def fetch(off, p):
        cp = pltpu.make_async_copy(
            gh.at[pl.ds(off, _BLK)], gbuf.at[p], sem.at[p])
        cp.start()

    fetch(0, 0)

    def step(t, carry):
        s, par = carry
        a = jnp.sum((deg2d[...] > t).astype(jnp.int32))
        nblk = (a + _BLK - 1) // _BLK

        def blk(bi, par):
            pltpu.make_async_copy(
                gh.at[pl.ds(0, _BLK)], gbuf.at[par], sem.at[par]).wait()
            nxt = jnp.where(bi + 1 < nblk, s + (bi + 1) * _BLK, s + a)
            fetch(nxt, 1 - par)
            gt = gbuf[par]
            ht = h[pl.ds(bi * _BLK, _BLK), :]
            ct = c[pl.ds(bi * _BLK, _BLK), :]
            gates = (jnp.dot(gt, wih_t[...], preferred_element_type=f32)
                     + jnp.dot(ht, whh_t[...], preferred_element_type=f32)
                     + bias[...])
            ig = jax.nn.sigmoid(gates[:, 0:hdim])
            fg = jax.nn.sigmoid(gates[:, hdim:2 * hdim])
            gg = jnp.tanh(gates[:, 2 * hdim:3 * hdim])
            og = jax.nn.sigmoid(gates[:, 3 * hdim:4 * hdim])
            cn = fg * ct + ig * gg
            hn = og * jnp.tanh(cn)
            m = degcol[pl.ds(bi * _BLK, _BLK), :] > t
            h[pl.ds(bi * _BLK, _BLK), :] = jnp.where(m, hn, ht)
            c[pl.ds(bi * _BLK, _BLK), :] = jnp.where(m, cn, ct)
            return 1 - par
        par = lax.fori_loop(0, nblk, blk, par)
        return s + a, par
    s_fin, par_fin = lax.fori_loop(0, t_max, step, (jnp.int32(0),
                                                    jnp.int32(0)))
    pltpu.make_async_copy(
        gh.at[pl.ds(0, _BLK)], gbuf.at[par_fin], sem.at[par_fin]).wait()

    def epi(bi, carry):
        ht = h[pl.ds(bi * _BLK, _BLK), :]
        ot = out[pl.ds(bi * _BLK, _BLK), :]
        out[pl.ds(bi * _BLK, _BLK), :] = act(
            ot + jnp.dot(ht, fcn_wt[...], preferred_element_type=f32))
        return carry
    lax.fori_loop(0, nb, epi, 0)


def _tc_sage_layer(xr, gh, deg2d, degcol, wih_t, whh_t, bias, fcs_wt, fcs_b,
                   fcn_wt, act):
    npad, d = xr.shape
    hdim = whh_t.shape[0]
    out_w = fcn_wt.shape[1]
    nb = npad // _BLK
    body = functools.partial(_lstm_body, nb=nb, act=act, hdim=hdim)
    anyspec = pl.BlockSpec(memory_space=pl.ANY)
    vspec = pl.BlockSpec(memory_space=pltpu.VMEM)
    return pl.pallas_call(
        body,
        in_specs=[vspec, anyspec] + [vspec] * 8,
        out_specs=vspec,
        out_shape=jax.ShapeDtypeStruct((npad, out_w), jnp.float32),
        scratch_shapes=[
            pltpu.VMEM((npad, hdim), jnp.float32),
            pltpu.VMEM((npad, hdim), jnp.float32),
            pltpu.VMEM((2, _BLK, d), jnp.float32),
            pltpu.SemaphoreType.DMA((2,)),
        ],
    )(xr, gh, deg2d, degcol, wih_t, whh_t, bias, fcs_wt, fcs_b, fcn_wt)



def kernel(x, edge_index, W_ih1, W_hh1, b_ih1, b_hh1, fc_self_W1, fc_self_b1,
           fc_neigh_W1, W_ih2, W_hh2, b_ih2, b_hh2, fc_self_W2, fc_self_b2,
           fc_neigh_W2):
    n, d = x.shape
    e = edge_index.shape[1]
    hdim = W_hh1.shape[1]
    npad = ((n + _BLK - 1) // _BLK) * _BLK
    epad = ((e + _BLK + 16383) // 16384) * 16384

    src = edge_index[0]
    dst = edge_index[1]

    t_e, deg = _sc_occ_count(dst, n)

    node_order = jnp.argsort(-deg, stable=True).astype(jnp.int32)
    deg_r = deg[node_order]
    scap = min(_SCAP, ((e + 2) // 16) * 16)
    hist = jnp.bincount(jnp.minimum(deg, scap - 1), length=scap)
    a_arr = n - jnp.cumsum(hist)
    s_arr = jnp.concatenate(
        [jnp.zeros((1,), jnp.int32), jnp.cumsum(a_arr)[:scap - 1]])
    s_arr = s_arr.astype(jnp.int32)
    degtop = deg_r[:16]

    pos_e, rs_e, rank_of = _sc_build_pos(dst, src, t_e, node_order, s_arr,
                                         degtop)

    no_pad = jnp.zeros((npad,), jnp.int32).at[:n].set(node_order)
    rank_pad = jnp.zeros((npad,), jnp.int32).at[:n].set(rank_of)
    degcol = jnp.zeros((npad, 1), jnp.int32).at[:n, 0].set(deg_r)
    deg2d = degcol.reshape(npad // 128, 128)

    wih1_t = W_ih1.T
    whh1_t = W_hh1.T
    bias1 = (b_ih1 + b_hh1).reshape(1, 4 * hdim)
    fcs1_t = fc_self_W1.T
    fcs1_b = fc_self_b1.reshape(1, hdim)
    fcn1_t = fc_neigh_W1.T

    wih2_t = W_ih2.T
    whh2_t = W_hh2.T
    bias2 = (b_ih2 + b_hh2).reshape(1, 4 * hdim)
    fcs2_t = jnp.zeros((hdim, 128), jnp.float32).at[:, 0:1].set(fc_self_W2.T)
    fcs2_b = jnp.zeros((1, 128), jnp.float32).at[0, 0].set(fc_self_b2[0])
    fcn2_t = jnp.zeros((hdim, 128), jnp.float32).at[:, 0:1].set(fc_neigh_W2.T)

    ntile = npad // 32
    xr = _sc_gather(x, no_pad, tile=ntile)
    g1 = _sc_gather_scatter(x, src, pos_e, epad, tile=200)
    out1_r = _tc_sage_layer(xr, g1, deg2d, degcol, wih1_t, whh1_t, bias1,
                            fcs1_t, fcs1_b, fcn1_t, jax.nn.relu)

    g2 = _sc_gather_scatter(out1_r, rs_e, pos_e, epad, tile=200)
    out2_r = _tc_sage_layer(out1_r, g2, deg2d, degcol, wih2_t, whh2_t, bias2,
                            fcs2_t, fcs2_b, fcn2_t, jax.nn.sigmoid)

    out_n = _sc_gather(out2_r, rank_pad, tile=ntile)
    return out_n[:n, 0:1]

# --- scband reference (transcript-rebuilt; emitter-appended) ---
"""Pipeline reference for scband-prog-gnn-4853313044745 (READ-ONLY COPY).

The authoritative reference and input builder live on the scoring server;
editing this copy changes nothing except your own understanding.
"""

import jax, jax.numpy as jnp
import numpy as np

N = 10000
E = 160000
D = 128
H = 128


def setup_inputs(seed: int = 0) -> dict:
    key = jax.random.key(seed)
    ks = jax.random.split(key, 20)

    def p(k, shape):
        return jax.random.normal(k, shape, dtype=jnp.float32) * 0.1

    inp = {}
    inp['x'] = jax.random.normal(ks[0], (N, D), dtype=jnp.float32)
    inp['edge_index'] = jax.random.randint(ks[1], (2, E), 0, N, dtype=jnp.int32)
    # Layer 1: SAGEConv(128 -> 128, aggregator='lstm', activation=relu)
    inp['W_ih1'] = p(ks[2], (4 * H, D))
    inp['W_hh1'] = p(ks[3], (4 * H, H))
    inp['b_ih1'] = p(ks[4], (4 * H,))
    inp['b_hh1'] = p(ks[5], (4 * H,))
    inp['fc_self_W1'] = p(ks[6], (H, D))
    inp['fc_self_b1'] = p(ks[7], (H,))
    inp['fc_neigh_W1'] = p(ks[8], (H, H))
    # Layer 2: SAGEConv(128 -> 1, aggregator='lstm', activation=sigmoid)
    inp['W_ih2'] = p(ks[9], (4 * H, H))
    inp['W_hh2'] = p(ks[10], (4 * H, H))
    inp['b_ih2'] = p(ks[11], (4 * H,))
    inp['b_hh2'] = p(ks[12], (4 * H,))
    inp['fc_self_W2'] = p(ks[13], (1, H))
    inp['fc_self_b2'] = p(ks[14], (1,))
    inp['fc_neigh_W2'] = p(ks[15], (1, H))
    return inp


def sage_lstm_layer(x, edge_index, W_ih, W_hh, b_ih, b_hh, fc_self_W, fc_self_b, fc_neigh_W, act):
    # DGL SAGEConv with 'lstm' aggregator: per-dst-node LSTM over neighbor
    # (src) features, take final hidden state, then fc_self(x) + fc_neigh(h).
    n, d = x.shape
    src = edge_index[0]
    dst = edge_index[1]
    e = src.shape[0]
    deg = jnp.bincount(dst, length=n)
    maxdeg = jnp.max(deg)
    order = jnp.argsort(dst)  # stable sort groups edges by dst
    src_s = src[order]
    offsets = jnp.cumsum(deg) - deg

    h_dim = W_hh.shape[1]

    def step(t, carry):
        h, c = carry
        idx = jnp.clip(offsets + t, 0, e - 1)
        x_t = x[src_s[idx]]
        m_t = t < deg
        gates = x_t @ W_ih.T + b_ih + h @ W_hh.T + b_hh
        i, f, g, o = jnp.split(gates, 4, axis=-1)
        i = jax.nn.sigmoid(i)
        f = jax.nn.sigmoid(f)
        g = jnp.tanh(g)
        o = jax.nn.sigmoid(o)
        c_new = f * c + i * g
        h_new = o * jnp.tanh(c_new)
        m = m_t[:, None]
        return (jnp.where(m, h_new, h), jnp.where(m, c_new, c))

    h0 = jnp.zeros((n, h_dim), x.dtype)
    c0 = jnp.zeros((n, h_dim), x.dtype)
    h_fin, _ = jax.lax.fori_loop(0, maxdeg, step, (h0, c0))

    h_neigh = h_fin @ fc_neigh_W.T
    h_self = x @ fc_self_W.T + fc_self_b
    return act(h_self + h_neigh)


def reference(x, edge_index, W_ih1, W_hh1, b_ih1, b_hh1, fc_self_W1, fc_self_b1, fc_neigh_W1, W_ih2, W_hh2, b_ih2, b_hh2, fc_self_W2, fc_self_b2, fc_neigh_W2):
    h = sage_lstm_layer(x, edge_index, W_ih1, W_hh1, b_ih1, b_hh1, fc_self_W1, fc_self_b1, fc_neigh_W1, jax.nn.relu)
    out = sage_lstm_layer(h, edge_index, W_ih2, W_hh2, b_ih2, b_hh2, fc_self_W2, fc_self_b2, fc_neigh_W2, jax.nn.sigmoid)
    return out

if __name__ == "__main__":
    import jax
    _d = setup_inputs()
    print(jax.jit(kernel)(*tuple(_d.values())))

</pallas_src>

<mosaic_0001>
#map = affine_map<(d0, d1) -> (0)>
module attributes {stable_mosaic.version = 14 : i64} {
  func.func @k(%arg0: i32, %arg1: i32, %arg2: memref<160000xi32, #tpu.memory_space<hbm>>, %arg3: memref<160000xi32, #tpu.memory_space<hbm>>, %arg4: memref<160000xi32, #tpu.memory_space<hbm>>, %arg5: memref<10000xi32, #tpu.memory_space<hbm>>, %arg6: memref<32768xi32, #tpu.memory_space<hbm>>, %arg7: memref<16xi32, #tpu.memory_space<hbm>>, %arg8: memref<160000xi32, #tpu.memory_space<hbm>>, %arg9: memref<160000xi32, #tpu.memory_space<hbm>>, %arg10: memref<10000xi32, #tpu.memory_space<hbm>>, %arg11: memref<10000xi32, #tpu.memory_space<vmem>>, %arg12: memref<10000xi32, #tpu.memory_space<vmem>>, %arg13: memref<10000xi32, #tpu.memory_space<vmem>>, %arg14: memref<32768xi32, #tpu.memory_space<vmem>>, %arg15: memref<16xi32, #tpu.memory_space<vmem>>, %arg16: memref<10000xi32, #tpu.memory_space<vmem>>, %arg17: memref<10000xi32, #tpu.memory_space<vmem>>, %arg18: memref<10000xi32, #tpu.memory_space<vmem>>, %arg19: memref<10000xi32, #tpu.memory_space<vmem>>, %arg20: memref<!tpu.dma_semaphore, #tpu.memory_space<semaphore_mem>>) attributes {dimension_semantics = [#tpu.dimension_semantics<core_parallel>, #tpu.dimension_semantics<subcore_parallel>], iteration_bounds = array<i64: 2, 16>, scalar_prefetch = 0 : i64, scratch_operands = 10 : i64, tpu.core_type = #tpu.core_type<sc_vector_subcore>, window_params = [{transform_indices = #map}, {transform_indices = #map}, {transform_indices = #map}, {transform_indices = #map}, {transform_indices = #map}, {transform_indices = #map}, {transform_indices = #map}, {transform_indices = #map}, {transform_indices = #map}]} {
    %iota3A = tpu.iota {dimensions = array<i32: 0>} : vector<16xi32>
    %eq3A = arith.constant 0 : i32
    %eq3A_0 = arith.cmpi eq, %arg0, %eq3A : i32
    %convert_element_type3A = arith.extui %eq3A_0 : i1 to i32
    %cond3A = arith.constant 0 : i32
    %cond3A_1 = arith.cmpi ne, %convert_element_type3A, %cond3A : i32
    scf.if %cond3A_1 {
      %mul3A = arith.constant 10000 : i32
      %mul3A_2 = arith.muli %arg1, %mul3A : i32
      "tpu.region"() ({
        %run_scoped3A = tpu.sem_alloc : memref<!tpu.dma_semaphore, #tpu.memory_space<semaphore_mem>>
        %dma_start3A = tpu.memref_slice %arg2[%mul3A_2] : memref<160000xi32, #tpu.memory_space<hbm>> -> memref<10000xi32, #tpu.memory_space<hbm>>
        %dma_start3A_19 = tpu.memref_slice %arg2[%mul3A_2] : memref<160000xi32, #tpu.memory_space<hbm>> -> memref<10000xi32, #tpu.memory_space<hbm>>
        tpu.enqueue_dma source(%dma_start3A_19 : memref<10000xi32, #tpu.memory_space<hbm>>) target(%arg11 : memref<10000xi32, #tpu.memory_space<vmem>>) target_semaphore(%run_scoped3A : memref<!tpu.dma_semaphore, #tpu.memory_space<semaphore_mem>>)
        %dma_wait3A = tpu.memref_slice %arg2[%mul3A_2] : memref<160000xi32, #tpu.memory_space<hbm>> -> memref<10000xi32, #tpu.memory_space<hbm>>
        %dma_wait3A_20 = tpu.memref_slice %arg2[%mul3A_2] : memref<160000xi32, #tpu.memory_space<hbm>> -> memref<10000xi32, #tpu.memory_space<hbm>>
        tpu.wait_dma2 semaphore(%run_scoped3A : memref<!tpu.dma_semaphore, #tpu.memory_space<semaphore_mem>>) src(%dma_wait3A_20 : memref<10000xi32, #tpu.memory_space<hbm>>) dst(%arg11 : memref<10000xi32, #tpu.memory_space<vmem>>)
        tpu.yield
      }) : () -> ()
      "tpu.region"() ({
        %run_scoped3A = tpu.sem_alloc : memref<!tpu.dma_semaphore, #tpu.memory_space<semaphore_mem>>
        %dma_start3A = tpu.memref_slice %arg3[%mul3A_2] : memref<160000xi32, #tpu.memory_space<hbm>> -> memref<10000xi32, #tpu.memory_space<hbm>>
        %dma_start3A_19 = tpu.memref_slice %arg3[%mul3A_2] : memref<160000xi32, #tpu.memory_space<hbm>> -> memref<10000xi32, #tpu.memory_space<hbm>>
        tpu.enqueue_dma source(%dma_start3A_19 : memref<10000xi32, #tpu.memory_space<hbm>>) target(%arg12 : memref<10000xi32, #tpu.memory_space<vmem>>) target_semaphore(%run_scoped3A : memref<!tpu.dma_semaphore, #tpu.memory_space<semaphore_mem>>)
        %dma_wait3A = tpu.memref_slice %arg3[%mul3A_2] : memref<160000xi32, #tpu.memory_space<hbm>> -> memref<10000xi32, #tpu.memory_space<hbm>>
        %dma_wait3A_20 = tpu.memref_slice %arg3[%mul3A_2] : memref<160000xi32, #tpu.memory_space<hbm>> -> memref<10000xi32, #tpu.memory_space<hbm>>
        tpu.wait_dma2 semaphore(%run_scoped3A : memref<!tpu.dma_semaphore, #tpu.memory_space<semaphore_mem>>) src(%dma_wait3A_20 : memref<10000xi32, #tpu.memory_space<hbm>>) dst(%arg12 : memref<10000xi32, #tpu.memory_space<vmem>>)
        tpu.yield
      }) : () -> ()
      "tpu.region"() ({
        %run_scoped3A = tpu.sem_alloc : memref<!tpu.dma_semaphore, #tpu.memory_space<semaphore_mem>>
        %dma_start3A = tpu.memref_slice %arg4[%mul3A_2] : memref<160000xi32, #tpu.memory_space<hbm>> -> memref<10000xi32, #tpu.memory_space<hbm>>
        %dma_start3A_19 = tpu.memref_slice %arg4[%mul3A_2] : memref<160000xi32, #tpu.memory_space<hbm>> -> memref<10000xi32, #tpu.memory_space<hbm>>
        tpu.enqueue_dma source(%dma_start3A_19 : memref<10000xi32, #tpu.memory_space<hbm>>) target(%arg13 : memref<10000xi32, #tpu.memory_space<vmem>>) target_semaphore(%run_scoped3A : memref<!tpu.dma_semaphore, #tpu.memory_space<semaphore_mem>>)
        %dma_wait3A = tpu.memref_slice %arg4[%mul3A_2] : memref<160000xi32, #tpu.memory_space<hbm>> -> memref<10000xi32, #tpu.memory_space<hbm>>
        %dma_wait3A_20 = tpu.memref_slice %arg4[%mul3A_2] : memref<160000xi32, #tpu.memory_space<hbm>> -> memref<10000xi32, #tpu.memory_space<hbm>>
        tpu.wait_dma2 semaphore(%run_scoped3A : memref<!tpu.dma_semaphore, #tpu.memory_space<semaphore_mem>>) src(%dma_wait3A_20 : memref<10000xi32, #tpu.memory_space<hbm>>) dst(%arg13 : memref<10000xi32, #tpu.memory_space<vmem>>)
        tpu.yield
      }) : () -> ()
      "tpu.region"() ({
        %run_scoped3A = tpu.sem_alloc : memref<!tpu.dma_semaphore, #tpu.memory_space<semaphore_mem>>
        tpu.enqueue_dma source(%arg5 : memref<10000xi32, #tpu.memory_space<hbm>>) target(%arg16 : memref<10000xi32, #tpu.memory_space<vmem>>) target_semaphore(%run_scoped3A : memref<!tpu.dma_semaphore, #tpu.memory_space<semaphore_mem>>)
        tpu.wait_dma2 semaphore(%run_scoped3A : memref<!tpu.dma_semaphore, #tpu.memory_space<semaphore_mem>>) src(%arg5 : memref<10000xi32, #tpu.memory_space<hbm>>) dst(%arg16 : memref<10000xi32, #tpu.memory_space<vmem>>)
        tpu.yield
      }) : () -> ()
      "tpu.region"() ({
        %run_scoped3A = tpu.sem_alloc : memref<!tpu.dma_semaphore, #tpu.memory_space<semaphore_mem>>
        tpu.enqueue_dma source(%arg6 : memref<32768xi32, #tpu.memory_space<hbm>>) target(%arg14 : memref<32768xi32, #tpu.memory_space<vmem>>) target_semaphore(%run_scoped3A : memref<!tpu.dma_semaphore, #tpu.memory_space<semaphore_mem>>)
        tpu.wait_dma2 semaphore(%run_scoped3A : memref<!tpu.dma_semaphore, #tpu.memory_space<semaphore_mem>>) src(%arg6 : memref<32768xi32, #tpu.memory_space<hbm>>) dst(%arg14 : memref<32768xi32, #tpu.memory_space<vmem>>)
        tpu.yield
      }) : () -> ()
      "tpu.region"() ({
        %run_scoped3A = tpu.sem_alloc : memref<!tpu.dma_semaphore, #tpu.memory_space<semaphore_mem>>
        tpu.enqueue_dma source(%arg7 : memref<16xi32, #tpu.memory_space<hbm>>) target(%arg15 : memref<16xi32, #tpu.memory_space<vmem>>) target_semaphore(%run_scoped3A : memref<!tpu.dma_semaphore, #tpu.memory_space<semaphore_mem>>)
        tpu.wait_dma2 semaphore(%run_scoped3A : memref<!tpu.dma_semaphore, #tpu.memory_space<semaphore_mem>>) src(%arg7 : memref<16xi32, #tpu.memory_space<hbm>>) dst(%arg15 : memref<16xi32, #tpu.memory_space<vmem>>)
        tpu.yield
      }) : () -> ()
      %scan3A = arith.constant 0 : i32
      %scan3A_3 = arith.constant 0 : i32
      %scan3A_4 = arith.constant 625 : i32
      %scan3A_5 = arith.addi %scan3A_3, %scan3A_4 : i32
      %scan3A_6 = arith.constant 1 : i32
      scf.for %scan3A_19 = %scan3A_3 to %scan3A_5 step %scan3A_6  : i32 {
        %mul3A_20 = arith.constant 16 : i32
        %mul3A_21 = arith.muli %scan3A_19, %mul3A_20 : i32
        %get3A = arith.index_cast %mul3A_21 : i32 to index
        %get3A_22 = tpu.vector_load %arg16[%get3A] {strides = array<i32>} : memref<10000xi32, #tpu.memory_space<vmem>>, vector<16xi32>,
        %mul3A_23 = arith.constant 16 : i32
        %mul3A_24 = arith.muli %scan3A_19, %mul3A_23 : i32
        %add3A = vector.broadcast %mul3A_24 : i32 to vector<16xi32>
        %add3A_25 = arith.addi %add3A, %iota3A : vector<16xi32>
        tpu.vector_store_idx %arg17[%get3A_22], %add3A_25 : memref<10000xi32, #tpu.memory_space<vmem>>[vector<16xi32>], vector<16xi32>,
      }
      %scan3A_7 = arith.constant 625 : i32
      %scan3A_8 = arith.constant 0 : i32
      %scan3A_9 = arith.constant 0 : i32
      %scan3A_10 = arith.constant 625 : i32
      %scan3A_11 = arith.addi %scan3A_9, %scan3A_10 : i32
      %scan3A_12 = arith.constant 1 : i32
      scf.for %scan3A_19 = %scan3A_9 to %scan3A_11 step %scan3A_12  : i32 {
        %mul3A_20 = arith.constant 16 : i32
        %mul3A_21 = arith.muli %scan3A_19, %mul3A_20 : i32
        %get3A = arith.index_cast %mul3A_21 : i32 to index
        %get3A_22 = tpu.vector_load %arg11[%get3A] {strides = array<i32>} : memref<10000xi32, #tpu.memory_space<vmem>>, vector<16xi32>,
        %mul3A_23 = arith.constant 16 : i32
        %mul3A_24 = arith.muli %scan3A_19, %mul3A_23 : i32
        %get3A_25 = arith.index_cast %mul3A_24 : i32 to index
        %get3A_26 = tpu.vector_load %arg12[%get3A_25] {strides = array<i32>} : memref<10000xi32, #tpu.memory_space<vmem>>, vector<16xi32>,
        %mul3A_27 = arith.constant 16 : i32
        %mul3A_28 = arith.muli %scan3A_19, %mul3A_27 : i32
        %get3A_29 = arith.index_cast %mul3A_28 : i32 to index
        %get3A_30 = tpu.vector_load %arg13[%get3A_29] {strides = array<i32>} : memref<10000xi32, #tpu.memory_space<vmem>>, vector<16xi32>,
        %lt3A = arith.constant 32768 : i32
        %lt3A_31 = vector.broadcast %lt3A : i32 to vector<16xi32>
        %lt3A_32 = arith.cmpi slt, %get3A_30, %lt3A_31 : vector<16xi32>
        %min3A = arith.constant 32767 : i32
        %min3A_33 = vector.broadcast %min3A : i32 to vector<16xi32>
        %min3A_34 = arith.minsi %get3A_30, %min3A_33 : vector<16xi32>
        %gather3A = tpu.vector_load_idx %arg14[%min3A_34] : memref<32768xi32, #tpu.memory_space<vmem>>[vector<16xi32>], vector<16xi32>,
        %ge3A = arith.constant 32768 : i32
        %ge3A_35 = vector.broadcast %ge3A : i32 to vector<16xi32>
        %ge3A_36 = arith.cmpi sge, %get3A_30, %ge3A_35 : vector<16xi32>
        %convert_element_type3A_37 = arith.extui %ge3A_36 : vector<16xi1> to vector<16xi32>
        %reduce_max3A = arith.constant true
        %reduce_max3A_38 = vector.broadcast %reduce_max3A : i1 to vector<16xi1>
        %reduce_max3A_39 = arith.constant -2147483648 : i32
        %reduce_max3A_40 = vector.broadcast %reduce_max3A_39 : i32 to vector<16xi32>
        %reduce_max3A_41 = arith.xori %convert_element_type3A_37, %reduce_max3A_40 : vector<16xi32>
        %reduce_max3A_42 = tpu.scan <max>, %reduce_max3A_41 masked %reduce_max3A_38 : vector<16xi32>, vector<16xi1> -> vector<16xi32>
        %reduce_max3A_43 = arith.xori %reduce_max3A_42, %reduce_max3A_40 : vector<16xi32>
        %reduce_max3A_44 = vector.extract %reduce_max3A_43[15] : i32 from vector<16xi32>
        %gt3A = arith.constant 0 : i32
        %gt3A_45 = arith.cmpi sgt, %reduce_max3A_44, %gt3A : i32
        %convert_element_type3A_46 = arith.extui %gt3A_45 : i1 to i32
        %cond3A_47 = arith.constant 0 : i32
        %cond3A_48 = arith.cmpi ne, %convert_element_type3A_46, %cond3A_47 : i32
        %cond3A_49 = scf.if %cond3A_48 -> (vector<16xi32>) {
          %broadcast_in_dim3A = arith.constant 0 : i32
          %broadcast_in_dim3A_59 = vector.broadcast %broadcast_in_dim3A : i32 to vector<16xi32>
          %get3A_60 = arith.constant 0 : index
          %get3A_61 = tpu.vector_load %arg15[%get3A_60] {strides = array<i32>} : memref<16xi32, #tpu.memory_space<vmem>>, vector<16xi32>,
          %slice3A = vector.extract_strided_slice %get3A_61 {offsets = [0], sizes = [1], strides = [1]} : vector<16xi32> to vector<1xi32>
          %squeeze3A = vector.extract %slice3A[0] : i32 from vector<1xi32>
          %sub3A = vector.broadcast %squeeze3A : i32 to vector<16xi32>
          %sub3A_62 = arith.subi %sub3A, %get3A_30 : vector<16xi32>
          %max3A = arith.constant 0 : i32
          %max3A_63 = vector.broadcast %max3A : i32 to vector<16xi32>
          %max3A_64 = arith.maxsi %sub3A_62, %max3A_63 : vector<16xi32>
          %add3A_65 = arith.addi %broadcast_in_dim3A_59, %max3A_64 : vector<16xi32>
          %slice3A_66 = vector.extract_strided_slice %get3A_61 {offsets = [1], sizes = [1], strides = [1]} : vector<16xi32> to vector<1xi32>
          %squeeze3A_67 = vector.extract %slice3A_66[0] : i32 from vector<1xi32>
          %sub3A_68 = vector.broadcast %squeeze3A_67 : i32 to vector<16xi32>
          %sub3A_69 = arith.subi %sub3A_68, %get3A_30 : vector<16xi32>
          %max3A_70 = arith.constant 0 : i32
          %max3A_71 = vector.broadcast %max3A_70 : i32 to vector<16xi32>
          %max3A_72 = arith.maxsi %sub3A_69, %max3A_71 : vector<16xi32>
          %add3A_73 = arith.addi %add3A_65, %max3A_72 : vector<16xi32>
          %slice3A_74 = vector.extract_strided_slice %get3A_61 {offsets = [2], sizes = [1], strides = [1]} : vector<16xi32> to vector<1xi32>
          %squeeze3A_75 = vector.extract %slice3A_74[0] : i32 from vector<1xi32>
          %sub3A_76 = vector.broadcast %squeeze3A_75 : i32 to vector<16xi32>
          %sub3A_77 = arith.subi %sub3A_76, %get3A_30 : vector<16xi32>
          %max3A_78 = arith.constant 0 : i32
          %max3A_79 = vector.broadcast %max3A_78 : i32 to vector<16xi32>
          %max3A_80 = arith.maxsi %sub3A_77, %max3A_79 : vector<16xi32>
          %add3A_81 = arith.addi %add3A_73, %max3A_80 : vector<16xi32>
          %slice3A_82 = vector.extract_strided_slice %get3A_61 {offsets = [3], sizes = [1], strides = [1]} : vector<16xi32> to vector<1xi32>
          %squeeze3A_83 = vector.extract %slice3A_82[0] : i32 from vector<1xi32>
          %sub3A_84 = vector.broadcast %squeeze3A_83 : i32 to vector<16xi32>
          %sub3A_85 = arith.subi %sub3A_84, %get3A_30 : vector<16xi32>
          %max3A_86 = arith.constant 0 : i32
          %max3A_87 = vector.broadcast %max3A_86 : i32 to vector<16xi32>
          %max3A_88 = arith.maxsi %sub3A_85, %max3A_87 : vector<16xi32>
          %add3A_89 = arith.addi %add3A_81, %max3A_88 : vector<16xi32>
          %slice3A_90 = vector.extract_strided_slice %get3A_61 {offsets = [4], sizes = [1], strides = [1]} : vector<16xi32> to vector<1xi32>
          %squeeze3A_91 = vector.extract %slice3A_90[0] : i32 from vector<1xi32>
          %sub3A_92 = vector.broadcast %squeeze3A_91 : i32 to vector<16xi32>
          %sub3A_93 = arith.subi %sub3A_92, %get3A_30 : vector<16xi32>
          %max3A_94 = arith.constant 0 : i32
          %max3A_95 = vector.broadcast %max3A_94 : i32 to vector<16xi32>
          %max3A_96 = arith.maxsi %sub3A_93, %max3A_95 : vector<16xi32>
          %add3A_97 = arith.addi %add3A_89, %max3A_96 : vector<16xi32>
          %slice3A_98 = vector.extract_strided_slice %get3A_61 {offsets = [5], sizes = [1], strides = [1]} : vector<16xi32> to vector<1xi32>
          %squeeze3A_99 = vector.extract %slice3A_98[0] : i32 from vector<1xi32>
          %sub3A_100 = vector.broadcast %squeeze3A_99 : i32 to vector<16xi32>
          %sub3A_101 = arith.subi %sub3A_100, %get3A_30 : vector<16xi32>
          %max3A_102 = arith.constant 0 : i32
          %max3A_103 = vector.broadcast %max3A_102 : i32 to vector<16xi32>
          %max3A_104 = arith.maxsi %sub3A_101, %max3A_103 : vector<16xi32>
          %add3A_105 = arith.addi %add3A_97, %max3A_104 : vector<16xi32>
          %slice3A_106 = vector.extract_strided_slice %get3A_61 {offsets = [6], sizes = [1], strides = [1]} : vector<16xi32> to vector<1xi32>
          %squeeze3A_107 = vector.extract %slice3A_106[0] : i32 from vector<1xi32>
          %sub3A_108 = vector.broadcast %squeeze3A_107 : i32 to vector<16xi32>
          %sub3A_109 = arith.subi %sub3A_108, %get3A_30 : vector<16xi32>
          %max3A_110 = arith.constant 0 : i32
          %max3A_111 = vector.broadcast %max3A_110 : i32 to vector<16xi32>
          %max3A_112 = arith.maxsi %sub3A_109, %max3A_111 : vector<16xi32>
          %add3A_113 = arith.addi %add3A_105, %max3A_112 : vector<16xi32>
          %slice3A_114 = vector.extract_strided_slice %get3A_61 {offsets = [7], sizes = [1], strides = [1]} : vector<16xi32> to vector<1xi32>
          %squeeze3A_115 = vector.extract %slice3A_114[0] : i32 from vector<1xi32>
          %sub3A_116 = vector.broadcast %squeeze3A_115 : i32 to vector<16xi32>
          %sub3A_117 = arith.subi %sub3A_116, %get3A_30 : vector<16xi32>
          %max3A_118 = arith.constant 0 : i32
          %max3A_119 = vector.broadcast %max3A_118 : i32 to vector<16xi32>
          %max3A_120 = arith.maxsi %sub3A_117, %max3A_119 : vector<16xi32>
          %add3A_121 = arith.addi %add3A_113, %max3A_120 : vector<16xi32>
          %slice3A_122 = vector.extract_strided_slice %get3A_61 {offsets = [8], sizes = [1], strides = [1]} : vector<16xi32> to vector<1xi32>
          %squeeze3A_123 = vector.extract %slice3A_122[0] : i32 from vector<1xi32>
          %sub3A_124 = vector.broadcast %squeeze3A_123 : i32 to vector<16xi32>
          %sub3A_125 = arith.subi %sub3A_124, %get3A_30 : vector<16xi32>
          %max3A_126 = arith.constant 0 : i32
          %max3A_127 = vector.broadcast %max3A_126 : i32 to vector<16xi32>
          %max3A_128 = arith.maxsi %sub3A_125, %max3A_127 : vector<16xi32>
          %add3A_129 = arith.addi %add3A_121, %max3A_128 : vector<16xi32>
          %slice3A_130 = vector.extract_strided_slice %get3A_61 {offsets = [9], sizes = [1], strides = [1]} : vector<16xi32> to vector<1xi32>
          %squeeze3A_131 = vector.extract %slice3A_130[0] : i32 from vector<1xi32>
          %sub3A_132 = vector.broadcast %squeeze3A_131 : i32 to vector<16xi32>
          %sub3A_133 = arith.subi %sub3A_132, %get3A_30 : vector<16xi32>
          %max3A_134 = arith.constant 0 : i32
          %max3A_135 = vector.broadcast %max3A_134 : i32 to vector<16xi32>
          %max3A_136 = arith.maxsi %sub3A_133, %max3A_135 : vector<16xi32>
          %add3A_137 = arith.addi %add3A_129, %max3A_136 : vector<16xi32>
          %slice3A_138 = vector.extract_strided_slice %get3A_61 {offsets = [10], sizes = [1], strides = [1]} : vector<16xi32> to vector<1xi32>
          %squeeze3A_139 = vector.extract %slice3A_138[0] : i32 from vector<1xi32>
          %sub3A_140 = vector.broadcast %squeeze3A_139 : i32 to vector<16xi32>
          %sub3A_141 = arith.subi %sub3A_140, %get3A_30 : vector<16xi32>
          %max3A_142 = arith.constant 0 : i32
          %max3A_143 = vector.broadcast %max3A_142 : i32 to vector<16xi32>
          %max3A_144 = arith.maxsi %sub3A_141, %max3A_143 : vector<16xi32>
          %add3A_145 = arith.addi %add3A_137, %max3A_144 : vector<16xi32>
          %slice3A_146 = vector.extract_strided_slice %get3A_61 {offsets = [11], sizes = [1], strides = [1]} : vector<16xi32> to vector<1xi32>
          %squeeze3A_147 = vector.extract %slice3A_146[0] : i32 from vector<1xi32>
          %sub3A_148 = vector.broadcast %squeeze3A_147 : i32 to vector<16xi32>
          %sub3A_149 = arith.subi %sub3A_148, %get3A_30 : vector<16xi32>
          %max3A_150 = arith.constant 0 : i32
          %max3A_151 = vector.broadcast %max3A_150 : i32 to vector<16xi32>
          %max3A_152 = arith.maxsi %sub3A_149, %max3A_151 : vector<16xi32>
          %add3A_153 = arith.addi %add3A_145, %max3A_152 : vector<16xi32>
          %slice3A_154 = vector.extract_strided_slice %get3A_61 {offsets = [12], sizes = [1], strides = [1]} : vector<16xi32> to vector<1xi32>
          %squeeze3A_155 = vector.extract %slice3A_154[0] : i32 from vector<1xi32>
          %sub3A_156 = vector.broadcast %squeeze3A_155 : i32 to vector<16xi32>
          %sub3A_157 = arith.subi %sub3A_156, %get3A_30 : vector<16xi32>
          %max3A_158 = arith.constant 0 : i32
          %max3A_159 = vector.broadcast %max3A_158 : i32 to vector<16xi32>
          %max3A_160 = arith.maxsi %sub3A_157, %max3A_159 : vector<16xi32>
          %add3A_161 = arith.addi %add3A_153, %max3A_160 : vector<16xi32>
          %slice3A_162 = vector.extract_strided_slice %get3A_61 {offsets = [13], sizes = [1], strides = [1]} : vector<16xi32> to vector<1xi32>
          %squeeze3A_163 = vector.extract %slice3A_162[0] : i32 from vector<1xi32>
          %sub3A_164 = vector.broadcast %squeeze3A_163 : i32 to vector<16xi32>
          %sub3A_165 = arith.subi %sub3A_164, %get3A_30 : vector<16xi32>
          %max3A_166 = arith.constant 0 : i32
          %max3A_167 = vector.broadcast %max3A_166 : i32 to vector<16xi32>
          %max3A_168 = arith.maxsi %sub3A_165, %max3A_167 : vector<16xi32>
          %add3A_169 = arith.addi %add3A_161, %max3A_168 : vector<16xi32>
          %slice3A_170 = vector.extract_strided_slice %get3A_61 {offsets = [14], sizes = [1], strides = [1]} : vector<16xi32> to vector<1xi32>
          %squeeze3A_171 = vector.extract %slice3A_170[0] : i32 from vector<1xi32>
          %sub3A_172 = vector.broadcast %squeeze3A_171 : i32 to vector<16xi32>
          %sub3A_173 = arith.subi %sub3A_172, %get3A_30 : vector<16xi32>
          %max3A_174 = arith.constant 0 : i32
          %max3A_175 = vector.broadcast %max3A_174 : i32 to vector<16xi32>
          %max3A_176 = arith.maxsi %sub3A_173, %max3A_175 : vector<16xi32>
          %add3A_177 = arith.addi %add3A_169, %max3A_176 : vector<16xi32>
          %slice3A_178 = vector.extract_strided_slice %get3A_61 {offsets = [15], sizes = [1], strides = [1]} : vector<16xi32> to vector<1xi32>
          %squeeze3A_179 = vector.extract %slice3A_178[0] : i32 from vector<1xi32>
          %sub3A_180 = vector.broadcast %squeeze3A_179 : i32 to vector<16xi32>
          %sub3A_181 = arith.subi %sub3A_180, %get3A_30 : vector<16xi32>
          %max3A_182 = arith.constant 0 : i32
          %max3A_183 = vector.broadcast %max3A_182 : i32 to vector<16xi32>
          %max3A_184 = arith.maxsi %sub3A_181, %max3A_183 : vector<16xi32>
          %add3A_185 = arith.addi %add3A_177, %max3A_184 : vector<16xi32>
          %sub3A_186 = arith.constant 160000 : i32
          %sub3A_187 = vector.broadcast %sub3A_186 : i32 to vector<16xi32>
          %sub3A_188 = arith.subi %sub3A_187, %add3A_185 : vector<16xi32>
          %select_n3A = arith.select %lt3A_32, %gather3A, %sub3A_188 : vector<16xi1>, vector<16xi32>
          scf.yield %select_n3A : vector<16xi32>
        } else {
          scf.yield %gather3A : vector<16xi32>
        }
        %gather3A_50 = tpu.vector_load_idx %arg17[%get3A_22] : memref<10000xi32, #tpu.memory_space<vmem>>[vector<16xi32>], vector<16xi32>,
        %add3A = arith.addi %cond3A_49, %gather3A_50 : vector<16xi32>
        %mul3A_51 = arith.constant 16 : i32
        %mul3A_52 = arith.muli %scan3A_19, %mul3A_51 : i32
        %swap3A = arith.index_cast %mul3A_52 : i32 to index
        %swap3A_53 = tpu.vector_load %arg18[%swap3A] {strides = array<i32>} : memref<10000xi32, #tpu.memory_space<vmem>>, vector<16xi32>,
        tpu.vector_store %arg18[%swap3A], %add3A {strides = array<i32>} : memref<10000xi32, #tpu.memory_space<vmem>>, vector<16xi32>,
        %gather3A_54 = tpu.vector_load_idx %arg17[%get3A_26] : memref<10000xi32, #tpu.memory_space<vmem>>[vector<16xi32>], vector<16xi32>,
        %mul3A_55 = arith.constant 16 : i32
        %mul3A_56 = arith.muli %scan3A_19, %mul3A_55 : i32
        %swap3A_57 = arith.index_cast %mul3A_56 : i32 to index
        %swap3A_58 = tpu.vector_load %arg19[%swap3A_57] {strides = array<i32>} : memref<10000xi32, #tpu.memory_space<vmem>>, vector<16xi32>,
        tpu.vector_store %arg19[%swap3A_57], %gather3A_54 {strides = array<i32>} : memref<10000xi32, #tpu.memory_space<vmem>>, vector<16xi32>,
      }
      %scan3A_13 = arith.constant 625 : i32
      "tpu.region"() ({
        %run_scoped3A = tpu.sem_alloc : memref<!tpu.dma_semaphore, #tpu.memory_space<semaphore_mem>>
        %dma_start3A = tpu.memref_slice %arg8[%mul3A_2] : memref<160000xi32, #tpu.memory_space<hbm>> -> memref<10000xi32, #tpu.memory_space<hbm>>
        %dma_start3A_19 = tpu.memref_slice %arg8[%mul3A_2] : memref<160000xi32, #tpu.memory_space<hbm>> -> memref<10000xi32, #tpu.memory_space<hbm>>
        tpu.enqueue_dma source(%arg18 : memref<10000xi32, #tpu.memory_space<vmem>>) target(%dma_start3A_19 : memref<10000xi32, #tpu.memory_space<hbm>>) target_semaphore(%run_scoped3A : memref<!tpu.dma_semaphore, #tpu.memory_space<semaphore_mem>>)
        %dma_wait3A = tpu.memref_slice %arg8[%mul3A_2] : memref<160000xi32, #tpu.memory_space<hbm>> -> memref<10000xi32, #tpu.memory_space<hbm>>
        %dma_wait3A_20 = tpu.memref_slice %arg8[%mul3A_2] : memref<160000xi32, #tpu.memory_space<hbm>> -> memref<10000xi32, #tpu.memory_space<hbm>>
        tpu.wait_dma2 semaphore(%run_scoped3A : memref<!tpu.dma_semaphore, #tpu.memory_space<semaphore_mem>>) src(%arg18 : memref<10000xi32, #tpu.memory_space<vmem>>) dst(%dma_wait3A_20 : memref<10000xi32, #tpu.memory_space<hbm>>)
        tpu.yield
      }) : () -> ()
      "tpu.region"() ({
        %run_scoped3A = tpu.sem_alloc : memref<!tpu.dma_semaphore, #tpu.memory_space<semaphore_mem>>
        %dma_start3A = tpu.memref_slice %arg9[%mul3A_2] : memref<160000xi32, #tpu.memory_space<hbm>> -> memref<10000xi32, #tpu.memory_space<hbm>>
        %dma_start3A_19 = tpu.memref_slice %arg9[%mul3A_2] : memref<160000xi32, #tpu.memory_space<hbm>> -> memref<10000xi32, #tpu.memory_space<hbm>>
        tpu.enqueue_dma source(%arg19 : memref<10000xi32, #tpu.memory_space<vmem>>) target(%dma_start3A_19 : memref<10000xi32, #tpu.memory_space<hbm>>) target_semaphore(%run_scoped3A : memref<!tpu.dma_semaphore, #tpu.memory_space<semaphore_mem>>)
        %dma_wait3A = tpu.memref_slice %arg9[%mul3A_2] : memref<160000xi32, #tpu.memory_space<hbm>> -> memref<10000xi32, #tpu.memory_space<hbm>>
        %dma_wait3A_20 = tpu.memref_slice %arg9[%mul3A_2] : memref<160000xi32, #tpu.memory_space<hbm>> -> memref<10000xi32, #tpu.memory_space<hbm>>
        tpu.wait_dma2 semaphore(%run_scoped3A : memref<!tpu.dma_semaphore, #tpu.memory_space<semaphore_mem>>) src(%arg19 : memref<10000xi32, #tpu.memory_space<vmem>>) dst(%dma_wait3A_20 : memref<10000xi32, #tpu.memory_space<hbm>>)
        tpu.yield
      }) : () -> ()
      %eq3A_14 = arith.constant 0 : i32
      %eq3A_15 = arith.cmpi eq, %arg1, %eq3A_14 : i32
      %convert_element_type3A_16 = arith.extui %eq3A_15 : i1 to i32
      %cond3A_17 = arith.constant 0 : i32
      %cond3A_18 = arith.cmpi ne, %convert_element_type3A_16, %cond3A_17 : i32
      scf.if %cond3A_18 {
        "tpu.region"() ({
          %run_scoped3A = tpu.sem_alloc : memref<!tpu.dma_semaphore, #tpu.memory_space<semaphore_mem>>
          tpu.enqueue_dma source(%arg17 : memref<10000xi32, #tpu.memory_space<vmem>>) target(%arg10 : memref<10000xi32, #tpu.memory_space<hbm>>) target_semaphore(%run_scoped3A : memref<!tpu.dma_semaphore, #tpu.memory_space<semaphore_mem>>)
          tpu.wait_dma2 semaphore(%run_scoped3A : memref<!tpu.dma_semaphore, #tpu.memory_space<semaphore_mem>>) src(%arg17 : memref<10000xi32, #tpu.memory_space<vmem>>) dst(%arg10 : memref<10000xi32, #tpu.memory_space<hbm>>)
          tpu.yield
        }) : () -> ()
      } else {
      }
    } else {
    }
    return
  }
}

#map = affine_map<(d0, d1) -> (0)>
module attributes {stable_mosaic.version = 14 : i64} {
  func.func @k(%arg0: i32, %arg1: i32, %arg2: memref<160000xi32, #tpu.memory_space<hbm>>, %arg3: memref<160000xi32, #tpu.memory_space<hbm>>, %arg4: memref<10000xi32, #tpu.memory_space<hbm>>, %arg5: memref<10000xi32, #tpu.memory_space<vmem>>, %arg6: memref<10000xi32, #tpu.memory_space<vmem>>, %arg7: memref<10240xi32, #tpu.memory_space<vmem>>, %arg8: memref<10240xi32, #tpu.memory_space<vmem>>, %arg9: memref<16x2048xi32, #tpu.memory_space<vmem>>, %arg10: memref<16x10240xi32, #tpu.memory_space<vmem_shared>>, %arg11: memref<!tpu.dma_semaphore, #tpu.memory_space<semaphore_mem>>) attributes {dimension_semantics = [#tpu.dimension_semantics<core_parallel>, #tpu.dimension_semantics<subcore_parallel>], iteration_bounds = array<i64: 2, 16>, scalar_prefetch = 0 : i64, scratch_operands = 7 : i64, tpu.core_type = #tpu.core_type<sc_vector_subcore>, window_params = [{transform_indices = #map}, {transform_indices = #map}, {transform_indices = #map}]} {
    %broadcast_in_dim3A = arith.constant 0 : i32
    %broadcast_in_dim3A_0 = vector.broadcast %broadcast_in_dim3A : i32 to vector<16xi32>
    %eq3A = arith.constant 0 : i32
    %eq3A_1 = arith.cmpi eq, %arg0, %eq3A : i32
    %convert_element_type3A = arith.extui %eq3A_1 : i1 to i32
    %cond3A = arith.constant 0 : i32
    %cond3A_2 = arith.cmpi ne, %convert_element_type3A, %cond3A : i32
    scf.if %cond3A_2 {
      %mul3A = arith.constant 10000 : i32
      %mul3A_8 = arith.muli %arg1, %mul3A : i32
      "tpu.region"() ({
        %run_scoped3A = tpu.sem_alloc : memref<!tpu.dma_semaphore, #tpu.memory_space<semaphore_mem>>
        %dma_start3A = tpu.memref_slice %arg2[%mul3A_8] : memref<160000xi32, #tpu.memory_space<hbm>> -> memref<10000xi32, #tpu.memory_space<hbm>>
        %dma_start3A_20 = tpu.memref_slice %arg2[%mul3A_8] : memref<160000xi32, #tpu.memory_space<hbm>> -> memref<10000xi32, #tpu.memory_space<hbm>>
        tpu.enqueue_dma source(%dma_start3A_20 : memref<10000xi32, #tpu.memory_space<hbm>>) target(%arg5 : memref<10000xi32, #tpu.memory_space<vmem>>) target_semaphore(%run_scoped3A : memref<!tpu.dma_semaphore, #tpu.memory_space<semaphore_mem>>)
        %dma_wait3A = tpu.memref_slice %arg2[%mul3A_8] : memref<160000xi32, #tpu.memory_space<hbm>> -> memref<10000xi32, #tpu.memory_space<hbm>>
        %dma_wait3A_21 = tpu.memref_slice %arg2[%mul3A_8] : memref<160000xi32, #tpu.memory_space<hbm>> -> memref<10000xi32, #tpu.memory_space<hbm>>
        tpu.wait_dma2 semaphore(%run_scoped3A : memref<!tpu.dma_semaphore, #tpu.memory_space<semaphore_mem>>) src(%dma_wait3A_21 : memref<10000xi32, #tpu.memory_space<hbm>>) dst(%arg5 : memref<10000xi32, #tpu.memory_space<vmem>>)
        tpu.yield
      }) : () -> ()
      %scan3A = arith.constant 0 : i32
      %scan3A_9 = arith.constant 0 : i32
      %scan3A_10 = arith.constant 640 : i32
      %scan3A_11 = arith.addi %scan3A_9, %scan3A_10 : i32
      %scan3A_12 = arith.constant 1 : i32
      scf.for %scan3A_20 = %scan3A_9 to %scan3A_11 step %scan3A_12  : i32 {
        %mul3A_21 = arith.constant 16 : i32
        %mul3A_22 = arith.muli %scan3A_20, %mul3A_21 : i32
        %swap3A = arith.index_cast %mul3A_22 : i32 to index
        %swap3A_23 = tpu.vector_load %arg7[%swap3A] {strides = array<i32>} : memref<10240xi32, #tpu.memory_space<vmem>>, vector<16xi32>,
        tpu.vector_store %arg7[%swap3A], %broadcast_in_dim3A_0 {strides = array<i32>} : memref<10240xi32, #tpu.memory_space<vmem>>, vector<16xi32>,
      }
      %scan3A_13 = arith.constant 640 : i32
      %scan3A_14 = arith.constant 0 : i32
      %scan3A_15 = arith.constant 0 : i32
      %scan3A_16 = arith.constant 625 : i32
      %scan3A_17 = arith.addi %scan3A_15, %scan3A_16 : i32
      %scan3A_18 = arith.constant 1 : i32
      scf.for %scan3A_20 = %scan3A_15 to %scan3A_17 step %scan3A_18  : i32 {
        %mul3A_21 = arith.constant 16 : i32
        %mul3A_22 = arith.muli %scan3A_20, %mul3A_21 : i32
        %get3A = arith.index_cast %mul3A_22 : i32 to index
        %get3A_23 = tpu.vector_load %arg5[%get3A] {strides = array<i32>} : memref<10000xi32, #tpu.memory_space<vmem>>, vector<16xi32>,
        %broadcast_in_dim3A_24 = arith.constant true
        %broadcast_in_dim3A_25 = vector.broadcast %broadcast_in_dim3A_24 : i1 to vector<16xi1>
        %unique3A, %unique3A_26 = tpu.scan_count mask(%broadcast_in_dim3A_25 : vector<16xi1>) value(%get3A_23 : vector<16xi32>) : vector<16xi1>, vector<16xi32>
        %sub3A = arith.constant 1 : i32
        %sub3A_27 = vector.broadcast %sub3A : i32 to vector<16xi32>
        %sub3A_28 = arith.subi %unique3A_26, %sub3A_27 : vector<16xi32>
        %gather3A = tpu.vector_load_idx %arg7[%get3A_23] : memref<10240xi32, #tpu.memory_space<vmem>>[vector<16xi32>], vector<16xi32>,
        %add3A = arith.addi %gather3A, %sub3A_28 : vector<16xi32>
        %mul3A_29 = arith.constant 16 : i32
        %mul3A_30 = arith.muli %scan3A_20, %mul3A_29 : i32
        %swap3A = arith.index_cast %mul3A_30 : i32 to index
        %swap3A_31 = tpu.vector_load %arg6[%swap3A] {strides = array<i32>} : memref<10000xi32, #tpu.memory_space<vmem>>, vector<16xi32>,
        tpu.vector_store %arg6[%swap3A], %add3A {strides = array<i32>} : memref<10000xi32, #tpu.memory_space<vmem>>, vector<16xi32>,
        %add3A_32 = arith.constant 1 : i32
        %add3A_33 = vector.broadcast %add3A_32 : i32 to vector<16xi32>
        %add3A_34 = arith.addi %add3A, %add3A_33 : vector<16xi32>
        tpu.vector_store_idx %arg7[%get3A_23], %add3A_34 masked %unique3A : memref<10240xi32, #tpu.memory_space<vmem>>[vector<16xi32>], vector<16xi32>, vector<16xi1>
      }
      %scan3A_19 = arith.constant 625 : i32
      "tpu.region"() ({
        %run_scoped3A = tpu.sem_alloc : memref<!tpu.dma_semaphore, #tpu.memory_space<semaphore_mem>>
        %dma_start3A = arith.constant 0 : i32
        %dma_start3A_20 = tpu.memref_slice %arg10[%arg1, %dma_start3A] : memref<16x10240xi32, #tpu.memory_space<vmem_shared>> -> memref<1x10240xi32, #tpu.memory_space<vmem_shared>>
        %dma_start3A_21 = tpu.memref_squeeze %dma_start3A_20 : memref<1x10240xi32, #tpu.memory_space<vmem_shared>> -> memref<10240xi32, #tpu.memory_space<vmem_shared>>
        %dma_start3A_22 = arith.constant 0 : i32
        %dma_start3A_23 = tpu.memref_slice %arg10[%arg1, %dma_start3A_22] : memref<16x10240xi32, #tpu.memory_space<vmem_shared>> -> memref<1x10240xi32, #tpu.memory_space<vmem_shared>>
        %dma_start3A_24 = tpu.memref_squeeze %dma_start3A_23 : memref<1x10240xi32, #tpu.memory_space<vmem_shared>> -> memref<10240xi32, #tpu.memory_space<vmem_shared>>
        tpu.enqueue_dma source(%arg7 : memref<10240xi32, #tpu.memory_space<vmem>>) target(%dma_start3A_24 : memref<10240xi32, #tpu.memory_space<vmem_shared>>) target_semaphore(%run_scoped3A : memref<!tpu.dma_semaphore, #tpu.memory_space<semaphore_mem>>)
        %dma_wait3A = arith.constant 0 : i32
        %dma_wait3A_25 = tpu.memref_slice %arg10[%arg1, %dma_wait3A] : memref<16x10240xi32, #tpu.memory_space<vmem_shared>> -> memref<1x10240xi32, #tpu.memory_space<vmem_shared>>
        %dma_wait3A_26 = tpu.memref_squeeze %dma_wait3A_25 : memref<1x10240xi32, #tpu.memory_space<vmem_shared>> -> memref<10240xi32, #tpu.memory_space<vmem_shared>>
        %dma_wait3A_27 = arith.constant 0 : i32
        %dma_wait3A_28 = tpu.memref_slice %arg10[%arg1, %dma_wait3A_27] : memref<16x10240xi32, #tpu.memory_space<vmem_shared>> -> memref<1x10240xi32, #tpu.memory_space<vmem_shared>>
        %dma_wait3A_29 = tpu.memref_squeeze %dma_wait3A_28 : memref<1x10240xi32, #tpu.memory_space<vmem_shared>> -> memref<10240xi32, #tpu.memory_space<vmem_shared>>
        tpu.wait_dma2 semaphore(%run_scoped3A : memref<!tpu.dma_semaphore, #tpu.memory_space<semaphore_mem>>) src(%arg7 : memref<10240xi32, #tpu.memory_space<vmem>>) dst(%dma_wait3A_29 : memref<10240xi32, #tpu.memory_space<vmem_shared>>)
        tpu.yield
      }) : () -> ()
    } else {
    }
    %barrier3A = arith.constant 0 : index
    tpu.barrier barrier_id(%barrier3A)
    %eq3A_3 = arith.constant 0 : i32
    %eq3A_4 = arith.cmpi eq, %arg0, %eq3A_3 : i32
    %convert_element_type3A_5 = arith.extui %eq3A_4 : i1 to i32
    %cond3A_6 = arith.constant 0 : i32
    %cond3A_7 = arith.cmpi ne, %convert_element_type3A_5, %cond3A_6 : i32
    scf.if %cond3A_7 {
      %scan3A = arith.constant 0 : i32
      %scan3A_8 = arith.constant 0 : i32
      %scan3A_9 = arith.constant 5 : i32
      %scan3A_10 = arith.addi %scan3A_8, %scan3A_9 : i32
      %scan3A_11 = arith.constant 1 : i32
      scf.for %scan3A_25 = %scan3A_8 to %scan3A_10 step %scan3A_11  : i32 {
        %mul3A_26 = arith.constant 2048 : i32
        %mul3A_27 = arith.muli %scan3A_25, %mul3A_26 : i32
        "tpu.region"() ({
          %run_scoped3A = tpu.sem_alloc : memref<!tpu.dma_semaphore, #tpu.memory_space<semaphore_mem>>
          %dma_start3A = arith.constant 0 : i32
          %dma_start3A_34 = tpu.memref_slice %arg10[%dma_start3A, %mul3A_27] : memref<16x10240xi32, #tpu.memory_space<vmem_shared>> -> memref<16x2048xi32, #tpu.memory_space<vmem_shared>>
          %dma_start3A_35 = arith.constant 0 : i32
          %dma_start3A_36 = tpu.memref_slice %arg10[%dma_start3A_35, %mul3A_27] : memref<16x10240xi32, #tpu.memory_space<vmem_shared>> -> memref<16x2048xi32, #tpu.memory_space<vmem_shared>>
          tpu.enqueue_dma source(%dma_start3A_36 : memref<16x2048xi32, #tpu.memory_space<vmem_shared>>) target(%arg9 : memref<16x2048xi32, #tpu.memory_space<vmem>>) target_semaphore(%run_scoped3A : memref<!tpu.dma_semaphore, #tpu.memory_space<semaphore_mem>>)
          %dma_wait3A = arith.constant 0 : i32
          %dma_wait3A_37 = tpu.memref_slice %arg10[%dma_wait3A, %mul3A_27] : memref<16x10240xi32, #tpu.memory_space<vmem_shared>> -> memref<16x2048xi32, #tpu.memory_space<vmem_shared>>
          %dma_wait3A_38 = arith.constant 0 : i32
          %dma_wait3A_39 = tpu.memref_slice %arg10[%dma_wait3A_38, %mul3A_27] : memref<16x10240xi32, #tpu.memory_space<vmem_shared>> -> memref<16x2048xi32, #tpu.memory_space<vmem_shared>>
          tpu.wait_dma2 semaphore(%run_scoped3A : memref<!tpu.dma_semaphore, #tpu.memory_space<semaphore_mem>>) src(%dma_wait3A_39 : memref<16x2048xi32, #tpu.memory_space<vmem_shared>>) dst(%arg9 : memref<16x2048xi32, #tpu.memory_space<vmem>>)
          tpu.yield
        }) : () -> ()
        %scan3A_28 = arith.constant 0 : i32
        %scan3A_29 = arith.constant 0 : i32
        %scan3A_30 = arith.constant 128 : i32
        %scan3A_31 = arith.addi %scan3A_29, %scan3A_30 : i32
        %scan3A_32 = arith.constant 1 : i32
        scf.for %scan3A_34 = %scan3A_29 to %scan3A_31 step %scan3A_32  : i32 {
          %mul3A_35 = arith.constant 16 : i32
          %mul3A_36 = arith.muli %scan3A_34, %mul3A_35 : i32
          %get3A = arith.constant 0 : i32
          %get3A_37 = arith.index_cast %get3A : i32 to index
          %get3A_38 = arith.index_cast %mul3A_36 : i32 to index
          %get3A_39 = tpu.vector_load %arg9[%get3A_37, %get3A_38] {strides = array<i32>} : memref<16x2048xi32, #tpu.memory_space<vmem>>, vector<16xi32>,
          %add3A = arith.addi %broadcast_in_dim3A_0, %get3A_39 : vector<16xi32>
          %gt3A = arith.constant 0 : i32
          %gt3A_40 = arith.cmpi sgt, %arg1, %gt3A : i32
          %select_n3A = arith.select %gt3A_40, %get3A_39, %broadcast_in_dim3A_0 : vector<16xi32>
          %add3A_41 = arith.addi %broadcast_in_dim3A_0, %select_n3A : vector<16xi32>
          %mul3A_42 = arith.constant 16 : i32
          %mul3A_43 = arith.muli %scan3A_34, %mul3A_42 : i32
          %get3A_44 = arith.constant 1 : i32
          %get3A_45 = arith.index_cast %get3A_44 : i32 to index
          %get3A_46 = arith.index_cast %mul3A_43 : i32 to index
          %get3A_47 = tpu.vector_load %arg9[%get3A_45, %get3A_46] {strides = array<i32>} : memref<16x2048xi32, #tpu.memory_space<vmem>>, vector<16xi32>,
          %add3A_48 = arith.addi %add3A, %get3A_47 : vector<16xi32>
          %gt3A_49 = arith.constant 1 : i32
          %gt3A_50 = arith.cmpi sgt, %arg1, %gt3A_49 : i32
          %select_n3A_51 = arith.select %gt3A_50, %get3A_47, %broadcast_in_dim3A_0 : vector<16xi32>
          %add3A_52 = arith.addi %add3A_41, %select_n3A_51 : vector<16xi32>
          %mul3A_53 = arith.constant 16 : i32
          %mul3A_54 = arith.muli %scan3A_34, %mul3A_53 : i32
          %get3A_55 = arith.constant 2 : i32
          %get3A_56 = arith.index_cast %get3A_55 : i32 to index
          %get3A_57 = arith.index_cast %mul3A_54 : i32 to index
          %get3A_58 = tpu.vector_load %arg9[%get3A_56, %get3A_57] {strides = array<i32>} : memref<16x2048xi32, #tpu.memory_space<vmem>>, vector<16xi32>,
          %add3A_59 = arith.addi %add3A_48, %get3A_58 : vector<16xi32>
          %gt3A_60 = arith.constant 2 : i32
          %gt3A_61 = arith.cmpi sgt, %arg1, %gt3A_60 : i32
          %select_n3A_62 = arith.select %gt3A_61, %get3A_58, %broadcast_in_dim3A_0 : vector<16xi32>
          %add3A_63 = arith.addi %add3A_52, %select_n3A_62 : vector<16xi32>
          %mul3A_64 = arith.constant 16 : i32
          %mul3A_65 = arith.muli %scan3A_34, %mul3A_64 : i32
          %get3A_66 = arith.constant 3 : i32
          %get3A_67 = arith.index_cast %get3A_66 : i32 to index
          %get3A_68 = arith.index_cast %mul3A_65 : i32 to index
          %get3A_69 = tpu.vector_load %arg9[%get3A_67, %get3A_68] {strides = array<i32>} : memref<16x2048xi32, #tpu.memory_space<vmem>>, vector<16xi32>,
          %add3A_70 = arith.addi %add3A_59, %get3A_69 : vector<16xi32>
          %gt3A_71 = arith.constant 3 : i32
          %gt3A_72 = arith.cmpi sgt, %arg1, %gt3A_71 : i32
          %select_n3A_73 = arith.select %gt3A_72, %get3A_69, %broadcast_in_dim3A_0 : vector<16xi32>
          %add3A_74 = arith.addi %add3A_63, %select_n3A_73 : vector<16xi32>
          %mul3A_75 = arith.constant 16 : i32
          %mul3A_76 = arith.muli %scan3A_34, %mul3A_75 : i32
          %get3A_77 = arith.constant 4 : i32
          %get3A_78 = arith.index_cast %get3A_77 : i32 to index
          %get3A_79 = arith.index_cast %mul3A_76 : i32 to index
          %get3A_80 = tpu.vector_load %arg9[%get3A_78, %get3A_79] {strides = array<i32>} : memref<16x2048xi32, #tpu.memory_space<vmem>>, vector<16xi32>,
          %add3A_81 = arith.addi %add3A_70, %get3A_80 : vector<16xi32>
          %gt3A_82 = arith.constant 4 : i32
          %gt3A_83 = arith.cmpi sgt, %arg1, %gt3A_82 : i32
          %select_n3A_84 = arith.select %gt3A_83, %get3A_80, %broadcast_in_dim3A_0 : vector<16xi32>
          %add3A_85 = arith.addi %add3A_74, %select_n3A_84 : vector<16xi32>
          %mul3A_86 = arith.constant 16 : i32
          %mul3A_87 = arith.muli %scan3A_34, %mul3A_86 : i32
          %get3A_88 = arith.constant 5 : i32
          %get3A_89 = arith.index_cast %get3A_88 : i32 to index
          %get3A_90 = arith.index_cast %mul3A_87 : i32 to index
          %get3A_91 = tpu.vector_load %arg9[%get3A_89, %get3A_90] {strides = array<i32>} : memref<16x2048xi32, #tpu.memory_space<vmem>>, vector<16xi32>,
          %add3A_92 = arith.addi %add3A_81, %get3A_91 : vector<16xi32>
          %gt3A_93 = arith.constant 5 : i32
          %gt3A_94 = arith.cmpi sgt, %arg1, %gt3A_93 : i32
          %select_n3A_95 = arith.select %gt3A_94, %get3A_91, %broadcast_in_dim3A_0 : vector<16xi32>
          %add3A_96 = arith.addi %add3A_85, %select_n3A_95 : vector<16xi32>
          %mul3A_97 = arith.constant 16 : i32
          %mul3A_98 = arith.muli %scan3A_34, %mul3A_97 : i32
          %get3A_99 = arith.constant 6 : i32
          %get3A_100 = arith.index_cast %get3A_99 : i32 to index
          %get3A_101 = arith.index_cast %mul3A_98 : i32 to index
          %get3A_102 = tpu.vector_load %arg9[%get3A_100, %get3A_101] {strides = array<i32>} : memref<16x2048xi32, #tpu.memory_space<vmem>>, vector<16xi32>,
          %add3A_103 = arith.addi %add3A_92, %get3A_102 : vector<16xi32>
          %gt3A_104 = arith.constant 6 : i32
          %gt3A_105 = arith.cmpi sgt, %arg1, %gt3A_104 : i32
          %select_n3A_106 = arith.select %gt3A_105, %get3A_102, %broadcast_in_dim3A_0 : vector<16xi32>
          %add3A_107 = arith.addi %add3A_96, %select_n3A_106 : vector<16xi32>
          %mul3A_108 = arith.constant 16 : i32
          %mul3A_109 = arith.muli %scan3A_34, %mul3A_108 : i32
          %get3A_110 = arith.constant 7 : i32
          %get3A_111 = arith.index_cast %get3A_110 : i32 to index
          %get3A_112 = arith.index_cast %mul3A_109 : i32 to index
          %get3A_113 = tpu.vector_load %arg9[%get3A_111, %get3A_112] {strides = array<i32>} : memref<16x2048xi32, #tpu.memory_space<vmem>>, vector<16xi32>,
          %add3A_114 = arith.addi %add3A_103, %get3A_113 : vector<16xi32>
          %gt3A_115 = arith.constant 7 : i32
          %gt3A_116 = arith.cmpi sgt, %arg1, %gt3A_115 : i32
          %select_n3A_117 = arith.select %gt3A_116, %get3A_113, %broadcast_in_dim3A_0 : vector<16xi32>
          %add3A_118 = arith.addi %add3A_107, %select_n3A_117 : vector<16xi32>
          %mul3A_119 = arith.constant 16 : i32
          %mul3A_120 = arith.muli %scan3A_34, %mul3A_119 : i32
          %get3A_121 = arith.constant 8 : i32
          %get3A_122 = arith.index_cast %get3A_121 : i32 to index
          %get3A_123 = arith.index_cast %mul3A_120 : i32 to index
          %get3A_124 = tpu.vector_load %arg9[%get3A_122, %get3A_123] {strides = array<i32>} : memref<16x2048xi32, #tpu.memory_space<vmem>>, vector<16xi32>,
          %add3A_125 = arith.addi %add3A_114, %get3A_124 : vector<16xi32>
          %gt3A_126 = arith.constant 8 : i32
          %gt3A_127 = arith.cmpi sgt, %arg1, %gt3A_126 : i32
          %select_n3A_128 = arith.select %gt3A_127, %get3A_124, %broadcast_in_dim3A_0 : vector<16xi32>
          %add3A_129 = arith.addi %add3A_118, %select_n3A_128 : vector<16xi32>
          %mul3A_130 = arith.constant 16 : i32
          %mul3A_131 = arith.muli %scan3A_34, %mul3A_130 : i32
          %get3A_132 = arith.constant 9 : i32
          %get3A_133 = arith.index_cast %get3A_132 : i32 to index
          %get3A_134 = arith.index_cast %mul3A_131 : i32 to index
          %get3A_135 = tpu.vector_load %arg9[%get3A_133, %get3A_134] {strides = array<i32>} : memref<16x2048xi32, #tpu.memory_space<vmem>>, vector<16xi32>,
          %add3A_136 = arith.addi %add3A_125, %get3A_135 : vector<16xi32>
          %gt3A_137 = arith.constant 9 : i32
          %gt3A_138 = arith.cmpi sgt, %arg1, %gt3A_137 : i32
          %select_n3A_139 = arith.select %gt3A_138, %get3A_135, %broadcast_in_dim3A_0 : vector<16xi32>
          %add3A_140 = arith.addi %add3A_129, %select_n3A_139 : vector<16xi32>
          %mul3A_141 = arith.constant 16 : i32
          %mul3A_142 = arith.muli %scan3A_34, %mul3A_141 : i32
          %get3A_143 = arith.constant 10 : i32
          %get3A_144 = arith.index_cast %get3A_143 : i32 to index
          %get3A_145 = arith.index_cast %mul3A_142 : i32 to index
          %get3A_146 = tpu.vector_load %arg9[%get3A_144, %get3A_145] {strides = array<i32>} : memref<16x2048xi32, #tpu.memory_space<vmem>>, vector<16xi32>,
          %add3A_147 = arith.addi %add3A_136, %get3A_146 : vector<16xi32>
          %gt3A_148 = arith.constant 10 : i32
          %gt3A_149 = arith.cmpi sgt, %arg1, %gt3A_148 : i32
          %select_n3A_150 = arith.select %gt3A_149, %get3A_146, %broadcast_in_dim3A_0 : vector<16xi32>
          %add3A_151 = arith.addi %add3A_140, %select_n3A_150 : vector<16xi32>
          %mul3A_152 = arith.constant 16 : i32
          %mul3A_153 = arith.muli %scan3A_34, %mul3A_152 : i32
          %get3A_154 = arith.constant 11 : i32
          %get3A_155 = arith.index_cast %get3A_154 : i32 to index
          %get3A_156 = arith.index_cast %mul3A_153 : i32 to index
          %get3A_157 = tpu.vector_load %arg9[%get3A_155, %get3A_156] {strides = array<i32>} : memref<16x2048xi32, #tpu.memory_space<vmem>>, vector<16xi32>,
          %add3A_158 = arith.addi %add3A_147, %get3A_157 : vector<16xi32>
          %gt3A_159 = arith.constant 11 : i32
          %gt3A_160 = arith.cmpi sgt, %arg1, %gt3A_159 : i32
          %select_n3A_161 = arith.select %gt3A_160, %get3A_157, %broadcast_in_dim3A_0 : vector<16xi32>
          %add3A_162 = arith.addi %add3A_151, %select_n3A_161 : vector<16xi32>
          %mul3A_163 = arith.constant 16 : i32
          %mul3A_164 = arith.muli %scan3A_34, %mul3A_163 : i32
          %get3A_165 = arith.constant 12 : i32
          %get3A_166 = arith.index_cast %get3A_165 : i32 to index
          %get3A_167 = arith.index_cast %mul3A_164 : i32 to index
          %get3A_168 = tpu.vector_load %arg9[%get3A_166, %get3A_167] {strides = array<i32>} : memref<16x2048xi32, #tpu.memory_space<vmem>>, vector<16xi32>,
          %add3A_169 = arith.addi %add3A_158, %get3A_168 : vector<16xi32>
          %gt3A_170 = arith.constant 12 : i32
          %gt3A_171 = arith.cmpi sgt, %arg1, %gt3A_170 : i32
          %select_n3A_172 = arith.select %gt3A_171, %get3A_168, %broadcast_in_dim3A_0 : vector<16xi32>
          %add3A_173 = arith.addi %add3A_162, %select_n3A_172 : vector<16xi32>
          %mul3A_174 = arith.constant 16 : i32
          %mul3A_175 = arith.muli %scan3A_34, %mul3A_174 : i32
          %get3A_176 = arith.constant 13 : i32
          %get3A_177 = arith.index_cast %get3A_176 : i32 to index
          %get3A_178 = arith.index_cast %mul3A_175 : i32 to index
          %get3A_179 = tpu.vector_load %arg9[%get3A_177, %get3A_178] {strides = array<i32>} : memref<16x2048xi32, #tpu.memory_space<vmem>>, vector<16xi32>,
          %add3A_180 = arith.addi %add3A_169, %get3A_179 : vector<16xi32>
          %gt3A_181 = arith.constant 13 : i32
          %gt3A_182 = arith.cmpi sgt, %arg1, %gt3A_181 : i32
          %select_n3A_183 = arith.select %gt3A_182, %get3A_179, %broadcast_in_dim3A_0 : vector<16xi32>
          %add3A_184 = arith.addi %add3A_173, %select_n3A_183 : vector<16xi32>
          %mul3A_185 = arith.constant 16 : i32
          %mul3A_186 = arith.muli %scan3A_34, %mul3A_185 : i32
          %get3A_187 = arith.constant 14 : i32
          %get3A_188 = arith.index_cast %get3A_187 : i32 to index
          %get3A_189 = arith.index_cast %mul3A_186 : i32 to index
          %get3A_190 = tpu.vector_load %arg9[%get3A_188, %get3A_189] {strides = array<i32>} : memref<16x2048xi32, #tpu.memory_space<vmem>>, vector<16xi32>,
          %add3A_191 = arith.addi %add3A_180, %get3A_190 : vector<16xi32>
          %gt3A_192 = arith.constant 14 : i32
          %gt3A_193 = arith.cmpi sgt, %arg1, %gt3A_192 : i32
          %select_n3A_194 = arith.select %gt3A_193, %get3A_190, %broadcast_in_dim3A_0 : vector<16xi32>
          %add3A_195 = arith.addi %add3A_184, %select_n3A_194 : vector<16xi32>
          %mul3A_196 = arith.constant 16 : i32
          %mul3A_197 = arith.muli %scan3A_34, %mul3A_196 : i32
          %get3A_198 = arith.constant 15 : i32
          %get3A_199 = arith.index_cast %get3A_198 : i32 to index
          %get3A_200 = arith.index_cast %mul3A_197 : i32 to index
          %get3A_201 = tpu.vector_load %arg9[%get3A_199, %get3A_200] {strides = array<i32>} : memref<16x2048xi32, #tpu.memory_space<vmem>>, vector<16xi32>,
          %add3A_202 = arith.addi %add3A_191, %get3A_201 : vector<16xi32>
          %gt3A_203 = arith.constant 15 : i32
          %gt3A_204 = arith.cmpi sgt, %arg1, %gt3A_203 : i32
          %select_n3A_205 = arith.select %gt3A_204, %get3A_201, %broadcast_in_dim3A_0 : vector<16xi32>
          %add3A_206 = arith.addi %add3A_195, %select_n3A_205 : vector<16xi32>
          %mul3A_207 = arith.constant 2048 : i32
          %mul3A_208 = arith.muli %scan3A_25, %mul3A_207 : i32
          %mul3A_209 = arith.constant 16 : i32
          %mul3A_210 = arith.muli %scan3A_34, %mul3A_209 : i32
          %add3A_211 = arith.addi %mul3A_208, %mul3A_210 : i32
          %swap3A = arith.index_cast %add3A_211 : i32 to index
          %swap3A_212 = tpu.vector_load %arg8[%swap3A] {strides = array<i32>} : memref<10240xi32, #tpu.memory_space<vmem>>, vector<16xi32>,
          tpu.vector_store %arg8[%swap3A], %add3A_206 {strides = array<i32>} : memref<10240xi32, #tpu.memory_space<vmem>>, vector<16xi32>,
          %eq3A_213 = arith.constant 0 : i32
          %eq3A_214 = arith.cmpi eq, %arg1, %eq3A_213 : i32
          %convert_element_type3A_215 = arith.extui %eq3A_214 : i1 to i32
          %cond3A_216 = arith.constant 0 : i32
          %cond3A_217 = arith.cmpi ne, %convert_element_type3A_215, %cond3A_216 : i32
          scf.if %cond3A_217 {
            %mul3A_218 = arith.constant 2048 : i32
            %mul3A_219 = arith.muli %scan3A_25, %mul3A_218 : i32
            %mul3A_220 = arith.constant 16 : i32
            %mul3A_221 = arith.muli %scan3A_34, %mul3A_220 : i32
            %add3A_222 = arith.addi %mul3A_219, %mul3A_221 : i32
            %swap3A_223 = arith.index_cast %add3A_222 : i32 to index
            %swap3A_224 = tpu.vector_load %arg7[%swap3A_223] {strides = array<i32>} : memref<10240xi32, #tpu.memory_space<vmem>>, vector<16xi32>,
            tpu.vector_store %arg7[%swap3A_223], %add3A_202 {strides = array<i32>} : memref<10240xi32, #tpu.memory_space<vmem>>, vector<16xi32>,
          } else {
          }
        }
        %scan3A_33 = arith.constant 128 : i32
      }
      %scan3A_12 = arith.constant 5 : i32
      %scan3A_13 = arith.constant 0 : i32
      %scan3A_14 = arith.constant 0 : i32
      %scan3A_15 = arith.constant 625 : i32
      %scan3A_16 = arith.addi %scan3A_14, %scan3A_15 : i32
      %scan3A_17 = arith.constant 1 : i32
      scf.for %scan3A_25 = %scan3A_14 to %scan3A_16 step %scan3A_17  : i32 {
        %mul3A_26 = arith.constant 16 : i32
        %mul3A_27 = arith.muli %scan3A_25, %mul3A_26 : i32
        %get3A = arith.index_cast %mul3A_27 : i32 to index
        %get3A_28 = tpu.vector_load %arg5[%get3A] {strides = array<i32>} : memref<10000xi32, #tpu.memory_space<vmem>>, vector<16xi32>,
        %mul3A_29 = arith.constant 16 : i32
        %mul3A_30 = arith.muli %scan3A_25, %mul3A_29 : i32
        %get3A_31 = arith.index_cast %mul3A_30 : i32 to index
        %get3A_32 = tpu.vector_load %arg6[%get3A_31] {strides = array<i32>} : memref<10000xi32, #tpu.memory_space<vmem>>, vector<16xi32>,
        %gather3A = tpu.vector_load_idx %arg8[%get3A_28] : memref<10240xi32, #tpu.memory_space<vmem>>[vector<16xi32>], vector<16xi32>,
        %add3A = arith.addi %get3A_32, %gather3A : vector<16xi32>
        %mul3A_33 = arith.constant 16 : i32
        %mul3A_34 = arith.muli %scan3A_25, %mul3A_33 : i32
        %swap3A = arith.index_cast %mul3A_34 : i32 to index
        %swap3A_35 = tpu.vector_load %arg6[%swap3A] {strides = array<i32>} : memref<10000xi32, #tpu.memory_space<vmem>>, vector<16xi32>,
        tpu.vector_store %arg6[%swap3A], %add3A {strides = array<i32>} : memref<10000xi32, #tpu.memory_space<vmem>>, vector<16xi32>,
      }
      %scan3A_18 = arith.constant 625 : i32
      %mul3A = arith.constant 10000 : i32
      %mul3A_19 = arith.muli %arg1, %mul3A : i32
      "tpu.region"() ({
        %run_scoped3A = tpu.sem_alloc : memref<!tpu.dma_semaphore, #tpu.memory_space<semaphore_mem>>
        %dma_start3A = tpu.memref_slice %arg3[%mul3A_19] : memref<160000xi32, #tpu.memory_space<hbm>> -> memref<10000xi32, #tpu.memory_space<hbm>>
        %dma_start3A_25 = tpu.memref_slice %arg3[%mul3A_19] : memref<160000xi32, #tpu.memory_space<hbm>> -> memref<10000xi32, #tpu.memory_space<hbm>>
        tpu.enqueue_dma source(%arg6 : memref<10000xi32, #tpu.memory_space<vmem>>) target(%dma_start3A_25 : memref<10000xi32, #tpu.memory_space<hbm>>) target_semaphore(%run_scoped3A : memref<!tpu.dma_semaphore, #tpu.memory_space<semaphore_mem>>)
        %dma_wait3A = tpu.memref_slice %arg3[%mul3A_19] : memref<160000xi32, #tpu.memory_space<hbm>> -> memref<10000xi32, #tpu.memory_space<hbm>>
        %dma_wait3A_26 = tpu.memref_slice %arg3[%mul3A_19] : memref<160000xi32, #tpu.memory_space<hbm>> -> memref<10000xi32, #tpu.memory_space<hbm>>
        tpu.wait_dma2 semaphore(%run_scoped3A : memref<!tpu.dma_semaphore, #tpu.memory_space<semaphore_mem>>) src(%arg6 : memref<10000xi32, #tpu.memory_space<vmem>>) dst(%dma_wait3A_26 : memref<10000xi32, #tpu.memory_space<hbm>>)
        tpu.yield
      }) : () -> ()
      %eq3A_20 = arith.constant 0 : i32
      %eq3A_21 = arith.cmpi eq, %arg1, %eq3A_20 : i32
      %convert_element_type3A_22 = arith.extui %eq3A_21 : i1 to i32
      %cond3A_23 = arith.constant 0 : i32
      %cond3A_24 = arith.cmpi ne, %convert_element_type3A_22, %cond3A_23 : i32
      scf.if %cond3A_24 {
        "tpu.region"() ({
          %run_scoped3A = tpu.sem_alloc : memref<!tpu.dma_semaphore, #tpu.memory_space<semaphore_mem>>
          %dma_start3A = arith.constant 0 : i32
          %dma_start3A_25 = tpu.memref_slice %arg7[%dma_start3A] : memref<10240xi32, #tpu.memory_space<vmem>> -> memref<10000xi32, #tpu.memory_space<vmem>>
          %dma_start3A_26 = arith.constant 0 : i32
          %dma_start3A_27 = tpu.memref_slice %arg7[%dma_start3A_26] : memref<10240xi32, #tpu.memory_space<vmem>> -> memref<10000xi32, #tpu.memory_space<vmem>>
          tpu.enqueue_dma source(%dma_start3A_27 : memref<10000xi32, #tpu.memory_space<vmem>>) target(%arg4 : memref<10000xi32, #tpu.memory_space<hbm>>) target_semaphore(%run_scoped3A : memref<!tpu.dma_semaphore, #tpu.memory_space<semaphore_mem>>)
          %dma_wait3A = arith.constant 0 : i32
          %dma_wait3A_28 = tpu.memref_slice %arg7[%dma_wait3A] : memref<10240xi32, #tpu.memory_space<vmem>> -> memref<10000xi32, #tpu.memory_space<vmem>>
          %dma_wait3A_29 = arith.constant 0 : i32
          %dma_wait3A_30 = tpu.memref_slice %arg7[%dma_wait3A_29] : memref<10240xi32, #tpu.memory_space<vmem>> -> memref<10000xi32, #tpu.memory_space<vmem>>
          tpu.wait_dma2 semaphore(%run_scoped3A : memref<!tpu.dma_semaphore, #tpu.memory_space<semaphore_mem>>) src(%dma_wait3A_30 : memref<10000xi32, #tpu.memory_space<vmem>>) dst(%arg4 : memref<10000xi32, #tpu.memory_space<hbm>>)
          tpu.yield
        }) : () -> ()
      } else {
      }
    } else {
    }
    return
  }
}

#map = affine_map<(d0, d1) -> (0, 0)>
#map1 = affine_map<(d0, d1) -> (0)>
module attributes {stable_mosaic.version = 14 : i64} {
  func.func @k(%arg0: i32, %arg1: i32, %arg2: memref<10000x128xf32, #tpu.memory_space<hbm>>, %arg3: memref<10240xi32, #tpu.memory_space<hbm>>, %arg4: memref<10240x128xf32, #tpu.memory_space<hbm>>, %arg5: memref<320xi32, #tpu.memory_space<vmem>>, %arg6: memref<320x128xf32, #tpu.memory_space<vmem>>, %arg7: memref<!tpu.dma_semaphore, #tpu.memory_space<semaphore_mem>>) attributes {dimension_semantics = [#tpu.dimension_semantics<core_parallel>, #tpu.dimension_semantics<subcore_parallel>], iteration_bounds = array<i64: 2, 16>, scalar_prefetch = 0 : i64, scratch_operands = 3 : i64, tpu.core_type = #tpu.core_type<sc_vector_subcore>, window_params = [{transform_indices = #map}, {transform_indices = #map1}, {transform_indices = #map}]} {
    %mul3A = arith.constant 2 : i32
    %mul3A_0 = arith.muli %arg1, %mul3A : i32
    %add3A = arith.addi %mul3A_0, %arg0 : i32
    %mul3A_1 = arith.constant 320 : i32
    %mul3A_2 = arith.muli %add3A, %mul3A_1 : i32
    %scan3A = arith.constant 0 : i32
    %scan3A_3 = arith.constant 0 : i32
    %mul3A_4 = arith.constant 320 : i32
    %mul3A_5 = arith.muli %scan3A_3, %mul3A_4 : i32
    %add3A_6 = arith.addi %mul3A_2, %mul3A_5 : i32
    "tpu.region"() ({
      %run_scoped3A = tpu.sem_alloc : memref<!tpu.dma_semaphore, #tpu.memory_space<semaphore_mem>>
      %dma_start3A_12 = tpu.memref_slice %arg3[%add3A_6] : memref<10240xi32, #tpu.memory_space<hbm>> -> memref<320xi32, #tpu.memory_space<hbm>>
      %dma_start3A_13 = tpu.memref_slice %arg3[%add3A_6] : memref<10240xi32, #tpu.memory_space<hbm>> -> memref<320xi32, #tpu.memory_space<hbm>>
      tpu.enqueue_dma source(%dma_start3A_13 : memref<320xi32, #tpu.memory_space<hbm>>) target(%arg5 : memref<320xi32, #tpu.memory_space<vmem>>) target_semaphore(%run_scoped3A : memref<!tpu.dma_semaphore, #tpu.memory_space<semaphore_mem>>)
      %dma_wait3A_14 = tpu.memref_slice %arg3[%add3A_6] : memref<10240xi32, #tpu.memory_space<hbm>> -> memref<320xi32, #tpu.memory_space<hbm>>
      %dma_wait3A_15 = tpu.memref_slice %arg3[%add3A_6] : memref<10240xi32, #tpu.memory_space<hbm>> -> memref<320xi32, #tpu.memory_space<hbm>>
      tpu.wait_dma2 semaphore(%run_scoped3A : memref<!tpu.dma_semaphore, #tpu.memory_space<semaphore_mem>>) src(%dma_wait3A_15 : memref<320xi32, #tpu.memory_space<hbm>>) dst(%arg5 : memref<320xi32, #tpu.memory_space<vmem>>)
      tpu.yield
    }) : () -> ()
    %dma_start3A = arith.constant 0 : i32
    %dma_start3A_7 = arith.constant 0 : i32
    %dma_start3A_8 = tpu.memref_slice %arg2[%dma_start3A, %dma_start3A_7] : memref<10000x128xf32, #tpu.memory_space<hbm>> -> memref<10000x128xf32, #tpu.memory_space<hbm>>
    tpu.enqueue_indirect_dma source(%dma_start3A_8 : memref<10000x128xf32, #tpu.memory_space<hbm>>) target(%arg6 : memref<320x128xf32, #tpu.memory_space<vmem>>) offsets(%arg5 : memref<320xi32, #tpu.memory_space<vmem>>) semaphore(%arg7 : memref<!tpu.dma_semaphore, #tpu.memory_space<semaphore_mem>>)
    %dma_wait3A = arith.constant 0 : i32
    %dma_wait3A_9 = arith.constant 0 : i32
    %dma_wait3A_10 = tpu.memref_slice %arg2[%dma_wait3A, %dma_wait3A_9] : memref<10000x128xf32, #tpu.memory_space<hbm>> -> memref<10000x128xf32, #tpu.memory_space<hbm>>
    tpu.wait_indirect_dma semaphore(%arg7 : memref<!tpu.dma_semaphore, #tpu.memory_space<semaphore_mem>>) src(%dma_wait3A_10 : memref<10000x128xf32, #tpu.memory_space<hbm>>) dst(%arg6 : memref<320x128xf32, #tpu.memory_space<vmem>>)
    "tpu.region"() ({
      %run_scoped3A = tpu.sem_alloc : memref<!tpu.dma_semaphore, #tpu.memory_space<semaphore_mem>>
      %dma_start3A_12 = arith.constant 0 : i32
      %dma_start3A_13 = tpu.memref_slice %arg4[%add3A_6, %dma_start3A_12] : memref<10240x128xf32, #tpu.memory_space<hbm>> -> memref<320x128xf32, #tpu.memory_space<hbm>>
      %dma_start3A_14 = arith.constant 0 : i32
      %dma_start3A_15 = tpu.memref_slice %arg4[%add3A_6, %dma_start3A_14] : memref<10240x128xf32, #tpu.memory_space<hbm>> -> memref<320x128xf32, #tpu.memory_space<hbm>>
      tpu.enqueue_dma source(%arg6 : memref<320x128xf32, #tpu.memory_space<vmem>>) target(%dma_start3A_15 : memref<320x128xf32, #tpu.memory_space<hbm>>) target_semaphore(%run_scoped3A : memref<!tpu.dma_semaphore, #tpu.memory_space<semaphore_mem>>)
      %dma_wait3A_16 = arith.constant 0 : i32
      %dma_wait3A_17 = tpu.memref_slice %arg4[%add3A_6, %dma_wait3A_16] : memref<10240x128xf32, #tpu.memory_space<hbm>> -> memref<320x128xf32, #tpu.memory_space<hbm>>
      %dma_wait3A_18 = arith.constant 0 : i32
      %dma_wait3A_19 = tpu.memref_slice %arg4[%add3A_6, %dma_wait3A_18] : memref<10240x128xf32, #tpu.memory_space<hbm>> -> memref<320x128xf32, #tpu.memory_space<hbm>>
      tpu.wait_dma2 semaphore(%run_scoped3A : memref<!tpu.dma_semaphore, #tpu.memory_space<semaphore_mem>>) src(%arg6 : memref<320x128xf32, #tpu.memory_space<vmem>>) dst(%dma_wait3A_19 : memref<320x128xf32, #tpu.memory_space<hbm>>)
      tpu.yield
    }) : () -> ()
    %scan3A_11 = arith.constant 1 : i32
    return
  }
}

#map = affine_map<(d0, d1) -> (0, 0)>
#map1 = affine_map<(d0, d1) -> (0)>
module attributes {stable_mosaic.version = 14 : i64} {
  func.func @k(%arg0: i32, %arg1: i32, %arg2: memref<10000x128xf32, #tpu.memory_space<hbm>>, %arg3: memref<160000xi32, #tpu.memory_space<hbm>>, %arg4: memref<160000xi32, #tpu.memory_space<hbm>>, %arg5: memref<163840x128xf32, #tpu.memory_space<hbm>>, %arg6: memref<200xi32, #tpu.memory_space<vmem>>, %arg7: memref<200xi32, #tpu.memory_space<vmem>>, %arg8: memref<200x128xf32, #tpu.memory_space<vmem>>, %arg9: memref<!tpu.dma_semaphore, #tpu.memory_space<semaphore_mem>>) attributes {dimension_semantics = [#tpu.dimension_semantics<core_parallel>, #tpu.dimension_semantics<subcore_parallel>], iteration_bounds = array<i64: 2, 16>, scalar_prefetch = 0 : i64, scratch_operands = 4 : i64, tpu.core_type = #tpu.core_type<sc_vector_subcore>, window_params = [{transform_indices = #map}, {transform_indices = #map1}, {transform_indices = #map1}, {transform_indices = #map}]} {
    %mul3A = arith.constant 2 : i32
    %mul3A_0 = arith.muli %arg1, %mul3A : i32
    %add3A = arith.addi %mul3A_0, %arg0 : i32
    %mul3A_1 = arith.constant 5000 : i32
    %mul3A_2 = arith.muli %add3A, %mul3A_1 : i32
    %scan3A = arith.constant 0 : i32
    %scan3A_3 = arith.constant 0 : i32
    %scan3A_4 = arith.constant 25 : i32
    %scan3A_5 = arith.addi %scan3A_3, %scan3A_4 : i32
    %scan3A_6 = arith.constant 1 : i32
    scf.for %scan3A_8 = %scan3A_3 to %scan3A_5 step %scan3A_6  : i32 {
      %mul3A_9 = arith.constant 200 : i32
      %mul3A_10 = arith.muli %scan3A_8, %mul3A_9 : i32
      %add3A_11 = arith.addi %mul3A_2, %mul3A_10 : i32
      "tpu.region"() ({
        %run_scoped3A = tpu.sem_alloc : memref<!tpu.dma_semaphore, #tpu.memory_space<semaphore_mem>>
        %dma_start3A_22 = tpu.memref_slice %arg3[%add3A_11] : memref<160000xi32, #tpu.memory_space<hbm>> -> memref<200xi32, #tpu.memory_space<hbm>>
        %dma_start3A_23 = tpu.memref_slice %arg3[%add3A_11] : memref<160000xi32, #tpu.memory_space<hbm>> -> memref<200xi32, #tpu.memory_space<hbm>>
        tpu.enqueue_dma source(%dma_start3A_23 : memref<200xi32, #tpu.memory_space<hbm>>) target(%arg6 : memref<200xi32, #tpu.memory_space<vmem>>) target_semaphore(%run_scoped3A : memref<!tpu.dma_semaphore, #tpu.memory_space<semaphore_mem>>)
        %dma_wait3A_24 = tpu.memref_slice %arg3[%add3A_11] : memref<160000xi32, #tpu.memory_space<hbm>> -> memref<200xi32, #tpu.memory_space<hbm>>
        %dma_wait3A_25 = tpu.memref_slice %arg3[%add3A_11] : memref<160000xi32, #tpu.memory_space<hbm>> -> memref<200xi32, #tpu.memory_space<hbm>>
        tpu.wait_dma2 semaphore(%run_scoped3A : memref<!tpu.dma_semaphore, #tpu.memory_space<semaphore_mem>>) src(%dma_wait3A_25 : memref<200xi32, #tpu.memory_space<hbm>>) dst(%arg6 : memref<200xi32, #tpu.memory_space<vmem>>)
        tpu.yield
      }) : () -> ()
      "tpu.region"() ({
        %run_scoped3A = tpu.sem_alloc : memref<!tpu.dma_semaphore, #tpu.memory_space<semaphore_mem>>
        %dma_start3A_22 = tpu.memref_slice %arg4[%add3A_11] : memref<160000xi32, #tpu.memory_space<hbm>> -> memref<200xi32, #tpu.memory_space<hbm>>
        %dma_start3A_23 = tpu.memref_slice %arg4[%add3A_11] : memref<160000xi32, #tpu.memory_space<hbm>> -> memref<200xi32, #tpu.memory_space<hbm>>
        tpu.enqueue_dma source(%dma_start3A_23 : memref<200xi32, #tpu.memory_space<hbm>>) target(%arg7 : memref<200xi32, #tpu.memory_space<vmem>>) target_semaphore(%run_scoped3A : memref<!tpu.dma_semaphore, #tpu.memory_space<semaphore_mem>>)
        %dma_wait3A_24 = tpu.memref_slice %arg4[%add3A_11] : memref<160000xi32, #tpu.memory_space<hbm>> -> memref<200xi32, #tpu.memory_space<hbm>>
        %dma_wait3A_25 = tpu.memref_slice %arg4[%add3A_11] : memref<160000xi32, #tpu.memory_space<hbm>> -> memref<200xi32, #tpu.memory_space<hbm>>
        tpu.wait_dma2 semaphore(%run_scoped3A : memref<!tpu.dma_semaphore, #tpu.memory_space<semaphore_mem>>) src(%dma_wait3A_25 : memref<200xi32, #tpu.memory_space<hbm>>) dst(%arg7 : memref<200xi32, #tpu.memory_space<vmem>>)
        tpu.yield
      }) : () -> ()
      %dma_start3A = arith.constant 0 : i32
      %dma_start3A_12 = arith.constant 0 : i32
      %dma_start3A_13 = tpu.memref_slice %arg2[%dma_start3A, %dma_start3A_12] : memref<10000x128xf32, #tpu.memory_space<hbm>> -> memref<10000x128xf32, #tpu.memory_space<hbm>>
      tpu.enqueue_indirect_dma source(%dma_start3A_13 : memref<10000x128xf32, #tpu.memory_space<hbm>>) target(%arg8 : memref<200x128xf32, #tpu.memory_space<vmem>>) offsets(%arg6 : memref<200xi32, #tpu.memory_space<vmem>>) semaphore(%arg9 : memref<!tpu.dma_semaphore, #tpu.memory_space<semaphore_mem>>)
      %dma_wait3A = arith.constant 0 : i32
      %dma_wait3A_14 = arith.constant 0 : i32
      %dma_wait3A_15 = tpu.memref_slice %arg2[%dma_wait3A, %dma_wait3A_14] : memref<10000x128xf32, #tpu.memory_space<hbm>> -> memref<10000x128xf32, #tpu.memory_space<hbm>>
      tpu.wait_indirect_dma semaphore(%arg9 : memref<!tpu.dma_semaphore, #tpu.memory_space<semaphore_mem>>) src(%dma_wait3A_15 : memref<10000x128xf32, #tpu.memory_space<hbm>>) dst(%arg8 : memref<200x128xf32, #tpu.memory_space<vmem>>)
      %dma_start3A_16 = arith.constant 0 : i32
      %dma_start3A_17 = arith.constant 0 : i32
      %dma_start3A_18 = tpu.memref_slice %arg5[%dma_start3A_16, %dma_start3A_17] : memref<163840x128xf32, #tpu.memory_space<hbm>> -> memref<163840x128xf32, #tpu.memory_space<hbm>>
      tpu.enqueue_indirect_dma source(%arg8 : memref<200x128xf32, #tpu.memory_space<vmem>>) target(%dma_start3A_18 : memref<163840x128xf32, #tpu.memory_space<hbm>>) offsets(%arg7 : memref<200xi32, #tpu.memory_space<vmem>>) semaphore(%arg9 : memref<!tpu.dma_semaphore, #tpu.memory_space<semaphore_mem>>)
      %dma_wait3A_19 = arith.constant 0 : i32
      %dma_wait3A_20 = arith.constant 0 : i32
      %dma_wait3A_21 = tpu.memref_slice %arg5[%dma_wait3A_19, %dma_wait3A_20] : memref<163840x128xf32, #tpu.memory_space<hbm>> -> memref<163840x128xf32, #tpu.memory_space<hbm>>
      tpu.wait_indirect_dma semaphore(%arg9 : memref<!tpu.dma_semaphore, #tpu.memory_space<semaphore_mem>>) src(%arg8 : memref<200x128xf32, #tpu.memory_space<vmem>>) dst(%dma_wait3A_21 : memref<163840x128xf32, #tpu.memory_space<hbm>>)
    }
    %scan3A_7 = arith.constant 25 : i32
    return
  }
}

#map = affine_map<(d0, d1) -> (0, 0)>
#map1 = affine_map<(d0, d1) -> (0)>
module attributes {stable_mosaic.version = 14 : i64} {
  func.func @k(%arg0: i32, %arg1: i32, %arg2: memref<10240x128xf32, #tpu.memory_space<hbm>>, %arg3: memref<160000xi32, #tpu.memory_space<hbm>>, %arg4: memref<160000xi32, #tpu.memory_space<hbm>>, %arg5: memref<163840x128xf32, #tpu.memory_space<hbm>>, %arg6: memref<200xi32, #tpu.memory_space<vmem>>, %arg7: memref<200xi32, #tpu.memory_space<vmem>>, %arg8: memref<200x128xf32, #tpu.memory_space<vmem>>, %arg9: memref<!tpu.dma_semaphore, #tpu.memory_space<semaphore_mem>>) attributes {dimension_semantics = [#tpu.dimension_semantics<core_parallel>, #tpu.dimension_semantics<subcore_parallel>], iteration_bounds = array<i64: 2, 16>, scalar_prefetch = 0 : i64, scratch_operands = 4 : i64, tpu.core_type = #tpu.core_type<sc_vector_subcore>, window_params = [{transform_indices = #map}, {transform_indices = #map1}, {transform_indices = #map1}, {transform_indices = #map}]} {
    %mul3A = arith.constant 2 : i32
    %mul3A_0 = arith.muli %arg1, %mul3A : i32
    %add3A = arith.addi %mul3A_0, %arg0 : i32
    %mul3A_1 = arith.constant 5000 : i32
    %mul3A_2 = arith.muli %add3A, %mul3A_1 : i32
    %scan3A = arith.constant 0 : i32
    %scan3A_3 = arith.constant 0 : i32
    %scan3A_4 = arith.constant 25 : i32
    %scan3A_5 = arith.addi %scan3A_3, %scan3A_4 : i32
    %scan3A_6 = arith.constant 1 : i32
    scf.for %scan3A_8 = %scan3A_3 to %scan3A_5 step %scan3A_6  : i32 {
      %mul3A_9 = arith.constant 200 : i32
      %mul3A_10 = arith.muli %scan3A_8, %mul3A_9 : i32
      %add3A_11 = arith.addi %mul3A_2, %mul3A_10 : i32
      "tpu.region"() ({
        %run_scoped3A = tpu.sem_alloc : memref<!tpu.dma_semaphore, #tpu.memory_space<semaphore_mem>>
        %dma_start3A_22 = tpu.memref_slice %arg3[%add3A_11] : memref<160000xi32, #tpu.memory_space<hbm>> -> memref<200xi32, #tpu.memory_space<hbm>>
        %dma_start3A_23 = tpu.memref_slice %arg3[%add3A_11] : memref<160000xi32, #tpu.memory_space<hbm>> -> memref<200xi32, #tpu.memory_space<hbm>>
        tpu.enqueue_dma source(%dma_start3A_23 : memref<200xi32, #tpu.memory_space<hbm>>) target(%arg6 : memref<200xi32, #tpu.memory_space<vmem>>) target_semaphore(%run_scoped3A : memref<!tpu.dma_semaphore, #tpu.memory_space<semaphore_mem>>)
        %dma_wait3A_24 = tpu.memref_slice %arg3[%add3A_11] : memref<160000xi32, #tpu.memory_space<hbm>> -> memref<200xi32, #tpu.memory_space<hbm>>
        %dma_wait3A_25 = tpu.memref_slice %arg3[%add3A_11] : memref<160000xi32, #tpu.memory_space<hbm>> -> memref<200xi32, #tpu.memory_space<hbm>>
        tpu.wait_dma2 semaphore(%run_scoped3A : memref<!tpu.dma_semaphore, #tpu.memory_space<semaphore_mem>>) src(%dma_wait3A_25 : memref<200xi32, #tpu.memory_space<hbm>>) dst(%arg6 : memref<200xi32, #tpu.memory_space<vmem>>)
        tpu.yield
      }) : () -> ()
      "tpu.region"() ({
        %run_scoped3A = tpu.sem_alloc : memref<!tpu.dma_semaphore, #tpu.memory_space<semaphore_mem>>
        %dma_start3A_22 = tpu.memref_slice %arg4[%add3A_11] : memref<160000xi32, #tpu.memory_space<hbm>> -> memref<200xi32, #tpu.memory_space<hbm>>
        %dma_start3A_23 = tpu.memref_slice %arg4[%add3A_11] : memref<160000xi32, #tpu.memory_space<hbm>> -> memref<200xi32, #tpu.memory_space<hbm>>
        tpu.enqueue_dma source(%dma_start3A_23 : memref<200xi32, #tpu.memory_space<hbm>>) target(%arg7 : memref<200xi32, #tpu.memory_space<vmem>>) target_semaphore(%run_scoped3A : memref<!tpu.dma_semaphore, #tpu.memory_space<semaphore_mem>>)
        %dma_wait3A_24 = tpu.memref_slice %arg4[%add3A_11] : memref<160000xi32, #tpu.memory_space<hbm>> -> memref<200xi32, #tpu.memory_space<hbm>>
        %dma_wait3A_25 = tpu.memref_slice %arg4[%add3A_11] : memref<160000xi32, #tpu.memory_space<hbm>> -> memref<200xi32, #tpu.memory_space<hbm>>
        tpu.wait_dma2 semaphore(%run_scoped3A : memref<!tpu.dma_semaphore, #tpu.memory_space<semaphore_mem>>) src(%dma_wait3A_25 : memref<200xi32, #tpu.memory_space<hbm>>) dst(%arg7 : memref<200xi32, #tpu.memory_space<vmem>>)
        tpu.yield
      }) : () -> ()
      %dma_start3A = arith.constant 0 : i32
      %dma_start3A_12 = arith.constant 0 : i32
      %dma_start3A_13 = tpu.memref_slice %arg2[%dma_start3A, %dma_start3A_12] : memref<10240x128xf32, #tpu.memory_space<hbm>> -> memref<10240x128xf32, #tpu.memory_space<hbm>>
      tpu.enqueue_indirect_dma source(%dma_start3A_13 : memref<10240x128xf32, #tpu.memory_space<hbm>>) target(%arg8 : memref<200x128xf32, #tpu.memory_space<vmem>>) offsets(%arg6 : memref<200xi32, #tpu.memory_space<vmem>>) semaphore(%arg9 : memref<!tpu.dma_semaphore, #tpu.memory_space<semaphore_mem>>)
      %dma_wait3A = arith.constant 0 : i32
      %dma_wait3A_14 = arith.constant 0 : i32
      %dma_wait3A_15 = tpu.memref_slice %arg2[%dma_wait3A, %dma_wait3A_14] : memref<10240x128xf32, #tpu.memory_space<hbm>> -> memref<10240x128xf32, #tpu.memory_space<hbm>>
      tpu.wait_indirect_dma semaphore(%arg9 : memref<!tpu.dma_semaphore, #tpu.memory_space<semaphore_mem>>) src(%dma_wait3A_15 : memref<10240x128xf32, #tpu.memory_space<hbm>>) dst(%arg8 : memref<200x128xf32, #tpu.memory_space<vmem>>)
      %dma_start3A_16 = arith.constant 0 : i32
      %dma_start3A_17 = arith.constant 0 : i32
      %dma_start3A_18 = tpu.memref_slice %arg5[%dma_start3A_16, %dma_start3A_17] : memref<163840x128xf32, #tpu.memory_space<hbm>> -> memref<163840x128xf32, #tpu.memory_space<hbm>>
      tpu.enqueue_indirect_dma source(%arg8 : memref<200x128xf32, #tpu.memory_space<vmem>>) target(%dma_start3A_18 : memref<163840x128xf32, #tpu.memory_space<hbm>>) offsets(%arg7 : memref<200xi32, #tpu.memory_space<vmem>>) semaphore(%arg9 : memref<!tpu.dma_semaphore, #tpu.memory_space<semaphore_mem>>)
      %dma_wait3A_19 = arith.constant 0 : i32
      %dma_wait3A_20 = arith.constant 0 : i32
      %dma_wait3A_21 = tpu.memref_slice %arg5[%dma_wait3A_19, %dma_wait3A_20] : memref<163840x128xf32, #tpu.memory_space<hbm>> -> memref<163840x128xf32, #tpu.memory_space<hbm>>
      tpu.wait_indirect_dma semaphore(%arg9 : memref<!tpu.dma_semaphore, #tpu.memory_space<semaphore_mem>>) src(%arg8 : memref<200x128xf32, #tpu.memory_space<vmem>>) dst(%dma_wait3A_21 : memref<163840x128xf32, #tpu.memory_space<hbm>>)
    }
    %scan3A_7 = arith.constant 25 : i32
    return
  }
}

#map = affine_map<(d0, d1) -> (0, 0)>
#map1 = affine_map<(d0, d1) -> (0)>
module attributes {stable_mosaic.version = 14 : i64} {
  func.func @k(%arg0: i32, %arg1: i32, %arg2: memref<10240x128xf32, #tpu.memory_space<hbm>>, %arg3: memref<10240xi32, #tpu.memory_space<hbm>>, %arg4: memref<10240x128xf32, #tpu.memory_space<hbm>>, %arg5: memref<320xi32, #tpu.memory_space<vmem>>, %arg6: memref<320x128xf32, #tpu.memory_space<vmem>>, %arg7: memref<!tpu.dma_semaphore, #tpu.memory_space<semaphore_mem>>) attributes {dimension_semantics = [#tpu.dimension_semantics<core_parallel>, #tpu.dimension_semantics<subcore_parallel>], iteration_bounds = array<i64: 2, 16>, scalar_prefetch = 0 : i64, scratch_operands = 3 : i64, tpu.core_type = #tpu.core_type<sc_vector_subcore>, window_params = [{transform_indices = #map}, {transform_indices = #map1}, {transform_indices = #map}]} {
    %mul3A = arith.constant 2 : i32
    %mul3A_0 = arith.muli %arg1, %mul3A : i32
    %add3A = arith.addi %mul3A_0, %arg0 : i32
    %mul3A_1 = arith.constant 320 : i32
    %mul3A_2 = arith.muli %add3A, %mul3A_1 : i32
    %scan3A = arith.constant 0 : i32
    %scan3A_3 = arith.constant 0 : i32
    %mul3A_4 = arith.constant 320 : i32
    %mul3A_5 = arith.muli %scan3A_3, %mul3A_4 : i32
    %add3A_6 = arith.addi %mul3A_2, %mul3A_5 : i32
    "tpu.region"() ({
      %run_scoped3A = tpu.sem_alloc : memref<!tpu.dma_semaphore, #tpu.memory_space<semaphore_mem>>
      %dma_start3A_12 = tpu.memref_slice %arg3[%add3A_6] : memref<10240xi32, #tpu.memory_space<hbm>> -> memref<320xi32, #tpu.memory_space<hbm>>
      %dma_start3A_13 = tpu.memref_slice %arg3[%add3A_6] : memref<10240xi32, #tpu.memory_space<hbm>> -> memref<320xi32, #tpu.memory_space<hbm>>
      tpu.enqueue_dma source(%dma_start3A_13 : memref<320xi32, #tpu.memory_space<hbm>>) target(%arg5 : memref<320xi32, #tpu.memory_space<vmem>>) target_semaphore(%run_scoped3A : memref<!tpu.dma_semaphore, #tpu.memory_space<semaphore_mem>>)
      %dma_wait3A_14 = tpu.memref_slice %arg3[%add3A_6] : memref<10240xi32, #tpu.memory_space<hbm>> -> memref<320xi32, #tpu.memory_space<hbm>>
      %dma_wait3A_15 = tpu.memref_slice %arg3[%add3A_6] : memref<10240xi32, #tpu.memory_space<hbm>> -> memref<320xi32, #tpu.memory_space<hbm>>
      tpu.wait_dma2 semaphore(%run_scoped3A : memref<!tpu.dma_semaphore, #tpu.memory_space<semaphore_mem>>) src(%dma_wait3A_15 : memref<320xi32, #tpu.memory_space<hbm>>) dst(%arg5 : memref<320xi32, #tpu.memory_space<vmem>>)
      tpu.yield
    }) : () -> ()
    %dma_start3A = arith.constant 0 : i32
    %dma_start3A_7 = arith.constant 0 : i32
    %dma_start3A_8 = tpu.memref_slice %arg2[%dma_start3A, %dma_start3A_7] : memref<10240x128xf32, #tpu.memory_space<hbm>> -> memref<10240x128xf32, #tpu.memory_space<hbm>>
    tpu.enqueue_indirect_dma source(%dma_start3A_8 : memref<10240x128xf32, #tpu.memory_space<hbm>>) target(%arg6 : memref<320x128xf32, #tpu.memory_space<vmem>>) offsets(%arg5 : memref<320xi32, #tpu.memory_space<vmem>>) semaphore(%arg7 : memref<!tpu.dma_semaphore, #tpu.memory_space<semaphore_mem>>)
    %dma_wait3A = arith.constant 0 : i32
    %dma_wait3A_9 = arith.constant 0 : i32
    %dma_wait3A_10 = tpu.memref_slice %arg2[%dma_wait3A, %dma_wait3A_9] : memref<10240x128xf32, #tpu.memory_space<hbm>> -> memref<10240x128xf32, #tpu.memory_space<hbm>>
    tpu.wait_indirect_dma semaphore(%arg7 : memref<!tpu.dma_semaphore, #tpu.memory_space<semaphore_mem>>) src(%dma_wait3A_10 : memref<10240x128xf32, #tpu.memory_space<hbm>>) dst(%arg6 : memref<320x128xf32, #tpu.memory_space<vmem>>)
    "tpu.region"() ({
      %run_scoped3A = tpu.sem_alloc : memref<!tpu.dma_semaphore, #tpu.memory_space<semaphore_mem>>
      %dma_start3A_12 = arith.constant 0 : i32
      %dma_start3A_13 = tpu.memref_slice %arg4[%add3A_6, %dma_start3A_12] : memref<10240x128xf32, #tpu.memory_space<hbm>> -> memref<320x128xf32, #tpu.memory_space<hbm>>
      %dma_start3A_14 = arith.constant 0 : i32
      %dma_start3A_15 = tpu.memref_slice %arg4[%add3A_6, %dma_start3A_14] : memref<10240x128xf32, #tpu.memory_space<hbm>> -> memref<320x128xf32, #tpu.memory_space<hbm>>
      tpu.enqueue_dma source(%arg6 : memref<320x128xf32, #tpu.memory_space<vmem>>) target(%dma_start3A_15 : memref<320x128xf32, #tpu.memory_space<hbm>>) target_semaphore(%run_scoped3A : memref<!tpu.dma_semaphore, #tpu.memory_space<semaphore_mem>>)
      %dma_wait3A_16 = arith.constant 0 : i32
      %dma_wait3A_17 = tpu.memref_slice %arg4[%add3A_6, %dma_wait3A_16] : memref<10240x128xf32, #tpu.memory_space<hbm>> -> memref<320x128xf32, #tpu.memory_space<hbm>>
      %dma_wait3A_18 = arith.constant 0 : i32
      %dma_wait3A_19 = tpu.memref_slice %arg4[%add3A_6, %dma_wait3A_18] : memref<10240x128xf32, #tpu.memory_space<hbm>> -> memref<320x128xf32, #tpu.memory_space<hbm>>
      tpu.wait_dma2 semaphore(%run_scoped3A : memref<!tpu.dma_semaphore, #tpu.memory_space<semaphore_mem>>) src(%arg6 : memref<320x128xf32, #tpu.memory_space<vmem>>) dst(%dma_wait3A_19 : memref<320x128xf32, #tpu.memory_space<hbm>>)
      tpu.yield
    }) : () -> ()
    %scan3A_11 = arith.constant 1 : i32
    return
  }
}

module attributes {stable_mosaic.version = 14 : i64} {
  func.func @_lstm_body(%arg0: memref<10240x128xf32, #tpu.memory_space<vmem>>, %arg1: memref<163840x128xf32, #tpu.memory_space<any>>, %arg2: memref<80x128xi32, #tpu.memory_space<vmem>>, %arg3: memref<10240x1xi32, #tpu.memory_space<vmem>>, %arg4: memref<128x512xf32, #tpu.memory_space<vmem>>, %arg5: memref<128x512xf32, #tpu.memory_space<vmem>>, %arg6: memref<1x512xf32, #tpu.memory_space<vmem>>, %arg7: memref<128x128xf32, #tpu.memory_space<vmem>>, %arg8: memref<1x128xf32, #tpu.memory_space<vmem>>, %arg9: memref<128x128xf32, #tpu.memory_space<vmem>>, %arg10: memref<10240x128xf32, #tpu.memory_space<vmem>>, %arg11: memref<10240x128xf32, #tpu.memory_space<vmem>>, %arg12: memref<10240x128xf32, #tpu.memory_space<vmem>>, %arg13: memref<2x2048x128xf32, #tpu.memory_space<vmem>>, %arg14: memref<2x!tpu.dma_semaphore, #tpu.memory_space<semaphore_mem>>) attributes {dimension_semantics = [], scalar_prefetch = 0 : i64, scratch_operands = 4 : i64, tpu.core_type = #tpu.core_type<tc>} {
    %broadcast_in_dim3A = arith.constant 0.000000e+00 : f32
    %broadcast_in_dim3A_0 = vector.broadcast %broadcast_in_dim3A : f32 to vector<10240x128xf32>
    %swap3A = arith.constant 0 : index
    %swap3A_1 = arith.constant 0 : index
    %swap3A_2 = vector.load %arg11[%swap3A, %swap3A_1] : memref<10240x128xf32, #tpu.memory_space<vmem>>, vector<10240x128xf32>
    tpu.vector_store %arg11[%swap3A, %swap3A_1], %broadcast_in_dim3A_0 {strides = array<i32>} : memref<10240x128xf32, #tpu.memory_space<vmem>>, vector<10240x128xf32>,
    %broadcast_in_dim3A_3 = arith.constant 0.000000e+00 : f32
    %broadcast_in_dim3A_4 = vector.broadcast %broadcast_in_dim3A_3 : f32 to vector<10240x128xf32>
    %swap3A_5 = arith.constant 0 : index
    %swap3A_6 = arith.constant 0 : index
    %swap3A_7 = vector.load %arg12[%swap3A_5, %swap3A_6] : memref<10240x128xf32, #tpu.memory_space<vmem>>, vector<10240x128xf32>
    tpu.vector_store %arg12[%swap3A_5, %swap3A_6], %broadcast_in_dim3A_4 {strides = array<i32>} : memref<10240x128xf32, #tpu.memory_space<vmem>>, vector<10240x128xf32>,
    %scan3A = arith.constant 0 : i32
    %scan3A_8 = arith.constant 5 : i32
    %scan3A_9 = arith.addi %scan3A, %scan3A_8 : i32
    %scan3A_10 = arith.constant 1 : i32
    scf.for %scan3A_53 = %scan3A to %scan3A_9 step %scan3A_10  : i32 {
      %mul3A = arith.constant 2048 : i32
      %mul3A_54 = arith.muli %scan3A_53, %mul3A : i32
      %get3A_55 = arith.index_cast %mul3A_54 : i32 to index
      %get3A_56 = arith.constant 0 : index
      %get3A_57 = vector.load %arg0[%get3A_55, %get3A_56] : memref<10240x128xf32, #tpu.memory_space<vmem>>, vector<2048x128xf32>
      %get3A_58 = arith.constant 0 : index
      %get3A_59 = arith.constant 0 : index
      %get3A_60 = vector.load %arg7[%get3A_58, %get3A_59] : memref<128x128xf32, #tpu.memory_space<vmem>>, vector<128x128xf32>
      %dot_general3A = arith.constant dense<0.000000e+00> : vector<2048x128xf32>
      %dot_general3A_61 = tpu.matmul %get3A_57, %get3A_60, %dot_general3A {dimension_numbers = #tpu.dot_dimension_numbers<[1], [0], [0], [1], [0, 0, 1, 1], [], []>, transpose_lhs_hint = false} : vector<2048x128xf32>, vector<128x128xf32>, vector<2048x128xf32> -> vector<2048x128xf32>
      %get3A_62 = arith.constant 0 : index
      %get3A_63 = arith.constant 0 : index
      %get3A_64 = vector.load %arg8[%get3A_62, %get3A_63] : memref<1x128xf32, #tpu.memory_space<vmem>>, vector<1x128xf32>
      %add3A = vector.broadcast %get3A_64 : vector<1x128xf32> to vector<2048x128xf32>
      %add3A_65 = arith.addf %dot_general3A_61, %add3A : vector<2048x128xf32>
      %mul3A_66 = arith.constant 2048 : i32
      %mul3A_67 = arith.muli %scan3A_53, %mul3A_66 : i32
      %swap3A_68 = arith.index_cast %mul3A_67 : i32 to index
      %swap3A_69 = arith.constant 0 : index
      %swap3A_70 = vector.load %arg10[%swap3A_68, %swap3A_69] : memref<10240x128xf32, #tpu.memory_space<vmem>>, vector<2048x128xf32>
      tpu.vector_store %arg10[%swap3A_68, %swap3A_69], %add3A_65 {strides = array<i32>} : memref<10240x128xf32, #tpu.memory_space<vmem>>, vector<2048x128xf32>,
    }
    %scan3A_11 = arith.constant 5 : i32
    %get3A = arith.constant 0 : index
    %get3A_12 = arith.constant 0 : index
    %get3A_13 = vector.load %arg2[%get3A, %get3A_12] : memref<80x128xi32, #tpu.memory_space<vmem>>, vector<80x128xi32>
    %reduce_max3A = vector.shape_cast %get3A_13 : vector<80x128xi32> to vector<1x80x128xi32>
    %reduce_max3A_14 = arith.constant dense<-2147483648> : vector<1xi32>
    %reduce_max3A_15 = vector.multi_reduction <maxsi>, %reduce_max3A, %reduce_max3A_14 [1, 2] : vector<1x80x128xi32> to vector<1xi32>
    %reduce_max3A_16 = vector.shape_cast %reduce_max3A_15 : vector<1xi32> to vector<1x1x1xi32>
    %reduce_max3A_17 = vector.extract %reduce_max3A_16[0, 0, 0] : i32 from vector<1x1x1xi32>
    %dma_start3A = arith.constant 0 : i32
    %dma_start3A_18 = arith.constant 0 : i32
    %dma_start3A_19 = tpu.memref_slice %arg14[%dma_start3A_18] : memref<2x!tpu.dma_semaphore, #tpu.memory_space<semaphore_mem>> -> memref<1x!tpu.dma_semaphore, #tpu.memory_space<semaphore_mem>>
    %dma_start3A_20 = tpu.memref_squeeze %dma_start3A_19 : memref<1x!tpu.dma_semaphore, #tpu.memory_space<semaphore_mem>> -> memref<!tpu.dma_semaphore, #tpu.memory_space<semaphore_mem>>
    %dma_start3A_21 = arith.constant 0 : i32
    %dma_start3A_22 = arith.constant 0 : i32
    %dma_start3A_23 = tpu.memref_slice %arg13[%dma_start3A, %dma_start3A_21, %dma_start3A_22] : memref<2x2048x128xf32, #tpu.memory_space<vmem>> -> memref<1x2048x128xf32, #tpu.memory_space<vmem>>
    %dma_start3A_24 = tpu.memref_squeeze %dma_start3A_23 : memref<1x2048x128xf32, #tpu.memory_space<vmem>> -> memref<2048x128xf32, #tpu.memory_space<vmem>>
    %dma_start3A_25 = arith.constant 0 : i32
    %dma_start3A_26 = arith.constant 0 : i32
    %dma_start3A_27 = tpu.memref_slice %arg1[%dma_start3A_25, %dma_start3A_26] : memref<163840x128xf32, #tpu.memory_space<any>> -> memref<2048x128xf32, #tpu.memory_space<any>>
    tpu.enqueue_dma source(%dma_start3A_27 : memref<2048x128xf32, #tpu.memory_space<any>>) target(%dma_start3A_24 : memref<2048x128xf32, #tpu.memory_space<vmem>>) target_semaphore(%dma_start3A_20 : memref<!tpu.dma_semaphore, #tpu.memory_space<semaphore_mem>>)
    %while3A = arith.constant 0 : i32
    %while3A_28 = arith.constant 0 : i32
    %while3A_29 = arith.constant 0 : i32
    %while3A_30 = arith.subi %reduce_max3A_17, %while3A : i32
    %while3A_31 = arith.addi %while3A, %while3A_30 : i32
    %while3A_32 = arith.constant 1 : i32
    %while3A_33 = arith.divsi %while3A_30, %while3A_32 : i32
    %while3A_34 = arith.muli %while3A_33, %while3A_32 : i32
    %while3A_35 = arith.addi %while3A, %while3A_34 : i32
    %while3A_36 = arith.constant 1 : i32
    %while3A_37:2 = scf.for %while3A_53 = %while3A to %while3A_35 step %while3A_36 iter_args(%while3A_54 = %while3A_28, %while3A_55 = %while3A_29) -> (i32, i32)  : i32 {
      %get3A_56 = arith.constant 0 : index
      %get3A_57 = arith.constant 0 : index
      %get3A_58 = vector.load %arg2[%get3A_56, %get3A_57] : memref<80x128xi32, #tpu.memory_space<vmem>>, vector<80x128xi32>
      %gt3A = vector.broadcast %while3A_53 : i32 to vector<80x128xi32>
      %gt3A_59 = arith.cmpi sgt, %get3A_58, %gt3A : vector<80x128xi32>
      %convert_element_type3A = arith.extui %gt3A_59 : vector<80x128xi1> to vector<80x128xi32>
      %reduce_sum3A = vector.shape_cast %convert_element_type3A : vector<80x128xi32> to vector<1x80x128xi32>
      %reduce_sum3A_60 = arith.constant dense<0> : vector<1xi32>
      %reduce_sum3A_61 = vector.multi_reduction <add>, %reduce_sum3A, %reduce_sum3A_60 [1, 2] : vector<1x80x128xi32> to vector<1xi32>
      %reduce_sum3A_62 = vector.shape_cast %reduce_sum3A_61 : vector<1xi32> to vector<1x1x1xi32>
      %reduce_sum3A_63 = vector.extract %reduce_sum3A_62[0, 0, 0] : i32 from vector<1x1x1xi32>
      %add3A = arith.constant 2048 : i32
      %add3A_64 = arith.addi %reduce_sum3A_63, %add3A : i32
      %sub3A = arith.constant 1 : i32
      %sub3A_65 = arith.subi %add3A_64, %sub3A : i32
      %jit3A = arith.constant 2048 : i32
      %div3A = arith.divsi %sub3A_65, %jit3A : i32
      %sign3A = arith.constant 0 : i32
      %sign3A_66 = arith.cmpi sgt, %sub3A_65, %sign3A : i32
      %sign3A_67 = arith.extui %sign3A_66 : i1 to i32
      %sign3A_68 = arith.constant 0 : i32
      %sign3A_69 = arith.cmpi slt, %sub3A_65, %sign3A_68 : i32
      %sign3A_70 = arith.extui %sign3A_69 : i1 to i32
      %sign3A_71 = arith.subi %sign3A_67, %sign3A_70 : i32
      %sign3A_72 = arith.constant 0 : i32
      %sign3A_73 = arith.cmpi sgt, %jit3A, %sign3A_72 : i32
      %sign3A_74 = arith.extui %sign3A_73 : i1 to i32
      %sign3A_75 = arith.constant 0 : i32
      %sign3A_76 = arith.cmpi slt, %jit3A, %sign3A_75 : i32
      %sign3A_77 = arith.extui %sign3A_76 : i1 to i32
      %sign3A_78 = arith.subi %sign3A_74, %sign3A_77 : i32
      %ne3A = arith.cmpi ne, %sign3A_71, %sign3A_78 : i32
      %rem3A = arith.remsi %sub3A_65, %jit3A : i32
      %ne3A_79 = arith.constant 0 : i32
      %ne3A_80 = arith.cmpi ne, %rem3A, %ne3A_79 : i32
      %and3A = arith.andi %ne3A, %ne3A_80 : i1
      %sub3A_81 = arith.constant 1 : i32
      %sub3A_82 = arith.subi %div3A, %sub3A_81 : i32
      %select_n3A = arith.select %and3A, %sub3A_82, %div3A : i32
      %while3A_83 = arith.constant 0 : i32
      %while3A_84 = arith.subi %select_n3A, %while3A_83 : i32
      %while3A_85 = arith.addi %while3A_83, %while3A_84 : i32
      %while3A_86 = arith.constant 1 : i32
      %while3A_87 = arith.divsi %while3A_84, %while3A_86 : i32
      %while3A_88 = arith.muli %while3A_87, %while3A_86 : i32
      %while3A_89 = arith.addi %while3A_83, %while3A_88 : i32
      %while3A_90 = arith.constant 1 : i32
      %while3A_91 = scf.for %while3A_95 = %while3A_83 to %while3A_89 step %while3A_90 iter_args(%while3A_96 = %while3A_55) -> (i32)  : i32 {
        %dma_wait3A_97 = tpu.memref_slice %arg14[%while3A_96] : memref<2x!tpu.dma_semaphore, #tpu.memory_space<semaphore_mem>> -> memref<1x!tpu.dma_semaphore, #tpu.memory_space<semaphore_mem>>
        %dma_wait3A_98 = tpu.memref_squeeze %dma_wait3A_97 : memref<1x!tpu.dma_semaphore, #tpu.memory_space<semaphore_mem>> -> memref<!tpu.dma_semaphore, #tpu.memory_space<semaphore_mem>>
        %dma_wait3A_99 = arith.constant 0 : i32
        %dma_wait3A_100 = arith.constant 0 : i32
        %dma_wait3A_101 = tpu.memref_slice %arg13[%while3A_96, %dma_wait3A_99, %dma_wait3A_100] : memref<2x2048x128xf32, #tpu.memory_space<vmem>> -> memref<1x2048x128xf32, #tpu.memory_space<vmem>>
        %dma_wait3A_102 = tpu.memref_squeeze %dma_wait3A_101 : memref<1x2048x128xf32, #tpu.memory_space<vmem>> -> memref<2048x128xf32, #tpu.memory_space<vmem>>
        %dma_wait3A_103 = arith.constant 0 : i32
        %dma_wait3A_104 = arith.constant 0 : i32
        %dma_wait3A_105 = tpu.memref_slice %arg1[%dma_wait3A_103, %dma_wait3A_104] : memref<163840x128xf32, #tpu.memory_space<any>> -> memref<2048x128xf32, #tpu.memory_space<any>>
        tpu.wait_dma2 semaphore(%dma_wait3A_98 : memref<!tpu.dma_semaphore, #tpu.memory_space<semaphore_mem>>) src(%dma_wait3A_105 : memref<2048x128xf32, #tpu.memory_space<any>>) dst(%dma_wait3A_102 : memref<2048x128xf32, #tpu.memory_space<vmem>>)
        %add3A_106 = arith.constant 1 : i32
        %add3A_107 = arith.addi %while3A_95, %add3A_106 : i32
        %lt3A = arith.cmpi slt, %add3A_107, %select_n3A : i32
        %add3A_108 = arith.constant 1 : i32
        %add3A_109 = arith.addi %while3A_95, %add3A_108 : i32
        %mul3A = arith.constant 2048 : i32
        %mul3A_110 = arith.muli %add3A_109, %mul3A : i32
        %add3A_111 = arith.addi %while3A_54, %mul3A_110 : i32
        %add3A_112 = arith.addi %while3A_54, %reduce_sum3A_63 : i32
        %select_n3A_113 = arith.select %lt3A, %add3A_111, %add3A_112 : i32
        %sub3A_114 = arith.constant 1 : i32
        %sub3A_115 = arith.subi %sub3A_114, %while3A_96 : i32
        %dma_start3A_116 = tpu.memref_slice %arg14[%sub3A_115] : memref<2x!tpu.dma_semaphore, #tpu.memory_space<semaphore_mem>> -> memref<1x!tpu.dma_semaphore, #tpu.memory_space<semaphore_mem>>
        %dma_start3A_117 = tpu.memref_squeeze %dma_start3A_116 : memref<1x!tpu.dma_semaphore, #tpu.memory_space<semaphore_mem>> -> memref<!tpu.dma_semaphore, #tpu.memory_space<semaphore_mem>>
        %dma_start3A_118 = arith.constant 0 : i32
        %dma_start3A_119 = arith.constant 0 : i32
        %dma_start3A_120 = tpu.memref_slice %arg13[%sub3A_115, %dma_start3A_118, %dma_start3A_119] : memref<2x2048x128xf32, #tpu.memory_space<vmem>> -> memref<1x2048x128xf32, #tpu.memory_space<vmem>>
        %dma_start3A_121 = tpu.memref_squeeze %dma_start3A_120 : memref<1x2048x128xf32, #tpu.memory_space<vmem>> -> memref<2048x128xf32, #tpu.memory_space<vmem>>
        %dma_start3A_122 = arith.constant 0 : i32
        %dma_start3A_123 = tpu.memref_slice %arg1[%select_n3A_113, %dma_start3A_122] : memref<163840x128xf32, #tpu.memory_space<any>> -> memref<2048x128xf32, #tpu.memory_space<any>>
        tpu.enqueue_dma source(%dma_start3A_123 : memref<2048x128xf32, #tpu.memory_space<any>>) target(%dma_start3A_121 : memref<2048x128xf32, #tpu.memory_space<vmem>>) target_semaphore(%dma_start3A_117 : memref<!tpu.dma_semaphore, #tpu.memory_space<semaphore_mem>>)
        %get3A_124 = arith.index_cast %while3A_96 : i32 to index
        %get3A_125 = arith.constant 0 : index
        %get3A_126 = arith.constant 0 : index
        %get3A_127 = vector.load %arg13[%get3A_124, %get3A_125, %get3A_126] : memref<2x2048x128xf32, #tpu.memory_space<vmem>>, vector<1x2048x128xf32>
        %get3A_128 = vector.shape_cast %get3A_127 : vector<1x2048x128xf32> to vector<2048x128xf32>
        %mul3A_129 = arith.constant 2048 : i32
        %mul3A_130 = arith.muli %while3A_95, %mul3A_129 : i32
        %get3A_131 = arith.index_cast %mul3A_130 : i32 to index
        %get3A_132 = arith.constant 0 : index
        %get3A_133 = vector.load %arg11[%get3A_131, %get3A_132] : memref<10240x128xf32, #tpu.memory_space<vmem>>, vector<2048x128xf32>
        %mul3A_134 = arith.constant 2048 : i32
        %mul3A_135 = arith.muli %while3A_95, %mul3A_134 : i32
        %get3A_136 = arith.index_cast %mul3A_135 : i32 to index
        %get3A_137 = arith.constant 0 : index
        %get3A_138 = vector.load %arg12[%get3A_136, %get3A_137] : memref<10240x128xf32, #tpu.memory_space<vmem>>, vector<2048x128xf32>
        %get3A_139 = arith.constant 0 : index
        %get3A_140 = arith.constant 0 : index
        %get3A_141 = vector.load %arg4[%get3A_139, %get3A_140] : memref<128x512xf32, #tpu.memory_space<vmem>>, vector<128x512xf32>
        %dot_general3A = arith.constant dense<0.000000e+00> : vector<2048x512xf32>
        %dot_general3A_142 = tpu.matmul %get3A_128, %get3A_141, %dot_general3A {dimension_numbers = #tpu.dot_dimension_numbers<[1], [0], [0], [1], [0, 0, 1, 1], [], []>, transpose_lhs_hint = false} : vector<2048x128xf32>, vector<128x512xf32>, vector<2048x512xf32> -> vector<2048x512xf32>
        %get3A_143 = arith.constant 0 : index
        %get3A_144 = arith.constant 0 : index
        %get3A_145 = vector.load %arg5[%get3A_143, %get3A_144] : memref<128x512xf32, #tpu.memory_space<vmem>>, vector<128x512xf32>
        %dot_general3A_146 = arith.constant dense<0.000000e+00> : vector<2048x512xf32>
        %dot_general3A_147 = tpu.matmul %get3A_133, %get3A_145, %dot_general3A_146 {dimension_numbers = #tpu.dot_dimension_numbers<[1], [0], [0], [1], [0, 0, 1, 1], [], []>, transpose_lhs_hint = false} : vector<2048x128xf32>, vector<128x512xf32>, vector<2048x512xf32> -> vector<2048x512xf32>
        %add3A_148 = arith.addf %dot_general3A_142, %dot_general3A_147 : vector<2048x512xf32>
        %get3A_149 = arith.constant 0 : index
        %get3A_150 = arith.constant 0 : index
        %get3A_151 = vector.load %arg6[%get3A_149, %get3A_150] : memref<1x512xf32, #tpu.memory_space<vmem>>, vector<1x512xf32>
        %add3A_152 = vector.broadcast %get3A_151 : vector<1x512xf32> to vector<2048x512xf32>
        %add3A_153 = arith.addf %add3A_148, %add3A_152 : vector<2048x512xf32>
        %slice3A = vector.extract_strided_slice %add3A_153 {offsets = [0, 0], sizes = [2048, 128], strides = [1, 1]} : vector<2048x512xf32> to vector<2048x128xf32>
        %logistic3A = arith.negf %slice3A : vector<2048x128xf32>
        %logistic3A_154 = math.exp %logistic3A : vector<2048x128xf32>
        %logistic3A_155 = arith.constant 1.000000e+00 : f32
        %logistic3A_156 = vector.broadcast %logistic3A_155 : f32 to vector<2048x128xf32>
        %logistic3A_157 = arith.addf %logistic3A_156, %logistic3A_154 : vector<2048x128xf32>
        %logistic3A_158 = arith.divf %logistic3A_156, %logistic3A_157 : vector<2048x128xf32>
        %slice3A_159 = vector.extract_strided_slice %add3A_153 {offsets = [0, 128], sizes = [2048, 128], strides = [1, 1]} : vector<2048x512xf32> to vector<2048x128xf32>
        %logistic3A_160 = arith.negf %slice3A_159 : vector<2048x128xf32>
        %logistic3A_161 = math.exp %logistic3A_160 : vector<2048x128xf32>
        %logistic3A_162 = arith.constant 1.000000e+00 : f32
        %logistic3A_163 = vector.broadcast %logistic3A_162 : f32 to vector<2048x128xf32>
        %logistic3A_164 = arith.addf %logistic3A_163, %logistic3A_161 : vector<2048x128xf32>
        %logistic3A_165 = arith.divf %logistic3A_163, %logistic3A_164 : vector<2048x128xf32>
        %slice3A_166 = vector.extract_strided_slice %add3A_153 {offsets = [0, 256], sizes = [2048, 128], strides = [1, 1]} : vector<2048x512xf32> to vector<2048x128xf32>
        %tanh3A = math.tanh %slice3A_166 : vector<2048x128xf32>
        %slice3A_167 = vector.extract_strided_slice %add3A_153 {offsets = [0, 384], sizes = [2048, 128], strides = [1, 1]} : vector<2048x512xf32> to vector<2048x128xf32>
        %logistic3A_168 = arith.negf %slice3A_167 : vector<2048x128xf32>
        %logistic3A_169 = math.exp %logistic3A_168 : vector<2048x128xf32>
        %logistic3A_170 = arith.constant 1.000000e+00 : f32
        %logistic3A_171 = vector.broadcast %logistic3A_170 : f32 to vector<2048x128xf32>
        %logistic3A_172 = arith.addf %logistic3A_171, %logistic3A_169 : vector<2048x128xf32>
        %logistic3A_173 = arith.divf %logistic3A_171, %logistic3A_172 : vector<2048x128xf32>
        %mul3A_174 = arith.mulf %logistic3A_165, %get3A_138 : vector<2048x128xf32>
        %mul3A_175 = arith.mulf %logistic3A_158, %tanh3A : vector<2048x128xf32>
        %add3A_176 = arith.addf %mul3A_174, %mul3A_175 : vector<2048x128xf32>
        %tanh3A_177 = math.tanh %add3A_176 : vector<2048x128xf32>
        %mul3A_178 = arith.mulf %logistic3A_173, %tanh3A_177 : vector<2048x128xf32>
        %mul3A_179 = arith.constant 2048 : i32
        %mul3A_180 = arith.muli %while3A_95, %mul3A_179 : i32
        %get3A_181 = arith.index_cast %mul3A_180 : i32 to index
        %get3A_182 = arith.constant 0 : index
        %get3A_183 = vector.load %arg3[%get3A_181, %get3A_182] : memref<10240x1xi32, #tpu.memory_space<vmem>>, vector<2048x1xi32>
        %gt3A_184 = vector.broadcast %while3A_53 : i32 to vector<2048x1xi32>
        %gt3A_185 = arith.cmpi sgt, %get3A_183, %gt3A_184 : vector<2048x1xi32>
        %broadcast_in_dim3A_186 = vector.shape_cast %gt3A_185 : vector<2048x1xi1> to vector<2048x1xi1>
        %broadcast_in_dim3A_187 = vector.broadcast %broadcast_in_dim3A_186 : vector<2048x1xi1> to vector<2048x128xi1>
        %select_n3A_188 = arith.select %broadcast_in_dim3A_187, %mul3A_178, %get3A_133 : vector<2048x128xi1>, vector<2048x128xf32>
        %mul3A_189 = arith.constant 2048 : i32
        %mul3A_190 = arith.muli %while3A_95, %mul3A_189 : i32
        %swap3A_191 = arith.index_cast %mul3A_190 : i32 to index
        %swap3A_192 = arith.constant 0 : index
        %swap3A_193 = vector.load %arg11[%swap3A_191, %swap3A_192] : memref<10240x128xf32, #tpu.memory_space<vmem>>, vector<2048x128xf32>
        tpu.vector_store %arg11[%swap3A_191, %swap3A_192], %select_n3A_188 {strides = array<i32>} : memref<10240x128xf32, #tpu.memory_space<vmem>>, vector<2048x128xf32>,
        %broadcast_in_dim3A_194 = vector.shape_cast %gt3A_185 : vector<2048x1xi1> to vector<2048x1xi1>
        %broadcast_in_dim3A_195 = vector.broadcast %broadcast_in_dim3A_194 : vector<2048x1xi1> to vector<2048x128xi1>
        %select_n3A_196 = arith.select %broadcast_in_dim3A_195, %add3A_176, %get3A_138 : vector<2048x128xi1>, vector<2048x128xf32>
        %mul3A_197 = arith.constant 2048 : i32
        %mul3A_198 = arith.muli %while3A_95, %mul3A_197 : i32
        %swap3A_199 = arith.index_cast %mul3A_198 : i32 to index
        %swap3A_200 = arith.constant 0 : index
        %swap3A_201 = vector.load %arg12[%swap3A_199, %swap3A_200] : memref<10240x128xf32, #tpu.memory_space<vmem>>, vector<2048x128xf32>
        tpu.vector_store %arg12[%swap3A_199, %swap3A_200], %select_n3A_196 {strides = array<i32>} : memref<10240x128xf32, #tpu.memory_space<vmem>>, vector<2048x128xf32>,
        %sub3A_202 = arith.constant 1 : i32
        %sub3A_203 = arith.subi %sub3A_202, %while3A_96 : i32
        scf.yield %sub3A_203 : i32
      }
      %while3A_92 = arith.constant 1 : i32
      %while3A_93 = scf.for %while3A_95 = %while3A_89 to %while3A_85 step %while3A_92 iter_args(%while3A_96 = %while3A_91) -> (i32)  : i32 {
        %dma_wait3A_97 = tpu.memref_slice %arg14[%while3A_96] : memref<2x!tpu.dma_semaphore, #tpu.memory_space<semaphore_mem>> -> memref<1x!tpu.dma_semaphore, #tpu.memory_space<semaphore_mem>>
        %dma_wait3A_98 = tpu.memref_squeeze %dma_wait3A_97 : memref<1x!tpu.dma_semaphore, #tpu.memory_space<semaphore_mem>> -> memref<!tpu.dma_semaphore, #tpu.memory_space<semaphore_mem>>
        %dma_wait3A_99 = arith.constant 0 : i32
        %dma_wait3A_100 = arith.constant 0 : i32
        %dma_wait3A_101 = tpu.memref_slice %arg13[%while3A_96, %dma_wait3A_99, %dma_wait3A_100] : memref<2x2048x128xf32, #tpu.memory_space<vmem>> -> memref<1x2048x128xf32, #tpu.memory_space<vmem>>
        %dma_wait3A_102 = tpu.memref_squeeze %dma_wait3A_101 : memref<1x2048x128xf32, #tpu.memory_space<vmem>> -> memref<2048x128xf32, #tpu.memory_space<vmem>>
        %dma_wait3A_103 = arith.constant 0 : i32
        %dma_wait3A_104 = arith.constant 0 : i32
        %dma_wait3A_105 = tpu.memref_slice %arg1[%dma_wait3A_103, %dma_wait3A_104] : memref<163840x128xf32, #tpu.memory_space<any>> -> memref<2048x128xf32, #tpu.memory_space<any>>
        tpu.wait_dma2 semaphore(%dma_wait3A_98 : memref<!tpu.dma_semaphore, #tpu.memory_space<semaphore_mem>>) src(%dma_wait3A_105 : memref<2048x128xf32, #tpu.memory_space<any>>) dst(%dma_wait3A_102 : memref<2048x128xf32, #tpu.memory_space<vmem>>)
        %add3A_106 = arith.constant 1 : i32
        %add3A_107 = arith.addi %while3A_95, %add3A_106 : i32
        %lt3A = arith.cmpi slt, %add3A_107, %select_n3A : i32
        %add3A_108 = arith.constant 1 : i32
        %add3A_109 = arith.addi %while3A_95, %add3A_108 : i32
        %mul3A = arith.constant 2048 : i32
        %mul3A_110 = arith.muli %add3A_109, %mul3A : i32
        %add3A_111 = arith.addi %while3A_54, %mul3A_110 : i32
        %add3A_112 = arith.addi %while3A_54, %reduce_sum3A_63 : i32
        %select_n3A_113 = arith.select %lt3A, %add3A_111, %add3A_112 : i32
        %sub3A_114 = arith.constant 1 : i32
        %sub3A_115 = arith.subi %sub3A_114, %while3A_96 : i32
        %dma_start3A_116 = tpu.memref_slice %arg14[%sub3A_115] : memref<2x!tpu.dma_semaphore, #tpu.memory_space<semaphore_mem>> -> memref<1x!tpu.dma_semaphore, #tpu.memory_space<semaphore_mem>>
        %dma_start3A_117 = tpu.memref_squeeze %dma_start3A_116 : memref<1x!tpu.dma_semaphore, #tpu.memory_space<semaphore_mem>> -> memref<!tpu.dma_semaphore, #tpu.memory_space<semaphore_mem>>
        %dma_start3A_118 = arith.constant 0 : i32
        %dma_start3A_119 = arith.constant 0 : i32
        %dma_start3A_120 = tpu.memref_slice %arg13[%sub3A_115, %dma_start3A_118, %dma_start3A_119] : memref<2x2048x128xf32, #tpu.memory_space<vmem>> -> memref<1x2048x128xf32, #tpu.memory_space<vmem>>
        %dma_start3A_121 = tpu.memref_squeeze %dma_start3A_120 : memref<1x2048x128xf32, #tpu.memory_space<vmem>> -> memref<2048x128xf32, #tpu.memory_space<vmem>>
        %dma_start3A_122 = arith.constant 0 : i32
        %dma_start3A_123 = tpu.memref_slice %arg1[%select_n3A_113, %dma_start3A_122] : memref<163840x128xf32, #tpu.memory_space<any>> -> memref<2048x128xf32, #tpu.memory_space<any>>
        tpu.enqueue_dma source(%dma_start3A_123 : memref<2048x128xf32, #tpu.memory_space<any>>) target(%dma_start3A_121 : memref<2048x128xf32, #tpu.memory_space<vmem>>) target_semaphore(%dma_start3A_117 : memref<!tpu.dma_semaphore, #tpu.memory_space<semaphore_mem>>)
        %get3A_124 = arith.index_cast %while3A_96 : i32 to index
        %get3A_125 = arith.constant 0 : index
        %get3A_126 = arith.constant 0 : index
        %get3A_127 = vector.load %arg13[%get3A_124, %get3A_125, %get3A_126] : memref<2x2048x128xf32, #tpu.memory_space<vmem>>, vector<1x2048x128xf32>
        %get3A_128 = vector.shape_cast %get3A_127 : vector<1x2048x128xf32> to vector<2048x128xf32>
        %mul3A_129 = arith.constant 2048 : i32
        %mul3A_130 = arith.muli %while3A_95, %mul3A_129 : i32
        %get3A_131 = arith.index_cast %mul3A_130 : i32 to index
        %get3A_132 = arith.constant 0 : index
        %get3A_133 = vector.load %arg11[%get3A_131, %get3A_132] : memref<10240x128xf32, #tpu.memory_space<vmem>>, vector<2048x128xf32>
        %mul3A_134 = arith.constant 2048 : i32
        %mul3A_135 = arith.muli %while3A_95, %mul3A_134 : i32
        %get3A_136 = arith.index_cast %mul3A_135 : i32 to index
        %get3A_137 = arith.constant 0 : index
        %get3A_138 = vector.load %arg12[%get3A_136, %get3A_137] : memref<10240x128xf32, #tpu.memory_space<vmem>>, vector<2048x128xf32>
        %get3A_139 = arith.constant 0 : index
        %get3A_140 = arith.constant 0 : index
        %get3A_141 = vector.load %arg4[%get3A_139, %get3A_140] : memref<128x512xf32, #tpu.memory_space<vmem>>, vector<128x512xf32>
        %dot_general3A = arith.constant dense<0.000000e+00> : vector<2048x512xf32>
        %dot_general3A_142 = tpu.matmul %get3A_128, %get3A_141, %dot_general3A {dimension_numbers = #tpu.dot_dimension_numbers<[1], [0], [0], [1], [0, 0, 1, 1], [], []>, transpose_lhs_hint = false} : vector<2048x128xf32>, vector<128x512xf32>, vector<2048x512xf32> -> vector<2048x512xf32>
        %get3A_143 = arith.constant 0 : index
        %get3A_144 = arith.constant 0 : index
        %get3A_145 = vector.load %arg5[%get3A_143, %get3A_144] : memref<128x512xf32, #tpu.memory_space<vmem>>, vector<128x512xf32>
        %dot_general3A_146 = arith.constant dense<0.000000e+00> : vector<2048x512xf32>
        %dot_general3A_147 = tpu.matmul %get3A_133, %get3A_145, %dot_general3A_146 {dimension_numbers = #tpu.dot_dimension_numbers<[1], [0], [0], [1], [0, 0, 1, 1], [], []>, transpose_lhs_hint = false} : vector<2048x128xf32>, vector<128x512xf32>, vector<2048x512xf32> -> vector<2048x512xf32>
        %add3A_148 = arith.addf %dot_general3A_142, %dot_general3A_147 : vector<2048x512xf32>
        %get3A_149 = arith.constant 0 : index
        %get3A_150 = arith.constant 0 : index
        %get3A_151 = vector.load %arg6[%get3A_149, %get3A_150] : memref<1x512xf32, #tpu.memory_space<vmem>>, vector<1x512xf32>
        %add3A_152 = vector.broadcast %get3A_151 : vector<1x512xf32> to vector<2048x512xf32>
        %add3A_153 = arith.addf %add3A_148, %add3A_152 : vector<2048x512xf32>
        %slice3A = vector.extract_strided_slice %add3A_153 {offsets = [0, 0], sizes = [2048, 128], strides = [1, 1]} : vector<2048x512xf32> to vector<2048x128xf32>
        %logistic3A = arith.negf %slice3A : vector<2048x128xf32>
        %logistic3A_154 = math.exp %logistic3A : vector<2048x128xf32>
        %logistic3A_155 = arith.constant 1.000000e+00 : f32
        %logistic3A_156 = vector.broadcast %logistic3A_155 : f32 to vector<2048x128xf32>
        %logistic3A_157 = arith.addf %logistic3A_156, %logistic3A_154 : vector<2048x128xf32>
        %logistic3A_158 = arith.divf %logistic3A_156, %logistic3A_157 : vector<2048x128xf32>
        %slice3A_159 = vector.extract_strided_slice %add3A_153 {offsets = [0, 128], sizes = [2048, 128], strides = [1, 1]} : vector<2048x512xf32> to vector<2048x128xf32>
        %logistic3A_160 = arith.negf %slice3A_159 : vector<2048x128xf32>
        %logistic3A_161 = math.exp %logistic3A_160 : vector<2048x128xf32>
        %logistic3A_162 = arith.constant 1.000000e+00 : f32
        %logistic3A_163 = vector.broadcast %logistic3A_162 : f32 to vector<2048x128xf32>
        %logistic3A_164 = arith.addf %logistic3A_163, %logistic3A_161 : vector<2048x128xf32>
        %logistic3A_165 = arith.divf %logistic3A_163, %logistic3A_164 : vector<2048x128xf32>
        %slice3A_166 = vector.extract_strided_slice %add3A_153 {offsets = [0, 256], sizes = [2048, 128], strides = [1, 1]} : vector<2048x512xf32> to vector<2048x128xf32>
        %tanh3A = math.tanh %slice3A_166 : vector<2048x128xf32>
        %slice3A_167 = vector.extract_strided_slice %add3A_153 {offsets = [0, 384], sizes = [2048, 128], strides = [1, 1]} : vector<2048x512xf32> to vector<2048x128xf32>
        %logistic3A_168 = arith.negf %slice3A_167 : vector<2048x128xf32>
        %logistic3A_169 = math.exp %logistic3A_168 : vector<2048x128xf32>
        %logistic3A_170 = arith.constant 1.000000e+00 : f32
        %logistic3A_171 = vector.broadcast %logistic3A_170 : f32 to vector<2048x128xf32>
        %logistic3A_172 = arith.addf %logistic3A_171, %logistic3A_169 : vector<2048x128xf32>
        %logistic3A_173 = arith.divf %logistic3A_171, %logistic3A_172 : vector<2048x128xf32>
        %mul3A_174 = arith.mulf %logistic3A_165, %get3A_138 : vector<2048x128xf32>
        %mul3A_175 = arith.mulf %logistic3A_158, %tanh3A : vector<2048x128xf32>
        %add3A_176 = arith.addf %mul3A_174, %mul3A_175 : vector<2048x128xf32>
        %tanh3A_177 = math.tanh %add3A_176 : vector<2048x128xf32>
        %mul3A_178 = arith.mulf %logistic3A_173, %tanh3A_177 : vector<2048x128xf32>
        %mul3A_179 = arith.constant 2048 : i32
        %mul3A_180 = arith.muli %while3A_95, %mul3A_179 : i32
        %get3A_181 = arith.index_cast %mul3A_180 : i32 to index
        %get3A_182 = arith.constant 0 : index
        %get3A_183 = vector.load %arg3[%get3A_181, %get3A_182] : memref<10240x1xi32, #tpu.memory_space<vmem>>, vector<2048x1xi32>
        %gt3A_184 = vector.broadcast %while3A_53 : i32 to vector<2048x1xi32>
        %gt3A_185 = arith.cmpi sgt, %get3A_183, %gt3A_184 : vector<2048x1xi32>
        %broadcast_in_dim3A_186 = vector.shape_cast %gt3A_185 : vector<2048x1xi1> to vector<2048x1xi1>
        %broadcast_in_dim3A_187 = vector.broadcast %broadcast_in_dim3A_186 : vector<2048x1xi1> to vector<2048x128xi1>
        %select_n3A_188 = arith.select %broadcast_in_dim3A_187, %mul3A_178, %get3A_133 : vector<2048x128xi1>, vector<2048x128xf32>
        %mul3A_189 = arith.constant 2048 : i32
        %mul3A_190 = arith.muli %while3A_95, %mul3A_189 : i32
        %swap3A_191 = arith.index_cast %mul3A_190 : i32 to index
        %swap3A_192 = arith.constant 0 : index
        %swap3A_193 = vector.load %arg11[%swap3A_191, %swap3A_192] : memref<10240x128xf32, #tpu.memory_space<vmem>>, vector<2048x128xf32>
        tpu.vector_store %arg11[%swap3A_191, %swap3A_192], %select_n3A_188 {strides = array<i32>} : memref<10240x128xf32, #tpu.memory_space<vmem>>, vector<2048x128xf32>,
        %broadcast_in_dim3A_194 = vector.shape_cast %gt3A_185 : vector<2048x1xi1> to vector<2048x1xi1>
        %broadcast_in_dim3A_195 = vector.broadcast %broadcast_in_dim3A_194 : vector<2048x1xi1> to vector<2048x128xi1>
        %select_n3A_196 = arith.select %broadcast_in_dim3A_195, %add3A_176, %get3A_138 : vector<2048x128xi1>, vector<2048x128xf32>
        %mul3A_197 = arith.constant 2048 : i32
        %mul3A_198 = arith.muli %while3A_95, %mul3A_197 : i32
        %swap3A_199 = arith.index_cast %mul3A_198 : i32 to index
        %swap3A_200 = arith.constant 0 : index
        %swap3A_201 = vector.load %arg12[%swap3A_199, %swap3A_200] : memref<10240x128xf32, #tpu.memory_space<vmem>>, vector<2048x128xf32>
        tpu.vector_store %arg12[%swap3A_199, %swap3A_200], %select_n3A_196 {strides = array<i32>} : memref<10240x128xf32, #tpu.memory_space<vmem>>, vector<2048x128xf32>,
        %sub3A_202 = arith.constant 1 : i32
        %sub3A_203 = arith.subi %sub3A_202, %while3A_96 : i32
        scf.yield %sub3A_203 : i32
      }
      %add3A_94 = arith.addi %while3A_54, %reduce_sum3A_63 : i32
      scf.yield %add3A_94, %while3A_93 : i32, i32
    }
    %while3A_38 = arith.constant 1 : i32
    %while3A_39:2 = scf.for %while3A_53 = %while3A_35 to %while3A_31 step %while3A_38 iter_args(%while3A_54 = %while3A_37#0, %while3A_55 = %while3A_37#1) -> (i32, i32)  : i32 {
      %get3A_56 = arith.constant 0 : index
      %get3A_57 = arith.constant 0 : index
      %get3A_58 = vector.load %arg2[%get3A_56, %get3A_57] : memref<80x128xi32, #tpu.memory_space<vmem>>, vector<80x128xi32>
      %gt3A = vector.broadcast %while3A_53 : i32 to vector<80x128xi32>
      %gt3A_59 = arith.cmpi sgt, %get3A_58, %gt3A : vector<80x128xi32>
      %convert_element_type3A = arith.extui %gt3A_59 : vector<80x128xi1> to vector<80x128xi32>
      %reduce_sum3A = vector.shape_cast %convert_element_type3A : vector<80x128xi32> to vector<1x80x128xi32>
      %reduce_sum3A_60 = arith.constant dense<0> : vector<1xi32>
      %reduce_sum3A_61 = vector.multi_reduction <add>, %reduce_sum3A, %reduce_sum3A_60 [1, 2] : vector<1x80x128xi32> to vector<1xi32>
      %reduce_sum3A_62 = vector.shape_cast %reduce_sum3A_61 : vector<1xi32> to vector<1x1x1xi32>
      %reduce_sum3A_63 = vector.extract %reduce_sum3A_62[0, 0, 0] : i32 from vector<1x1x1xi32>
      %add3A = arith.constant 2048 : i32
      %add3A_64 = arith.addi %reduce_sum3A_63, %add3A : i32
      %sub3A = arith.constant 1 : i32
      %sub3A_65 = arith.subi %add3A_64, %sub3A : i32
      %jit3A = arith.constant 2048 : i32
      %div3A = arith.divsi %sub3A_65, %jit3A : i32
      %sign3A = arith.constant 0 : i32
      %sign3A_66 = arith.cmpi sgt, %sub3A_65, %sign3A : i32
      %sign3A_67 = arith.extui %sign3A_66 : i1 to i32
      %sign3A_68 = arith.constant 0 : i32
      %sign3A_69 = arith.cmpi slt, %sub3A_65, %sign3A_68 : i32
      %sign3A_70 = arith.extui %sign3A_69 : i1 to i32
      %sign3A_71 = arith.subi %sign3A_67, %sign3A_70 : i32
      %sign3A_72 = arith.constant 0 : i32
      %sign3A_73 = arith.cmpi sgt, %jit3A, %sign3A_72 : i32
      %sign3A_74 = arith.extui %sign3A_73 : i1 to i32
      %sign3A_75 = arith.constant 0 : i32
      %sign3A_76 = arith.cmpi slt, %jit3A, %sign3A_75 : i32
      %sign3A_77 = arith.extui %sign3A_76 : i1 to i32
      %sign3A_78 = arith.subi %sign3A_74, %sign3A_77 : i32
      %ne3A = arith.cmpi ne, %sign3A_71, %sign3A_78 : i32
      %rem3A = arith.remsi %sub3A_65, %jit3A : i32
      %ne3A_79 = arith.constant 0 : i32
      %ne3A_80 = arith.cmpi ne, %rem3A, %ne3A_79 : i32
      %and3A = arith.andi %ne3A, %ne3A_80 : i1
      %sub3A_81 = arith.constant 1 : i32
      %sub3A_82 = arith.subi %div3A, %sub3A_81 : i32
      %select_n3A = arith.select %and3A, %sub3A_82, %div3A : i32
      %while3A_83 = arith.constant 0 : i32
      %while3A_84 = arith.subi %select_n3A, %while3A_83 : i32
      %while3A_85 = arith.addi %while3A_83, %while3A_84 : i32
      %while3A_86 = arith.constant 1 : i32
      %while3A_87 = arith.divsi %while3A_84, %while3A_86 : i32
      %while3A_88 = arith.muli %while3A_87, %while3A_86 : i32
      %while3A_89 = arith.addi %while3A_83, %while3A_88 : i32
      %while3A_90 = arith.constant 1 : i32
      %while3A_91 = scf.for %while3A_95 = %while3A_83 to %while3A_89 step %while3A_90 iter_args(%while3A_96 = %while3A_55) -> (i32)  : i32 {
        %dma_wait3A_97 = tpu.memref_slice %arg14[%while3A_96] : memref<2x!tpu.dma_semaphore, #tpu.memory_space<semaphore_mem>> -> memref<1x!tpu.dma_semaphore, #tpu.memory_space<semaphore_mem>>
        %dma_wait3A_98 = tpu.memref_squeeze %dma_wait3A_97 : memref<1x!tpu.dma_semaphore, #tpu.memory_space<semaphore_mem>> -> memref<!tpu.dma_semaphore, #tpu.memory_space<semaphore_mem>>
        %dma_wait3A_99 = arith.constant 0 : i32
        %dma_wait3A_100 = arith.constant 0 : i32
        %dma_wait3A_101 = tpu.memref_slice %arg13[%while3A_96, %dma_wait3A_99, %dma_wait3A_100] : memref<2x2048x128xf32, #tpu.memory_space<vmem>> -> memref<1x2048x128xf32, #tpu.memory_space<vmem>>
        %dma_wait3A_102 = tpu.memref_squeeze %dma_wait3A_101 : memref<1x2048x128xf32, #tpu.memory_space<vmem>> -> memref<2048x128xf32, #tpu.memory_space<vmem>>
        %dma_wait3A_103 = arith.constant 0 : i32
        %dma_wait3A_104 = arith.constant 0 : i32
        %dma_wait3A_105 = tpu.memref_slice %arg1[%dma_wait3A_103, %dma_wait3A_104] : memref<163840x128xf32, #tpu.memory_space<any>> -> memref<2048x128xf32, #tpu.memory_space<any>>
        tpu.wait_dma2 semaphore(%dma_wait3A_98 : memref<!tpu.dma_semaphore, #tpu.memory_space<semaphore_mem>>) src(%dma_wait3A_105 : memref<2048x128xf32, #tpu.memory_space<any>>) dst(%dma_wait3A_102 : memref<2048x128xf32, #tpu.memory_space<vmem>>)
        %add3A_106 = arith.constant 1 : i32
        %add3A_107 = arith.addi %while3A_95, %add3A_106 : i32
        %lt3A = arith.cmpi slt, %add3A_107, %select_n3A : i32
        %add3A_108 = arith.constant 1 : i32
        %add3A_109 = arith.addi %while3A_95, %add3A_108 : i32
        %mul3A = arith.constant 2048 : i32
        %mul3A_110 = arith.muli %add3A_109, %mul3A : i32
        %add3A_111 = arith.addi %while3A_54, %mul3A_110 : i32
        %add3A_112 = arith.addi %while3A_54, %reduce_sum3A_63 : i32
        %select_n3A_113 = arith.select %lt3A, %add3A_111, %add3A_112 : i32
        %sub3A_114 = arith.constant 1 : i32
        %sub3A_115 = arith.subi %sub3A_114, %while3A_96 : i32
        %dma_start3A_116 = tpu.memref_slice %arg14[%sub3A_115] : memref<2x!tpu.dma_semaphore, #tpu.memory_space<semaphore_mem>> -> memref<1x!tpu.dma_semaphore, #tpu.memory_space<semaphore_mem>>
        %dma_start3A_117 = tpu.memref_squeeze %dma_start3A_116 : memref<1x!tpu.dma_semaphore, #tpu.memory_space<semaphore_mem>> -> memref<!tpu.dma_semaphore, #tpu.memory_space<semaphore_mem>>
        %dma_start3A_118 = arith.constant 0 : i32
        %dma_start3A_119 = arith.constant 0 : i32
        %dma_start3A_120 = tpu.memref_slice %arg13[%sub3A_115, %dma_start3A_118, %dma_start3A_119] : memref<2x2048x128xf32, #tpu.memory_space<vmem>> -> memref<1x2048x128xf32, #tpu.memory_space<vmem>>
        %dma_start3A_121 = tpu.memref_squeeze %dma_start3A_120 : memref<1x2048x128xf32, #tpu.memory_space<vmem>> -> memref<2048x128xf32, #tpu.memory_space<vmem>>
        %dma_start3A_122 = arith.constant 0 : i32
        %dma_start3A_123 = tpu.memref_slice %arg1[%select_n3A_113, %dma_start3A_122] : memref<163840x128xf32, #tpu.memory_space<any>> -> memref<2048x128xf32, #tpu.memory_space<any>>
        tpu.enqueue_dma source(%dma_start3A_123 : memref<2048x128xf32, #tpu.memory_space<any>>) target(%dma_start3A_121 : memref<2048x128xf32, #tpu.memory_space<vmem>>) target_semaphore(%dma_start3A_117 : memref<!tpu.dma_semaphore, #tpu.memory_space<semaphore_mem>>)
        %get3A_124 = arith.index_cast %while3A_96 : i32 to index
        %get3A_125 = arith.constant 0 : index
        %get3A_126 = arith.constant 0 : index
        %get3A_127 = vector.load %arg13[%get3A_124, %get3A_125, %get3A_126] : memref<2x2048x128xf32, #tpu.memory_space<vmem>>, vector<1x2048x128xf32>
        %get3A_128 = vector.shape_cast %get3A_127 : vector<1x2048x128xf32> to vector<2048x128xf32>
        %mul3A_129 = arith.constant 2048 : i32
        %mul3A_130 = arith.muli %while3A_95, %mul3A_129 : i32
        %get3A_131 = arith.index_cast %mul3A_130 : i32 to index
        %get3A_132 = arith.constant 0 : index
        %get3A_133 = vector.load %arg11[%get3A_131, %get3A_132] : memref<10240x128xf32, #tpu.memory_space<vmem>>, vector<2048x128xf32>
        %mul3A_134 = arith.constant 2048 : i32
        %mul3A_135 = arith.muli %while3A_95, %mul3A_134 : i32
        %get3A_136 = arith.index_cast %mul3A_135 : i32 to index
        %get3A_137 = arith.constant 0 : index
        %get3A_138 = vector.load %arg12[%get3A_136, %get3A_137] : memref<10240x128xf32, #tpu.memory_space<vmem>>, vector<2048x128xf32>
        %get3A_139 = arith.constant 0 : index
        %get3A_140 = arith.constant 0 : index
        %get3A_141 = vector.load %arg4[%get3A_139, %get3A_140] : memref<128x512xf32, #tpu.memory_space<vmem>>, vector<128x512xf32>
        %dot_general3A = arith.constant dense<0.000000e+00> : vector<2048x512xf32>
        %dot_general3A_142 = tpu.matmul %get3A_128, %get3A_141, %dot_general3A {dimension_numbers = #tpu.dot_dimension_numbers<[1], [0], [0], [1], [0, 0, 1, 1], [], []>, transpose_lhs_hint = false} : vector<2048x128xf32>, vector<128x512xf32>, vector<2048x512xf32> -> vector<2048x512xf32>
        %get3A_143 = arith.constant 0 : index
        %get3A_144 = arith.constant 0 : index
        %get3A_145 = vector.load %arg5[%get3A_143, %get3A_144] : memref<128x512xf32, #tpu.memory_space<vmem>>, vector<128x512xf32>
        %dot_general3A_146 = arith.constant dense<0.000000e+00> : vector<2048x512xf32>
        %dot_general3A_147 = tpu.matmul %get3A_133, %get3A_145, %dot_general3A_146 {dimension_numbers = #tpu.dot_dimension_numbers<[1], [0], [0], [1], [0, 0, 1, 1], [], []>, transpose_lhs_hint = false} : vector<2048x128xf32>, vector<128x512xf32>, vector<2048x512xf32> -> vector<2048x512xf32>
        %add3A_148 = arith.addf %dot_general3A_142, %dot_general3A_147 : vector<2048x512xf32>
        %get3A_149 = arith.constant 0 : index
        %get3A_150 = arith.constant 0 : index
        %get3A_151 = vector.load %arg6[%get3A_149, %get3A_150] : memref<1x512xf32, #tpu.memory_space<vmem>>, vector<1x512xf32>
        %add3A_152 = vector.broadcast %get3A_151 : vector<1x512xf32> to vector<2048x512xf32>
        %add3A_153 = arith.addf %add3A_148, %add3A_152 : vector<2048x512xf32>
        %slice3A = vector.extract_strided_slice %add3A_153 {offsets = [0, 0], sizes = [2048, 128], strides = [1, 1]} : vector<2048x512xf32> to vector<2048x128xf32>
        %logistic3A = arith.negf %slice3A : vector<2048x128xf32>
        %logistic3A_154 = math.exp %logistic3A : vector<2048x128xf32>
        %logistic3A_155 = arith.constant 1.000000e+00 : f32
        %logistic3A_156 = vector.broadcast %logistic3A_155 : f32 to vector<2048x128xf32>
        %logistic3A_157 = arith.addf %logistic3A_156, %logistic3A_154 : vector<2048x128xf32>
        %logistic3A_158 = arith.divf %logistic3A_156, %logistic3A_157 : vector<2048x128xf32>
        %slice3A_159 = vector.extract_strided_slice %add3A_153 {offsets = [0, 128], sizes = [2048, 128], strides = [1, 1]} : vector<2048x512xf32> to vector<2048x128xf32>
        %logistic3A_160 = arith.negf %slice3A_159 : vector<2048x128xf32>
        %logistic3A_161 = math.exp %logistic3A_160 : vector<2048x128xf32>
        %logistic3A_162 = arith.constant 1.000000e+00 : f32
        %logistic3A_163 = vector.broadcast %logistic3A_162 : f32 to vector<2048x128xf32>
        %logistic3A_164 = arith.addf %logistic3A_163, %logistic3A_161 : vector<2048x128xf32>
        %logistic3A_165 = arith.divf %logistic3A_163, %logistic3A_164 : vector<2048x128xf32>
        %slice3A_166 = vector.extract_strided_slice %add3A_153 {offsets = [0, 256], sizes = [2048, 128], strides = [1, 1]} : vector<2048x512xf32> to vector<2048x128xf32>
        %tanh3A = math.tanh %slice3A_166 : vector<2048x128xf32>
        %slice3A_167 = vector.extract_strided_slice %add3A_153 {offsets = [0, 384], sizes = [2048, 128], strides = [1, 1]} : vector<2048x512xf32> to vector<2048x128xf32>
        %logistic3A_168 = arith.negf %slice3A_167 : vector<2048x128xf32>
        %logistic3A_169 = math.exp %logistic3A_168 : vector<2048x128xf32>
        %logistic3A_170 = arith.constant 1.000000e+00 : f32
        %logistic3A_171 = vector.broadcast %logistic3A_170 : f32 to vector<2048x128xf32>
        %logistic3A_172 = arith.addf %logistic3A_171, %logistic3A_169 : vector<2048x128xf32>
        %logistic3A_173 = arith.divf %logistic3A_171, %logistic3A_172 : vector<2048x128xf32>
        %mul3A_174 = arith.mulf %logistic3A_165, %get3A_138 : vector<2048x128xf32>
        %mul3A_175 = arith.mulf %logistic3A_158, %tanh3A : vector<2048x128xf32>
        %add3A_176 = arith.addf %mul3A_174, %mul3A_175 : vector<2048x128xf32>
        %tanh3A_177 = math.tanh %add3A_176 : vector<2048x128xf32>
        %mul3A_178 = arith.mulf %logistic3A_173, %tanh3A_177 : vector<2048x128xf32>
        %mul3A_179 = arith.constant 2048 : i32
        %mul3A_180 = arith.muli %while3A_95, %mul3A_179 : i32
        %get3A_181 = arith.index_cast %mul3A_180 : i32 to index
        %get3A_182 = arith.constant 0 : index
        %get3A_183 = vector.load %arg3[%get3A_181, %get3A_182] : memref<10240x1xi32, #tpu.memory_space<vmem>>, vector<2048x1xi32>
        %gt3A_184 = vector.broadcast %while3A_53 : i32 to vector<2048x1xi32>
        %gt3A_185 = arith.cmpi sgt, %get3A_183, %gt3A_184 : vector<2048x1xi32>
        %broadcast_in_dim3A_186 = vector.shape_cast %gt3A_185 : vector<2048x1xi1> to vector<2048x1xi1>
        %broadcast_in_dim3A_187 = vector.broadcast %broadcast_in_dim3A_186 : vector<2048x1xi1> to vector<2048x128xi1>
        %select_n3A_188 = arith.select %broadcast_in_dim3A_187, %mul3A_178, %get3A_133 : vector<2048x128xi1>, vector<2048x128xf32>
        %mul3A_189 = arith.constant 2048 : i32
        %mul3A_190 = arith.muli %while3A_95, %mul3A_189 : i32
        %swap3A_191 = arith.index_cast %mul3A_190 : i32 to index
        %swap3A_192 = arith.constant 0 : index
        %swap3A_193 = vector.load %arg11[%swap3A_191, %swap3A_192] : memref<10240x128xf32, #tpu.memory_space<vmem>>, vector<2048x128xf32>
        tpu.vector_store %arg11[%swap3A_191, %swap3A_192], %select_n3A_188 {strides = array<i32>} : memref<10240x128xf32, #tpu.memory_space<vmem>>, vector<2048x128xf32>,
        %broadcast_in_dim3A_194 = vector.shape_cast %gt3A_185 : vector<2048x1xi1> to vector<2048x1xi1>
        %broadcast_in_dim3A_195 = vector.broadcast %broadcast_in_dim3A_194 : vector<2048x1xi1> to vector<2048x128xi1>
        %select_n3A_196 = arith.select %broadcast_in_dim3A_195, %add3A_176, %get3A_138 : vector<2048x128xi1>, vector<2048x128xf32>
        %mul3A_197 = arith.constant 2048 : i32
        %mul3A_198 = arith.muli %while3A_95, %mul3A_197 : i32
        %swap3A_199 = arith.index_cast %mul3A_198 : i32 to index
        %swap3A_200 = arith.constant 0 : index
        %swap3A_201 = vector.load %arg12[%swap3A_199, %swap3A_200] : memref<10240x128xf32, #tpu.memory_space<vmem>>, vector<2048x128xf32>
        tpu.vector_store %arg12[%swap3A_199, %swap3A_200], %select_n3A_196 {strides = array<i32>} : memref<10240x128xf32, #tpu.memory_space<vmem>>, vector<2048x128xf32>,
        %sub3A_202 = arith.constant 1 : i32
        %sub3A_203 = arith.subi %sub3A_202, %while3A_96 : i32
        scf.yield %sub3A_203 : i32
      }
      %while3A_92 = arith.constant 1 : i32
      %while3A_93 = scf.for %while3A_95 = %while3A_89 to %while3A_85 step %while3A_92 iter_args(%while3A_96 = %while3A_91) -> (i32)  : i32 {
        %dma_wait3A_97 = tpu.memref_slice %arg14[%while3A_96] : memref<2x!tpu.dma_semaphore, #tpu.memory_space<semaphore_mem>> -> memref<1x!tpu.dma_semaphore, #tpu.memory_space<semaphore_mem>>
        %dma_wait3A_98 = tpu.memref_squeeze %dma_wait3A_97 : memref<1x!tpu.dma_semaphore, #tpu.memory_space<semaphore_mem>> -> memref<!tpu.dma_semaphore, #tpu.memory_space<semaphore_mem>>
        %dma_wait3A_99 = arith.constant 0 : i32
        %dma_wait3A_100 = arith.constant 0 : i32
        %dma_wait3A_101 = tpu.memref_slice %arg13[%while3A_96, %dma_wait3A_99, %dma_wait3A_100] : memref<2x2048x128xf32, #tpu.memory_space<vmem>> -> memref<1x2048x128xf32, #tpu.memory_space<vmem>>
        %dma_wait3A_102 = tpu.memref_squeeze %dma_wait3A_101 : memref<1x2048x128xf32, #tpu.memory_space<vmem>> -> memref<2048x128xf32, #tpu.memory_space<vmem>>
        %dma_wait3A_103 = arith.constant 0 : i32
        %dma_wait3A_104 = arith.constant 0 : i32
        %dma_wait3A_105 = tpu.memref_slice %arg1[%dma_wait3A_103, %dma_wait3A_104] : memref<163840x128xf32, #tpu.memory_space<any>> -> memref<2048x128xf32, #tpu.memory_space<any>>
        tpu.wait_dma2 semaphore(%dma_wait3A_98 : memref<!tpu.dma_semaphore, #tpu.memory_space<semaphore_mem>>) src(%dma_wait3A_105 : memref<2048x128xf32, #tpu.memory_space<any>>) dst(%dma_wait3A_102 : memref<2048x128xf32, #tpu.memory_space<vmem>>)
        %add3A_106 = arith.constant 1 : i32
        %add3A_107 = arith.addi %while3A_95, %add3A_106 : i32
        %lt3A = arith.cmpi slt, %add3A_107, %select_n3A : i32
        %add3A_108 = arith.constant 1 : i32
        %add3A_109 = arith.addi %while3A_95, %add3A_108 : i32
        %mul3A = arith.constant 2048 : i32
        %mul3A_110 = arith.muli %add3A_109, %mul3A : i32
        %add3A_111 = arith.addi %while3A_54, %mul3A_110 : i32
        %add3A_112 = arith.addi %while3A_54, %reduce_sum3A_63 : i32
        %select_n3A_113 = arith.select %lt3A, %add3A_111, %add3A_112 : i32
        %sub3A_114 = arith.constant 1 : i32
        %sub3A_115 = arith.subi %sub3A_114, %while3A_96 : i32
        %dma_start3A_116 = tpu.memref_slice %arg14[%sub3A_115] : memref<2x!tpu.dma_semaphore, #tpu.memory_space<semaphore_mem>> -> memref<1x!tpu.dma_semaphore, #tpu.memory_space<semaphore_mem>>
        %dma_start3A_117 = tpu.memref_squeeze %dma_start3A_116 : memref<1x!tpu.dma_semaphore, #tpu.memory_space<semaphore_mem>> -> memref<!tpu.dma_semaphore, #tpu.memory_space<semaphore_mem>>
        %dma_start3A_118 = arith.constant 0 : i32
        %dma_start3A_119 = arith.constant 0 : i32
        %dma_start3A_120 = tpu.memref_slice %arg13[%sub3A_115, %dma_start3A_118, %dma_start3A_119] : memref<2x2048x128xf32, #tpu.memory_space<vmem>> -> memref<1x2048x128xf32, #tpu.memory_space<vmem>>
        %dma_start3A_121 = tpu.memref_squeeze %dma_start3A_120 : memref<1x2048x128xf32, #tpu.memory_space<vmem>> -> memref<2048x128xf32, #tpu.memory_space<vmem>>
        %dma_start3A_122 = arith.constant 0 : i32
        %dma_start3A_123 = tpu.memref_slice %arg1[%select_n3A_113, %dma_start3A_122] : memref<163840x128xf32, #tpu.memory_space<any>> -> memref<2048x128xf32, #tpu.memory_space<any>>
        tpu.enqueue_dma source(%dma_start3A_123 : memref<2048x128xf32, #tpu.memory_space<any>>) target(%dma_start3A_121 : memref<2048x128xf32, #tpu.memory_space<vmem>>) target_semaphore(%dma_start3A_117 : memref<!tpu.dma_semaphore, #tpu.memory_space<semaphore_mem>>)
        %get3A_124 = arith.index_cast %while3A_96 : i32 to index
        %get3A_125 = arith.constant 0 : index
        %get3A_126 = arith.constant 0 : index
        %get3A_127 = vector.load %arg13[%get3A_124, %get3A_125, %get3A_126] : memref<2x2048x128xf32, #tpu.memory_space<vmem>>, vector<1x2048x128xf32>
        %get3A_128 = vector.shape_cast %get3A_127 : vector<1x2048x128xf32> to vector<2048x128xf32>
        %mul3A_129 = arith.constant 2048 : i32
        %mul3A_130 = arith.muli %while3A_95, %mul3A_129 : i32
        %get3A_131 = arith.index_cast %mul3A_130 : i32 to index
        %get3A_132 = arith.constant 0 : index
        %get3A_133 = vector.load %arg11[%get3A_131, %get3A_132] : memref<10240x128xf32, #tpu.memory_space<vmem>>, vector<2048x128xf32>
        %mul3A_134 = arith.constant 2048 : i32
        %mul3A_135 = arith.muli %while3A_95, %mul3A_134 : i32
        %get3A_136 = arith.index_cast %mul3A_135 : i32 to index
        %get3A_137 = arith.constant 0 : index
        %get3A_138 = vector.load %arg12[%get3A_136, %get3A_137] : memref<10240x128xf32, #tpu.memory_space<vmem>>, vector<2048x128xf32>
        %get3A_139 = arith.constant 0 : index
        %get3A_140 = arith.constant 0 : index
        %get3A_141 = vector.load %arg4[%get3A_139, %get3A_140] : memref<128x512xf32, #tpu.memory_space<vmem>>, vector<128x512xf32>
        %dot_general3A = arith.constant dense<0.000000e+00> : vector<2048x512xf32>
        %dot_general3A_142 = tpu.matmul %get3A_128, %get3A_141, %dot_general3A {dimension_numbers = #tpu.dot_dimension_numbers<[1], [0], [0], [1], [0, 0, 1, 1], [], []>, transpose_lhs_hint = false} : vector<2048x128xf32>, vector<128x512xf32>, vector<2048x512xf32> -> vector<2048x512xf32>
        %get3A_143 = arith.constant 0 : index
        %get3A_144 = arith.constant 0 : index
        %get3A_145 = vector.load %arg5[%get3A_143, %get3A_144] : memref<128x512xf32, #tpu.memory_space<vmem>>, vector<128x512xf32>
        %dot_general3A_146 = arith.constant dense<0.000000e+00> : vector<2048x512xf32>
        %dot_general3A_147 = tpu.matmul %get3A_133, %get3A_145, %dot_general3A_146 {dimension_numbers = #tpu.dot_dimension_numbers<[1], [0], [0], [1], [0, 0, 1, 1], [], []>, transpose_lhs_hint = false} : vector<2048x128xf32>, vector<128x512xf32>, vector<2048x512xf32> -> vector<2048x512xf32>
        %add3A_148 = arith.addf %dot_general3A_142, %dot_general3A_147 : vector<2048x512xf32>
        %get3A_149 = arith.constant 0 : index
        %get3A_150 = arith.constant 0 : index
        %get3A_151 = vector.load %arg6[%get3A_149, %get3A_150] : memref<1x512xf32, #tpu.memory_space<vmem>>, vector<1x512xf32>
        %add3A_152 = vector.broadcast %get3A_151 : vector<1x512xf32> to vector<2048x512xf32>
        %add3A_153 = arith.addf %add3A_148, %add3A_152 : vector<2048x512xf32>
        %slice3A = vector.extract_strided_slice %add3A_153 {offsets = [0, 0], sizes = [2048, 128], strides = [1, 1]} : vector<2048x512xf32> to vector<2048x128xf32>
        %logistic3A = arith.negf %slice3A : vector<2048x128xf32>
        %logistic3A_154 = math.exp %logistic3A : vector<2048x128xf32>
        %logistic3A_155 = arith.constant 1.000000e+00 : f32
        %logistic3A_156 = vector.broadcast %logistic3A_155 : f32 to vector<2048x128xf32>
        %logistic3A_157 = arith.addf %logistic3A_156, %logistic3A_154 : vector<2048x128xf32>
        %logistic3A_158 = arith.divf %logistic3A_156, %logistic3A_157 : vector<2048x128xf32>
        %slice3A_159 = vector.extract_strided_slice %add3A_153 {offsets = [0, 128], sizes = [2048, 128], strides = [1, 1]} : vector<2048x512xf32> to vector<2048x128xf32>
        %logistic3A_160 = arith.negf %slice3A_159 : vector<2048x128xf32>
        %logistic3A_161 = math.exp %logistic3A_160 : vector<2048x128xf32>
        %logistic3A_162 = arith.constant 1.000000e+00 : f32
        %logistic3A_163 = vector.broadcast %logistic3A_162 : f32 to vector<2048x128xf32>
        %logistic3A_164 = arith.addf %logistic3A_163, %logistic3A_161 : vector<2048x128xf32>
        %logistic3A_165 = arith.divf %logistic3A_163, %logistic3A_164 : vector<2048x128xf32>
        %slice3A_166 = vector.extract_strided_slice %add3A_153 {offsets = [0, 256], sizes = [2048, 128], strides = [1, 1]} : vector<2048x512xf32> to vector<2048x128xf32>
        %tanh3A = math.tanh %slice3A_166 : vector<2048x128xf32>
        %slice3A_167 = vector.extract_strided_slice %add3A_153 {offsets = [0, 384], sizes = [2048, 128], strides = [1, 1]} : vector<2048x512xf32> to vector<2048x128xf32>
        %logistic3A_168 = arith.negf %slice3A_167 : vector<2048x128xf32>
        %logistic3A_169 = math.exp %logistic3A_168 : vector<2048x128xf32>
        %logistic3A_170 = arith.constant 1.000000e+00 : f32
        %logistic3A_171 = vector.broadcast %logistic3A_170 : f32 to vector<2048x128xf32>
        %logistic3A_172 = arith.addf %logistic3A_171, %logistic3A_169 : vector<2048x128xf32>
        %logistic3A_173 = arith.divf %logistic3A_171, %logistic3A_172 : vector<2048x128xf32>
        %mul3A_174 = arith.mulf %logistic3A_165, %get3A_138 : vector<2048x128xf32>
        %mul3A_175 = arith.mulf %logistic3A_158, %tanh3A : vector<2048x128xf32>
        %add3A_176 = arith.addf %mul3A_174, %mul3A_175 : vector<2048x128xf32>
        %tanh3A_177 = math.tanh %add3A_176 : vector<2048x128xf32>
        %mul3A_178 = arith.mulf %logistic3A_173, %tanh3A_177 : vector<2048x128xf32>
        %mul3A_179 = arith.constant 2048 : i32
        %mul3A_180 = arith.muli %while3A_95, %mul3A_179 : i32
        %get3A_181 = arith.index_cast %mul3A_180 : i32 to index
        %get3A_182 = arith.constant 0 : index
        %get3A_183 = vector.load %arg3[%get3A_181, %get3A_182] : memref<10240x1xi32, #tpu.memory_space<vmem>>, vector<2048x1xi32>
        %gt3A_184 = vector.broadcast %while3A_53 : i32 to vector<2048x1xi32>
        %gt3A_185 = arith.cmpi sgt, %get3A_183, %gt3A_184 : vector<2048x1xi32>
        %broadcast_in_dim3A_186 = vector.shape_cast %gt3A_185 : vector<2048x1xi1> to vector<2048x1xi1>
        %broadcast_in_dim3A_187 = vector.broadcast %broadcast_in_dim3A_186 : vector<2048x1xi1> to vector<2048x128xi1>
        %select_n3A_188 = arith.select %broadcast_in_dim3A_187, %mul3A_178, %get3A_133 : vector<2048x128xi1>, vector<2048x128xf32>
        %mul3A_189 = arith.constant 2048 : i32
        %mul3A_190 = arith.muli %while3A_95, %mul3A_189 : i32
        %swap3A_191 = arith.index_cast %mul3A_190 : i32 to index
        %swap3A_192 = arith.constant 0 : index
        %swap3A_193 = vector.load %arg11[%swap3A_191, %swap3A_192] : memref<10240x128xf32, #tpu.memory_space<vmem>>, vector<2048x128xf32>
        tpu.vector_store %arg11[%swap3A_191, %swap3A_192], %select_n3A_188 {strides = array<i32>} : memref<10240x128xf32, #tpu.memory_space<vmem>>, vector<2048x128xf32>,
        %broadcast_in_dim3A_194 = vector.shape_cast %gt3A_185 : vector<2048x1xi1> to vector<2048x1xi1>
        %broadcast_in_dim3A_195 = vector.broadcast %broadcast_in_dim3A_194 : vector<2048x1xi1> to vector<2048x128xi1>
        %select_n3A_196 = arith.select %broadcast_in_dim3A_195, %add3A_176, %get3A_138 : vector<2048x128xi1>, vector<2048x128xf32>
        %mul3A_197 = arith.constant 2048 : i32
        %mul3A_198 = arith.muli %while3A_95, %mul3A_197 : i32
        %swap3A_199 = arith.index_cast %mul3A_198 : i32 to index
        %swap3A_200 = arith.constant 0 : index
        %swap3A_201 = vector.load %arg12[%swap3A_199, %swap3A_200] : memref<10240x128xf32, #tpu.memory_space<vmem>>, vector<2048x128xf32>
        tpu.vector_store %arg12[%swap3A_199, %swap3A_200], %select_n3A_196 {strides = array<i32>} : memref<10240x128xf32, #tpu.memory_space<vmem>>, vector<2048x128xf32>,
        %sub3A_202 = arith.constant 1 : i32
        %sub3A_203 = arith.subi %sub3A_202, %while3A_96 : i32
        scf.yield %sub3A_203 : i32
      }
      %add3A_94 = arith.addi %while3A_54, %reduce_sum3A_63 : i32
      scf.yield %add3A_94, %while3A_93 : i32, i32
    }
    %dma_wait3A = tpu.memref_slice %arg14[%while3A_39#1] : memref<2x!tpu.dma_semaphore, #tpu.memory_space<semaphore_mem>> -> memref<1x!tpu.dma_semaphore, #tpu.memory_space<semaphore_mem>>
    %dma_wait3A_40 = tpu.memref_squeeze %dma_wait3A : memref<1x!tpu.dma_semaphore, #tpu.memory_space<semaphore_mem>> -> memref<!tpu.dma_semaphore, #tpu.memory_space<semaphore_mem>>
    %dma_wait3A_41 = arith.constant 0 : i32
    %dma_wait3A_42 = arith.constant 0 : i32
    %dma_wait3A_43 = tpu.memref_slice %arg13[%while3A_39#1, %dma_wait3A_41, %dma_wait3A_42] : memref<2x2048x128xf32, #tpu.memory_space<vmem>> -> memref<1x2048x128xf32, #tpu.memory_space<vmem>>
    %dma_wait3A_44 = tpu.memref_squeeze %dma_wait3A_43 : memref<1x2048x128xf32, #tpu.memory_space<vmem>> -> memref<2048x128xf32, #tpu.memory_space<vmem>>
    %dma_wait3A_45 = arith.constant 0 : i32
    %dma_wait3A_46 = arith.constant 0 : i32
    %dma_wait3A_47 = tpu.memref_slice %arg1[%dma_wait3A_45, %dma_wait3A_46] : memref<163840x128xf32, #tpu.memory_space<any>> -> memref<2048x128xf32, #tpu.memory_space<any>>
    tpu.wait_dma2 semaphore(%dma_wait3A_40 : memref<!tpu.dma_semaphore, #tpu.memory_space<semaphore_mem>>) src(%dma_wait3A_47 : memref<2048x128xf32, #tpu.memory_space<any>>) dst(%dma_wait3A_44 : memref<2048x128xf32, #tpu.memory_space<vmem>>)
    %scan3A_48 = arith.constant 0 : i32
    %scan3A_49 = arith.constant 5 : i32
    %scan3A_50 = arith.addi %scan3A_48, %scan3A_49 : i32
    %scan3A_51 = arith.constant 1 : i32
    scf.for %scan3A_53 = %scan3A_48 to %scan3A_50 step %scan3A_51  : i32 {
      %mul3A = arith.constant 2048 : i32
      %mul3A_54 = arith.muli %scan3A_53, %mul3A : i32
      %get3A_55 = arith.index_cast %mul3A_54 : i32 to index
      %get3A_56 = arith.constant 0 : index
      %get3A_57 = vector.load %arg11[%get3A_55, %get3A_56] : memref<10240x128xf32, #tpu.memory_space<vmem>>, vector<2048x128xf32>
      %mul3A_58 = arith.constant 2048 : i32
      %mul3A_59 = arith.muli %scan3A_53, %mul3A_58 : i32
      %get3A_60 = arith.index_cast %mul3A_59 : i32 to index
      %get3A_61 = arith.constant 0 : index
      %get3A_62 = vector.load %arg10[%get3A_60, %get3A_61] : memref<10240x128xf32, #tpu.memory_space<vmem>>, vector<2048x128xf32>
      %get3A_63 = arith.constant 0 : index
      %get3A_64 = arith.constant 0 : index
      %get3A_65 = vector.load %arg9[%get3A_63, %get3A_64] : memref<128x128xf32, #tpu.memory_space<vmem>>, vector<128x128xf32>
      %dot_general3A = arith.constant dense<0.000000e+00> : vector<2048x128xf32>
      %dot_general3A_66 = tpu.matmul %get3A_57, %get3A_65, %dot_general3A {dimension_numbers = #tpu.dot_dimension_numbers<[1], [0], [0], [1], [0, 0, 1, 1], [], []>, transpose_lhs_hint = false} : vector<2048x128xf32>, vector<128x128xf32>, vector<2048x128xf32> -> vector<2048x128xf32>
      %add3A = arith.addf %get3A_62, %dot_general3A_66 : vector<2048x128xf32>
      %max3A = arith.constant 0.000000e+00 : f32
      %max3A_67 = vector.broadcast %max3A : f32 to vector<2048x128xf32>
      %max3A_68 = arith.maximumf %add3A, %max3A_67 : vector<2048x128xf32>
      %mul3A_69 = arith.constant 2048 : i32
      %mul3A_70 = arith.muli %scan3A_53, %mul3A_69 : i32
      %swap3A_71 = arith.index_cast %mul3A_70 : i32 to index
      %swap3A_72 = arith.constant 0 : index
      %swap3A_73 = vector.load %arg10[%swap3A_71, %swap3A_72] : memref<10240x128xf32, #tpu.memory_space<vmem>>, vector<2048x128xf32>
      tpu.vector_store %arg10[%swap3A_71, %swap3A_72], %max3A_68 {strides = array<i32>} : memref<10240x128xf32, #tpu.memory_space<vmem>>, vector<2048x128xf32>,
    }
    %scan3A_52 = arith.constant 5 : i32
    return
  }
}

module attributes {stable_mosaic.version = 14 : i64} {
  func.func @_lstm_body(%arg0: memref<10240x128xf32, #tpu.memory_space<vmem>>, %arg1: memref<163840x128xf32, #tpu.memory_space<any>>, %arg2: memref<80x128xi32, #tpu.memory_space<vmem>>, %arg3: memref<10240x1xi32, #tpu.memory_space<vmem>>, %arg4: memref<128x512xf32, #tpu.memory_space<vmem>>, %arg5: memref<128x512xf32, #tpu.memory_space<vmem>>, %arg6: memref<1x512xf32, #tpu.memory_space<vmem>>, %arg7: memref<128x128xf32, #tpu.memory_space<vmem>>, %arg8: memref<1x128xf32, #tpu.memory_space<vmem>>, %arg9: memref<128x128xf32, #tpu.memory_space<vmem>>, %arg10: memref<10240x128xf32, #tpu.memory_space<vmem>>, %arg11: memref<10240x128xf32, #tpu.memory_space<vmem>>, %arg12: memref<10240x128xf32, #tpu.memory_space<vmem>>, %arg13: memref<2x2048x128xf32, #tpu.memory_space<vmem>>, %arg14: memref<2x!tpu.dma_semaphore, #tpu.memory_space<semaphore_mem>>) attributes {dimension_semantics = [], scalar_prefetch = 0 : i64, scratch_operands = 4 : i64, tpu.core_type = #tpu.core_type<tc>} {
    %broadcast_in_dim3A = arith.constant 0.000000e+00 : f32
    %broadcast_in_dim3A_0 = vector.broadcast %broadcast_in_dim3A : f32 to vector<10240x128xf32>
    %swap3A = arith.constant 0 : index
    %swap3A_1 = arith.constant 0 : index
    %swap3A_2 = vector.load %arg11[%swap3A, %swap3A_1] : memref<10240x128xf32, #tpu.memory_space<vmem>>, vector<10240x128xf32>
    tpu.vector_store %arg11[%swap3A, %swap3A_1], %broadcast_in_dim3A_0 {strides = array<i32>} : memref<10240x128xf32, #tpu.memory_space<vmem>>, vector<10240x128xf32>,
    %broadcast_in_dim3A_3 = arith.constant 0.000000e+00 : f32
    %broadcast_in_dim3A_4 = vector.broadcast %broadcast_in_dim3A_3 : f32 to vector<10240x128xf32>
    %swap3A_5 = arith.constant 0 : index
    %swap3A_6 = arith.constant 0 : index
    %swap3A_7 = vector.load %arg12[%swap3A_5, %swap3A_6] : memref<10240x128xf32, #tpu.memory_space<vmem>>, vector<10240x128xf32>
    tpu.vector_store %arg12[%swap3A_5, %swap3A_6], %broadcast_in_dim3A_4 {strides = array<i32>} : memref<10240x128xf32, #tpu.memory_space<vmem>>, vector<10240x128xf32>,
    %scan3A = arith.constant 0 : i32
    %scan3A_8 = arith.constant 5 : i32
    %scan3A_9 = arith.addi %scan3A, %scan3A_8 : i32
    %scan3A_10 = arith.constant 1 : i32
    scf.for %scan3A_53 = %scan3A to %scan3A_9 step %scan3A_10  : i32 {
      %mul3A = arith.constant 2048 : i32
      %mul3A_54 = arith.muli %scan3A_53, %mul3A : i32
      %get3A_55 = arith.index_cast %mul3A_54 : i32 to index
      %get3A_56 = arith.constant 0 : index
      %get3A_57 = vector.load %arg0[%get3A_55, %get3A_56] : memref<10240x128xf32, #tpu.memory_space<vmem>>, vector<2048x128xf32>
      %get3A_58 = arith.constant 0 : index
      %get3A_59 = arith.constant 0 : index
      %get3A_60 = vector.load %arg7[%get3A_58, %get3A_59] : memref<128x128xf32, #tpu.memory_space<vmem>>, vector<128x128xf32>
      %dot_general3A = arith.constant dense<0.000000e+00> : vector<2048x128xf32>
      %dot_general3A_61 = tpu.matmul %get3A_57, %get3A_60, %dot_general3A {dimension_numbers = #tpu.dot_dimension_numbers<[1], [0], [0], [1], [0, 0, 1, 1], [], []>, transpose_lhs_hint = false} : vector<2048x128xf32>, vector<128x128xf32>, vector<2048x128xf32> -> vector<2048x128xf32>
      %get3A_62 = arith.constant 0 : index
      %get3A_63 = arith.constant 0 : index
      %get3A_64 = vector.load %arg8[%get3A_62, %get3A_63] : memref<1x128xf32, #tpu.memory_space<vmem>>, vector<1x128xf32>
      %add3A = vector.broadcast %get3A_64 : vector<1x128xf32> to vector<2048x128xf32>
      %add3A_65 = arith.addf %dot_general3A_61, %add3A : vector<2048x128xf32>
      %mul3A_66 = arith.constant 2048 : i32
      %mul3A_67 = arith.muli %scan3A_53, %mul3A_66 : i32
      %swap3A_68 = arith.index_cast %mul3A_67 : i32 to index
      %swap3A_69 = arith.constant 0 : index
      %swap3A_70 = vector.load %arg10[%swap3A_68, %swap3A_69] : memref<10240x128xf32, #tpu.memory_space<vmem>>, vector<2048x128xf32>
      tpu.vector_store %arg10[%swap3A_68, %swap3A_69], %add3A_65 {strides = array<i32>} : memref<10240x128xf32, #tpu.memory_space<vmem>>, vector<2048x128xf32>,
    }
    %scan3A_11 = arith.constant 5 : i32
    %get3A = arith.constant 0 : index
    %get3A_12 = arith.constant 0 : index
    %get3A_13 = vector.load %arg2[%get3A, %get3A_12] : memref<80x128xi32, #tpu.memory_space<vmem>>, vector<80x128xi32>
    %reduce_max3A = vector.shape_cast %get3A_13 : vector<80x128xi32> to vector<1x80x128xi32>
    %reduce_max3A_14 = arith.constant dense<-2147483648> : vector<1xi32>
    %reduce_max3A_15 = vector.multi_reduction <maxsi>, %reduce_max3A, %reduce_max3A_14 [1, 2] : vector<1x80x128xi32> to vector<1xi32>
    %reduce_max3A_16 = vector.shape_cast %reduce_max3A_15 : vector<1xi32> to vector<1x1x1xi32>
    %reduce_max3A_17 = vector.extract %reduce_max3A_16[0, 0, 0] : i32 from vector<1x1x1xi32>
    %dma_start3A = arith.constant 0 : i32
    %dma_start3A_18 = arith.constant 0 : i32
    %dma_start3A_19 = tpu.memref_slice %arg14[%dma_start3A_18] : memref<2x!tpu.dma_semaphore, #tpu.memory_space<semaphore_mem>> -> memref<1x!tpu.dma_semaphore, #tpu.memory_space<semaphore_mem>>
    %dma_start3A_20 = tpu.memref_squeeze %dma_start3A_19 : memref<1x!tpu.dma_semaphore, #tpu.memory_space<semaphore_mem>> -> memref<!tpu.dma_semaphore, #tpu.memory_space<semaphore_mem>>
    %dma_start3A_21 = arith.constant 0 : i32
    %dma_start3A_22 = arith.constant 0 : i32
    %dma_start3A_23 = tpu.memref_slice %arg13[%dma_start3A, %dma_start3A_21, %dma_start3A_22] : memref<2x2048x128xf32, #tpu.memory_space<vmem>> -> memref<1x2048x128xf32, #tpu.memory_space<vmem>>
    %dma_start3A_24 = tpu.memref_squeeze %dma_start3A_23 : memref<1x2048x128xf32, #tpu.memory_space<vmem>> -> memref<2048x128xf32, #tpu.memory_space<vmem>>
    %dma_start3A_25 = arith.constant 0 : i32
    %dma_start3A_26 = arith.constant 0 : i32
    %dma_start3A_27 = tpu.memref_slice %arg1[%dma_start3A_25, %dma_start3A_26] : memref<163840x128xf32, #tpu.memory_space<any>> -> memref<2048x128xf32, #tpu.memory_space<any>>
    tpu.enqueue_dma source(%dma_start3A_27 : memref<2048x128xf32, #tpu.memory_space<any>>) target(%dma_start3A_24 : memref<2048x128xf32, #tpu.memory_space<vmem>>) target_semaphore(%dma_start3A_20 : memref<!tpu.dma_semaphore, #tpu.memory_space<semaphore_mem>>)
    %while3A = arith.constant 0 : i32
    %while3A_28 = arith.constant 0 : i32
    %while3A_29 = arith.constant 0 : i32
    %while3A_30 = arith.subi %reduce_max3A_17, %while3A : i32
    %while3A_31 = arith.addi %while3A, %while3A_30 : i32
    %while3A_32 = arith.constant 1 : i32
    %while3A_33 = arith.divsi %while3A_30, %while3A_32 : i32
    %while3A_34 = arith.muli %while3A_33, %while3A_32 : i32
    %while3A_35 = arith.addi %while3A, %while3A_34 : i32
    %while3A_36 = arith.constant 1 : i32
    %while3A_37:2 = scf.for %while3A_53 = %while3A to %while3A_35 step %while3A_36 iter_args(%while3A_54 = %while3A_28, %while3A_55 = %while3A_29) -> (i32, i32)  : i32 {
      %get3A_56 = arith.constant 0 : index
      %get3A_57 = arith.constant 0 : index
      %get3A_58 = vector.load %arg2[%get3A_56, %get3A_57] : memref<80x128xi32, #tpu.memory_space<vmem>>, vector<80x128xi32>
      %gt3A = vector.broadcast %while3A_53 : i32 to vector<80x128xi32>
      %gt3A_59 = arith.cmpi sgt, %get3A_58, %gt3A : vector<80x128xi32>
      %convert_element_type3A = arith.extui %gt3A_59 : vector<80x128xi1> to vector<80x128xi32>
      %reduce_sum3A = vector.shape_cast %convert_element_type3A : vector<80x128xi32> to vector<1x80x128xi32>
      %reduce_sum3A_60 = arith.constant dense<0> : vector<1xi32>
      %reduce_sum3A_61 = vector.multi_reduction <add>, %reduce_sum3A, %reduce_sum3A_60 [1, 2] : vector<1x80x128xi32> to vector<1xi32>
      %reduce_sum3A_62 = vector.shape_cast %reduce_sum3A_61 : vector<1xi32> to vector<1x1x1xi32>
      %reduce_sum3A_63 = vector.extract %reduce_sum3A_62[0, 0, 0] : i32 from vector<1x1x1xi32>
      %add3A = arith.constant 2048 : i32
      %add3A_64 = arith.addi %reduce_sum3A_63, %add3A : i32
      %sub3A = arith.constant 1 : i32
      %sub3A_65 = arith.subi %add3A_64, %sub3A : i32
      %jit3A = arith.constant 2048 : i32
      %div3A = arith.divsi %sub3A_65, %jit3A : i32
      %sign3A = arith.constant 0 : i32
      %sign3A_66 = arith.cmpi sgt, %sub3A_65, %sign3A : i32
      %sign3A_67 = arith.extui %sign3A_66 : i1 to i32
      %sign3A_68 = arith.constant 0 : i32
      %sign3A_69 = arith.cmpi slt, %sub3A_65, %sign3A_68 : i32
      %sign3A_70 = arith.extui %sign3A_69 : i1 to i32
      %sign3A_71 = arith.subi %sign3A_67, %sign3A_70 : i32
      %sign3A_72 = arith.constant 0 : i32
      %sign3A_73 = arith.cmpi sgt, %jit3A, %sign3A_72 : i32
      %sign3A_74 = arith.extui %sign3A_73 : i1 to i32
      %sign3A_75 = arith.constant 0 : i32
      %sign3A_76 = arith.cmpi slt, %jit3A, %sign3A_75 : i32
      %sign3A_77 = arith.extui %sign3A_76 : i1 to i32
      %sign3A_78 = arith.subi %sign3A_74, %sign3A_77 : i32
      %ne3A = arith.cmpi ne, %sign3A_71, %sign3A_78 : i32
      %rem3A = arith.remsi %sub3A_65, %jit3A : i32
      %ne3A_79 = arith.constant 0 : i32
      %ne3A_80 = arith.cmpi ne, %rem3A, %ne3A_79 : i32
      %and3A = arith.andi %ne3A, %ne3A_80 : i1
      %sub3A_81 = arith.constant 1 : i32
      %sub3A_82 = arith.subi %div3A, %sub3A_81 : i32
      %select_n3A = arith.select %and3A, %sub3A_82, %div3A : i32
      %while3A_83 = arith.constant 0 : i32
      %while3A_84 = arith.subi %select_n3A, %while3A_83 : i32
      %while3A_85 = arith.addi %while3A_83, %while3A_84 : i32
      %while3A_86 = arith.constant 1 : i32
      %while3A_87 = arith.divsi %while3A_84, %while3A_86 : i32
      %while3A_88 = arith.muli %while3A_87, %while3A_86 : i32
      %while3A_89 = arith.addi %while3A_83, %while3A_88 : i32
      %while3A_90 = arith.constant 1 : i32
      %while3A_91 = scf.for %while3A_95 = %while3A_83 to %while3A_89 step %while3A_90 iter_args(%while3A_96 = %while3A_55) -> (i32)  : i32 {
        %dma_wait3A_97 = tpu.memref_slice %arg14[%while3A_96] : memref<2x!tpu.dma_semaphore, #tpu.memory_space<semaphore_mem>> -> memref<1x!tpu.dma_semaphore, #tpu.memory_space<semaphore_mem>>
        %dma_wait3A_98 = tpu.memref_squeeze %dma_wait3A_97 : memref<1x!tpu.dma_semaphore, #tpu.memory_space<semaphore_mem>> -> memref<!tpu.dma_semaphore, #tpu.memory_space<semaphore_mem>>
        %dma_wait3A_99 = arith.constant 0 : i32
        %dma_wait3A_100 = arith.constant 0 : i32
        %dma_wait3A_101 = tpu.memref_slice %arg13[%while3A_96, %dma_wait3A_99, %dma_wait3A_100] : memref<2x2048x128xf32, #tpu.memory_space<vmem>> -> memref<1x2048x128xf32, #tpu.memory_space<vmem>>
        %dma_wait3A_102 = tpu.memref_squeeze %dma_wait3A_101 : memref<1x2048x128xf32, #tpu.memory_space<vmem>> -> memref<2048x128xf32, #tpu.memory_space<vmem>>
        %dma_wait3A_103 = arith.constant 0 : i32
        %dma_wait3A_104 = arith.constant 0 : i32
        %dma_wait3A_105 = tpu.memref_slice %arg1[%dma_wait3A_103, %dma_wait3A_104] : memref<163840x128xf32, #tpu.memory_space<any>> -> memref<2048x128xf32, #tpu.memory_space<any>>
        tpu.wait_dma2 semaphore(%dma_wait3A_98 : memref<!tpu.dma_semaphore, #tpu.memory_space<semaphore_mem>>) src(%dma_wait3A_105 : memref<2048x128xf32, #tpu.memory_space<any>>) dst(%dma_wait3A_102 : memref<2048x128xf32, #tpu.memory_space<vmem>>)
        %add3A_106 = arith.constant 1 : i32
        %add3A_107 = arith.addi %while3A_95, %add3A_106 : i32
        %lt3A = arith.cmpi slt, %add3A_107, %select_n3A : i32
        %add3A_108 = arith.constant 1 : i32
        %add3A_109 = arith.addi %while3A_95, %add3A_108 : i32
        %mul3A = arith.constant 2048 : i32
        %mul3A_110 = arith.muli %add3A_109, %mul3A : i32
        %add3A_111 = arith.addi %while3A_54, %mul3A_110 : i32
        %add3A_112 = arith.addi %while3A_54, %reduce_sum3A_63 : i32
        %select_n3A_113 = arith.select %lt3A, %add3A_111, %add3A_112 : i32
        %sub3A_114 = arith.constant 1 : i32
        %sub3A_115 = arith.subi %sub3A_114, %while3A_96 : i32
        %dma_start3A_116 = tpu.memref_slice %arg14[%sub3A_115] : memref<2x!tpu.dma_semaphore, #tpu.memory_space<semaphore_mem>> -> memref<1x!tpu.dma_semaphore, #tpu.memory_space<semaphore_mem>>
        %dma_start3A_117 = tpu.memref_squeeze %dma_start3A_116 : memref<1x!tpu.dma_semaphore, #tpu.memory_space<semaphore_mem>> -> memref<!tpu.dma_semaphore, #tpu.memory_space<semaphore_mem>>
        %dma_start3A_118 = arith.constant 0 : i32
        %dma_start3A_119 = arith.constant 0 : i32
        %dma_start3A_120 = tpu.memref_slice %arg13[%sub3A_115, %dma_start3A_118, %dma_start3A_119] : memref<2x2048x128xf32, #tpu.memory_space<vmem>> -> memref<1x2048x128xf32, #tpu.memory_space<vmem>>
        %dma_start3A_121 = tpu.memref_squeeze %dma_start3A_120 : memref<1x2048x128xf32, #tpu.memory_space<vmem>> -> memref<2048x128xf32, #tpu.memory_space<vmem>>
        %dma_start3A_122 = arith.constant 0 : i32
        %dma_start3A_123 = tpu.memref_slice %arg1[%select_n3A_113, %dma_start3A_122] : memref<163840x128xf32, #tpu.memory_space<any>> -> memref<2048x128xf32, #tpu.memory_space<any>>
        tpu.enqueue_dma source(%dma_start3A_123 : memref<2048x128xf32, #tpu.memory_space<any>>) target(%dma_start3A_121 : memref<2048x128xf32, #tpu.memory_space<vmem>>) target_semaphore(%dma_start3A_117 : memref<!tpu.dma_semaphore, #tpu.memory_space<semaphore_mem>>)
        %get3A_124 = arith.index_cast %while3A_96 : i32 to index
        %get3A_125 = arith.constant 0 : index
        %get3A_126 = arith.constant 0 : index
        %get3A_127 = vector.load %arg13[%get3A_124, %get3A_125, %get3A_126] : memref<2x2048x128xf32, #tpu.memory_space<vmem>>, vector<1x2048x128xf32>
        %get3A_128 = vector.shape_cast %get3A_127 : vector<1x2048x128xf32> to vector<2048x128xf32>
        %mul3A_129 = arith.constant 2048 : i32
        %mul3A_130 = arith.muli %while3A_95, %mul3A_129 : i32
        %get3A_131 = arith.index_cast %mul3A_130 : i32 to index
        %get3A_132 = arith.constant 0 : index
        %get3A_133 = vector.load %arg11[%get3A_131, %get3A_132] : memref<10240x128xf32, #tpu.memory_space<vmem>>, vector<2048x128xf32>
        %mul3A_134 = arith.constant 2048 : i32
        %mul3A_135 = arith.muli %while3A_95, %mul3A_134 : i32
        %get3A_136 = arith.index_cast %mul3A_135 : i32 to index
        %get3A_137 = arith.constant 0 : index
        %get3A_138 = vector.load %arg12[%get3A_136, %get3A_137] : memref<10240x128xf32, #tpu.memory_space<vmem>>, vector<2048x128xf32>
        %get3A_139 = arith.constant 0 : index
        %get3A_140 = arith.constant 0 : index
        %get3A_141 = vector.load %arg4[%get3A_139, %get3A_140] : memref<128x512xf32, #tpu.memory_space<vmem>>, vector<128x512xf32>
        %dot_general3A = arith.constant dense<0.000000e+00> : vector<2048x512xf32>
        %dot_general3A_142 = tpu.matmul %get3A_128, %get3A_141, %dot_general3A {dimension_numbers = #tpu.dot_dimension_numbers<[1], [0], [0], [1], [0, 0, 1, 1], [], []>, transpose_lhs_hint = false} : vector<2048x128xf32>, vector<128x512xf32>, vector<2048x512xf32> -> vector<2048x512xf32>
        %get3A_143 = arith.constant 0 : index
        %get3A_144 = arith.constant 0 : index
        %get3A_145 = vector.load %arg5[%get3A_143, %get3A_144] : memref<128x512xf32, #tpu.memory_space<vmem>>, vector<128x512xf32>
        %dot_general3A_146 = arith.constant dense<0.000000e+00> : vector<2048x512xf32>
        %dot_general3A_147 = tpu.matmul %get3A_133, %get3A_145, %dot_general3A_146 {dimension_numbers = #tpu.dot_dimension_numbers<[1], [0], [0], [1], [0, 0, 1, 1], [], []>, transpose_lhs_hint = false} : vector<2048x128xf32>, vector<128x512xf32>, vector<2048x512xf32> -> vector<2048x512xf32>
        %add3A_148 = arith.addf %dot_general3A_142, %dot_general3A_147 : vector<2048x512xf32>
        %get3A_149 = arith.constant 0 : index
        %get3A_150 = arith.constant 0 : index
        %get3A_151 = vector.load %arg6[%get3A_149, %get3A_150] : memref<1x512xf32, #tpu.memory_space<vmem>>, vector<1x512xf32>
        %add3A_152 = vector.broadcast %get3A_151 : vector<1x512xf32> to vector<2048x512xf32>
        %add3A_153 = arith.addf %add3A_148, %add3A_152 : vector<2048x512xf32>
        %slice3A = vector.extract_strided_slice %add3A_153 {offsets = [0, 0], sizes = [2048, 128], strides = [1, 1]} : vector<2048x512xf32> to vector<2048x128xf32>
        %logistic3A = arith.negf %slice3A : vector<2048x128xf32>
        %logistic3A_154 = math.exp %logistic3A : vector<2048x128xf32>
        %logistic3A_155 = arith.constant 1.000000e+00 : f32
        %logistic3A_156 = vector.broadcast %logistic3A_155 : f32 to vector<2048x128xf32>
        %logistic3A_157 = arith.addf %logistic3A_156, %logistic3A_154 : vector<2048x128xf32>
        %logistic3A_158 = arith.divf %logistic3A_156, %logistic3A_157 : vector<2048x128xf32>
        %slice3A_159 = vector.extract_strided_slice %add3A_153 {offsets = [0, 128], sizes = [2048, 128], strides = [1, 1]} : vector<2048x512xf32> to vector<2048x128xf32>
        %logistic3A_160 = arith.negf %slice3A_159 : vector<2048x128xf32>
        %logistic3A_161 = math.exp %logistic3A_160 : vector<2048x128xf32>
        %logistic3A_162 = arith.constant 1.000000e+00 : f32
        %logistic3A_163 = vector.broadcast %logistic3A_162 : f32 to vector<2048x128xf32>
        %logistic3A_164 = arith.addf %logistic3A_163, %logistic3A_161 : vector<2048x128xf32>
        %logistic3A_165 = arith.divf %logistic3A_163, %logistic3A_164 : vector<2048x128xf32>
        %slice3A_166 = vector.extract_strided_slice %add3A_153 {offsets = [0, 256], sizes = [2048, 128], strides = [1, 1]} : vector<2048x512xf32> to vector<2048x128xf32>
        %tanh3A = math.tanh %slice3A_166 : vector<2048x128xf32>
        %slice3A_167 = vector.extract_strided_slice %add3A_153 {offsets = [0, 384], sizes = [2048, 128], strides = [1, 1]} : vector<2048x512xf32> to vector<2048x128xf32>
        %logistic3A_168 = arith.negf %slice3A_167 : vector<2048x128xf32>
        %logistic3A_169 = math.exp %logistic3A_168 : vector<2048x128xf32>
        %logistic3A_170 = arith.constant 1.000000e+00 : f32
        %logistic3A_171 = vector.broadcast %logistic3A_170 : f32 to vector<2048x128xf32>
        %logistic3A_172 = arith.addf %logistic3A_171, %logistic3A_169 : vector<2048x128xf32>
        %logistic3A_173 = arith.divf %logistic3A_171, %logistic3A_172 : vector<2048x128xf32>
        %mul3A_174 = arith.mulf %logistic3A_165, %get3A_138 : vector<2048x128xf32>
        %mul3A_175 = arith.mulf %logistic3A_158, %tanh3A : vector<2048x128xf32>
        %add3A_176 = arith.addf %mul3A_174, %mul3A_175 : vector<2048x128xf32>
        %tanh3A_177 = math.tanh %add3A_176 : vector<2048x128xf32>
        %mul3A_178 = arith.mulf %logistic3A_173, %tanh3A_177 : vector<2048x128xf32>
        %mul3A_179 = arith.constant 2048 : i32
        %mul3A_180 = arith.muli %while3A_95, %mul3A_179 : i32
        %get3A_181 = arith.index_cast %mul3A_180 : i32 to index
        %get3A_182 = arith.constant 0 : index
        %get3A_183 = vector.load %arg3[%get3A_181, %get3A_182] : memref<10240x1xi32, #tpu.memory_space<vmem>>, vector<2048x1xi32>
        %gt3A_184 = vector.broadcast %while3A_53 : i32 to vector<2048x1xi32>
        %gt3A_185 = arith.cmpi sgt, %get3A_183, %gt3A_184 : vector<2048x1xi32>
        %broadcast_in_dim3A_186 = vector.shape_cast %gt3A_185 : vector<2048x1xi1> to vector<2048x1xi1>
        %broadcast_in_dim3A_187 = vector.broadcast %broadcast_in_dim3A_186 : vector<2048x1xi1> to vector<2048x128xi1>
        %select_n3A_188 = arith.select %broadcast_in_dim3A_187, %mul3A_178, %get3A_133 : vector<2048x128xi1>, vector<2048x128xf32>
        %mul3A_189 = arith.constant 2048 : i32
        %mul3A_190 = arith.muli %while3A_95, %mul3A_189 : i32
        %swap3A_191 = arith.index_cast %mul3A_190 : i32 to index
        %swap3A_192 = arith.constant 0 : index
        %swap3A_193 = vector.load %arg11[%swap3A_191, %swap3A_192] : memref<10240x128xf32, #tpu.memory_space<vmem>>, vector<2048x128xf32>
        tpu.vector_store %arg11[%swap3A_191, %swap3A_192], %select_n3A_188 {strides = array<i32>} : memref<10240x128xf32, #tpu.memory_space<vmem>>, vector<2048x128xf32>,
        %broadcast_in_dim3A_194 = vector.shape_cast %gt3A_185 : vector<2048x1xi1> to vector<2048x1xi1>
        %broadcast_in_dim3A_195 = vector.broadcast %broadcast_in_dim3A_194 : vector<2048x1xi1> to vector<2048x128xi1>
        %select_n3A_196 = arith.select %broadcast_in_dim3A_195, %add3A_176, %get3A_138 : vector<2048x128xi1>, vector<2048x128xf32>
        %mul3A_197 = arith.constant 2048 : i32
        %mul3A_198 = arith.muli %while3A_95, %mul3A_197 : i32
        %swap3A_199 = arith.index_cast %mul3A_198 : i32 to index
        %swap3A_200 = arith.constant 0 : index
        %swap3A_201 = vector.load %arg12[%swap3A_199, %swap3A_200] : memref<10240x128xf32, #tpu.memory_space<vmem>>, vector<2048x128xf32>
        tpu.vector_store %arg12[%swap3A_199, %swap3A_200], %select_n3A_196 {strides = array<i32>} : memref<10240x128xf32, #tpu.memory_space<vmem>>, vector<2048x128xf32>,
        %sub3A_202 = arith.constant 1 : i32
        %sub3A_203 = arith.subi %sub3A_202, %while3A_96 : i32
        scf.yield %sub3A_203 : i32
      }
      %while3A_92 = arith.constant 1 : i32
      %while3A_93 = scf.for %while3A_95 = %while3A_89 to %while3A_85 step %while3A_92 iter_args(%while3A_96 = %while3A_91) -> (i32)  : i32 {
        %dma_wait3A_97 = tpu.memref_slice %arg14[%while3A_96] : memref<2x!tpu.dma_semaphore, #tpu.memory_space<semaphore_mem>> -> memref<1x!tpu.dma_semaphore, #tpu.memory_space<semaphore_mem>>
        %dma_wait3A_98 = tpu.memref_squeeze %dma_wait3A_97 : memref<1x!tpu.dma_semaphore, #tpu.memory_space<semaphore_mem>> -> memref<!tpu.dma_semaphore, #tpu.memory_space<semaphore_mem>>
        %dma_wait3A_99 = arith.constant 0 : i32
        %dma_wait3A_100 = arith.constant 0 : i32
        %dma_wait3A_101 = tpu.memref_slice %arg13[%while3A_96, %dma_wait3A_99, %dma_wait3A_100] : memref<2x2048x128xf32, #tpu.memory_space<vmem>> -> memref<1x2048x128xf32, #tpu.memory_space<vmem>>
        %dma_wait3A_102 = tpu.memref_squeeze %dma_wait3A_101 : memref<1x2048x128xf32, #tpu.memory_space<vmem>> -> memref<2048x128xf32, #tpu.memory_space<vmem>>
        %dma_wait3A_103 = arith.constant 0 : i32
        %dma_wait3A_104 = arith.constant 0 : i32
        %dma_wait3A_105 = tpu.memref_slice %arg1[%dma_wait3A_103, %dma_wait3A_104] : memref<163840x128xf32, #tpu.memory_space<any>> -> memref<2048x128xf32, #tpu.memory_space<any>>
        tpu.wait_dma2 semaphore(%dma_wait3A_98 : memref<!tpu.dma_semaphore, #tpu.memory_space<semaphore_mem>>) src(%dma_wait3A_105 : memref<2048x128xf32, #tpu.memory_space<any>>) dst(%dma_wait3A_102 : memref<2048x128xf32, #tpu.memory_space<vmem>>)
        %add3A_106 = arith.constant 1 : i32
        %add3A_107 = arith.addi %while3A_95, %add3A_106 : i32
        %lt3A = arith.cmpi slt, %add3A_107, %select_n3A : i32
        %add3A_108 = arith.constant 1 : i32
        %add3A_109 = arith.addi %while3A_95, %add3A_108 : i32
        %mul3A = arith.constant 2048 : i32
        %mul3A_110 = arith.muli %add3A_109, %mul3A : i32
        %add3A_111 = arith.addi %while3A_54, %mul3A_110 : i32
        %add3A_112 = arith.addi %while3A_54, %reduce_sum3A_63 : i32
        %select_n3A_113 = arith.select %lt3A, %add3A_111, %add3A_112 : i32
        %sub3A_114 = arith.constant 1 : i32
        %sub3A_115 = arith.subi %sub3A_114, %while3A_96 : i32
        %dma_start3A_116 = tpu.memref_slice %arg14[%sub3A_115] : memref<2x!tpu.dma_semaphore, #tpu.memory_space<semaphore_mem>> -> memref<1x!tpu.dma_semaphore, #tpu.memory_space<semaphore_mem>>
        %dma_start3A_117 = tpu.memref_squeeze %dma_start3A_116 : memref<1x!tpu.dma_semaphore, #tpu.memory_space<semaphore_mem>> -> memref<!tpu.dma_semaphore, #tpu.memory_space<semaphore_mem>>
        %dma_start3A_118 = arith.constant 0 : i32
        %dma_start3A_119 = arith.constant 0 : i32
        %dma_start3A_120 = tpu.memref_slice %arg13[%sub3A_115, %dma_start3A_118, %dma_start3A_119] : memref<2x2048x128xf32, #tpu.memory_space<vmem>> -> memref<1x2048x128xf32, #tpu.memory_space<vmem>>
        %dma_start3A_121 = tpu.memref_squeeze %dma_start3A_120 : memref<1x2048x128xf32, #tpu.memory_space<vmem>> -> memref<2048x128xf32, #tpu.memory_space<vmem>>
        %dma_start3A_122 = arith.constant 0 : i32
        %dma_start3A_123 = tpu.memref_slice %arg1[%select_n3A_113, %dma_start3A_122] : memref<163840x128xf32, #tpu.memory_space<any>> -> memref<2048x128xf32, #tpu.memory_space<any>>
        tpu.enqueue_dma source(%dma_start3A_123 : memref<2048x128xf32, #tpu.memory_space<any>>) target(%dma_start3A_121 : memref<2048x128xf32, #tpu.memory_space<vmem>>) target_semaphore(%dma_start3A_117 : memref<!tpu.dma_semaphore, #tpu.memory_space<semaphore_mem>>)
        %get3A_124 = arith.index_cast %while3A_96 : i32 to index
        %get3A_125 = arith.constant 0 : index
        %get3A_126 = arith.constant 0 : index
        %get3A_127 = vector.load %arg13[%get3A_124, %get3A_125, %get3A_126] : memref<2x2048x128xf32, #tpu.memory_space<vmem>>, vector<1x2048x128xf32>
        %get3A_128 = vector.shape_cast %get3A_127 : vector<1x2048x128xf32> to vector<2048x128xf32>
        %mul3A_129 = arith.constant 2048 : i32
        %mul3A_130 = arith.muli %while3A_95, %mul3A_129 : i32
        %get3A_131 = arith.index_cast %mul3A_130 : i32 to index
        %get3A_132 = arith.constant 0 : index
        %get3A_133 = vector.load %arg11[%get3A_131, %get3A_132] : memref<10240x128xf32, #tpu.memory_space<vmem>>, vector<2048x128xf32>
        %mul3A_134 = arith.constant 2048 : i32
        %mul3A_135 = arith.muli %while3A_95, %mul3A_134 : i32
        %get3A_136 = arith.index_cast %mul3A_135 : i32 to index
        %get3A_137 = arith.constant 0 : index
        %get3A_138 = vector.load %arg12[%get3A_136, %get3A_137] : memref<10240x128xf32, #tpu.memory_space<vmem>>, vector<2048x128xf32>
        %get3A_139 = arith.constant 0 : index
        %get3A_140 = arith.constant 0 : index
        %get3A_141 = vector.load %arg4[%get3A_139, %get3A_140] : memref<128x512xf32, #tpu.memory_space<vmem>>, vector<128x512xf32>
        %dot_general3A = arith.constant dense<0.000000e+00> : vector<2048x512xf32>
        %dot_general3A_142 = tpu.matmul %get3A_128, %get3A_141, %dot_general3A {dimension_numbers = #tpu.dot_dimension_numbers<[1], [0], [0], [1], [0, 0, 1, 1], [], []>, transpose_lhs_hint = false} : vector<2048x128xf32>, vector<128x512xf32>, vector<2048x512xf32> -> vector<2048x512xf32>
        %get3A_143 = arith.constant 0 : index
        %get3A_144 = arith.constant 0 : index
        %get3A_145 = vector.load %arg5[%get3A_143, %get3A_144] : memref<128x512xf32, #tpu.memory_space<vmem>>, vector<128x512xf32>
        %dot_general3A_146 = arith.constant dense<0.000000e+00> : vector<2048x512xf32>
        %dot_general3A_147 = tpu.matmul %get3A_133, %get3A_145, %dot_general3A_146 {dimension_numbers = #tpu.dot_dimension_numbers<[1], [0], [0], [1], [0, 0, 1, 1], [], []>, transpose_lhs_hint = false} : vector<2048x128xf32>, vector<128x512xf32>, vector<2048x512xf32> -> vector<2048x512xf32>
        %add3A_148 = arith.addf %dot_general3A_142, %dot_general3A_147 : vector<2048x512xf32>
        %get3A_149 = arith.constant 0 : index
        %get3A_150 = arith.constant 0 : index
        %get3A_151 = vector.load %arg6[%get3A_149, %get3A_150] : memref<1x512xf32, #tpu.memory_space<vmem>>, vector<1x512xf32>
        %add3A_152 = vector.broadcast %get3A_151 : vector<1x512xf32> to vector<2048x512xf32>
        %add3A_153 = arith.addf %add3A_148, %add3A_152 : vector<2048x512xf32>
        %slice3A = vector.extract_strided_slice %add3A_153 {offsets = [0, 0], sizes = [2048, 128], strides = [1, 1]} : vector<2048x512xf32> to vector<2048x128xf32>
        %logistic3A = arith.negf %slice3A : vector<2048x128xf32>
        %logistic3A_154 = math.exp %logistic3A : vector<2048x128xf32>
        %logistic3A_155 = arith.constant 1.000000e+00 : f32
        %logistic3A_156 = vector.broadcast %logistic3A_155 : f32 to vector<2048x128xf32>
        %logistic3A_157 = arith.addf %logistic3A_156, %logistic3A_154 : vector<2048x128xf32>
        %logistic3A_158 = arith.divf %logistic3A_156, %logistic3A_157 : vector<2048x128xf32>
        %slice3A_159 = vector.extract_strided_slice %add3A_153 {offsets = [0, 128], sizes = [2048, 128], strides = [1, 1]} : vector<2048x512xf32> to vector<2048x128xf32>
        %logistic3A_160 = arith.negf %slice3A_159 : vector<2048x128xf32>
        %logistic3A_161 = math.exp %logistic3A_160 : vector<2048x128xf32>
        %logistic3A_162 = arith.constant 1.000000e+00 : f32
        %logistic3A_163 = vector.broadcast %logistic3A_162 : f32 to vector<2048x128xf32>
        %logistic3A_164 = arith.addf %logistic3A_163, %logistic3A_161 : vector<2048x128xf32>
        %logistic3A_165 = arith.divf %logistic3A_163, %logistic3A_164 : vector<2048x128xf32>
        %slice3A_166 = vector.extract_strided_slice %add3A_153 {offsets = [0, 256], sizes = [2048, 128], strides = [1, 1]} : vector<2048x512xf32> to vector<2048x128xf32>
        %tanh3A = math.tanh %slice3A_166 : vector<2048x128xf32>
        %slice3A_167 = vector.extract_strided_slice %add3A_153 {offsets = [0, 384], sizes = [2048, 128], strides = [1, 1]} : vector<2048x512xf32> to vector<2048x128xf32>
        %logistic3A_168 = arith.negf %slice3A_167 : vector<2048x128xf32>
        %logistic3A_169 = math.exp %logistic3A_168 : vector<2048x128xf32>
        %logistic3A_170 = arith.constant 1.000000e+00 : f32
        %logistic3A_171 = vector.broadcast %logistic3A_170 : f32 to vector<2048x128xf32>
        %logistic3A_172 = arith.addf %logistic3A_171, %logistic3A_169 : vector<2048x128xf32>
        %logistic3A_173 = arith.divf %logistic3A_171, %logistic3A_172 : vector<2048x128xf32>
        %mul3A_174 = arith.mulf %logistic3A_165, %get3A_138 : vector<2048x128xf32>
        %mul3A_175 = arith.mulf %logistic3A_158, %tanh3A : vector<2048x128xf32>
        %add3A_176 = arith.addf %mul3A_174, %mul3A_175 : vector<2048x128xf32>
        %tanh3A_177 = math.tanh %add3A_176 : vector<2048x128xf32>
        %mul3A_178 = arith.mulf %logistic3A_173, %tanh3A_177 : vector<2048x128xf32>
        %mul3A_179 = arith.constant 2048 : i32
        %mul3A_180 = arith.muli %while3A_95, %mul3A_179 : i32
        %get3A_181 = arith.index_cast %mul3A_180 : i32 to index
        %get3A_182 = arith.constant 0 : index
        %get3A_183 = vector.load %arg3[%get3A_181, %get3A_182] : memref<10240x1xi32, #tpu.memory_space<vmem>>, vector<2048x1xi32>
        %gt3A_184 = vector.broadcast %while3A_53 : i32 to vector<2048x1xi32>
        %gt3A_185 = arith.cmpi sgt, %get3A_183, %gt3A_184 : vector<2048x1xi32>
        %broadcast_in_dim3A_186 = vector.shape_cast %gt3A_185 : vector<2048x1xi1> to vector<2048x1xi1>
        %broadcast_in_dim3A_187 = vector.broadcast %broadcast_in_dim3A_186 : vector<2048x1xi1> to vector<2048x128xi1>
        %select_n3A_188 = arith.select %broadcast_in_dim3A_187, %mul3A_178, %get3A_133 : vector<2048x128xi1>, vector<2048x128xf32>
        %mul3A_189 = arith.constant 2048 : i32
        %mul3A_190 = arith.muli %while3A_95, %mul3A_189 : i32
        %swap3A_191 = arith.index_cast %mul3A_190 : i32 to index
        %swap3A_192 = arith.constant 0 : index
        %swap3A_193 = vector.load %arg11[%swap3A_191, %swap3A_192] : memref<10240x128xf32, #tpu.memory_space<vmem>>, vector<2048x128xf32>
        tpu.vector_store %arg11[%swap3A_191, %swap3A_192], %select_n3A_188 {strides = array<i32>} : memref<10240x128xf32, #tpu.memory_space<vmem>>, vector<2048x128xf32>,
        %broadcast_in_dim3A_194 = vector.shape_cast %gt3A_185 : vector<2048x1xi1> to vector<2048x1xi1>
        %broadcast_in_dim3A_195 = vector.broadcast %broadcast_in_dim3A_194 : vector<2048x1xi1> to vector<2048x128xi1>
        %select_n3A_196 = arith.select %broadcast_in_dim3A_195, %add3A_176, %get3A_138 : vector<2048x128xi1>, vector<2048x128xf32>
        %mul3A_197 = arith.constant 2048 : i32
        %mul3A_198 = arith.muli %while3A_95, %mul3A_197 : i32
        %swap3A_199 = arith.index_cast %mul3A_198 : i32 to index
        %swap3A_200 = arith.constant 0 : index
        %swap3A_201 = vector.load %arg12[%swap3A_199, %swap3A_200] : memref<10240x128xf32, #tpu.memory_space<vmem>>, vector<2048x128xf32>
        tpu.vector_store %arg12[%swap3A_199, %swap3A_200], %select_n3A_196 {strides = array<i32>} : memref<10240x128xf32, #tpu.memory_space<vmem>>, vector<2048x128xf32>,
        %sub3A_202 = arith.constant 1 : i32
        %sub3A_203 = arith.subi %sub3A_202, %while3A_96 : i32
        scf.yield %sub3A_203 : i32
      }
      %add3A_94 = arith.addi %while3A_54, %reduce_sum3A_63 : i32
      scf.yield %add3A_94, %while3A_93 : i32, i32
    }
    %while3A_38 = arith.constant 1 : i32
    %while3A_39:2 = scf.for %while3A_53 = %while3A_35 to %while3A_31 step %while3A_38 iter_args(%while3A_54 = %while3A_37#0, %while3A_55 = %while3A_37#1) -> (i32, i32)  : i32 {
      %get3A_56 = arith.constant 0 : index
      %get3A_57 = arith.constant 0 : index
      %get3A_58 = vector.load %arg2[%get3A_56, %get3A_57] : memref<80x128xi32, #tpu.memory_space<vmem>>, vector<80x128xi32>
      %gt3A = vector.broadcast %while3A_53 : i32 to vector<80x128xi32>
      %gt3A_59 = arith.cmpi sgt, %get3A_58, %gt3A : vector<80x128xi32>
      %convert_element_type3A = arith.extui %gt3A_59 : vector<80x128xi1> to vector<80x128xi32>
      %reduce_sum3A = vector.shape_cast %convert_element_type3A : vector<80x128xi32> to vector<1x80x128xi32>
      %reduce_sum3A_60 = arith.constant dense<0> : vector<1xi32>
      %reduce_sum3A_61 = vector.multi_reduction <add>, %reduce_sum3A, %reduce_sum3A_60 [1, 2] : vector<1x80x128xi32> to vector<1xi32>
      %reduce_sum3A_62 = vector.shape_cast %reduce_sum3A_61 : vector<1xi32> to vector<1x1x1xi32>
      %reduce_sum3A_63 = vector.extract %reduce_sum3A_62[0, 0, 0] : i32 from vector<1x1x1xi32>
      %add3A = arith.constant 2048 : i32
      %add3A_64 = arith.addi %reduce_sum3A_63, %add3A : i32
      %sub3A = arith.constant 1 : i32
      %sub3A_65 = arith.subi %add3A_64, %sub3A : i32
      %jit3A = arith.constant 2048 : i32
      %div3A = arith.divsi %sub3A_65, %jit3A : i32
      %sign3A = arith.constant 0 : i32
      %sign3A_66 = arith.cmpi sgt, %sub3A_65, %sign3A : i32
      %sign3A_67 = arith.extui %sign3A_66 : i1 to i32
      %sign3A_68 = arith.constant 0 : i32
      %sign3A_69 = arith.cmpi slt, %sub3A_65, %sign3A_68 : i32
      %sign3A_70 = arith.extui %sign3A_69 : i1 to i32
      %sign3A_71 = arith.subi %sign3A_67, %sign3A_70 : i32
      %sign3A_72 = arith.constant 0 : i32
      %sign3A_73 = arith.cmpi sgt, %jit3A, %sign3A_72 : i32
      %sign3A_74 = arith.extui %sign3A_73 : i1 to i32
      %sign3A_75 = arith.constant 0 : i32
      %sign3A_76 = arith.cmpi slt, %jit3A, %sign3A_75 : i32
      %sign3A_77 = arith.extui %sign3A_76 : i1 to i32
      %sign3A_78 = arith.subi %sign3A_74, %sign3A_77 : i32
      %ne3A = arith.cmpi ne, %sign3A_71, %sign3A_78 : i32
      %rem3A = arith.remsi %sub3A_65, %jit3A : i32
      %ne3A_79 = arith.constant 0 : i32
      %ne3A_80 = arith.cmpi ne, %rem3A, %ne3A_79 : i32
      %and3A = arith.andi %ne3A, %ne3A_80 : i1
      %sub3A_81 = arith.constant 1 : i32
      %sub3A_82 = arith.subi %div3A, %sub3A_81 : i32
      %select_n3A = arith.select %and3A, %sub3A_82, %div3A : i32
      %while3A_83 = arith.constant 0 : i32
      %while3A_84 = arith.subi %select_n3A, %while3A_83 : i32
      %while3A_85 = arith.addi %while3A_83, %while3A_84 : i32
      %while3A_86 = arith.constant 1 : i32
      %while3A_87 = arith.divsi %while3A_84, %while3A_86 : i32
      %while3A_88 = arith.muli %while3A_87, %while3A_86 : i32
      %while3A_89 = arith.addi %while3A_83, %while3A_88 : i32
      %while3A_90 = arith.constant 1 : i32
      %while3A_91 = scf.for %while3A_95 = %while3A_83 to %while3A_89 step %while3A_90 iter_args(%while3A_96 = %while3A_55) -> (i32)  : i32 {
        %dma_wait3A_97 = tpu.memref_slice %arg14[%while3A_96] : memref<2x!tpu.dma_semaphore, #tpu.memory_space<semaphore_mem>> -> memref<1x!tpu.dma_semaphore, #tpu.memory_space<semaphore_mem>>
        %dma_wait3A_98 = tpu.memref_squeeze %dma_wait3A_97 : memref<1x!tpu.dma_semaphore, #tpu.memory_space<semaphore_mem>> -> memref<!tpu.dma_semaphore, #tpu.memory_space<semaphore_mem>>
        %dma_wait3A_99 = arith.constant 0 : i32
        %dma_wait3A_100 = arith.constant 0 : i32
        %dma_wait3A_101 = tpu.memref_slice %arg13[%while3A_96, %dma_wait3A_99, %dma_wait3A_100] : memref<2x2048x128xf32, #tpu.memory_space<vmem>> -> memref<1x2048x128xf32, #tpu.memory_space<vmem>>
        %dma_wait3A_102 = tpu.memref_squeeze %dma_wait3A_101 : memref<1x2048x128xf32, #tpu.memory_space<vmem>> -> memref<2048x128xf32, #tpu.memory_space<vmem>>
        %dma_wait3A_103 = arith.constant 0 : i32
        %dma_wait3A_104 = arith.constant 0 : i32
        %dma_wait3A_105 = tpu.memref_slice %arg1[%dma_wait3A_103, %dma_wait3A_104] : memref<163840x128xf32, #tpu.memory_space<any>> -> memref<2048x128xf32, #tpu.memory_space<any>>
        tpu.wait_dma2 semaphore(%dma_wait3A_98 : memref<!tpu.dma_semaphore, #tpu.memory_space<semaphore_mem>>) src(%dma_wait3A_105 : memref<2048x128xf32, #tpu.memory_space<any>>) dst(%dma_wait3A_102 : memref<2048x128xf32, #tpu.memory_space<vmem>>)
        %add3A_106 = arith.constant 1 : i32
        %add3A_107 = arith.addi %while3A_95, %add3A_106 : i32
        %lt3A = arith.cmpi slt, %add3A_107, %select_n3A : i32
        %add3A_108 = arith.constant 1 : i32
        %add3A_109 = arith.addi %while3A_95, %add3A_108 : i32
        %mul3A = arith.constant 2048 : i32
        %mul3A_110 = arith.muli %add3A_109, %mul3A : i32
        %add3A_111 = arith.addi %while3A_54, %mul3A_110 : i32
        %add3A_112 = arith.addi %while3A_54, %reduce_sum3A_63 : i32
        %select_n3A_113 = arith.select %lt3A, %add3A_111, %add3A_112 : i32
        %sub3A_114 = arith.constant 1 : i32
        %sub3A_115 = arith.subi %sub3A_114, %while3A_96 : i32
        %dma_start3A_116 = tpu.memref_slice %arg14[%sub3A_115] : memref<2x!tpu.dma_semaphore, #tpu.memory_space<semaphore_mem>> -> memref<1x!tpu.dma_semaphore, #tpu.memory_space<semaphore_mem>>
        %dma_start3A_117 = tpu.memref_squeeze %dma_start3A_116 : memref<1x!tpu.dma_semaphore, #tpu.memory_space<semaphore_mem>> -> memref<!tpu.dma_semaphore, #tpu.memory_space<semaphore_mem>>
        %dma_start3A_118 = arith.constant 0 : i32
        %dma_start3A_119 = arith.constant 0 : i32
        %dma_start3A_120 = tpu.memref_slice %arg13[%sub3A_115, %dma_start3A_118, %dma_start3A_119] : memref<2x2048x128xf32, #tpu.memory_space<vmem>> -> memref<1x2048x128xf32, #tpu.memory_space<vmem>>
        %dma_start3A_121 = tpu.memref_squeeze %dma_start3A_120 : memref<1x2048x128xf32, #tpu.memory_space<vmem>> -> memref<2048x128xf32, #tpu.memory_space<vmem>>
        %dma_start3A_122 = arith.constant 0 : i32
        %dma_start3A_123 = tpu.memref_slice %arg1[%select_n3A_113, %dma_start3A_122] : memref<163840x128xf32, #tpu.memory_space<any>> -> memref<2048x128xf32, #tpu.memory_space<any>>
        tpu.enqueue_dma source(%dma_start3A_123 : memref<2048x128xf32, #tpu.memory_space<any>>) target(%dma_start3A_121 : memref<2048x128xf32, #tpu.memory_space<vmem>>) target_semaphore(%dma_start3A_117 : memref<!tpu.dma_semaphore, #tpu.memory_space<semaphore_mem>>)
        %get3A_124 = arith.index_cast %while3A_96 : i32 to index
        %get3A_125 = arith.constant 0 : index
        %get3A_126 = arith.constant 0 : index
        %get3A_127 = vector.load %arg13[%get3A_124, %get3A_125, %get3A_126] : memref<2x2048x128xf32, #tpu.memory_space<vmem>>, vector<1x2048x128xf32>
        %get3A_128 = vector.shape_cast %get3A_127 : vector<1x2048x128xf32> to vector<2048x128xf32>
        %mul3A_129 = arith.constant 2048 : i32
        %mul3A_130 = arith.muli %while3A_95, %mul3A_129 : i32
        %get3A_131 = arith.index_cast %mul3A_130 : i32 to index
        %get3A_132 = arith.constant 0 : index
        %get3A_133 = vector.load %arg11[%get3A_131, %get3A_132] : memref<10240x128xf32, #tpu.memory_space<vmem>>, vector<2048x128xf32>
        %mul3A_134 = arith.constant 2048 : i32
        %mul3A_135 = arith.muli %while3A_95, %mul3A_134 : i32
        %get3A_136 = arith.index_cast %mul3A_135 : i32 to index
        %get3A_137 = arith.constant 0 : index
        %get3A_138 = vector.load %arg12[%get3A_136, %get3A_137] : memref<10240x128xf32, #tpu.memory_space<vmem>>, vector<2048x128xf32>
        %get3A_139 = arith.constant 0 : index
        %get3A_140 = arith.constant 0 : index
        %get3A_141 = vector.load %arg4[%get3A_139, %get3A_140] : memref<128x512xf32, #tpu.memory_space<vmem>>, vector<128x512xf32>
        %dot_general3A = arith.constant dense<0.000000e+00> : vector<2048x512xf32>
        %dot_general3A_142 = tpu.matmul %get3A_128, %get3A_141, %dot_general3A {dimension_numbers = #tpu.dot_dimension_numbers<[1], [0], [0], [1], [0, 0, 1, 1], [], []>, transpose_lhs_hint = false} : vector<2048x128xf32>, vector<128x512xf32>, vector<2048x512xf32> -> vector<2048x512xf32>
        %get3A_143 = arith.constant 0 : index
        %get3A_144 = arith.constant 0 : index
        %get3A_145 = vector.load %arg5[%get3A_143, %get3A_144] : memref<128x512xf32, #tpu.memory_space<vmem>>, vector<128x512xf32>
        %dot_general3A_146 = arith.constant dense<0.000000e+00> : vector<2048x512xf32>
        %dot_general3A_147 = tpu.matmul %get3A_133, %get3A_145, %dot_general3A_146 {dimension_numbers = #tpu.dot_dimension_numbers<[1], [0], [0], [1], [0, 0, 1, 1], [], []>, transpose_lhs_hint = false} : vector<2048x128xf32>, vector<128x512xf32>, vector<2048x512xf32> -> vector<2048x512xf32>
        %add3A_148 = arith.addf %dot_general3A_142, %dot_general3A_147 : vector<2048x512xf32>
        %get3A_149 = arith.constant 0 : index
        %get3A_150 = arith.constant 0 : index
        %get3A_151 = vector.load %arg6[%get3A_149, %get3A_150] : memref<1x512xf32, #tpu.memory_space<vmem>>, vector<1x512xf32>
        %add3A_152 = vector.broadcast %get3A_151 : vector<1x512xf32> to vector<2048x512xf32>
        %add3A_153 = arith.addf %add3A_148, %add3A_152 : vector<2048x512xf32>
        %slice3A = vector.extract_strided_slice %add3A_153 {offsets = [0, 0], sizes = [2048, 128], strides = [1, 1]} : vector<2048x512xf32> to vector<2048x128xf32>
        %logistic3A = arith.negf %slice3A : vector<2048x128xf32>
        %logistic3A_154 = math.exp %logistic3A : vector<2048x128xf32>
        %logistic3A_155 = arith.constant 1.000000e+00 : f32
        %logistic3A_156 = vector.broadcast %logistic3A_155 : f32 to vector<2048x128xf32>
        %logistic3A_157 = arith.addf %logistic3A_156, %logistic3A_154 : vector<2048x128xf32>
        %logistic3A_158 = arith.divf %logistic3A_156, %logistic3A_157 : vector<2048x128xf32>
        %slice3A_159 = vector.extract_strided_slice %add3A_153 {offsets = [0, 128], sizes = [2048, 128], strides = [1, 1]} : vector<2048x512xf32> to vector<2048x128xf32>
        %logistic3A_160 = arith.negf %slice3A_159 : vector<2048x128xf32>
        %logistic3A_161 = math.exp %logistic3A_160 : vector<2048x128xf32>
        %logistic3A_162 = arith.constant 1.000000e+00 : f32
        %logistic3A_163 = vector.broadcast %logistic3A_162 : f32 to vector<2048x128xf32>
        %logistic3A_164 = arith.addf %logistic3A_163, %logistic3A_161 : vector<2048x128xf32>
        %logistic3A_165 = arith.divf %logistic3A_163, %logistic3A_164 : vector<2048x128xf32>
        %slice3A_166 = vector.extract_strided_slice %add3A_153 {offsets = [0, 256], sizes = [2048, 128], strides = [1, 1]} : vector<2048x512xf32> to vector<2048x128xf32>
        %tanh3A = math.tanh %slice3A_166 : vector<2048x128xf32>
        %slice3A_167 = vector.extract_strided_slice %add3A_153 {offsets = [0, 384], sizes = [2048, 128], strides = [1, 1]} : vector<2048x512xf32> to vector<2048x128xf32>
        %logistic3A_168 = arith.negf %slice3A_167 : vector<2048x128xf32>
        %logistic3A_169 = math.exp %logistic3A_168 : vector<2048x128xf32>
        %logistic3A_170 = arith.constant 1.000000e+00 : f32
        %logistic3A_171 = vector.broadcast %logistic3A_170 : f32 to vector<2048x128xf32>
        %logistic3A_172 = arith.addf %logistic3A_171, %logistic3A_169 : vector<2048x128xf32>
        %logistic3A_173 = arith.divf %logistic3A_171, %logistic3A_172 : vector<2048x128xf32>
        %mul3A_174 = arith.mulf %logistic3A_165, %get3A_138 : vector<2048x128xf32>
        %mul3A_175 = arith.mulf %logistic3A_158, %tanh3A : vector<2048x128xf32>
        %add3A_176 = arith.addf %mul3A_174, %mul3A_175 : vector<2048x128xf32>
        %tanh3A_177 = math.tanh %add3A_176 : vector<2048x128xf32>
        %mul3A_178 = arith.mulf %logistic3A_173, %tanh3A_177 : vector<2048x128xf32>
        %mul3A_179 = arith.constant 2048 : i32
        %mul3A_180 = arith.muli %while3A_95, %mul3A_179 : i32
        %get3A_181 = arith.index_cast %mul3A_180 : i32 to index
        %get3A_182 = arith.constant 0 : index
        %get3A_183 = vector.load %arg3[%get3A_181, %get3A_182] : memref<10240x1xi32, #tpu.memory_space<vmem>>, vector<2048x1xi32>
        %gt3A_184 = vector.broadcast %while3A_53 : i32 to vector<2048x1xi32>
        %gt3A_185 = arith.cmpi sgt, %get3A_183, %gt3A_184 : vector<2048x1xi32>
        %broadcast_in_dim3A_186 = vector.shape_cast %gt3A_185 : vector<2048x1xi1> to vector<2048x1xi1>
        %broadcast_in_dim3A_187 = vector.broadcast %broadcast_in_dim3A_186 : vector<2048x1xi1> to vector<2048x128xi1>
        %select_n3A_188 = arith.select %broadcast_in_dim3A_187, %mul3A_178, %get3A_133 : vector<2048x128xi1>, vector<2048x128xf32>
        %mul3A_189 = arith.constant 2048 : i32
        %mul3A_190 = arith.muli %while3A_95, %mul3A_189 : i32
        %swap3A_191 = arith.index_cast %mul3A_190 : i32 to index
        %swap3A_192 = arith.constant 0 : index
        %swap3A_193 = vector.load %arg11[%swap3A_191, %swap3A_192] : memref<10240x128xf32, #tpu.memory_space<vmem>>, vector<2048x128xf32>
        tpu.vector_store %arg11[%swap3A_191, %swap3A_192], %select_n3A_188 {strides = array<i32>} : memref<10240x128xf32, #tpu.memory_space<vmem>>, vector<2048x128xf32>,
        %broadcast_in_dim3A_194 = vector.shape_cast %gt3A_185 : vector<2048x1xi1> to vector<2048x1xi1>
        %broadcast_in_dim3A_195 = vector.broadcast %broadcast_in_dim3A_194 : vector<2048x1xi1> to vector<2048x128xi1>
        %select_n3A_196 = arith.select %broadcast_in_dim3A_195, %add3A_176, %get3A_138 : vector<2048x128xi1>, vector<2048x128xf32>
        %mul3A_197 = arith.constant 2048 : i32
        %mul3A_198 = arith.muli %while3A_95, %mul3A_197 : i32
        %swap3A_199 = arith.index_cast %mul3A_198 : i32 to index
        %swap3A_200 = arith.constant 0 : index
        %swap3A_201 = vector.load %arg12[%swap3A_199, %swap3A_200] : memref<10240x128xf32, #tpu.memory_space<vmem>>, vector<2048x128xf32>
        tpu.vector_store %arg12[%swap3A_199, %swap3A_200], %select_n3A_196 {strides = array<i32>} : memref<10240x128xf32, #tpu.memory_space<vmem>>, vector<2048x128xf32>,
        %sub3A_202 = arith.constant 1 : i32
        %sub3A_203 = arith.subi %sub3A_202, %while3A_96 : i32
        scf.yield %sub3A_203 : i32
      }
      %while3A_92 = arith.constant 1 : i32
      %while3A_93 = scf.for %while3A_95 = %while3A_89 to %while3A_85 step %while3A_92 iter_args(%while3A_96 = %while3A_91) -> (i32)  : i32 {
        %dma_wait3A_97 = tpu.memref_slice %arg14[%while3A_96] : memref<2x!tpu.dma_semaphore, #tpu.memory_space<semaphore_mem>> -> memref<1x!tpu.dma_semaphore, #tpu.memory_space<semaphore_mem>>
        %dma_wait3A_98 = tpu.memref_squeeze %dma_wait3A_97 : memref<1x!tpu.dma_semaphore, #tpu.memory_space<semaphore_mem>> -> memref<!tpu.dma_semaphore, #tpu.memory_space<semaphore_mem>>
        %dma_wait3A_99 = arith.constant 0 : i32
        %dma_wait3A_100 = arith.constant 0 : i32
        %dma_wait3A_101 = tpu.memref_slice %arg13[%while3A_96, %dma_wait3A_99, %dma_wait3A_100] : memref<2x2048x128xf32, #tpu.memory_space<vmem>> -> memref<1x2048x128xf32, #tpu.memory_space<vmem>>
        %dma_wait3A_102 = tpu.memref_squeeze %dma_wait3A_101 : memref<1x2048x128xf32, #tpu.memory_space<vmem>> -> memref<2048x128xf32, #tpu.memory_space<vmem>>
        %dma_wait3A_103 = arith.constant 0 : i32
        %dma_wait3A_104 = arith.constant 0 : i32
        %dma_wait3A_105 = tpu.memref_slice %arg1[%dma_wait3A_103, %dma_wait3A_104] : memref<163840x128xf32, #tpu.memory_space<any>> -> memref<2048x128xf32, #tpu.memory_space<any>>
        tpu.wait_dma2 semaphore(%dma_wait3A_98 : memref<!tpu.dma_semaphore, #tpu.memory_space<semaphore_mem>>) src(%dma_wait3A_105 : memref<2048x128xf32, #tpu.memory_space<any>>) dst(%dma_wait3A_102 : memref<2048x128xf32, #tpu.memory_space<vmem>>)
        %add3A_106 = arith.constant 1 : i32
        %add3A_107 = arith.addi %while3A_95, %add3A_106 : i32
        %lt3A = arith.cmpi slt, %add3A_107, %select_n3A : i32
        %add3A_108 = arith.constant 1 : i32
        %add3A_109 = arith.addi %while3A_95, %add3A_108 : i32
        %mul3A = arith.constant 2048 : i32
        %mul3A_110 = arith.muli %add3A_109, %mul3A : i32
        %add3A_111 = arith.addi %while3A_54, %mul3A_110 : i32
        %add3A_112 = arith.addi %while3A_54, %reduce_sum3A_63 : i32
        %select_n3A_113 = arith.select %lt3A, %add3A_111, %add3A_112 : i32
        %sub3A_114 = arith.constant 1 : i32
        %sub3A_115 = arith.subi %sub3A_114, %while3A_96 : i32
        %dma_start3A_116 = tpu.memref_slice %arg14[%sub3A_115] : memref<2x!tpu.dma_semaphore, #tpu.memory_space<semaphore_mem>> -> memref<1x!tpu.dma_semaphore, #tpu.memory_space<semaphore_mem>>
        %dma_start3A_117 = tpu.memref_squeeze %dma_start3A_116 : memref<1x!tpu.dma_semaphore, #tpu.memory_space<semaphore_mem>> -> memref<!tpu.dma_semaphore, #tpu.memory_space<semaphore_mem>>
        %dma_start3A_118 = arith.constant 0 : i32
        %dma_start3A_119 = arith.constant 0 : i32
        %dma_start3A_120 = tpu.memref_slice %arg13[%sub3A_115, %dma_start3A_118, %dma_start3A_119] : memref<2x2048x128xf32, #tpu.memory_space<vmem>> -> memref<1x2048x128xf32, #tpu.memory_space<vmem>>
        %dma_start3A_121 = tpu.memref_squeeze %dma_start3A_120 : memref<1x2048x128xf32, #tpu.memory_space<vmem>> -> memref<2048x128xf32, #tpu.memory_space<vmem>>
        %dma_start3A_122 = arith.constant 0 : i32
        %dma_start3A_123 = tpu.memref_slice %arg1[%select_n3A_113, %dma_start3A_122] : memref<163840x128xf32, #tpu.memory_space<any>> -> memref<2048x128xf32, #tpu.memory_space<any>>
        tpu.enqueue_dma source(%dma_start3A_123 : memref<2048x128xf32, #tpu.memory_space<any>>) target(%dma_start3A_121 : memref<2048x128xf32, #tpu.memory_space<vmem>>) target_semaphore(%dma_start3A_117 : memref<!tpu.dma_semaphore, #tpu.memory_space<semaphore_mem>>)
        %get3A_124 = arith.index_cast %while3A_96 : i32 to index
        %get3A_125 = arith.constant 0 : index
        %get3A_126 = arith.constant 0 : index
        %get3A_127 = vector.load %arg13[%get3A_124, %get3A_125, %get3A_126] : memref<2x2048x128xf32, #tpu.memory_space<vmem>>, vector<1x2048x128xf32>
        %get3A_128 = vector.shape_cast %get3A_127 : vector<1x2048x128xf32> to vector<2048x128xf32>
        %mul3A_129 = arith.constant 2048 : i32
        %mul3A_130 = arith.muli %while3A_95, %mul3A_129 : i32
        %get3A_131 = arith.index_cast %mul3A_130 : i32 to index
        %get3A_132 = arith.constant 0 : index
        %get3A_133 = vector.load %arg11[%get3A_131, %get3A_132] : memref<10240x128xf32, #tpu.memory_space<vmem>>, vector<2048x128xf32>
        %mul3A_134 = arith.constant 2048 : i32
        %mul3A_135 = arith.muli %while3A_95, %mul3A_134 : i32
        %get3A_136 = arith.index_cast %mul3A_135 : i32 to index
        %get3A_137 = arith.constant 0 : index
        %get3A_138 = vector.load %arg12[%get3A_136, %get3A_137] : memref<10240x128xf32, #tpu.memory_space<vmem>>, vector<2048x128xf32>
        %get3A_139 = arith.constant 0 : index
        %get3A_140 = arith.constant 0 : index
        %get3A_141 = vector.load %arg4[%get3A_139, %get3A_140] : memref<128x512xf32, #tpu.memory_space<vmem>>, vector<128x512xf32>
        %dot_general3A = arith.constant dense<0.000000e+00> : vector<2048x512xf32>
        %dot_general3A_142 = tpu.matmul %get3A_128, %get3A_141, %dot_general3A {dimension_numbers = #tpu.dot_dimension_numbers<[1], [0], [0], [1], [0, 0, 1, 1], [], []>, transpose_lhs_hint = false} : vector<2048x128xf32>, vector<128x512xf32>, vector<2048x512xf32> -> vector<2048x512xf32>
        %get3A_143 = arith.constant 0 : index
        %get3A_144 = arith.constant 0 : index
        %get3A_145 = vector.load %arg5[%get3A_143, %get3A_144] : memref<128x512xf32, #tpu.memory_space<vmem>>, vector<128x512xf32>
        %dot_general3A_146 = arith.constant dense<0.000000e+00> : vector<2048x512xf32>
        %dot_general3A_147 = tpu.matmul %get3A_133, %get3A_145, %dot_general3A_146 {dimension_numbers = #tpu.dot_dimension_numbers<[1], [0], [0], [1], [0, 0, 1, 1], [], []>, transpose_lhs_hint = false} : vector<2048x128xf32>, vector<128x512xf32>, vector<2048x512xf32> -> vector<2048x512xf32>
        %add3A_148 = arith.addf %dot_general3A_142, %dot_general3A_147 : vector<2048x512xf32>
        %get3A_149 = arith.constant 0 : index
        %get3A_150 = arith.constant 0 : index
        %get3A_151 = vector.load %arg6[%get3A_149, %get3A_150] : memref<1x512xf32, #tpu.memory_space<vmem>>, vector<1x512xf32>
        %add3A_152 = vector.broadcast %get3A_151 : vector<1x512xf32> to vector<2048x512xf32>
        %add3A_153 = arith.addf %add3A_148, %add3A_152 : vector<2048x512xf32>
        %slice3A = vector.extract_strided_slice %add3A_153 {offsets = [0, 0], sizes = [2048, 128], strides = [1, 1]} : vector<2048x512xf32> to vector<2048x128xf32>
        %logistic3A = arith.negf %slice3A : vector<2048x128xf32>
        %logistic3A_154 = math.exp %logistic3A : vector<2048x128xf32>
        %logistic3A_155 = arith.constant 1.000000e+00 : f32
        %logistic3A_156 = vector.broadcast %logistic3A_155 : f32 to vector<2048x128xf32>
        %logistic3A_157 = arith.addf %logistic3A_156, %logistic3A_154 : vector<2048x128xf32>
        %logistic3A_158 = arith.divf %logistic3A_156, %logistic3A_157 : vector<2048x128xf32>
        %slice3A_159 = vector.extract_strided_slice %add3A_153 {offsets = [0, 128], sizes = [2048, 128], strides = [1, 1]} : vector<2048x512xf32> to vector<2048x128xf32>
        %logistic3A_160 = arith.negf %slice3A_159 : vector<2048x128xf32>
        %logistic3A_161 = math.exp %logistic3A_160 : vector<2048x128xf32>
        %logistic3A_162 = arith.constant 1.000000e+00 : f32
        %logistic3A_163 = vector.broadcast %logistic3A_162 : f32 to vector<2048x128xf32>
        %logistic3A_164 = arith.addf %logistic3A_163, %logistic3A_161 : vector<2048x128xf32>
        %logistic3A_165 = arith.divf %logistic3A_163, %logistic3A_164 : vector<2048x128xf32>
        %slice3A_166 = vector.extract_strided_slice %add3A_153 {offsets = [0, 256], sizes = [2048, 128], strides = [1, 1]} : vector<2048x512xf32> to vector<2048x128xf32>
        %tanh3A = math.tanh %slice3A_166 : vector<2048x128xf32>
        %slice3A_167 = vector.extract_strided_slice %add3A_153 {offsets = [0, 384], sizes = [2048, 128], strides = [1, 1]} : vector<2048x512xf32> to vector<2048x128xf32>
        %logistic3A_168 = arith.negf %slice3A_167 : vector<2048x128xf32>
        %logistic3A_169 = math.exp %logistic3A_168 : vector<2048x128xf32>
        %logistic3A_170 = arith.constant 1.000000e+00 : f32
        %logistic3A_171 = vector.broadcast %logistic3A_170 : f32 to vector<2048x128xf32>
        %logistic3A_172 = arith.addf %logistic3A_171, %logistic3A_169 : vector<2048x128xf32>
        %logistic3A_173 = arith.divf %logistic3A_171, %logistic3A_172 : vector<2048x128xf32>
        %mul3A_174 = arith.mulf %logistic3A_165, %get3A_138 : vector<2048x128xf32>
        %mul3A_175 = arith.mulf %logistic3A_158, %tanh3A : vector<2048x128xf32>
        %add3A_176 = arith.addf %mul3A_174, %mul3A_175 : vector<2048x128xf32>
        %tanh3A_177 = math.tanh %add3A_176 : vector<2048x128xf32>
        %mul3A_178 = arith.mulf %logistic3A_173, %tanh3A_177 : vector<2048x128xf32>
        %mul3A_179 = arith.constant 2048 : i32
        %mul3A_180 = arith.muli %while3A_95, %mul3A_179 : i32
        %get3A_181 = arith.index_cast %mul3A_180 : i32 to index
        %get3A_182 = arith.constant 0 : index
        %get3A_183 = vector.load %arg3[%get3A_181, %get3A_182] : memref<10240x1xi32, #tpu.memory_space<vmem>>, vector<2048x1xi32>
        %gt3A_184 = vector.broadcast %while3A_53 : i32 to vector<2048x1xi32>
        %gt3A_185 = arith.cmpi sgt, %get3A_183, %gt3A_184 : vector<2048x1xi32>
        %broadcast_in_dim3A_186 = vector.shape_cast %gt3A_185 : vector<2048x1xi1> to vector<2048x1xi1>
        %broadcast_in_dim3A_187 = vector.broadcast %broadcast_in_dim3A_186 : vector<2048x1xi1> to vector<2048x128xi1>
        %select_n3A_188 = arith.select %broadcast_in_dim3A_187, %mul3A_178, %get3A_133 : vector<2048x128xi1>, vector<2048x128xf32>
        %mul3A_189 = arith.constant 2048 : i32
        %mul3A_190 = arith.muli %while3A_95, %mul3A_189 : i32
        %swap3A_191 = arith.index_cast %mul3A_190 : i32 to index
        %swap3A_192 = arith.constant 0 : index
        %swap3A_193 = vector.load %arg11[%swap3A_191, %swap3A_192] : memref<10240x128xf32, #tpu.memory_space<vmem>>, vector<2048x128xf32>
        tpu.vector_store %arg11[%swap3A_191, %swap3A_192], %select_n3A_188 {strides = array<i32>} : memref<10240x128xf32, #tpu.memory_space<vmem>>, vector<2048x128xf32>,
        %broadcast_in_dim3A_194 = vector.shape_cast %gt3A_185 : vector<2048x1xi1> to vector<2048x1xi1>
        %broadcast_in_dim3A_195 = vector.broadcast %broadcast_in_dim3A_194 : vector<2048x1xi1> to vector<2048x128xi1>
        %select_n3A_196 = arith.select %broadcast_in_dim3A_195, %add3A_176, %get3A_138 : vector<2048x128xi1>, vector<2048x128xf32>
        %mul3A_197 = arith.constant 2048 : i32
        %mul3A_198 = arith.muli %while3A_95, %mul3A_197 : i32
        %swap3A_199 = arith.index_cast %mul3A_198 : i32 to index
        %swap3A_200 = arith.constant 0 : index
        %swap3A_201 = vector.load %arg12[%swap3A_199, %swap3A_200] : memref<10240x128xf32, #tpu.memory_space<vmem>>, vector<2048x128xf32>
        tpu.vector_store %arg12[%swap3A_199, %swap3A_200], %select_n3A_196 {strides = array<i32>} : memref<10240x128xf32, #tpu.memory_space<vmem>>, vector<2048x128xf32>,
        %sub3A_202 = arith.constant 1 : i32
        %sub3A_203 = arith.subi %sub3A_202, %while3A_96 : i32
        scf.yield %sub3A_203 : i32
      }
      %add3A_94 = arith.addi %while3A_54, %reduce_sum3A_63 : i32
      scf.yield %add3A_94, %while3A_93 : i32, i32
    }
    %dma_wait3A = tpu.memref_slice %arg14[%while3A_39#1] : memref<2x!tpu.dma_semaphore, #tpu.memory_space<semaphore_mem>> -> memref<1x!tpu.dma_semaphore, #tpu.memory_space<semaphore_mem>>
    %dma_wait3A_40 = tpu.memref_squeeze %dma_wait3A : memref<1x!tpu.dma_semaphore, #tpu.memory_space<semaphore_mem>> -> memref<!tpu.dma_semaphore, #tpu.memory_space<semaphore_mem>>
    %dma_wait3A_41 = arith.constant 0 : i32
    %dma_wait3A_42 = arith.constant 0 : i32
    %dma_wait3A_43 = tpu.memref_slice %arg13[%while3A_39#1, %dma_wait3A_41, %dma_wait3A_42] : memref<2x2048x128xf32, #tpu.memory_space<vmem>> -> memref<1x2048x128xf32, #tpu.memory_space<vmem>>
    %dma_wait3A_44 = tpu.memref_squeeze %dma_wait3A_43 : memref<1x2048x128xf32, #tpu.memory_space<vmem>> -> memref<2048x128xf32, #tpu.memory_space<vmem>>
    %dma_wait3A_45 = arith.constant 0 : i32
    %dma_wait3A_46 = arith.constant 0 : i32
    %dma_wait3A_47 = tpu.memref_slice %arg1[%dma_wait3A_45, %dma_wait3A_46] : memref<163840x128xf32, #tpu.memory_space<any>> -> memref<2048x128xf32, #tpu.memory_space<any>>
    tpu.wait_dma2 semaphore(%dma_wait3A_40 : memref<!tpu.dma_semaphore, #tpu.memory_space<semaphore_mem>>) src(%dma_wait3A_47 : memref<2048x128xf32, #tpu.memory_space<any>>) dst(%dma_wait3A_44 : memref<2048x128xf32, #tpu.memory_space<vmem>>)
    %scan3A_48 = arith.constant 0 : i32
    %scan3A_49 = arith.constant 5 : i32
    %scan3A_50 = arith.addi %scan3A_48, %scan3A_49 : i32
    %scan3A_51 = arith.constant 1 : i32
    scf.for %scan3A_53 = %scan3A_48 to %scan3A_50 step %scan3A_51  : i32 {
      %mul3A = arith.constant 2048 : i32
      %mul3A_54 = arith.muli %scan3A_53, %mul3A : i32
      %get3A_55 = arith.index_cast %mul3A_54 : i32 to index
      %get3A_56 = arith.constant 0 : index
      %get3A_57 = vector.load %arg11[%get3A_55, %get3A_56] : memref<10240x128xf32, #tpu.memory_space<vmem>>, vector<2048x128xf32>
      %mul3A_58 = arith.constant 2048 : i32
      %mul3A_59 = arith.muli %scan3A_53, %mul3A_58 : i32
      %get3A_60 = arith.index_cast %mul3A_59 : i32 to index
      %get3A_61 = arith.constant 0 : index
      %get3A_62 = vector.load %arg10[%get3A_60, %get3A_61] : memref<10240x128xf32, #tpu.memory_space<vmem>>, vector<2048x128xf32>
      %get3A_63 = arith.constant 0 : index
      %get3A_64 = arith.constant 0 : index
      %get3A_65 = vector.load %arg9[%get3A_63, %get3A_64] : memref<128x128xf32, #tpu.memory_space<vmem>>, vector<128x128xf32>
      %dot_general3A = arith.constant dense<0.000000e+00> : vector<2048x128xf32>
      %dot_general3A_66 = tpu.matmul %get3A_57, %get3A_65, %dot_general3A {dimension_numbers = #tpu.dot_dimension_numbers<[1], [0], [0], [1], [0, 0, 1, 1], [], []>, transpose_lhs_hint = false} : vector<2048x128xf32>, vector<128x128xf32>, vector<2048x128xf32> -> vector<2048x128xf32>
      %add3A = arith.addf %get3A_62, %dot_general3A_66 : vector<2048x128xf32>
      %logistic3A = arith.negf %add3A : vector<2048x128xf32>
      %logistic3A_67 = math.exp %logistic3A : vector<2048x128xf32>
      %logistic3A_68 = arith.constant 1.000000e+00 : f32
      %logistic3A_69 = vector.broadcast %logistic3A_68 : f32 to vector<2048x128xf32>
      %logistic3A_70 = arith.addf %logistic3A_69, %logistic3A_67 : vector<2048x128xf32>
      %logistic3A_71 = arith.divf %logistic3A_69, %logistic3A_70 : vector<2048x128xf32>
      %mul3A_72 = arith.constant 2048 : i32
      %mul3A_73 = arith.muli %scan3A_53, %mul3A_72 : i32
      %swap3A_74 = arith.index_cast %mul3A_73 : i32 to index
      %swap3A_75 = arith.constant 0 : index
      %swap3A_76 = vector.load %arg10[%swap3A_74, %swap3A_75] : memref<10240x128xf32, #tpu.memory_space<vmem>>, vector<2048x128xf32>
      tpu.vector_store %arg10[%swap3A_74, %swap3A_75], %logistic3A_71 {strides = array<i32>} : memref<10240x128xf32, #tpu.memory_space<vmem>>, vector<2048x128xf32>,
    }
    %scan3A_52 = arith.constant 5 : i32
    return
  }
}

</mosaic_0001>

<sc_bundles>
// kernel: gather_offload_async_start
scs
__scs_entry_jumppad:
0x0: {  	(pc) =	sbr.rel $0x88, $3  }
0x1: {  	(tag) =	ssettag $0x0;
	lr =	simm.s32 $0x1  }
0x2: {  	[smem:$0x3F91] =	sst lr;
	_ =	strace $0xD0000000  }
0x3: {  	_ = 	snop  }
0x4: {  	_ = 	snop  }
0x5: {  	_ = 	snop  }
0x6: {  	_ = 	snop  }
0x7: {  	_ = 	snop  }
__scs_overlays_trampoline_lowered:
0x8: {  	[smem:$0x3FA0] =	sst s0  }
0x9: {  	[smem:$0x3FA1] =	sst s1  }
0xa: {  	[smem:$0x3FA2] =	sst s2  }
0xb: {  	[smem:$0x3FA3] =	sst s3  }
0xc: {  	[smem:$0x3FA4] =	sst s4  }
0xd: {  	[smem:$0x3FA5] =	sst s5  }
0xe: {  	[smem:$0x3FA6] =	sst s6  }
0xf: {  	[smem:$0x3FA7] =	sst s7  }
0x10: {  	[smem:$0x3FA8] =	sst s8  }
0x11: {  	[smem:$0x3FA9] =	sst s9;
	s0 =	simm.s32 @!p0 $0x0  }
0x12: {  	s1 =	sld [smem:$0x3F8F];
	s0 =	simm.s32 @p0 $0x1  }
0x13: {  	[smem:$0x3FAA] =	sst s0;
	s0 =	simm.s32 @!p1 $0x0  }
0x14: {  	s2 =	sld [smem:$0x3F8E];
	s0 =	simm.s32 @p1 $0x1  }
0x15: {  	[smem:$0x3FAB] =	sst s0;
	s0 =	simm.s32 @!p2 $0x0  }
0x16: {  	s3 =	sld [smem:$0x3FDB];
	s0 =	simm.s32 @p2 $0x1  }
0x17: {  	s4 =	simm.s32 $0x1BF5;
	[smem:$0x3FAD] =	sst s0  }
0x18: {  	s0 =	sld [smem:$0x3F90];
	_ =	swait.ge [sflag:s4], $0x0  }
0x19: {  	s7 =	sld [smem:$0x3F91]  }
0x1a: {  	s8 =	sadd.s32 $0xFFFFE003, lr  }
0x1b: {  	s9 =	sadd.s32 $0xFFFFFEF7, lr;
	s5 =	simm.s32 $0xFFFFFFFF;
	p2 =	slt.u32 s8, $0xFFFFF086  }
0x1c: {  	p1 =	slt.u32 s9, $0xF7A;
	s5 =	simm.s32 @!p2 $0x0  }
0x1d: {  	s5 =	simm.s32 @p1 $0x1;
	p0 =	seq.s32 s7, s2  }
0x1e: {  	s7 =	smul.u32 @!p0 $0xF7A, s2;
	p2 =	seq.s32 @!p0 s5, $0x0  }
0x1f: {  	s9 =	smul.u32 $0xF7A, s1;
	s8 =	simm.s32 @!p0 $0x1BF5;
	p2 =	por !p2, p0  }
0x20: {  	[sflag:s8] =	ssyncset.s32 @!p0 $0xFFFFF086;
	s6 =	sadd.s32 @!p0 s3, s7;
	s7 =	simm.s32 @!p0 $0x108  }
0x21: {  	s3 =	sadd.s32 s3, s9;
	s6 =	sadd.s32 @!p0 $0x88, s6;
	s7 =	simm.s32 @p2 $0x1082  }
0x22: {  	[simem:s7], [sflag:s8] =	dma.local @!p0 [hbm:s6], $0xF7A  }
0x23: {  	s9 =	sor.u32 $0xD0000000, s2;
	s6 =	simm.s32 $0x108;
	_ =	swait.ge @!p0 [sflag:s8], $0x0  }
0x24: {  	s3 =	sadd.s32 $0x88, s3;
	s6 =	simm.s32 @!p1 $0x1082;
	[sflag:s4] =	ssyncset.s32 $0xFFFFF086  }
0x25: {  	[simem:s6], [sflag:s4] =	dma.local [hbm:s3], $0xF7A  }
0x26: {  	[smem:$0x3F91] =	sst s1;
	(tag) =	ssettag s2;
	_ =	strace s9  }
0x27: {  	s1 =	sld [smem:$0x3FA1]  }
0x28: {  	s2 =	sld [smem:$0x3FA2]  }
0x29: {  	s4 =	sld [smem:$0x3FA4]  }
0x2a: {  	p0 =	seq.s32 s5, $0x0;
	s5 =	sld [smem:$0x3FA5]  }
0x2b: {  	s6 =	sld [smem:$0x3FA6]  }
0x2c: {  	s7 =	sld [smem:$0x3FA7]  }
0x2d: {  	s3 =	simm.s32 $0x108;
	s8 =	sld [smem:$0x3FA8]  }
0x2e: {  	s3 =	simm.s32 @!p0 $0x1082;
	s9 =	sld [smem:$0x3FA9]  }
0x2f: {  	lr =	sadd.s32 s0, s3;
	s0 =	sld [smem:$0x3FA0]  }
0x30: {  	s3 =	sld [smem:$0x3FA3]  }
0x31: {  	[smem:$0x3FAC] =	sst s10  }
0x32: {  	s10 =	sld [smem:$0x3FAA];
	_ =	sdelay $0x3  }
0x33: {  	p0 =	seq.s32 s10, $0x1;
	s10 =	sld [smem:$0x3FAC];
	_ =	sdelay $0x3  }
0x34: {  	[smem:$0x3FAC] =	sst s10  }
0x35: {  	s10 =	sld [smem:$0x3FAB];
	_ =	sdelay $0x3  }
0x36: {  	p1 =	seq.s32 s10, $0x1;
	s10 =	sld [smem:$0x3FAC];
	_ =	sdelay $0x3  }
0x37: {  	[smem:$0x3FAC] =	sst s10  }
0x38: {  	s10 =	sld [smem:$0x3FAD]  }
0x39: {  	_ = 	snop;
	(pc) =	sbr.ind lr, $3  }
0x3a: {  	_ = 	snop  }
0x3b: {  	_ = 	snop  }
0x3c: {  	p2 =	seq.s32 s10, $0x1;
	s10 =	sld [smem:$0x3FAC]  }
0x3d: {  	_ =	shalt  }
0x3e: {  	_ =	shalt  }
0x3f: {  	_ =	shalt  }
0x40: {  	_ =	shalt  }
0x41: {  	_ =	shalt  }
0x42: {  	_ =	shalt  }
0x43: {  	_ =	shalt  }
0x44: {  	_ =	shalt  }
0x45: {  	_ =	shalt  }
0x46: {  	_ =	shalt  }
0x47: {  	_ =	shalt  }
0x48: {  	_ =	shalt  }
0x49: {  	_ =	shalt  }
0x4a: {  	_ =	shalt  }
0x4b: {  	_ =	shalt  }
0x4c: {  	_ =	shalt  }
0x4d: {  	_ =	shalt  }
0x4e: {  	_ =	shalt  }
0x4f: {  	_ =	shalt  }
0x50: {  	_ =	shalt  }
0x51: {  	_ =	shalt  }
0x52: {  	_ =	shalt  }
0x53: {  	_ =	shalt  }
0x54: {  	_ =	shalt  }
0x55: {  	_ =	shalt  }
0x56: {  	_ =	shalt  }
0x57: {  	_ =	shalt  }
0x58: {  	_ =	shalt  }
0x59: {  	_ =	shalt  }
0x5a: {  	_ =	shalt  }
0x5b: {  	_ =	shalt  }
0x5c: {  	_ =	shalt  }
0x5d: {  	_ =	shalt  }
0x5e: {  	_ =	shalt  }
0x5f: {  	_ =	shalt  }
0x60: {  	_ =	shalt  }
0x61: {  	_ =	shalt  }
0x62: {  	_ =	shalt  }
0x63: {  	_ =	shalt  }
0x64: {  	_ =	shalt  }
0x65: {  	_ =	shalt  }
0x66: {  	_ =	shalt  }
0x67: {  	_ =	shalt  }
0x68: {  	_ =	shalt  }
0x69: {  	_ =	shalt  }
0x6a: {  	_ =	shalt  }
0x6b: {  	_ =	shalt  }
0x6c: {  	_ =	shalt  }
0x6d: {  	_ =	shalt  }
0x6e: {  	_ =	shalt  }
0x6f: {  	_ =	shalt  }
0x70: {  	_ =	shalt  }
0x71: {  	_ =	shalt  }
0x72: {  	_ =	shalt  }
0x73: {  	_ =	shalt  }
0x74: {  	_ =	shalt  }
0x75: {  	_ =	shalt  }
0x76: {  	_ =	shalt  }
0x77: {  	_ =	shalt  }
0x78: {  	_ =	shalt  }
0x79: {  	_ =	shalt  }
0x7a: {  	_ =	shalt  }
0x7b: {  	_ =	shalt  }
0x7c: {  	_ =	shalt  }
0x7d: {  	_ =	shalt  }
0x7e: {  	_ =	shalt  }
0x7f: {  	_ =	shalt  }
0x80: {  	_ =	shalt  }
0x81: {  	_ =	shalt  }
0x82: {  	_ =	shalt  }
0x83: {  	_ =	shalt  }
0x84: {  	_ =	shalt  }
0x85: {  	_ =	shalt  }
0x86: {  	_ =	shalt  }
0x87: {  	_ =	shalt  }
.Lfunc_end0:
.L_simem_size_0:
called_computation.1_lowered:
.L_overlay_start_0:
0x88: {  	s0 =	sld [smem:$0x3FD9]  }
0x89: {  	s1 =	sld [smem:$0x3FFE];
	_ =	sdelay $0x3  }
0x8a: {  	s0 =	sadd.s32 s1, s0  }
0x8b: {  	[smem:$0x3FB8] =	sst s0  }
0x8c: {  	_ = 	snop  }
0x8d: {  	(tm) =	ssettm $0x1  }
0x8e: {  	s15 =	sld [smem:$0x3FFB];
	_ =	sdelay $0x3  }
0x8f: {  	_ =	strace s15  }
0x90: {  	s0 =	sld [smem:$0x3FFC];
	_ =	sdelay $0x3  }
0x91: {  	_ =	strace s0  }
0x92: {  	s0 =	sld [smem:$0x3FFD];
	_ =	sdelay $0x3  }
0x93: {  	_ =	strace s0  }
0x94: {  	_ =	strace $0x8FFFFFFF  }
0x95: {  	s16 =	sld [smem:$0x3FDB];
	_ =	sdelay $0x1  }
0x96: {  	s17 =	simm.s32 $_scs_section_size  }
0x97: {  	s2 =	simm.s32 $_size__tile_overlayer_lowered;
	s3 =	simm.s32 $_tile_overlayer_lowered  }
0x98: {  	s20 =	simm.s32 $0x1BFF;
	s19 =	sshll.u32 s3, $0x1;
	s0 =	sadd.s32 s17, s16  }
0x99: {  	s4 =	simm.s32 $0x0;
	s18 =	sshll.u32 s2, $0x1;
	s2 =	sadd.s32 s19, s0  }
0x9a: {  	[timem:s4], [sflag:s20] =	dma.local [hbm:s2], s18  }
0x9b: {  	_ =	swait.ge [sflag:s20], s18  }
0x9c: {  	s1 =	ssub.s32 $0x0, s18;
	[sflag:s20] =	ssyncset.done $0x0  }
0x9d: {  	[sflag:s20] =	ssyncadd.s32 s1;
	_ =	sdelay $0x1  }
0x9e: {  	s21 =	simm.s32 $0x1B8B  }
0x9f: {  	_ =	swait.ge [sflag:s21], $0x1  }
0xa0: {  	[sflag:s21] =	ssyncset.done $0x0  }
0xa1: {  	s23 =	simm.s32 $0x1B8E;
	s22 =	sld [smem:$0x3FFE];
	[sflag:s21] =	ssyncadd.s32 $0xFFFFFFFF  }
0xa2: {  	s24 =	simm.s32 $execute0_lowered;
	[smem:$0x3FD2] =	sst s23  }
0xa3: {  	s2 =	sshll.u32 s24, $0x1;
	_ =	strace $0x80000049;
	[dreg:$0x1] =	wrdreg $0xFFFFFFFF  }
0xa4: {  	s25 =	simm.s32 $_size_execute0_lowered;
	s0 =	sadd.s32 s0, s2;
	[dreg:$0x0] =	wrdreg $0x0  }
0xa5: {  	s2 =	sshll.u32 s25, $0x1;
	[dreg:$0x2] =	wrdreg s0  }
0xa6: {  	[dreg:$0x3] =	wrdreg s2  }
0xa7: {  	[dreg:$0x4] =	wrdreg $0xC0  }
0xa8: {  	_ =	task [dreg:s4], $0x5FFFF  }
0xa9: {  	[dreg:$0x1] =	wrdreg $0xFFFFFFFF  }
0xaa: {  	[dreg:$0x0] =	wrdreg $0x60  }
0xab: {  	[dreg:$0x2] =	wrdreg s22  }
0xac: {  	[dreg:$0x3] =	wrdreg $0x9  }
0xad: {  	_ =	task.clear_ibuf [dreg:s4], $0x4FFFF;
	_ =	strace $0x90000049  }
0xae: {  	s26 =	simm.s32 $0x9;
	_ =	strace $0x8000004B  }
0xaf: {  	_ =	swait.ge [sflag:s26], $0x1  }
0xb0: {  	[sflag:s26] =	ssyncadd.s32 $0xFFFFFFFF  }
0xb1: {  	_ =	strace $0x9000004B  }
0xb2: {  	_ =	sfence  }
0xb3: {  	s28 =	sld [smem:$0x0];
	_ =	sdelay $0x1  }
0xb4: {  	s29 =	srdreg.scid  }
0xb5: {  	s30 =	sshll.u32 s29, $0xD;
	s31 =	sshrl.u32 s29, $0x2  }
0xb6: {  	s1 =	sand.u32 $0x1, s29;
	s2 =	sand.u32 $0x4000, s30;
	s0 =	sadd.s32 s31, s28  }
0xb7: {  	s1 =	sor.u32 s2, s1;
	s0 =	sshll.u32 s0, $0x11  }
0xb8: {  	s0 =	sor.u32 s0, s1  }
0xb9: {  	s0 =	sadd.s32 $0x8F2B, s0  }
0xba: {  	[sflag:s0] =	ssyncadd.remote.s32 $0x1  }
0xbb: {  	_ =	sfence.sel $0xFFFF  }
0xbc: {  	[dreg:$0x0] =	wrdreg $0xFFFFFFFF;
	(pc) =	sbr.abs _section_cstart, $3  }
0xbd: {  	[dreg:$0x1] =	wrdreg $0xFFFFFFFF  }
0xbe: {  	_ =	task.clear_ibuf [dreg:s4], $0x2FFFF;
	_ =	strace $0x9FFFFFFF  }
0xbf: {  	(tm) =	ssettm $0x7FFFFFFF  }
tec
execute0_lowered:
.L_overlay_start_1:
0x0: {  	(tag) =	ssettag $0x1  }
0x1: {  	s8 =	rddreg [dreg:$0x0]  }
0x2: {  	s0 =	rddreg [dreg:$0x1];
	_ =	strace $0x8000004A  }
0x3: {  	s4 =	simm.s32 $0x1;
	s1 =	stileid.u32;
	s7 =	simm.s32 $0x1  }
0x4: {  	s9 =	simm.s32 $0x1;
	s6 =	simm.s32 $0x2;
	s10 =	simm.s32 $0x3  }
0x5: {  	s13 =	simm.s32 $0x0;
	s12 =	simm.s32 $0x0;
	s2 =	sadd.s32 $0xA000, s8  }
.Ltmp0:
0x6: {  	s3 =	sadd.s32 $0x10200, s8;
	p0 =	slt.u32 s1, $0xA;
	(pc) =	sbr.rel .LBB2_1-.Ltmp0, $4  }
0x7: {  	[sflag:s4] =	ssyncpa.u1 $0x0;
	s7 =	simm.s32 @!p0 $0x0;
	p0 =	sne.s32 s1, $0x9  }
0x8: {  	s5 =	smul.u32 $0x190, s1;
	[sflag:s6] =	ssyncpa.u1 $0x0;
	s9 =	simm.s32 @!p0 $0x0  }
0x9: {  	s8 =	sadd.s32 $0xF600, s8;
	[sflag:s10] =	ssyncpa.u1 $0x0;
	s7 =	sadd.s32 s9, s7  }
0xa: {  	vm0 =	vmmov $0xffff;
	s10 =	simm.s32 $0x0;
	s11 =	smov.u32 s5;
	s9 =	sadd.s32 $0x1, s7  }
.LBB2_4:
0xb: {  	v2 =	vnsel vm1, $0x0, v2  }
0xc: {  	vm1 =	vgt.s32 v0, $0x0;
	v2 =	vmin.u32 v2, $0x270F  }
0xd: {  	v0 =	vnsel vm1, $0x0, v0  }
0xe: {  	v0 =	vmin.u32 v0, $0x270F  }
0xf: {  	[tilespmem:s18], [sflag:$0x1] =	stream.indirect_vreg.gather [hbm4b:s2+s10], $0x1, v1, vm0, $0x4038;
	[tilespmem:$0x640] =	vst v63  }
0x10: {  	(ifvalue) =	ssetifvalue $0x7FFFFFFF  }
0x11: {  	[tilespmem:s15], [sflag:$0x1] =	stream.indirect_vreg.gather [hbm4b:s2+s10], $0x1, v2, vm0, $0x4038;
	[tilespmem:$0x640] =	vst v63  }
0x12: {  	s29 =	sadd.s32 $0x10, s15;
	(ifvalue) =	ssetifvalue $0x7FFFFFFF  }
0x13: {  	[tilespmem:s29], [sflag:$0x1] =	stream.indirect_vreg.gather [hbm4b:s2+s10], $0x1, v0, vm0, $0x4038;
	[tilespmem:$0x640] =	vst v63  }
0x14: {  	_ =	swait.ge [sflag:s4], $0x190  }
0x15: {  	s30 =	sshrl.u32 s13, $0x3;
	[sflag:s4] =	ssyncset.done $0x0  }
0x16: {  	s31 =	sand.u32 $0x7, s13;
	s15 =	sadd.s32 s8, s30;
	[sflag:s4] =	ssyncadd.s32 $0xFFFFFE70  }
0x17: {  	[hbm4b:s15+s31] =	stream.linear.scatter [tilespmem:s14], [sflag:$0x3], $0x190, $0x38;
	[tilespmem:$0x640] =	vst v63  }
.LBB2_5:
0x18: {  	s15 =	sadd.s32 $0x1900, s11  }
0x19: {  	p1 =	sgt.s32 s15, $0x270F  }
0x1a: {  	s15 =	smov.u32 @p1 s5;
	p1 =	sne.s32 s12, s9  }
.Ltmp1:
0x1b: {  	p0 =	slt.u32 s12, $0x2;
	(pc) =	sbr.rel @!p1 .LBB2_6-.Ltmp1, $4  }
0x1c: {  	s14 =	simm.s32 @!p0 $0x3  }
0x1d: {  	_ =	swait.ge @!p0 [sflag:s14], $0x190  }
0x1e: {  	s16 =	sadd.s32 $0x1, s12;
	s13 =	smov.u32 s11;
	[sflag:s14] =	ssyncset.done @!p0 $0x0  }
0x1f: {  	s12 =	smov.u32 s16;
	s11 =	smov.u32 s15;
	[sflag:s14] =	ssyncadd.s32 @!p0 $0xFFFFFE70  }
.LBB2_1:
0x20: {  	p0 =	sge.u32 s12, s7  }
0x21: {  	s14 =	sxor.u32 @!p0 $0x1, s12  }
0x22: {  	s14 =	smul.u32 @!p0 $0x640, s14  }
0x23: {  	s31 =	sadd.s32 $0xFFFFFFFF, s12;
	s15 =	sshrl.u32 @!p0 s11, $0x3  }
0x24: {  	s16 =	sand.u32 @!p0 $0x7, s11;
	s15 =	sadd.s32 @!p0 s3, s15;
	s14 =	sshra.s32 @!p0 s14, $0x2  }
0x25: {  	[tilespmem:s14], [sflag:$0x2] =	stream.linear.gather @!p0 [hbm4b:s15+s16], $0x190, $0x38;
	[tilespmem:$0x640] =	vst v63  }
0x26: {  	p0 =	sge.u32 s31, s7  }
.Ltmp2:
0x27: {  	_ = 	snop;
	(pc) =	sbr.rel @p0 .LBB2_5-.Ltmp2, $1  }
0x28: {  	_ =	sdelay $0x3  }
0x29: {  	s14 =	sand.u32 $0x1, s12  }
0x2a: {  	_ =	swait.ge [sflag:s6], $0x190;
	p0 =	seq.s32 s14, $0x1;
	s14 =	simm.s32 $0x190  }
0x2b: {  	[sflag:s6] =	ssyncset.done $0x0;
	s14 =	simm.s32 @!p0 $0x0  }
0x2c: {  	[sflag:s6] =	ssyncadd.s32 $0xFFFFFE70;
	(ifvalue) =	ssetifvalue $0x7FFFFFFF;
	v0 =	vld.msk [tilespmem:s14+$0x0 ss:$0x1], $0xffff;
	_ =	sdelay $0x4  }
0x2d: {  	s15 =	sadd.s32 $0x10, s14;
	vm1 =	vgt.s32 v0, $0x0  }
0x2e: {  	v2 =	vld.msk [tilespmem:s15+$0x0 ss:$0x1], $0xffff;
	v1 =	vnsel vm1, $0x0, v0  }
0x2f: {  	v1 =	vmin.u32 v1, $0x270F;
	_ =	sdelay $0x2  }
0x30: {  	s17 =	simm.s32 $0x20;
	s14 =	sadd.s32 $0x320, s14;
	s16 =	sadd.s32 $0x10, s15  }
0x31: {  	s15 =	sadd.s32 $0x10, s14;
	s18 =	smov.u32 s14;
	v0 =	vld.msk [tilespmem:s16+$0x0 ss:$0x1], $0xffff;
	vm1 =	vgt.s32 v2, $0x0;
	(ifvalue) =	ssetifvalue $0x7FFFFFFF  }
.LBB2_3:
0x32: {  	[tilespmem:s18], [sflag:$0x1] =	stream.indirect_vreg.gather [hbm4b:s2+s10], $0x1, v1, vm0, $0x4038;
	[tilespmem:$0x640] =	vst v63  }
0x33: {  	s17 =	sadd.s32 $0x10, s17  }
0x34: {  	v2 =	vnsel vm1, $0x0, v2;
	p0 =	slt.u32 s17, $0x180  }
.Ltmp3:
0x35: {  	s18 =	smov.u32 s15;
	v1 =	vmin.u32 v2, $0x270F;
	(pc) =	sbr.rel @p0 .LBB2_3-.Ltmp3, $3  }
0x36: {  	_ =	sdelay $0x1  }
0x37: {  	s16 =	sadd.s32 $0x10, s16  }
0x38: {  	vm1 =	vgt.s32 v0, $0x0;
	s15 =	sadd.s32 $0x10, s15;
	v2 =	vmov v0;
	(ifvalue) =	ssetifvalue $0x7FFFFFFF;
	v0 =	vld.msk [tilespmem:s16+$0x0 ss:$0x1], $0xffff  }
.Ltmp4:
0x39: {  	_ = 	snop;
	(pc) =	sbr.rel .LBB2_4-.Ltmp4, $1  }
0x3a: {  	_ =	sdelay $0x3  }
.LBB2_6:
0x3b: {  	_ =	sfence.sel $0x180000  }
0x3c: {  	s2 =	simm.s32 $0x2;
	[bflag:$0x0] =	sbarrier.arrive $0xFFFF  }
0x3d: {  	s30 =	simm.s32 $0x3;
	[sflag:s2] =	ssyncpa.u1 $0x1  }
0x3e: {  	s31 =	simm.s32 $0x1;
	[sflag:s30] =	ssyncpa.u1 $0x1  }
0x3f: {  	[sflag:s31] =	ssyncpa.u1 $0x1  }
0x40: {  	p0 =	sne.s32 s1, $0x0;
	_ =	strace $0x9000004A  }
0x41: {  	s0 =	sadd.s32 @!p0 $0x100000, s0;
	[bflag:$0x2] =	sbarrier.arrive $0xFFFF  }
0x42: {  	[sflag:s0] =	ssyncadd.tile.s32 @!p0 $0x1;
	_ =	shalt  }
.Lfunc_end2:
_tile_overlayer_lowered:
.L_overlay_start_2:
0x43: {  	(tag) =	ssettag $0x2  }
0x44: {  	s0 =	rddreg [dreg:$0x0];
	s2 =	stileid.u32  }
0x45: {  	s1 =	rddreg [dreg:$0x1];
	p0 =	sne.s32 s2, $0x0  }
0x46: {  	s3 =	rddreg [dreg:$0x2];
	[bflag:$0x3] =	sbarrier.arrive $0xFFFF;
	s2 =	simm.s32 @!p0 $0x1C01  }
0x47: {  	[timem:s3], [sflag:s2] =	dma.local @!p0 [hbm:s0], s1  }
0x48: {  	s0 =	simm.s32 @!p0 $0x1  }
0x49: {  	_ =	swait.ge @!p0 [sflag:s0], s1  }
0x4a: {  	s1 =	ssub.s32 @!p0 $0x0, s1;
	[sflag:s0] =	ssyncset.done @!p0 $0x0  }
0x4b: {  	[sflag:s0] =	ssyncadd.s32 @!p0 s1  }
0x4c: {  	[bflag:$0x3] =	sbarrier.arrive $0xFFFF  }
0x4d: {  	_ =	shalt  }

// kernel: kernel.10.cloned.1.call-start
scs
__scs_entry_jumppad:
0x0: {  	(pc) =	sbr.rel $0x88, $3  }
0x1: {  	(tag) =	ssettag $0x0;
	lr =	simm.s32 $0x1  }
0x2: {  	[smem:$0x3F91] =	sst lr;
	_ =	strace $0xD0000000  }
0x3: {  	_ = 	snop  }
0x4: {  	_ = 	snop  }
0x5: {  	_ = 	snop  }
0x6: {  	_ = 	snop  }
0x7: {  	_ = 	snop  }
__scs_overlays_trampoline_lowered:
0x8: {  	[smem:$0x3FA0] =	sst s0  }
0x9: {  	[smem:$0x3FA1] =	sst s1  }
0xa: {  	[smem:$0x3FA2] =	sst s2  }
0xb: {  	[smem:$0x3FA3] =	sst s3  }
0xc: {  	[smem:$0x3FA4] =	sst s4  }
0xd: {  	[smem:$0x3FA5] =	sst s5  }
0xe: {  	[smem:$0x3FA6] =	sst s6  }
0xf: {  	[smem:$0x3FA7] =	sst s7  }
0x10: {  	[smem:$0x3FA8] =	sst s8  }
0x11: {  	[smem:$0x3FA9] =	sst s9;
	s0 =	simm.s32 @!p0 $0x0  }
0x12: {  	s1 =	sld [smem:$0x3F8F];
	s0 =	simm.s32 @p0 $0x1  }
0x13: {  	[smem:$0x3FAA] =	sst s0;
	s0 =	simm.s32 @!p1 $0x0  }
0x14: {  	s2 =	sld [smem:$0x3F8E];
	s0 =	simm.s32 @p1 $0x1  }
0x15: {  	[smem:$0x3FAB] =	sst s0;
	s0 =	simm.s32 @!p2 $0x0  }
0x16: {  	s3 =	sld [smem:$0x3FDB];
	s0 =	simm.s32 @p2 $0x1  }
0x17: {  	s4 =	simm.s32 $0x1BF5;
	[smem:$0x3FAD] =	sst s0  }
0x18: {  	s0 =	sld [smem:$0x3F90];
	_ =	swait.ge [sflag:s4], $0x0  }
0x19: {  	s7 =	sld [smem:$0x3F91]  }
0x1a: {  	s8 =	sadd.s32 $0xFFFFE003, lr  }
0x1b: {  	s9 =	sadd.s32 $0xFFFFFEF7, lr;
	s5 =	simm.s32 $0xFFFFFFFF;
	p2 =	slt.u32 s8, $0xFFFFF086  }
0x1c: {  	p1 =	slt.u32 s9, $0xF7A;
	s5 =	simm.s32 @!p2 $0x0  }
0x1d: {  	s5 =	simm.s32 @p1 $0x1;
	p0 =	seq.s32 s7, s2  }
0x1e: {  	s7 =	smul.u32 @!p0 $0xF7A, s2;
	p2 =	seq.s32 @!p0 s5, $0x0  }
0x1f: {  	s9 =	smul.u32 $0xF7A, s1;
	s8 =	simm.s32 @!p0 $0x1BF5;
	p2 =	por !p2, p0  }
0x20: {  	[sflag:s8] =	ssyncset.s32 @!p0 $0xFFFFF086;
	s6 =	sadd.s32 @!p0 s3, s7;
	s7 =	simm.s32 @!p0 $0x108  }
0x21: {  	s3 =	sadd.s32 s3, s9;
	s6 =	sadd.s32 @!p0 $0x88, s6;
	s7 =	simm.s32 @p2 $0x1082  }
0x22: {  	[simem:s7], [sflag:s8] =	dma.local @!p0 [hbm:s6], $0xF7A  }
0x23: {  	s9 =	sor.u32 $0xD0000000, s2;
	s6 =	simm.s32 $0x108;
	_ =	swait.ge @!p0 [sflag:s8], $0x0  }
0x24: {  	s3 =	sadd.s32 $0x88, s3;
	s6 =	simm.s32 @!p1 $0x1082;
	[sflag:s4] =	ssyncset.s32 $0xFFFFF086  }
0x25: {  	[simem:s6], [sflag:s4] =	dma.local [hbm:s3], $0xF7A  }
0x26: {  	[smem:$0x3F91] =	sst s1;
	(tag) =	ssettag s2;
	_ =	strace s9  }
0x27: {  	s1 =	sld [smem:$0x3FA1]  }
0x28: {  	s2 =	sld [smem:$0x3FA2]  }
0x29: {  	s4 =	sld [smem:$0x3FA4]  }
0x2a: {  	p0 =	seq.s32 s5, $0x0;
	s5 =	sld [smem:$0x3FA5]  }
0x2b: {  	s6 =	sld [smem:$0x3FA6]  }
0x2c: {  	s7 =	sld [smem:$0x3FA7]  }
0x2d: {  	s3 =	simm.s32 $0x108;
	s8 =	sld [smem:$0x3FA8]  }
0x2e: {  	s3 =	simm.s32 @!p0 $0x1082;
	s9 =	sld [smem:$0x3FA9]  }
0x2f: {  	lr =	sadd.s32 s0, s3;
	s0 =	sld [smem:$0x3FA0]  }
0x30: {  	s3 =	sld [smem:$0x3FA3]  }
0x31: {  	[smem:$0x3FAC] =	sst s10  }
0x32: {  	s10 =	sld [smem:$0x3FAA];
	_ =	sdelay $0x3  }
0x33: {  	p0 =	seq.s32 s10, $0x1;
	s10 =	sld [smem:$0x3FAC];
	_ =	sdelay $0x3  }
0x34: {  	[smem:$0x3FAC] =	sst s10  }
0x35: {  	s10 =	sld [smem:$0x3FAB];
	_ =	sdelay $0x3  }
0x36: {  	p1 =	seq.s32 s10, $0x1;
	s10 =	sld [smem:$0x3FAC];
	_ =	sdelay $0x3  }
0x37: {  	[smem:$0x3FAC] =	sst s10  }
0x38: {  	s10 =	sld [smem:$0x3FAD]  }
0x39: {  	_ = 	snop;
	(pc) =	sbr.ind lr, $3  }
0x3a: {  	_ = 	snop  }
0x3b: {  	_ = 	snop  }
0x3c: {  	p2 =	seq.s32 s10, $0x1;
	s10 =	sld [smem:$0x3FAC]  }
0x3d: {  	_ =	shalt  }
0x3e: {  	_ =	shalt  }
0x3f: {  	_ =	shalt  }
0x40: {  	_ =	shalt  }
0x41: {  	_ =	shalt  }
0x42: {  	_ =	shalt  }
0x43: {  	_ =	shalt  }
0x44: {  	_ =	shalt  }
0x45: {  	_ =	shalt  }
0x46: {  	_ =	shalt  }
0x47: {  	_ =	shalt  }
0x48: {  	_ =	shalt  }
0x49: {  	_ =	shalt  }
0x4a: {  	_ =	shalt  }
0x4b: {  	_ =	shalt  }
0x4c: {  	_ =	shalt  }
0x4d: {  	_ =	shalt  }
0x4e: {  	_ =	shalt  }
0x4f: {  	_ =	shalt  }
0x50: {  	_ =	shalt  }
0x51: {  	_ =	shalt  }
0x52: {  	_ =	shalt  }
0x53: {  	_ =	shalt  }
0x54: {  	_ =	shalt  }
0x55: {  	_ =	shalt  }
0x56: {  	_ =	shalt  }
0x57: {  	_ =	shalt  }
0x58: {  	_ =	shalt  }
0x59: {  	_ =	shalt  }
0x5a: {  	_ =	shalt  }
0x5b: {  	_ =	shalt  }
0x5c: {  	_ =	shalt  }
0x5d: {  	_ =	shalt  }
0x5e: {  	_ =	shalt  }
0x5f: {  	_ =	shalt  }
0x60: {  	_ =	shalt  }
0x61: {  	_ =	shalt  }
0x62: {  	_ =	shalt  }
0x63: {  	_ =	shalt  }
0x64: {  	_ =	shalt  }
0x65: {  	_ =	shalt  }
0x66: {  	_ =	shalt  }
0x67: {  	_ =	shalt  }
0x68: {  	_ =	shalt  }
0x69: {  	_ =	shalt  }
0x6a: {  	_ =	shalt  }
0x6b: {  	_ =	shalt  }
0x6c: {  	_ =	shalt  }
0x6d: {  	_ =	shalt  }
0x6e: {  	_ =	shalt  }
0x6f: {  	_ =	shalt  }
0x70: {  	_ =	shalt  }
0x71: {  	_ =	shalt  }
0x72: {  	_ =	shalt  }
0x73: {  	_ =	shalt  }
0x74: {  	_ =	shalt  }
0x75: {  	_ =	shalt  }
0x76: {  	_ =	shalt  }
0x77: {  	_ =	shalt  }
0x78: {  	_ =	shalt  }
0x79: {  	_ =	shalt  }
0x7a: {  	_ =	shalt  }
0x7b: {  	_ =	shalt  }
0x7c: {  	_ =	shalt  }
0x7d: {  	_ =	shalt  }
0x7e: {  	_ =	shalt  }
0x7f: {  	_ =	shalt  }
0x80: {  	_ =	shalt  }
0x81: {  	_ =	shalt  }
0x82: {  	_ =	shalt  }
0x83: {  	_ =	shalt  }
0x84: {  	_ =	shalt  }
0x85: {  	_ =	shalt  }
0x86: {  	_ =	shalt  }
0x87: {  	_ =	shalt  }
.Lfunc_end0:
.L_simem_size_0:
called_computation.2_lowered:
.L_overlay_start_0:
0x88: {  	s2 =	sld [smem:$0x3FD9]  }
0x89: {  	s3 =	sld [smem:$0x3FFE];
	_ =	sdelay $0x1  }
0x8a: {  	s1 =	srdreg.scid  }
0x8b: {  	s0 =	sand.u32 $0x1, s1  }
0x8c: {  	s16 =	sshll.u32 s0, $0xA;
	s2 =	sadd.s32 s3, s2  }
0x8d: {  	s2 =	sadd.s32 s2, s16  }
0x8e: {  	[smem:$0x3FB8] =	sst s2  }
0x8f: {  	_ = 	snop  }
0x90: {  	(tm) =	ssettm $0x1  }
0x91: {  	s17 =	sld [smem:$0x3FFB];
	_ =	sdelay $0x3  }
0x92: {  	_ =	strace s17  }
0x93: {  	s2 =	sld [smem:$0x3FFC];
	_ =	sdelay $0x3  }
0x94: {  	_ =	strace s2  }
0x95: {  	s2 =	sld [smem:$0x3FFD];
	_ =	sdelay $0x3  }
0x96: {  	_ =	strace s2  }
0x97: {  	_ =	strace $0x8FFFFFFF  }
0x98: {  	s18 =	sld [smem:$0x3FDB];
	_ =	sdelay $0x1  }
0x99: {  	s19 =	simm.s32 $_scs_section_size  }
0x9a: {  	s4 =	simm.s32 $_size__tile_overlayer_lowered;
	s5 =	simm.s32 $_tile_overlayer_lowered  }
0x9b: {  	s22 =	simm.s32 $0x1BFF;
	s21 =	sshll.u32 s5, $0x1;
	s2 =	sadd.s32 s19, s18  }
0x9c: {  	s6 =	simm.s32 $0x0;
	s20 =	sshll.u32 s4, $0x1;
	s4 =	sadd.s32 s21, s2  }
0x9d: {  	[timem:s6], [sflag:s22] =	dma.local [hbm:s4], s20  }
0x9e: {  	_ =	swait.ge [sflag:s22], s20  }
0x9f: {  	s3 =	ssub.s32 $0x0, s20;
	[sflag:s22] =	ssyncset.done $0x0  }
0xa0: {  	[sflag:s22] =	ssyncadd.s32 s3;
	_ =	sdelay $0x1  }
0xa1: {  	s23 =	simm.s32 $0x1B8B  }
0xa2: {  	_ =	swait.ge [sflag:s23], $0x1  }
0xa3: {  	[sflag:s23] =	ssyncset.done $0x0  }
0xa4: {  	s25 =	simm.s32 $0x1B8E;
	s24 =	sld [smem:$0x3FFE];
	[sflag:s23] =	ssyncadd.s32 $0xFFFFFFFF  }
0xa5: {  	s26 =	simm.s32 $execute0_lowered;
	[smem:$0x3FD2] =	sst s25  }
0xa6: {  	s4 =	sshll.u32 s26, $0x1;
	_ =	strace $0x80000046;
	[dreg:$0x1] =	wrdreg $0xFFFFFFFF  }
0xa7: {  	s28 =	simm.s32 $_size_execute0_lowered;
	s2 =	sadd.s32 s2, s4;
	[dreg:$0x0] =	wrdreg $0x0  }
0xa8: {  	s4 =	sshll.u32 s28, $0x1;
	[dreg:$0x2] =	wrdreg s2  }
0xa9: {  	[dreg:$0x3] =	wrdreg s4  }
0xaa: {  	[dreg:$0x4] =	wrdreg $0xC0  }
0xab: {  	_ =	task [dreg:s6], $0x5FFFF  }
0xac: {  	[dreg:$0x1] =	wrdreg $0xFFFFFFFF  }
0xad: {  	[dreg:$0x0] =	wrdreg $0x60  }
0xae: {  	[dreg:$0x2] =	wrdreg s24  }
0xaf: {  	[dreg:$0x3] =	wrdreg $0x11F000  }
0xb0: {  	[dreg:$0x4] =	wrdreg $0x9  }
0xb1: {  	_ =	task.clear_ibuf [dreg:s6], $0x5FFFF;
	_ =	strace $0x90000046  }
0xb2: {  	s29 =	simm.s32 $0x9;
	_ =	strace $0x80000048  }
0xb3: {  	_ =	swait.ge [sflag:s29], $0x1  }
0xb4: {  	[sflag:s29] =	ssyncadd.s32 $0xFFFFFFFF  }
0xb5: {  	_ =	strace $0x90000048  }
0xb6: {  	_ =	sfence  }
0xb7: {  	s30 =	sld [smem:$0x0];
	_ =	sdelay $0x2  }
0xb8: {  	s31 =	sshll.u32 s1, $0xD;
	s1 =	sshrl.u32 s1, $0x2  }
0xb9: {  	s3 =	sand.u32 $0x4000, s31;
	s1 =	sadd.s32 s1, s30  }
0xba: {  	s0 =	sor.u32 s3, s0;
	s1 =	sshll.u32 s1, $0x11  }
0xbb: {  	s0 =	sor.u32 s1, s0  }
0xbc: {  	s0 =	sadd.s32 $0x8F2B, s0  }
0xbd: {  	[sflag:s0] =	ssyncadd.remote.s32 $0x1  }
0xbe: {  	_ =	sfence.sel $0xFFFF  }
0xbf: {  	[dreg:$0x0] =	wrdreg $0xFFFFFFFF;
	(pc) =	sbr.abs _section_cstart, $3  }
0xc0: {  	[dreg:$0x1] =	wrdreg $0xFFFFFFFF  }
0xc1: {  	_ =	task.clear_ibuf [dreg:s6], $0x2FFFF;
	_ =	strace $0x9FFFFFFF  }
0xc2: {  	(tm) =	ssettm $0x7FFFFFFF  }
0xc3: {  	_ =	shalt  }
tec
execute0_lowered:
.L_overlay_start_1:
0x0: {  	(tag) =	ssettag $0x1  }
0x1: {  	s4 =	rddreg [dreg:$0x0]  }
0x2: {  	s1 =	rddreg [dreg:$0x1]  }
0x3: {  	s0 =	rddreg [dreg:$0x2];
	s2 =	simm.s32 $0x0  }
0x4: {  	s3 =	srdreg.scid;
	s18 =	stileid.u32;
	s10 =	simm.s32 $0x80  }
0x5: {  	s11 =	simm.s32 $0x400;
	s12 =	simm.s32 $0x4000;
	s13 =	simm.s32 $0x14000  }
0x6: {  	s14 =	simm.s32 $0x9F00;
	s16 =	simm.s32 $0x2780;
	s17 =	simm.s32 $0x0  }
0x7: {  	[smem:$0x7FF] =	sst s2;
	s8 =	sand.u32 $0x1, s3;
	s30 =	sshrl.u32 s18, $0x3  }
0x8: {  	s3 =	sadd.s32 $0xA000, s4;
	s9 =	smul.u32 $0x4E2, s18;
	s31 =	sshll.u32 s18, $0x7  }
0x9: {  	p1 =	sgt.u32 s18, $0xA;
	p5 =	sgt.u32 s18, $0x9;
	p3 =	sgt.u32 s18, $0x8  }
0xa: {  	p4 =	seq.s32 s18, $0x0;
	_ =	strace $0x80000047;
	s5 =	ssub.s32 $0x2, s8  }
0xb: {  	s6 =	smul.u32 $0x50000, s30;
	p0 =	sne.s32 s8, $0x0;
	s19 =	simm.s32 @!p3 $0x0  }
0xc: {  	s7 =	sshrl.u32 s5, $0x1;
	s4 =	sadd.s32 s4, s9;
	s8 =	simm.s32 @!p0 $0x0  }
0xd: {  	s9 =	simm.s32 $0x4F00;
	s19 =	simm.s32 @p3 $0x1;
	p3 =	sgt.u32 s18, $0x7  }
0xe: {  	s8 =	simm.s32 @p0 $0x1;
	[smem:$0x7F2] =	sst s19;
	s19 =	simm.s32 @!p3 $0x0  }
0xf: {  	p0 =	seq.s32 s18, $0xF;
	s19 =	simm.s32 @p3 $0x1;
	p3 =	sgt.u32 s18, $0x6  }
0x10: {  	s15 =	simm.s32 @!p0 $0x0;
	[smem:$0x7F3] =	sst s19;
	s19 =	simm.s32 @!p3 $0x0  }
0x11: {  	s15 =	simm.s32 @p0 $0x1;
	s19 =	simm.s32 @p3 $0x1;
	p3 =	sgt.u32 s18, $0x5  }
0x12: {  	p0 =	sgt.u32 s18, $0xD;
	[smem:$0x7F4] =	sst s19;
	s19 =	simm.s32 @!p3 $0x0  }
0x13: {  	[smem:$0x7EF] =	sst s15;
	s19 =	simm.s32 @p3 $0x1;
	p3 =	sgt.u32 s18, $0x4  }
0x14: {  	s15 =	simm.s32 @!p0 $0x0;
	[smem:$0x7F5] =	sst s19;
	s19 =	simm.s32 @!p3 $0x0  }
0x15: {  	s15 =	simm.s32 @p0 $0x1;
	s19 =	simm.s32 @p3 $0x1;
	p3 =	sgt.u32 s18, $0x3  }
0x16: {  	p0 =	sgt.u32 s18, $0xC;
	[smem:$0x7F6] =	sst s19;
	s19 =	simm.s32 @!p3 $0x0  }
0x17: {  	[smem:$0x7F0] =	sst s15;
	s19 =	simm.s32 @p3 $0x1;
	p3 =	sgt.u32 s18, $0x2  }
0x18: {  	s15 =	simm.s32 @!p0 $0x0;
	[smem:$0x7F7] =	sst s19;
	s19 =	simm.s32 @!p3 $0x0  }
0x19: {  	s15 =	simm.s32 @p0 $0x1;
	s19 =	simm.s32 @p3 $0x1;
	p3 =	sgt.u32 s18, $0x1  }
0x1a: {  	p0 =	sgt.u32 s18, $0xB;
	[smem:$0x7F8] =	sst s19;
	s19 =	simm.s32 @!p3 $0x0  }
0x1b: {  	s19 =	simm.s32 @p3 $0x1;
	p3 =	sne.s32 s18, $0x0;
	s18 =	simm.s32 @!p4 $0x0  }
0x1c: {  	s7 =	ssub.s32 s5, s7;
	s6 =	sshrl.u32 s6, $0x2;
	s18 =	simm.s32 @p4 $0x1  }
0x1d: {  	s5 =	sand.u32 $0x380, s31;
	[smem:$0x7FA] =	sst s18;
	s18 =	simm.s32 @!p5 $0x0  }
0x1e: {  	s6 =	sadd.s32 s6, s1;
	[smem:$0x7EE] =	sst s8;
	s18 =	simm.s32 @p5 $0x1  }
.Ltmp0:
0x1f: {  	[smem:$0x7FB] =	sst s18;
	s18 =	simm.s32 @!p1 $0x0;
	(pc) =	sbr.rel .LBB2_1-.Ltmp0, $4  }
0x20: {  	s7 =	smax.u32 s7, $0x1;
	[smem:$0x7F1] =	sst s15;
	s18 =	simm.s32 @p1 $0x1  }
0x21: {  	s8 =	simm.s32 $0x1;
	[smem:$0x7FC] =	sst s18;
	s18 =	simm.s32 @!p0 $0x0  }
0x22: {  	s5 =	sadd.s32 s5, s6;
	[smem:$0x7F9] =	sst s19;
	s18 =	simm.s32 @p0 $0x1  }
0x23: {  	v0 =	vimm.s32 $0x0;
	s6 =	sadd.s32 $0xA600, s4;
	s15 =	simm.s32 $0x7700;
	[smem:$0x7FD] =	sst s18  }
.LBB2_13:
0x24: {  	[bflag:$0x0] =	sbarrier.arrive $0xFFFF  }
.LBB2_14:
0x25: {  	s17 =	sadd.s32 $0x1, s17  }
0x26: {  	p4 =	sne.s32 s17, s7  }
.Ltmp1:
0x27: {  	_ = 	snop;
	(pc) =	sbr.rel @!p4 .LBB2_15-.Ltmp1, $1  }
0x28: {  	_ =	sdelay $0x3  }
.LBB2_1:
0x29: {  	s18 =	sld [smem:$0x7EE];
	_ =	sdelay $0x2  }
0x2a: {  	p4 =	seq.s32 s18, $0x1  }
.Ltmp2:
0x2b: {  	_ = 	snop;
	(pc) =	sbr.rel @p4 .LBB2_13-.Ltmp2, $1  }
0x2c: {  	_ =	sdelay $0x3  }
0x2d: {  	s18 =	simm.s32 $0x0  }
0x2e: {  	[tilespmem:s18], [sflag:$0x1] =	stream.linear.gather [hbm4b:s4+s18], $0x2710, $0x38;
	[tilespmem:$0x14700] =	vst v63  }
0x2f: {  	_ =	swait.ge [sflag:s8], $0x2710  }
0x30: {  	[sflag:s8] =	ssyncset.done $0x0  }
0x31: {  	s19 =	simm.s32 $0x0;
	s18 =	simm.s32 $0x40;
	[sflag:s8] =	ssyncadd.s32 $0xFFFFD8F0  }
.LBB2_3:
0x32: {  	p4 =	sne.s32 s18, $0x9FC0;
	[tilespmem:s19+$0x4F00] =	vst v0;
	s19 =	smov.u32 s18;
	s18 =	sadd.s32 $0x40, s18  }
.Ltmp3:
0x33: {  	(pc) =	sbr.rel @p4 .LBB2_3-.Ltmp3, $2  }
0x34: {  	_ =	sdelay $0x2  }
0x35: {  	s19 =	sshra.s32 s19, $0x2  }
0x36: {  	[tilespmem:s19+$0x4F00] =	vst v0;
	s20 =	simm.s32 $0x0  }
0x37: {  	v1 =	vld [tilespmem:s20+$0x0];
	_ =	sdelay $0x4  }
0x38: {  	(xrf1) =	vunique.msk.u32 $0xffff, v1;
	_ =	sdelay $0xa  }
0x39: {  	v2 =	vld.idx.msk [tilespmem:v1+s9+$0x0], $0xffff;
	_ =	sdelay $0x2  }
0x3a: {  	_, v3, vm0 =	vpop (xrf1);
	_ =	sdelay $0x1  }
0x3b: {  	v2 =	vadd.s32 v2, v3  }
0x3c: {  	v3 =	vadd.s32 $0xFFFFFFFF, v2  }
0x3d: {  	s18 =	simm.s32 $0x40;
	s19 =	simm.s32 $0x80;
	[tilespmem:s20+$0x2780] =	vst v3  }
.LBB2_5:
0x3e: {  	p4 =	sne.s32 s19, $0x9C00  }
0x3f: {  	s20 =	sshra.s32 s18, $0x2;
	[tilespmem:v1+s9+$0x0] =	vst.idx.msk vm0, v2;
	s18 =	smov.u32 s19;
	s19 =	sadd.s32 $0x40, s19  }
0x40: {  	v1 =	vld [tilespmem:s20+$0x0];
	_ =	sdelay $0x4  }
0x41: {  	(xrf1) =	vunique.msk.u32 $0xffff, v1;
	_ =	sdelay $0xa  }
0x42: {  	v2 =	vld.idx.msk [tilespmem:v1+s9+$0x0], $0xffff;
	_ =	sdelay $0x2  }
0x43: {  	_, v3, vm0 =	vpop (xrf1)  }
.Ltmp4:
0x44: {  	(pc) =	sbr.rel @p4 .LBB2_5-.Ltmp4, $4  }
0x45: {  	_ = 	snop  }
0x46: {  	v2 =	vadd.s32 v2, v3  }
0x47: {  	v3 =	vadd.s32 $0xFFFFFFFF, v2  }
0x48: {  	[tilespmem:s20+$0x2780] =	vst v3  }
0x49: {  	_ =	sdelay $0x4  }
0x4a: {  	s18 =	sshra.s32 s18, $0x2;
	[tilespmem:v1+s9+$0x0] =	vst.idx.msk vm0, v2  }
0x4b: {  	v1 =	vld [tilespmem:s18+$0x0];
	_ =	sdelay $0x4  }
0x4c: {  	(xrf1) =	vunique.msk.u32 $0xffff, v1;
	_ =	sdelay $0xb  }
0x4d: {  	v2 =	vld.idx.msk [tilespmem:v1+s9+$0x0], $0xffff;
	_ =	sdelay $0x1  }
0x4e: {  	_, v3, vm15 =	vpop (xrf1);
	_ =	sdelay $0x2  }
0x4f: {  	v2 =	vadd.s32 v2, v3  }
0x50: {  	v3 =	vadd.s32 $0xFFFFFFFF, v2  }
0x51: {  	[tilespmem:s18+$0x2780] =	vst v3  }
0x52: {  	s18 =	simm.s32 $0x4F00;
	[tilespmem:v1+s9+$0x0] =	vst.idx.msk vm15, v2  }
0x53: {  	[spmem:s5] =	stream.strided.scatter [tilespmem:s18], [sflag:$0x1], $0x2800, s11, s10, $0x38;
	[tilespmem:$0x14700] =	vst v63  }
0x54: {  	_ =	swait.ge [sflag:s8], $0x2800  }
0x55: {  	[sflag:s8] =	ssyncset.done $0x0  }
0x56: {  	s19 =	simm.s32 $0x0;
	[sflag:s8] =	ssyncadd.s32 $0xFFFFD800  }
0x57: {  	s20 =	simm.s32 $0x7700;
	s21 =	simm.s32 $0x0;
	[bflag:$0x0] =	sbarrier.arrive $0xFFFF  }
.LBB2_7:
0x58: {  	s22 =	sshll.u32 s21, $0xE  }
0x59: {  	s22 =	sand.u32 $0x3FFFC000, s22  }
0x5a: {  	s22 =	sadd.s32 s22, s1  }
0x5b: {  	[tilespmem:s14], [sflag:$0x1] =	stream.strided.gather [spmem:s22], $0x8000, s13, s12, $0x38;
	[tilespmem:$0x14700] =	vst v63  }
0x5c: {  	_ =	swait.ge [sflag:s8], $0x8000  }
0x5d: {  	s28 =	sand.u32 $0x70, s19;
	s23 =	sand.u32 $0x3C00, s19;
	[sflag:s8] =	ssyncset.done $0x0  }
0x5e: {  	s22 =	sor.u32 s28, s23;
	[sflag:s8] =	ssyncadd.s32 $0xFFFF8000  }
0x5f: {  	v1 =	vld [tilespmem:s22+$0x9F00]  }
0x60: {  	s24 =	sld [smem:$0x7FA];
	v2 =	vld [tilespmem:s22+$0x9F80]  }
0x61: {  	s30 =	sld [smem:$0x7F9];
	v3 =	vld [tilespmem:s22+$0xA000]  }
0x62: {  	s29 =	sand.u32 $0x7, s19;
	s31 =	sld [smem:$0x7F8];
	v4 =	vld [tilespmem:s22+$0xA080]  }
0x63: {  	s23 =	sshll.u32 s29, $0x4;
	v5 =	vld [tilespmem:s22+$0xA100];
	p4 =	seq.s32 s24, $0x1;
	s24 =	sld [smem:$0x7F7]  }
0x64: {  	s23 =	sadd.s32 $0x0, s23;
	s25 =	sld [smem:$0x7F6];
	v6 =	vld [tilespmem:s22+$0xA180];
	p2 =	seq.s32 s30, $0x1  }
0x65: {  	s23 =	sor.u32 $0x380, s23;
	s26 =	sld [smem:$0x7F5];
	v9 =	vld [tilespmem:s22+$0xA200];
	p6 =	seq.s32 s31, $0x1;
	v7 =	vpsel p4, $0x0, v1;
	v8 =	vpsel !p2, $0x0, v2  }
0x66: {  	s29 =	sld [smem:$0x7F4];
	v10 =	vld [tilespmem:s23+$0x9F00];
	v58 =	vpsel !p6, $0x0, v3;
	v1 =	vadd.s32 @!p3 v1, v2;
	p6 =	seq.s32 s24, $0x1;
	v7 =	vadd.s32 v7, v8  }
0x67: {  	s30 =	sld [smem:$0x7F3];
	v59 =	vpsel !p6, $0x0, v4;
	v8 =	vld [tilespmem:s22+$0xDF00];
	v1 =	vadd.s32 @!p3 v3, v1;
	p6 =	seq.s32 s25, $0x1;
	v2 =	vadd.s32 v58, v7  }
0x68: {  	s31 =	sld [smem:$0x7F2];
	v3 =	vpsel !p6, $0x0, v5;
	v7 =	vld [tilespmem:s22+$0xDF80];
	v1 =	vadd.s32 @!p3 v4, v1;
	p6 =	seq.s32 s26, $0x1;
	v2 =	vadd.s32 v59, v2  }
0x69: {  	v4 =	vld [tilespmem:s22+$0xE000];
	v1 =	vadd.s32 @!p3 v5, v1;
	v2 =	vadd.s32 v3, v2;
	v3 =	vpsel !p6, $0x0, v6;
	p6 =	seq.s32 s29, $0x1  }
0x6a: {  	v5 =	vld [tilespmem:s22+$0xE080];
	v1 =	vadd.s32 @!p3 v6, v1;
	v2 =	vadd.s32 v3, v2;
	v3 =	vpsel !p6, $0x0, v9;
	p6 =	seq.s32 s30, $0x1  }
0x6b: {  	v6 =	vld [tilespmem:s22+$0xE100];
	v1 =	vadd.s32 @!p3 v9, v1;
	v2 =	vadd.s32 v3, v2;
	v3 =	vpsel !p6, $0x0, v10;
	p6 =	seq.s32 s31, $0x1  }
0x6c: {  	s23 =	sld [smem:$0x7F1];
	v9 =	vld [tilespmem:s22+$0xE180];
	v1 =	vadd.s32 @!p3 v10, v1;
	v2 =	vadd.s32 v3, v2;
	v3 =	vpsel !p6, $0x0, v8  }
0x6d: {  	s28 =	sld [smem:$0x7F0];
	v10 =	vld [tilespmem:s22+$0xE200];
	v1 =	vadd.s32 @!p3 v8, v1;
	v2 =	vadd.s32 v3, v2;
	v3 =	vpsel !p5, $0x0, v7  }
0x6e: {  	s24 =	sld [smem:$0x7EF];
	v1 =	vadd.s32 @!p3 v7, v1;
	v2 =	vadd.s32 v3, v2;
	v3 =	vpsel !p1, $0x0, v4  }
0x6f: {  	v7 =	vld [tilespmem:s22+$0xE280];
	v1 =	vadd.s32 @!p3 v4, v1;
	p1 =	seq.s32 s23, $0x1;
	v2 =	vadd.s32 v3, v2;
	v3 =	vpsel !p0, $0x0, v5  }
0x70: {  	p2 =	seq.s32 s28, $0x1;
	v1 =	vadd.s32 @!p3 v5, v1;
	v2 =	vadd.s32 v3, v2;
	v3 =	vpsel !p1, $0x0, v6  }
0x71: {  	p6 =	por p5, p5;
	p5 =	por p2, p2;
	v1 =	vadd.s32 @!p3 v6, v1;
	v2 =	vadd.s32 v3, v2;
	v3 =	vpsel !p2, $0x0, v9;
	p2 =	seq.s32 s24, $0x1  }
0x72: {  	v1 =	vadd.s32 @!p3 v9, v1;
	v2 =	vadd.s32 v3, v2;
	v3 =	vpsel !p2, $0x0, v10  }
0x73: {  	s25 =	simm.s32 $0x10;
	s26 =	simm.s32 $0x80;
	v1 =	vadd.s32 @!p3 v10, v1;
	v2 =	vadd.s32 v3, v2  }
0x74: {  	s22 =	sand.u32 $0x70, s25;
	s23 =	sand.u32 $0x3C00, s26;
	v1 =	vadd.s32 @!p3 v7, v1;
	[tilespmem:s20+$0x0] =	vst v2  }
0x75: {  	s24 =	sor.u32 s22, s23;
	[tilespmem:s18+$0x0] =	vst @!p3 v1  }
0x76: {  	v1 =	vld [tilespmem:s24+$0x9F00]  }
0x77: {  	v2 =	vld [tilespmem:s24+$0x9F80]  }
0x78: {  	s25 =	sld [smem:$0x7F9];
	s22 =	simm.s32 $0x1;
	v3 =	vld [tilespmem:s24+$0xA000]  }
0x79: {  	s29 =	sld [smem:$0x7F8];
	s28 =	sand.u32 $0x7, s22;
	v4 =	vld [tilespmem:s24+$0xA080]  }
0x7a: {  	s30 =	sld [smem:$0x7F7];
	s23 =	sshll.u32 s28, $0x4;
	v5 =	vld [tilespmem:s24+$0xA100]  }
0x7b: {  	s31 =	sld [smem:$0x7F6];
	s23 =	sadd.s32 $0x80, s23;
	v6 =	vld [tilespmem:s24+$0xA180];
	v60 =	vpsel p4, $0x0, v1;
	p4 =	seq.s32 s25, $0x1  }
0x7c: {  	s23 =	sor.u32 $0x380, s23;
	v9 =	vld [tilespmem:s24+$0xA200];
	s25 =	sld [smem:$0x7F5];
	v61 =	vpsel !p4, $0x0, v2;
	p4 =	seq.s32 s29, $0x1  }
0x7d: {  	s26 =	sld [smem:$0x7F4];
	v10 =	vld [tilespmem:s23+$0x9F00];
	v1 =	vadd.s32 @!p3 v1, v2;
	v7 =	vadd.s32 v60, v61;
	v62 =	vpsel !p4, $0x0, v3;
	p4 =	seq.s32 s30, $0x1  }
0x7e: {  	s28 =	sld [smem:$0x7F3];
	v8 =	vld [tilespmem:s24+$0xDF00];
	v1 =	vadd.s32 @!p3 v3, v1;
	v2 =	vadd.s32 v62, v7;
	v63 =	vpsel !p4, $0x0, v4;
	p4 =	seq.s32 s31, $0x1  }
0x7f: {  	s29 =	sld [smem:$0x7F2];
	v1 =	vadd.s32 @!p3 v4, v1;
	v7 =	vld [tilespmem:s24+$0xDF80];
	v2 =	vadd.s32 v63, v2;
	v3 =	vpsel !p4, $0x0, v5;
	p4 =	seq.s32 s25, $0x1  }
0x80: {  	v4 =	vld [tilespmem:s24+$0xE000];
	v1 =	vadd.s32 @!p3 v5, v1;
	v2 =	vadd.s32 v3, v2;
	v3 =	vpsel !p4, $0x0, v6;
	p4 =	seq.s32 s26, $0x1  }
0x81: {  	s30 =	sld [smem:$0x7FC];
	v5 =	vld [tilespmem:s24+$0xE080];
	v1 =	vadd.s32 @!p3 v6, v1;
	v2 =	vadd.s32 v3, v2;
	v3 =	vpsel !p4, $0x0, v9;
	p4 =	seq.s32 s28, $0x1  }
0x82: {  	s31 =	sld [smem:$0x7FD];
	v6 =	vld [tilespmem:s24+$0xE100];
	v1 =	vadd.s32 @!p3 v9, v1;
	v2 =	vadd.s32 v3, v2;
	v3 =	vpsel !p4, $0x0, v10;
	p4 =	seq.s32 s29, $0x1  }
0x83: {  	v9 =	vld [tilespmem:s24+$0xE180];
	v1 =	vadd.s32 @!p3 v10, v1;
	v2 =	vadd.s32 v3, v2;
	v3 =	vpsel !p4, $0x0, v8  }
0x84: {  	p0 =	seq.s32 s30, $0x1;
	v10 =	vld [tilespmem:s24+$0xE200];
	v1 =	vadd.s32 @!p3 v8, v1;
	v2 =	vadd.s32 v3, v2;
	v3 =	vpsel !p6, $0x0, v7  }
0x85: {  	v1 =	vadd.s32 @!p3 v7, v1;
	p4 =	seq.s32 s31, $0x1;
	v2 =	vadd.s32 v3, v2;
	v3 =	vpsel !p0, $0x0, v4  }
0x86: {  	v1 =	vadd.s32 @!p3 v4, v1;
	v2 =	vadd.s32 v3, v2;
	v3 =	vpsel !p4, $0x0, v5  }
0x87: {  	v1 =	vadd.s32 @!p3 v5, v1;
	v2 =	vadd.s32 v3, v2;
	v3 =	vpsel !p1, $0x0, v6  }
0x88: {  	s23 =	simm.s32 $0x20;
	s25 =	sadd.s32 $0x10, s20;
	v1 =	vadd.s32 @!p3 v6, v1;
	v2 =	vadd.s32 v3, v2;
	v3 =	vpsel !p5, $0x0, v9  }
0x89: {  	s26 =	simm.s32 $0x100;
	p6 =	por p4, p4;
	p0 =	por p1, p1;
	v4 =	vadd.s32 @!p3 v9, v1;
	v2 =	vadd.s32 v3, v2;
	v3 =	vpsel !p2, $0x0, v10  }
0x8a: {  	p1 =	por p5, p5;
	v1 =	vld [tilespmem:s24+$0xE280];
	s24 =	smov.u32 s18;
	p5 =	por p2, p2;
	v2 =	vadd.s32 v3, v2;
	v3 =	vadd.s32 @!p3 v10, v4  }
.LBB2_8:
0x8b: {  	_ =	sdelay $0x3  }
0x8c: {  	s28 =	sand.u32 $0x70, s23;
	s29 =	sand.u32 $0x3C00, s26;
	[tilespmem:s25+$0x0] =	vst v2;
	s24 =	sadd.s32 $0x10, s24;
	v1 =	vadd.s32 @!p3 v1, v3  }
0x8d: {  	s22 =	sadd.s32 $0x1, s22;
	s28 =	sor.u32 s28, s29;
	[tilespmem:s24+$0x0] =	vst @!p3 v1  }
0x8e: {  	s30 =	sand.u32 $0x7, s22;
	v1 =	vld [tilespmem:s28+$0x9F00]  }
0x8f: {  	s29 =	sshll.u32 s30, $0x4;
	s30 =	sld [smem:$0x7FA]  }
0x90: {  	s31 =	sld [smem:$0x7F9]  }
0x91: {  	v2 =	vld [tilespmem:s28+$0x9F80]  }
0x92: {  	p2 =	seq.s32 s30, $0x1  }
0x93: {  	v3 =	vld [tilespmem:s28+$0xA000];
	v7 =	vpsel p2, $0x0, v1;
	p2 =	seq.s32 s31, $0x1;
	s31 =	sld [smem:$0x7F8]  }
0x94: {  	v4 =	vld [tilespmem:s28+$0xA080]  }
0x95: {  	s30 =	sld [smem:$0x7F7]  }
0x96: {  	v5 =	vld [tilespmem:s28+$0xA100];
	v8 =	vpsel !p2, $0x0, v2;
	p2 =	seq.s32 s31, $0x1;
	s31 =	sld [smem:$0x7F6]  }
0x97: {  	v6 =	vld [tilespmem:s28+$0xA180]  }
0x98: {  	s29 =	sadd.s32 s29, s26;
	v62 =	vpsel !p2, $0x0, v3;
	p2 =	seq.s32 s30, $0x1;
	s30 =	sld [smem:$0x7F5]  }
0x99: {  	s29 =	sor.u32 $0x380, s29;
	v9 =	vld [tilespmem:s28+$0xA200];
	v7 =	vadd.s32 v7, v8;
	v63 =	vpsel !p2, $0x0, v4;
	p2 =	seq.s32 s31, $0x1;
	s31 =	sld [smem:$0x7F4]  }
0x9a: {  	v10 =	vld [tilespmem:s29+$0x9F00];
	v1 =	vadd.s32 @!p3 v1, v2;
	v2 =	vadd.s32 v62, v7  }
0x9b: {  	v1 =	vadd.s32 @!p3 v3, v1;
	v2 =	vadd.s32 v63, v2;
	v3 =	vpsel !p2, $0x0, v5;
	p2 =	seq.s32 s30, $0x1;
	s30 =	sld [smem:$0x7F3]  }
0x9c: {  	v8 =	vld [tilespmem:s28+$0xDF00];
	v2 =	vadd.s32 v3, v2;
	v3 =	vpsel !p2, $0x0, v6;
	p2 =	seq.s32 s31, $0x1;
	s31 =	sld [smem:$0x7F2]  }
0x9d: {  	v1 =	vadd.s32 @!p3 v4, v1;
	v7 =	vld [tilespmem:s28+$0xDF80]  }
0x9e: {  	v1 =	vadd.s32 @!p3 v5, v1;
	v4 =	vld [tilespmem:s28+$0xE000];
	v2 =	vadd.s32 v3, v2;
	v3 =	vpsel !p2, $0x0, v9;
	p2 =	seq.s32 s30, $0x1;
	s30 =	sld [smem:$0x7FB]  }
0x9f: {  	v1 =	vadd.s32 @!p3 v6, v1;
	v5 =	vld [tilespmem:s28+$0xE080];
	v2 =	vadd.s32 v3, v2;
	v3 =	vpsel !p2, $0x0, v10;
	p2 =	seq.s32 s31, $0x1;
	s31 =	sld [smem:$0x7FC]  }
0xa0: {  	v1 =	vadd.s32 @!p3 v9, v1;
	v6 =	vld [tilespmem:s28+$0xE100]  }
0xa1: {  	v1 =	vadd.s32 @!p3 v10, v1;
	v9 =	vld [tilespmem:s28+$0xE180];
	v2 =	vadd.s32 v3, v2;
	v3 =	vpsel !p2, $0x0, v8;
	p2 =	seq.s32 s30, $0x1  }
0xa2: {  	s23 =	sadd.s32 $0x10, s23;
	v1 =	vadd.s32 @!p3 v8, v1;
	v10 =	vld [tilespmem:s28+$0xE200];
	v2 =	vadd.s32 v3, v2;
	v3 =	vpsel !p2, $0x0, v7;
	p2 =	seq.s32 s31, $0x1  }
0xa3: {  	p4 =	sne.s32 s23, $0x800;
	v7 =	vadd.s32 @!p3 v7, v1;
	v2 =	vadd.s32 v3, v2;
	v3 =	vpsel !p2, $0x0, v4  }
.Ltmp5:
0xa4: {  	v4 =	vadd.s32 @!p3 v4, v7;
	v2 =	vadd.s32 v3, v2;
	v3 =	vpsel !p6, $0x0, v5;
	(pc) =	sbr.rel @p4 .LBB2_8-.Ltmp5, $4  }
0xa5: {  	v4 =	vadd.s32 @!p3 v5, v4;
	v2 =	vadd.s32 v3, v2;
	v3 =	vpsel !p0, $0x0, v6  }
0xa6: {  	v4 =	vadd.s32 @!p3 v6, v4;
	v2 =	vadd.s32 v3, v2;
	v3 =	vpsel !p1, $0x0, v9  }
0xa7: {  	v4 =	vadd.s32 @!p3 v9, v4;
	v2 =	vadd.s32 v3, v2;
	v3 =	vpsel !p5, $0x0, v10  }
0xa8: {  	s25 =	sadd.s32 $0x10, s25;
	s26 =	sadd.s32 $0x80, s26;
	v1 =	vld [tilespmem:s28+$0xE280];
	v2 =	vadd.s32 v3, v2;
	v3 =	vadd.s32 @!p3 v10, v4  }
0xa9: {  	s21 =	sadd.s32 $0x1, s21  }
0xaa: {  	p4 =	sne.s32 s21, $0x5  }
.Ltmp6:
0xab: {  	s30 =	sld [smem:$0x7FC];
	(pc) =	sbr.rel @p4 .LBB2_7-.Ltmp6, $3  }
0xac: {  	s31 =	sld [smem:$0x7FB];
	_ =	sdelay $0x1  }
0xad: {  	[tilespmem:s25+$0x0] =	vst v2;
	s22 =	sadd.s32 $0x10, s24;
	s20 =	sadd.s32 $0x800, s20;
	s18 =	sadd.s32 $0x800, s18;
	v1 =	vadd.s32 @!p3 v1, v3  }
0xae: {  	p0 =	por p6, p6;
	p1 =	seq.s32 s30, $0x1;
	p5 =	seq.s32 s31, $0x1;
	[tilespmem:s22+$0x0] =	vst @!p3 v1  }
0xaf: {  	s19 =	simm.s32 $0x0  }
0xb0: {  	v2 =	vld [tilespmem:s19+$0x0];
	_ =	sdelay $0x5  }
0xb1: {  	s18 =	simm.s32 $0x10  }
0xb2: {  	v1 =	vld [tilespmem:s18+$0x0]  }
0xb3: {  	s20 =	simm.s32 $0x80;
	v2 =	vld.idx.msk [tilespmem:v2+s15+$0x0], $0xffff  }
.LBB2_11:
0xb4: {  	p4 =	sne.s32 s20, $0x9C00;
	v3 =	vld [tilespmem:s19+$0x2780];
	_ =	sdelay $0x2  }
0xb5: {  	v4 =	vmov v1  }
.Ltmp7:
0xb6: {  	(pc) =	sbr.rel @p4 .LBB2_11-.Ltmp7, $4  }
0xb7: {  	v1 =	vadd.s32 v3, v2  }
0xb8: {  	[tilespmem:s19+$0x2780] =	vst v1;
	s19 =	smov.u32 s18;
	s18 =	sshra.s32 s20, $0x2  }
0xb9: {  	v1 =	vld [tilespmem:s18+$0x0]  }
0xba: {  	s20 =	sadd.s32 $0x40, s20;
	v2 =	vld.idx.msk [tilespmem:v4+s15+$0x0], $0xffff  }
0xbb: {  	v3 =	vld [tilespmem:s19+$0x2780];
	_ =	sdelay $0x4  }
0xbc: {  	v2 =	vadd.s32 v3, v2  }
0xbd: {  	[tilespmem:s19+$0x2780] =	vst v2  }
0xbe: {  	v1 =	vld.idx.msk [tilespmem:v1+s15+$0x0], $0xffff  }
0xbf: {  	v2 =	vld [tilespmem:s18+$0x2780];
	_ =	sdelay $0x4  }
0xc0: {  	v1 =	vadd.s32 v2, v1  }
0xc1: {  	[tilespmem:s18+$0x2780] =	vst v1  }
0xc2: {  	[hbm4b:s6+s2] =	stream.linear.scatter [tilespmem:s16], [sflag:$0x1], $0x2710, $0x38;
	[tilespmem:$0x14700] =	vst v63  }
0xc3: {  	_ =	swait.ge [sflag:s8], $0x2710  }
0xc4: {  	[sflag:s8] =	ssyncset.done $0x0  }
0xc5: {  	s19 =	simm.s32 @!p3 $0x4F00;
	s18 =	simm.s32 @!p3 $0x0;
	[sflag:s8] =	ssyncadd.s32 $0xFFFFD8F0  }
0xc6: {  	[hbm4b:s3+s18] =	stream.linear.scatter @!p3 [tilespmem:s19], [sflag:$0x1], $0x2710, $0x38;
	[tilespmem:$0x14700] =	vst v63  }
.Ltmp8:
0xc7: {  	_ = 	snop;
	(pc) =	sbr.rel .LBB2_14-.Ltmp8, $4  }
0xc8: {  	s18 =	simm.s32 @!p3 $0x1  }
0xc9: {  	_ =	swait.ge @!p3 [sflag:s18], $0x2710  }
0xca: {  	[sflag:s18] =	ssyncset.done @!p3 $0x0  }
0xcb: {  	[sflag:s18] =	ssyncadd.s32 @!p3 $0xFFFFD8F0  }
.LBB2_15:
0xcc: {  	_ =	sfence.sel $0x180000  }
0xcd: {  	[bflag:$0x0] =	sbarrier.arrive $0xFFFF  }
0xce: {  	_ =	strace $0x90000047  }
0xcf: {  	s0 =	sadd.s32 @!p3 $0x100000, s0;
	[bflag:$0x2] =	sbarrier.arrive $0xFFFF  }
0xd0: {  	[sflag:s0] =	ssyncadd.tile.s32 @!p3 $0x1;
	_ =	shalt  }
.Lfunc_end2:
_tile_overlayer_lowered:
.L_overlay_start_2:
0xd1: {  	(tag) =	ssettag $0x2  }
0xd2: {  	s0 =	rddreg [dreg:$0x0];
	s2 =	stileid.u32  }
0xd3: {  	s1 =	rddreg [dreg:$0x1];
	p0 =	sne.s32 s2, $0x0  }
0xd4: {  	s3 =	rddreg [dreg:$0x2];
	[bflag:$0x3] =	sbarrier.arrive $0xFFFF;
	s2 =	simm.s32 @!p0 $0x1C01  }
0xd5: {  	[timem:s3], [sflag:s2] =	dma.local @!p0 [hbm:s0], s1  }
0xd6: {  	s0 =	simm.s32 @!p0 $0x1  }
0xd7: {  	_ =	swait.ge @!p0 [sflag:s0], s1  }
0xd8: {  	s1 =	ssub.s32 @!p0 $0x0, s1;
	[sflag:s0] =	ssyncset.done @!p0 $0x0  }
0xd9: {  	[sflag:s0] =	ssyncadd.s32 @!p0 s1  }
0xda: {  	[bflag:$0x3] =	sbarrier.arrive $0xFFFF  }
0xdb: {  	_ =	shalt  }

// kernel: kernel.13.cloned.1.call-start
scs
__scs_entry_jumppad:
0x0: {  	(pc) =	sbr.rel $0x88, $3  }
0x1: {  	(tag) =	ssettag $0x0;
	lr =	simm.s32 $0x1  }
0x2: {  	[smem:$0x3F91] =	sst lr;
	_ =	strace $0xD0000000  }
0x3: {  	_ = 	snop  }
0x4: {  	_ = 	snop  }
0x5: {  	_ = 	snop  }
0x6: {  	_ = 	snop  }
0x7: {  	_ = 	snop  }
__scs_overlays_trampoline_lowered:
0x8: {  	[smem:$0x3FA0] =	sst s0  }
0x9: {  	[smem:$0x3FA1] =	sst s1  }
0xa: {  	[smem:$0x3FA2] =	sst s2  }
0xb: {  	[smem:$0x3FA3] =	sst s3  }
0xc: {  	[smem:$0x3FA4] =	sst s4  }
0xd: {  	[smem:$0x3FA5] =	sst s5  }
0xe: {  	[smem:$0x3FA6] =	sst s6  }
0xf: {  	[smem:$0x3FA7] =	sst s7  }
0x10: {  	[smem:$0x3FA8] =	sst s8  }
0x11: {  	[smem:$0x3FA9] =	sst s9;
	s0 =	simm.s32 @!p0 $0x0  }
0x12: {  	s1 =	sld [smem:$0x3F8F];
	s0 =	simm.s32 @p0 $0x1  }
0x13: {  	[smem:$0x3FAA] =	sst s0;
	s0 =	simm.s32 @!p1 $0x0  }
0x14: {  	s2 =	sld [smem:$0x3F8E];
	s0 =	simm.s32 @p1 $0x1  }
0x15: {  	[smem:$0x3FAB] =	sst s0;
	s0 =	simm.s32 @!p2 $0x0  }
0x16: {  	s3 =	sld [smem:$0x3FDB];
	s0 =	simm.s32 @p2 $0x1  }
0x17: {  	s4 =	simm.s32 $0x1BF5;
	[smem:$0x3FAD] =	sst s0  }
0x18: {  	s0 =	sld [smem:$0x3F90];
	_ =	swait.ge [sflag:s4], $0x0  }
0x19: {  	s7 =	sld [smem:$0x3F91]  }
0x1a: {  	s8 =	sadd.s32 $0xFFFFE003, lr  }
0x1b: {  	s9 =	sadd.s32 $0xFFFFFEF7, lr;
	s5 =	simm.s32 $0xFFFFFFFF;
	p2 =	slt.u32 s8, $0xFFFFF086  }
0x1c: {  	p1 =	slt.u32 s9, $0xF7A;
	s5 =	simm.s32 @!p2 $0x0  }
0x1d: {  	s5 =	simm.s32 @p1 $0x1;
	p0 =	seq.s32 s7, s2  }
0x1e: {  	s7 =	smul.u32 @!p0 $0xF7A, s2;
	p2 =	seq.s32 @!p0 s5, $0x0  }
0x1f: {  	s9 =	smul.u32 $0xF7A, s1;
	s8 =	simm.s32 @!p0 $0x1BF5;
	p2 =	por !p2, p0  }
0x20: {  	[sflag:s8] =	ssyncset.s32 @!p0 $0xFFFFF086;
	s6 =	sadd.s32 @!p0 s3, s7;
	s7 =	simm.s32 @!p0 $0x108  }
0x21: {  	s3 =	sadd.s32 s3, s9;
	s6 =	sadd.s32 @!p0 $0x88, s6;
	s7 =	simm.s32 @p2 $0x1082  }
0x22: {  	[simem:s7], [sflag:s8] =	dma.local @!p0 [hbm:s6], $0xF7A  }
0x23: {  	s9 =	sor.u32 $0xD0000000, s2;
	s6 =	simm.s32 $0x108;
	_ =	swait.ge @!p0 [sflag:s8], $0x0  }
0x24: {  	s3 =	sadd.s32 $0x88, s3;
	s6 =	simm.s32 @!p1 $0x1082;
	[sflag:s4] =	ssyncset.s32 $0xFFFFF086  }
0x25: {  	[simem:s6], [sflag:s4] =	dma.local [hbm:s3], $0xF7A  }
0x26: {  	[smem:$0x3F91] =	sst s1;
	(tag) =	ssettag s2;
	_ =	strace s9  }
0x27: {  	s1 =	sld [smem:$0x3FA1]  }
0x28: {  	s2 =	sld [smem:$0x3FA2]  }
0x29: {  	s4 =	sld [smem:$0x3FA4]  }
0x2a: {  	p0 =	seq.s32 s5, $0x0;
	s5 =	sld [smem:$0x3FA5]  }
0x2b: {  	s6 =	sld [smem:$0x3FA6]  }
0x2c: {  	s7 =	sld [smem:$0x3FA7]  }
0x2d: {  	s3 =	simm.s32 $0x108;
	s8 =	sld [smem:$0x3FA8]  }
0x2e: {  	s3 =	simm.s32 @!p0 $0x1082;
	s9 =	sld [smem:$0x3FA9]  }
0x2f: {  	lr =	sadd.s32 s0, s3;
	s0 =	sld [smem:$0x3FA0]  }
0x30: {  	s3 =	sld [smem:$0x3FA3]  }
0x31: {  	[smem:$0x3FAC] =	sst s10  }
0x32: {  	s10 =	sld [smem:$0x3FAA];
	_ =	sdelay $0x3  }
0x33: {  	p0 =	seq.s32 s10, $0x1;
	s10 =	sld [smem:$0x3FAC];
	_ =	sdelay $0x3  }
0x34: {  	[smem:$0x3FAC] =	sst s10  }
0x35: {  	s10 =	sld [smem:$0x3FAB];
	_ =	sdelay $0x3  }
0x36: {  	p1 =	seq.s32 s10, $0x1;
	s10 =	sld [smem:$0x3FAC];
	_ =	sdelay $0x3  }
0x37: {  	[smem:$0x3FAC] =	sst s10  }
0x38: {  	s10 =	sld [smem:$0x3FAD]  }
0x39: {  	_ = 	snop;
	(pc) =	sbr.ind lr, $3  }
0x3a: {  	_ = 	snop  }
0x3b: {  	_ = 	snop  }
0x3c: {  	p2 =	seq.s32 s10, $0x1;
	s10 =	sld [smem:$0x3FAC]  }
0x3d: {  	_ =	shalt  }
0x3e: {  	_ =	shalt  }
0x3f: {  	_ =	shalt  }
0x40: {  	_ =	shalt  }
0x41: {  	_ =	shalt  }
0x42: {  	_ =	shalt  }
0x43: {  	_ =	shalt  }
0x44: {  	_ =	shalt  }
0x45: {  	_ =	shalt  }
0x46: {  	_ =	shalt  }
0x47: {  	_ =	shalt  }
0x48: {  	_ =	shalt  }
0x49: {  	_ =	shalt  }
0x4a: {  	_ =	shalt  }
0x4b: {  	_ =	shalt  }
0x4c: {  	_ =	shalt  }
0x4d: {  	_ =	shalt  }
0x4e: {  	_ =	shalt  }
0x4f: {  	_ =	shalt  }
0x50: {  	_ =	shalt  }
0x51: {  	_ =	shalt  }
0x52: {  	_ =	shalt  }
0x53: {  	_ =	shalt  }
0x54: {  	_ =	shalt  }
0x55: {  	_ =	shalt  }
0x56: {  	_ =	shalt  }
0x57: {  	_ =	shalt  }
0x58: {  	_ =	shalt  }
0x59: {  	_ =	shalt  }
0x5a: {  	_ =	shalt  }
0x5b: {  	_ =	shalt  }
0x5c: {  	_ =	shalt  }
0x5d: {  	_ =	shalt  }
0x5e: {  	_ =	shalt  }
0x5f: {  	_ =	shalt  }
0x60: {  	_ =	shalt  }
0x61: {  	_ =	shalt  }
0x62: {  	_ =	shalt  }
0x63: {  	_ =	shalt  }
0x64: {  	_ =	shalt  }
0x65: {  	_ =	shalt  }
0x66: {  	_ =	shalt  }
0x67: {  	_ =	shalt  }
0x68: {  	_ =	shalt  }
0x69: {  	_ =	shalt  }
0x6a: {  	_ =	shalt  }
0x6b: {  	_ =	shalt  }
0x6c: {  	_ =	shalt  }
0x6d: {  	_ =	shalt  }
0x6e: {  	_ =	shalt  }
0x6f: {  	_ =	shalt  }
0x70: {  	_ =	shalt  }
0x71: {  	_ =	shalt  }
0x72: {  	_ =	shalt  }
0x73: {  	_ =	shalt  }
0x74: {  	_ =	shalt  }
0x75: {  	_ =	shalt  }
0x76: {  	_ =	shalt  }
0x77: {  	_ =	shalt  }
0x78: {  	_ =	shalt  }
0x79: {  	_ =	shalt  }
0x7a: {  	_ =	shalt  }
0x7b: {  	_ =	shalt  }
0x7c: {  	_ =	shalt  }
0x7d: {  	_ =	shalt  }
0x7e: {  	_ =	shalt  }
0x7f: {  	_ =	shalt  }
0x80: {  	_ =	shalt  }
0x81: {  	_ =	shalt  }
0x82: {  	_ =	shalt  }
0x83: {  	_ =	shalt  }
0x84: {  	_ =	shalt  }
0x85: {  	_ =	shalt  }
0x86: {  	_ =	shalt  }
0x87: {  	_ =	shalt  }
.Lfunc_end0:
.L_simem_size_0:
called_computation.3_lowered:
.L_overlay_start_0:
0x88: {  	s2 =	sld [smem:$0x3FD9]  }
0x89: {  	s3 =	sld [smem:$0x3FFE];
	_ =	sdelay $0x1  }
0x8a: {  	s1 =	srdreg.scid  }
0x8b: {  	s0 =	sand.u32 $0x1, s1  }
0x8c: {  	s17 =	sshll.u32 s0, $0xA;
	s2 =	sadd.s32 s3, s2  }
0x8d: {  	s2 =	sadd.s32 s2, s17  }
0x8e: {  	[smem:$0x3FB8] =	sst s2  }
0x8f: {  	_ = 	snop  }
0x90: {  	s2 =	sld [smem:$0x3FD0];
	(tm) =	ssettm $0x1  }
0x91: {  	s18 =	sld [smem:$0x3FFB];
	_ =	sdelay $0x3  }
0x92: {  	_ =	strace s18  }
0x93: {  	s3 =	sld [smem:$0x3FFC];
	_ =	sdelay $0x3  }
0x94: {  	_ =	strace s3  }
0x95: {  	s3 =	sld [smem:$0x3FFD];
	_ =	sdelay $0x3  }
0x96: {  	_ =	strace s3  }
0x97: {  	_ =	strace $0x8FFFFFFF  }
0x98: {  	s19 =	sld [smem:$0x3FDB];
	_ =	sdelay $0x1  }
0x99: {  	s4 =	simm.s32 $_scs_section_size  }
0x9a: {  	s5 =	simm.s32 $_size__tile_overlayer_lowered;
	s6 =	simm.s32 $_tile_overlayer_lowered  }
0x9b: {  	s22 =	simm.s32 $0x1BFF;
	s21 =	sshll.u32 s6, $0x1;
	s3 =	sadd.s32 s4, s19  }
0x9c: {  	s7 =	simm.s32 $0x0;
	s20 =	sshll.u32 s5, $0x1;
	s5 =	sadd.s32 s21, s3  }
0x9d: {  	[timem:s7], [sflag:s22] =	dma.local [hbm:s5], s20  }
0x9e: {  	_ =	swait.ge [sflag:s22], s20  }
0x9f: {  	s4 =	ssub.s32 $0x0, s20;
	[sflag:s22] =	ssyncset.done $0x0  }
0xa0: {  	[sflag:s22] =	ssyncadd.s32 s4;
	_ =	sdelay $0x1  }
0xa1: {  	s23 =	simm.s32 $0x1B8B  }
0xa2: {  	_ =	swait.ge [sflag:s23], $0x1  }
0xa3: {  	[sflag:s23] =	ssyncset.done $0x0  }
0xa4: {  	s25 =	simm.s32 $0x1B8E;
	s24 =	sld [smem:$0x3FFE];
	[sflag:s23] =	ssyncadd.s32 $0xFFFFFFFF  }
0xa5: {  	s26 =	simm.s32 $execute0_lowered;
	[smem:$0x3FD2] =	sst s25  }
0xa6: {  	s5 =	sshll.u32 s26, $0x1;
	_ =	strace $0x8000004F;
	[dreg:$0x1] =	wrdreg $0xFFFFFFFF  }
0xa7: {  	s28 =	simm.s32 $_size_execute0_lowered;
	s3 =	sadd.s32 s3, s5;
	[dreg:$0x0] =	wrdreg $0x0  }
0xa8: {  	s5 =	sshll.u32 s28, $0x1;
	[dreg:$0x2] =	wrdreg s3  }
0xa9: {  	[dreg:$0x3] =	wrdreg s5  }
0xaa: {  	[dreg:$0x4] =	wrdreg $0xC0  }
0xab: {  	_ =	task [dreg:s7], $0x5FFFF  }
0xac: {  	[dreg:$0x1] =	wrdreg $0xFFFFFFFF  }
0xad: {  	[dreg:$0x0] =	wrdreg $0x60  }
0xae: {  	[dreg:$0x2] =	wrdreg s24  }
0xaf: {  	[dreg:$0x3] =	wrdreg s2  }
0xb0: {  	[dreg:$0x4] =	wrdreg $0xA  }
0xb1: {  	_ =	task.clear_ibuf [dreg:s7], $0x5FFFF;
	_ =	strace $0x9000004F  }
0xb2: {  	s29 =	simm.s32 $0xA;
	_ =	strace $0x80000051  }
0xb3: {  	_ =	swait.ge [sflag:s29], $0x1  }
0xb4: {  	[sflag:s29] =	ssyncadd.s32 $0xFFFFFFFF  }
0xb5: {  	_ =	strace $0x90000051  }
0xb6: {  	_ =	sfence  }
0xb7: {  	s30 =	sld [smem:$0x0];
	_ =	sdelay $0x2  }
0xb8: {  	s31 =	sshll.u32 s1, $0xD;
	s1 =	sshrl.u32 s1, $0x2  }
0xb9: {  	s3 =	sand.u32 $0x4000, s31;
	s1 =	sadd.s32 s1, s30  }
0xba: {  	s0 =	sor.u32 s3, s0;
	s1 =	sshll.u32 s1, $0x11  }
0xbb: {  	s0 =	sor.u32 s1, s0  }
0xbc: {  	s0 =	sadd.s32 $0x8F2B, s0  }
0xbd: {  	[sflag:s0] =	ssyncadd.remote.s32 $0x1  }
0xbe: {  	_ =	sfence.sel $0xFFFF  }
0xbf: {  	[dreg:$0x0] =	wrdreg $0xFFFFFFFF;
	(pc) =	sbr.abs _section_cstart, $3  }
0xc0: {  	[dreg:$0x1] =	wrdreg $0xFFFFFFFF  }
0xc1: {  	_ =	task.clear_ibuf [dreg:s7], $0x2FFFF;
	_ =	strace $0x9FFFFFFF  }
0xc2: {  	(tm) =	ssettm $0x7FFFFFFF  }
0xc3: {  	_ =	shalt  }
tec
execute0_lowered:
.L_overlay_start_1:
0x0: {  	(tag) =	ssettag $0x1  }
0x1: {  	s1 =	srdreg.scid  }
0x2: {  	s1 =	sand.u32 $0x1, s1  }
0x3: {  	p0 =	seq.s32 s1, $0x1  }
.Ltmp0:
0x4: {  	_ = 	snop;
	(pc) =	sbr.rel @p0 .LBB2_8-.Ltmp0, $4  }
0x5: {  	s2 =	rddreg [dreg:$0x0]  }
0x6: {  	s3 =	rddreg [dreg:$0x1];
	s5 =	simm.s32 $0x0  }
0x7: {  	[smem:$0x7FF] =	sst s5  }
0x8: {  	s0 =	rddreg [dreg:$0x2];
	_ =	strace $0x80000050;
	s1 =	stileid.u32  }
0x9: {  	s4 =	smul.u32 $0x4E2, s1;
	_ =	sdelay $0x1  }
0xa: {  	s7 =	simm.s32 $0x1;
	s6 =	sadd.s32 s2, s4  }
0xb: {  	[tilespmem:s5], [sflag:$0x1] =	stream.linear.gather [hbm4b:s6+s5], $0x2710, $0x38;
	[tilespmem:$0x19180] =	vst v63  }
0xc: {  	_ =	swait.ge [sflag:s7], $0x2710  }
0xd: {  	s24 =	sadd.s32 $0x5000, s2;
	[sflag:s7] =	ssyncset.done $0x0  }
0xe: {  	s8 =	simm.s32 $0x2710;
	s6 =	sadd.s32 s24, s4;
	[sflag:s7] =	ssyncadd.s32 $0xFFFFD8F0  }
0xf: {  	[tilespmem:s8], [sflag:$0x1] =	stream.linear.gather [hbm4b:s6+s5], $0x2710, $0x38;
	[tilespmem:$0x19180] =	vst v63  }
0x10: {  	_ =	swait.ge [sflag:s7], $0x2710  }
0x11: {  	s25 =	sadd.s32 $0xA600, s2;
	[sflag:s7] =	ssyncset.done $0x0  }
0x12: {  	s26 =	simm.s32 $0x4E20;
	s6 =	sadd.s32 s25, s4;
	[sflag:s7] =	ssyncadd.s32 $0xFFFFD8F0  }
0x13: {  	[tilespmem:s26], [sflag:$0x1] =	stream.linear.gather [hbm4b:s6+s5], $0x2710, $0x38;
	[tilespmem:$0x19180] =	vst v63  }
0x14: {  	_ =	swait.ge [sflag:s7], $0x2710  }
0x15: {  	[sflag:s7] =	ssyncset.done $0x0  }
0x16: {  	s28 =	sadd.s32 $0xFC00, s2;
	s6 =	simm.s32 $0xF540;
	[sflag:s7] =	ssyncadd.s32 $0xFFFFD8F0  }
0x17: {  	[tilespmem:s6], [sflag:$0x1] =	stream.linear.gather [hbm4b:s28+s5], $0x2710, $0x38;
	[tilespmem:$0x19180] =	vst v63  }
0x18: {  	_ =	swait.ge [sflag:s7], $0x2710  }
0x19: {  	[sflag:s7] =	ssyncset.done $0x0  }
0x1a: {  	s29 =	sadd.s32 $0x10800, s2;
	s9 =	simm.s32 $0x7530;
	[sflag:s7] =	ssyncadd.s32 $0xFFFFD8F0  }
0x1b: {  	[tilespmem:s9], [sflag:$0x1] =	stream.linear.gather [hbm4b:s29+s5], $0x8000, $0x38;
	[tilespmem:$0x19180] =	vst v63  }
0x1c: {  	_ =	swait.ge [sflag:s7], $0x8000  }
0x1d: {  	[sflag:s7] =	ssyncset.done $0x0  }
0x1e: {  	s30 =	simm.s32 $0xF530;
	[sflag:s7] =	ssyncadd.s32 $0xFFFF8000  }
0x1f: {  	[tilespmem:s30], [sflag:$0x1] =	stream.linear.gather [hbm4b:s3+s5], $0x10, $0x38;
	[tilespmem:$0x19180] =	vst v63  }
0x20: {  	s31 =	sadd.s32 s4, s2;
	_ =	swait.ge [sflag:s7], $0x10  }
0x21: {  	s2 =	sadd.s32 $0xA000, s2;
	s4 =	sadd.s32 $0x11800, s31;
	[sflag:s7] =	ssyncset.done $0x0  }
0x22: {  	v0 =	vlaneseq.u32;
	s3 =	sadd.s32 $0x16800, s31;
	[sflag:s7] =	ssyncadd.s32 $0xFFFFFFF0;
	s7 =	simm.s32 $0x11C50  }
.LBB2_2:
0x23: {  	v1 =	vld [tilespmem:s6+$0x0];
	_ =	sdelay $0x2  }
0x24: {  	p0 =	sne.s32 s5, $0x2700  }
.Ltmp1:
0x25: {  	_ = 	snop;
	(pc) =	sbr.rel @p0 .LBB2_2-.Ltmp1, $3  }
0x26: {  	_ =	sdelay $0x1  }
0x27: {  	v2 =	vor.u32 s5, v0  }
0x28: {  	s6 =	sadd.s32 $0x10, s6;
	s5 =	sadd.s32 $0x10, s5;
	[tilespmem:v1+s7+$0x0] =	vst.idx.msk $0xffff, v2  }
.Ltmp2:
0x29: {  	(pc) =	sbr.rel .LBB2_4-.Ltmp2, $2  }
0x2a: {  	_ =	sdelay $0x2  }
0x2b: {  	s5 =	simm.s32 $0x0;
	s6 =	simm.s32 $0x7530;
	v0 =	vimm.s32 $0x0;
	s7 =	simm.s32 $0x11C50  }
.LBB2_6:
0x2c: {  	_ =	sdelay $0x3  }
0x2d: {  	v1 =	vld.idx.msk [tilespmem:v3+s7+$0x0], $0xffff;
	_ =	sdelay $0x4  }
0x2e: {  	v1 =	vadd.s32 v4, v1  }
0x2f: {  	s5 =	sadd.s32 $0x40, s5;
	[tilespmem:s8+$0x14360] =	vst v1  }
0x30: {  	p0 =	sne.s32 s5, $0x9C40;
	v1 =	vld.idx.msk [tilespmem:v2+s7+$0x0], $0xffff  }
.Ltmp3:
0x31: {  	_ = 	snop;
	(pc) =	sbr.rel @!p0 .LBB2_7-.Ltmp3, $2  }
0x32: {  	_ =	sdelay $0x2  }
0x33: {  	[tilespmem:s8+$0x16A70] =	vst v1  }
.LBB2_4:
0x34: {  	s8 =	sshra.s32 s5, $0x2  }
0x35: {  	v1 =	vld [tilespmem:s8+$0x4E20];
	_ =	sdelay $0x4  }
0x36: {  	vm0 =	vgt.s32 v1, $0x7FFF  }
0x37: {  	v2 =	vsel vm0, $0x1, v0  }
0x38: {  	v2 =	vor.u32 $0x80000000, v2  }
0x39: {  	(xrf0) =	vmax.scan.msk.u32 $0xffff, v2;
	_ =	sdelay $0x5  }
0x3a: {  	v2, _, _ =	vpop (xrf0)  }
0x3b: {  	(v2sf) =	vpush v2, $0xF;
	_ =	sdelay $0xe  }
0x3c: {  	v4 =	vsel vm0, $0x7FFF, v1;
	s9 =	spop (v2sf)  }
0x3d: {  	p0 =	slt.u32 s9, $0x80000001  }
.Ltmp4:
0x3e: {  	_ = 	snop;
	(pc) =	sbr.rel @p0 .LBB2_6-.Ltmp4, $3  }
0x3f: {  	v3 =	vld [tilespmem:s8+$0x0];
	_ =	sdelay $0x1  }
0x40: {  	v4 =	vld.idx.msk [tilespmem:v4+s6+$0x0], $0xffff  }
0x41: {  	v2 =	vld [tilespmem:s8+$0x2710]  }
0x42: {  	v5 =	vld [tilespmem:$0xF530];
	_ =	sdelay $0x4  }
0x43: {  	v6 =	vbroadcast v5, $0x0;
	v7 =	vbroadcast v5, $0x1  }
0x44: {  	v8 =	vbroadcast v5, $0x2;
	v9 =	vbroadcast v5, $0x3  }
0x45: {  	v10 =	vbroadcast v5, $0x4;
	v11 =	vbroadcast v5, $0x5  }
0x46: {  	v12 =	vbroadcast v5, $0x6;
	v13 =	vbroadcast v5, $0x7  }
0x47: {  	v14 =	vbroadcast v5, $0x8;
	v15 =	vbroadcast v5, $0x9  }
0x48: {  	v16 =	vbroadcast v5, $0xA;
	v58 =	vbroadcast v5, $0xB  }
0x49: {  	v59 =	vbroadcast v5, $0xC;
	v61 =	vbroadcast v5, $0xD  }
0x4a: {  	v62 =	vbroadcast v5, $0xE;
	v5 =	vbroadcast v5, $0xF  }
0x4b: {  	v6 =	vsub.s32 v6, v1;
	v7 =	vsub.s32 v7, v1;
	v8 =	vsub.s32 v8, v1  }
0x4c: {  	v9 =	vsub.s32 v9, v1;
	v10 =	vsub.s32 v10, v1;
	v11 =	vsub.s32 v11, v1  }
0x4d: {  	v12 =	vsub.s32 v12, v1;
	v13 =	vsub.s32 v13, v1;
	v14 =	vsub.s32 v14, v1  }
0x4e: {  	v15 =	vsub.s32 v15, v1;
	v57 =	vsub.s32 v16, v1;
	v60 =	vsub.s32 v58, v1  }
0x4f: {  	v63 =	vsub.s32 v62, v1;
	v5 =	vsub.s32 v5, v1;
	vm0 =	vgt.s32 v6, $0x0  }
0x50: {  	vm1 =	vgt.s32 v7, $0x0;
	vm13 =	vgt.s32 v8, $0x0;
	vm14 =	vgt.s32 v9, $0x0  }
0x51: {  	vm15 =	vgt.s32 v10, $0x0;
	v6 =	vnsel vm0, $0x0, v6;
	v7 =	vnsel vm1, $0x0, v7  }
0x52: {  	vm4 =	vgt.s32 v11, $0x0;
	v8 =	vnsel vm13, $0x0, v8;
	v6 =	vadd.s32 v6, v7  }
0x53: {  	vm5 =	vgt.s32 v12, $0x0;
	v9 =	vnsel vm14, $0x0, v9;
	v6 =	vadd.s32 v8, v6  }
0x54: {  	vm6 =	vgt.s32 v13, $0x0;
	v10 =	vnsel vm15, $0x0, v10;
	v6 =	vadd.s32 v9, v6  }
0x55: {  	vm7 =	vgt.s32 v14, $0x0;
	v11 =	vnsel vm4, $0x0, v11;
	v6 =	vadd.s32 v10, v6  }
0x56: {  	vm8 =	vgt.s32 v15, $0x0;
	v12 =	vnsel vm5, $0x0, v12;
	v6 =	vadd.s32 v11, v6  }
0x57: {  	vm9 =	vgt.s32 v57, $0x0;
	v13 =	vnsel vm6, $0x0, v13;
	v6 =	vadd.s32 v12, v6  }
0x58: {  	vm10 =	vgt.s32 v60, $0x0;
	v7 =	vnsel vm7, $0x0, v14;
	v6 =	vadd.s32 v13, v6  }
0x59: {  	v56 =	vnsel vm8, $0x0, v15;
	v9 =	vsub.s32 v59, v1;
	v6 =	vadd.s32 v7, v6  }
0x5a: {  	v8 =	vnsel vm9, $0x0, v57;
	vm11 =	vgt.s32 v9, $0x0;
	v6 =	vadd.s32 v56, v6  }
0x5b: {  	v10 =	vnsel vm10, $0x0, v60;
	v7 =	vsub.s32 v61, v1;
	v6 =	vadd.s32 v8, v6  }
0x5c: {  	v9 =	vnsel vm11, $0x0, v9;
	vm12 =	vgt.s32 v7, $0x0;
	v6 =	vadd.s32 v10, v6  }
0x5d: {  	vm13 =	vgt.s32 v63, $0x0;
	v7 =	vnsel vm12, $0x0, v7;
	v6 =	vadd.s32 v9, v6  }
.Ltmp5:
0x5e: {  	vm14 =	vgt.s32 v5, $0x0;
	v8 =	vnsel vm13, $0x0, v63;
	v6 =	vadd.s32 v7, v6;
	(pc) =	sbr.rel .LBB2_6-.Ltmp5, $4  }
0x5f: {  	v5 =	vnsel vm14, $0x0, v5;
	v6 =	vadd.s32 v8, v6  }
0x60: {  	v5 =	vadd.s32 v5, v6  }
0x61: {  	vm15 =	vlt.s32 v1, $0x8000;
	v1 =	vsub.s32 $0x27100, v5  }
0x62: {  	v4 =	vsel vm15, v4, v1  }
.LBB2_7:
0x63: {  	s5 =	simm.s32 $0x0;
	s6 =	simm.s32 $0x14360;
	s30 =	simm.s32 $0x1  }
0x64: {  	[hbm4b:s4+s5] =	stream.linear.scatter [tilespmem:s6], [sflag:$0x1], $0x2710, $0x38;
	[tilespmem:$0x19180] =	vst v63  }
0x65: {  	_ =	swait.ge [sflag:s30], $0x2710  }
0x66: {  	[sflag:s30] =	ssyncset.done $0x0  }
0x67: {  	s31 =	simm.s32 $0x16A70;
	[sflag:s30] =	ssyncadd.s32 $0xFFFFD8F0  }
0x68: {  	[hbm4b:s3+s5] =	stream.linear.scatter [tilespmem:s31], [sflag:$0x1], $0x2710, $0x38;
	[tilespmem:$0x19180] =	vst v63  }
0x69: {  	_ =	swait.ge [sflag:s30], $0x2710  }
0x6a: {  	p0 =	sne.s32 s1, $0x0;
	[sflag:s30] =	ssyncset.done $0x0  }
0x6b: {  	s4 =	simm.s32 @!p0 $0x11C50;
	s3 =	simm.s32 @!p0 $0x0;
	[sflag:s30] =	ssyncadd.s32 $0xFFFFD8F0  }
0x6c: {  	[hbm4b:s2+s3] =	stream.linear.scatter @!p0 [tilespmem:s4], [sflag:$0x1], $0x2710, $0x38;
	[tilespmem:$0x19180] =	vst v63  }
0x6d: {  	s2 =	simm.s32 @!p0 $0x1  }
0x6e: {  	_ =	swait.ge @!p0 [sflag:s2], $0x2710  }
0x6f: {  	[sflag:s2] =	ssyncset.done @!p0 $0x0  }
0x70: {  	[sflag:s2] =	ssyncadd.s32 @!p0 $0xFFFFD8F0  }
.LBB2_8:
0x71: {  	_ =	sfence.sel $0x180000  }
0x72: {  	[bflag:$0x0] =	sbarrier.arrive $0xFFFF  }
0x73: {  	p0 =	sne.s32 s1, $0x0;
	_ =	strace $0x90000050  }
0x74: {  	s0 =	sadd.s32 @!p0 $0x100000, s0;
	[bflag:$0x2] =	sbarrier.arrive $0xFFFF  }
0x75: {  	[sflag:s0] =	ssyncadd.tile.s32 @!p0 $0x1;
	_ =	shalt  }
.Lfunc_end2:
_tile_overlayer_lowered:
.L_overlay_start_2:
0x76: {  	(tag) =	ssettag $0x2  }
0x77: {  	s0 =	rddreg [dreg:$0x0];
	s2 =	stileid.u32  }
0x78: {  	s1 =	rddreg [dreg:$0x1];
	p0 =	sne.s32 s2, $0x0  }
0x79: {  	s3 =	rddreg [dreg:$0x2];
	[bflag:$0x3] =	sbarrier.arrive $0xFFFF;
	s2 =	simm.s32 @!p0 $0x1C01  }
0x7a: {  	[timem:s3], [sflag:s2] =	dma.local @!p0 [hbm:s0], s1  }
0x7b: {  	s0 =	simm.s32 @!p0 $0x1  }
0x7c: {  	_ =	swait.ge @!p0 [sflag:s0], s1  }
0x7d: {  	s1 =	ssub.s32 @!p0 $0x0, s1;
	[sflag:s0] =	ssyncset.done @!p0 $0x0  }
0x7e: {  	[sflag:s0] =	ssyncadd.s32 @!p0 s1  }
0x7f: {  	[bflag:$0x3] =	sbarrier.arrive $0xFFFF  }
0x80: {  	_ =	shalt  }

// kernel: kernel.16.cloned.1.call-start
scs
__scs_entry_jumppad:
0x0: {  	(pc) =	sbr.rel $0x88, $3  }
0x1: {  	(tag) =	ssettag $0x0;
	lr =	simm.s32 $0x1  }
0x2: {  	[smem:$0x3F91] =	sst lr;
	_ =	strace $0xD0000000  }
0x3: {  	_ = 	snop  }
0x4: {  	_ = 	snop  }
0x5: {  	_ = 	snop  }
0x6: {  	_ = 	snop  }
0x7: {  	_ = 	snop  }
__scs_overlays_trampoline_lowered:
0x8: {  	[smem:$0x3FA0] =	sst s0  }
0x9: {  	[smem:$0x3FA1] =	sst s1  }
0xa: {  	[smem:$0x3FA2] =	sst s2  }
0xb: {  	[smem:$0x3FA3] =	sst s3  }
0xc: {  	[smem:$0x3FA4] =	sst s4  }
0xd: {  	[smem:$0x3FA5] =	sst s5  }
0xe: {  	[smem:$0x3FA6] =	sst s6  }
0xf: {  	[smem:$0x3FA7] =	sst s7  }
0x10: {  	[smem:$0x3FA8] =	sst s8  }
0x11: {  	[smem:$0x3FA9] =	sst s9;
	s0 =	simm.s32 @!p0 $0x0  }
0x12: {  	s1 =	sld [smem:$0x3F8F];
	s0 =	simm.s32 @p0 $0x1  }
0x13: {  	[smem:$0x3FAA] =	sst s0;
	s0 =	simm.s32 @!p1 $0x0  }
0x14: {  	s2 =	sld [smem:$0x3F8E];
	s0 =	simm.s32 @p1 $0x1  }
0x15: {  	[smem:$0x3FAB] =	sst s0;
	s0 =	simm.s32 @!p2 $0x0  }
0x16: {  	s3 =	sld [smem:$0x3FDB];
	s0 =	simm.s32 @p2 $0x1  }
0x17: {  	s4 =	simm.s32 $0x1BF5;
	[smem:$0x3FAD] =	sst s0  }
0x18: {  	s0 =	sld [smem:$0x3F90];
	_ =	swait.ge [sflag:s4], $0x0  }
0x19: {  	s7 =	sld [smem:$0x3F91]  }
0x1a: {  	s8 =	sadd.s32 $0xFFFFE003, lr  }
0x1b: {  	s9 =	sadd.s32 $0xFFFFFEF7, lr;
	s5 =	simm.s32 $0xFFFFFFFF;
	p2 =	slt.u32 s8, $0xFFFFF086  }
0x1c: {  	p1 =	slt.u32 s9, $0xF7A;
	s5 =	simm.s32 @!p2 $0x0  }
0x1d: {  	s5 =	simm.s32 @p1 $0x1;
	p0 =	seq.s32 s7, s2  }
0x1e: {  	s7 =	smul.u32 @!p0 $0xF7A, s2;
	p2 =	seq.s32 @!p0 s5, $0x0  }
0x1f: {  	s9 =	smul.u32 $0xF7A, s1;
	s8 =	simm.s32 @!p0 $0x1BF5;
	p2 =	por !p2, p0  }
0x20: {  	[sflag:s8] =	ssyncset.s32 @!p0 $0xFFFFF086;
	s6 =	sadd.s32 @!p0 s3, s7;
	s7 =	simm.s32 @!p0 $0x108  }
0x21: {  	s3 =	sadd.s32 s3, s9;
	s6 =	sadd.s32 @!p0 $0x88, s6;
	s7 =	simm.s32 @p2 $0x1082  }
0x22: {  	[simem:s7], [sflag:s8] =	dma.local @!p0 [hbm:s6], $0xF7A  }
0x23: {  	s9 =	sor.u32 $0xD0000000, s2;
	s6 =	simm.s32 $0x108;
	_ =	swait.ge @!p0 [sflag:s8], $0x0  }
0x24: {  	s3 =	sadd.s32 $0x88, s3;
	s6 =	simm.s32 @!p1 $0x1082;
	[sflag:s4] =	ssyncset.s32 $0xFFFFF086  }
0x25: {  	[simem:s6], [sflag:s4] =	dma.local [hbm:s3], $0xF7A  }
0x26: {  	[smem:$0x3F91] =	sst s1;
	(tag) =	ssettag s2;
	_ =	strace s9  }
0x27: {  	s1 =	sld [smem:$0x3FA1]  }
0x28: {  	s2 =	sld [smem:$0x3FA2]  }
0x29: {  	s4 =	sld [smem:$0x3FA4]  }
0x2a: {  	p0 =	seq.s32 s5, $0x0;
	s5 =	sld [smem:$0x3FA5]  }
0x2b: {  	s6 =	sld [smem:$0x3FA6]  }
0x2c: {  	s7 =	sld [smem:$0x3FA7]  }
0x2d: {  	s3 =	simm.s32 $0x108;
	s8 =	sld [smem:$0x3FA8]  }
0x2e: {  	s3 =	simm.s32 @!p0 $0x1082;
	s9 =	sld [smem:$0x3FA9]  }
0x2f: {  	lr =	sadd.s32 s0, s3;
	s0 =	sld [smem:$0x3FA0]  }
0x30: {  	s3 =	sld [smem:$0x3FA3]  }
0x31: {  	[smem:$0x3FAC] =	sst s10  }
0x32: {  	s10 =	sld [smem:$0x3FAA];
	_ =	sdelay $0x3  }
0x33: {  	p0 =	seq.s32 s10, $0x1;
	s10 =	sld [smem:$0x3FAC];
	_ =	sdelay $0x3  }
0x34: {  	[smem:$0x3FAC] =	sst s10  }
0x35: {  	s10 =	sld [smem:$0x3FAB];
	_ =	sdelay $0x3  }
0x36: {  	p1 =	seq.s32 s10, $0x1;
	s10 =	sld [smem:$0x3FAC];
	_ =	sdelay $0x3  }
0x37: {  	[smem:$0x3FAC] =	sst s10  }
0x38: {  	s10 =	sld [smem:$0x3FAD]  }
0x39: {  	_ = 	snop;
	(pc) =	sbr.ind lr, $3  }
0x3a: {  	_ = 	snop  }
0x3b: {  	_ = 	snop  }
0x3c: {  	p2 =	seq.s32 s10, $0x1;
	s10 =	sld [smem:$0x3FAC]  }
0x3d: {  	_ =	shalt  }
0x3e: {  	_ =	shalt  }
0x3f: {  	_ =	shalt  }
0x40: {  	_ =	shalt  }
0x41: {  	_ =	shalt  }
0x42: {  	_ =	shalt  }
0x43: {  	_ =	shalt  }
0x44: {  	_ =	shalt  }
0x45: {  	_ =	shalt  }
0x46: {  	_ =	shalt  }
0x47: {  	_ =	shalt  }
0x48: {  	_ =	shalt  }
0x49: {  	_ =	shalt  }
0x4a: {  	_ =	shalt  }
0x4b: {  	_ =	shalt  }
0x4c: {  	_ =	shalt  }
0x4d: {  	_ =	shalt  }
0x4e: {  	_ =	shalt  }
0x4f: {  	_ =	shalt  }
0x50: {  	_ =	shalt  }
0x51: {  	_ =	shalt  }
0x52: {  	_ =	shalt  }
0x53: {  	_ =	shalt  }
0x54: {  	_ =	shalt  }
0x55: {  	_ =	shalt  }
0x56: {  	_ =	shalt  }
0x57: {  	_ =	shalt  }
0x58: {  	_ =	shalt  }
0x59: {  	_ =	shalt  }
0x5a: {  	_ =	shalt  }
0x5b: {  	_ =	shalt  }
0x5c: {  	_ =	shalt  }
0x5d: {  	_ =	shalt  }
0x5e: {  	_ =	shalt  }
0x5f: {  	_ =	shalt  }
0x60: {  	_ =	shalt  }
0x61: {  	_ =	shalt  }
0x62: {  	_ =	shalt  }
0x63: {  	_ =	shalt  }
0x64: {  	_ =	shalt  }
0x65: {  	_ =	shalt  }
0x66: {  	_ =	shalt  }
0x67: {  	_ =	shalt  }
0x68: {  	_ =	shalt  }
0x69: {  	_ =	shalt  }
0x6a: {  	_ =	shalt  }
0x6b: {  	_ =	shalt  }
0x6c: {  	_ =	shalt  }
0x6d: {  	_ =	shalt  }
0x6e: {  	_ =	shalt  }
0x6f: {  	_ =	shalt  }
0x70: {  	_ =	shalt  }
0x71: {  	_ =	shalt  }
0x72: {  	_ =	shalt  }
0x73: {  	_ =	shalt  }
0x74: {  	_ =	shalt  }
0x75: {  	_ =	shalt  }
0x76: {  	_ =	shalt  }
0x77: {  	_ =	shalt  }
0x78: {  	_ =	shalt  }
0x79: {  	_ =	shalt  }
0x7a: {  	_ =	shalt  }
0x7b: {  	_ =	shalt  }
0x7c: {  	_ =	shalt  }
0x7d: {  	_ =	shalt  }
0x7e: {  	_ =	shalt  }
0x7f: {  	_ =	shalt  }
0x80: {  	_ =	shalt  }
0x81: {  	_ =	shalt  }
0x82: {  	_ =	shalt  }
0x83: {  	_ =	shalt  }
0x84: {  	_ =	shalt  }
0x85: {  	_ =	shalt  }
0x86: {  	_ =	shalt  }
0x87: {  	_ =	shalt  }
.Lfunc_end0:
.L_simem_size_0:
called_computation.4_lowered:
.L_overlay_start_0:
0x88: {  	s2 =	sld [smem:$0x3FD9]  }
0x89: {  	s3 =	sld [smem:$0x3FFE];
	_ =	sdelay $0x1  }
0x8a: {  	s1 =	srdreg.scid  }
0x8b: {  	s0 =	sand.u32 $0x1, s1  }
0x8c: {  	s17 =	sshll.u32 s0, $0xA;
	s2 =	sadd.s32 s3, s2  }
0x8d: {  	s2 =	sadd.s32 s2, s17  }
0x8e: {  	[smem:$0x3FB8] =	sst s2  }
0x8f: {  	_ = 	snop  }
0x90: {  	s18 =	sld [smem:$0x3FC9];
	(tm) =	ssettm $0x1  }
0x91: {  	s19 =	sld [smem:$0x3FFB];
	_ =	sdelay $0x3  }
0x92: {  	_ =	strace s19  }
0x93: {  	s2 =	sld [smem:$0x3FFC];
	_ =	sdelay $0x3  }
0x94: {  	_ =	strace s2  }
0x95: {  	s2 =	sld [smem:$0x3FFD];
	_ =	sdelay $0x3  }
0x96: {  	_ =	strace s2  }
0x97: {  	_ =	strace $0x8FFFFFFF  }
0x98: {  	s20 =	sld [smem:$0x3FDB];
	_ =	sdelay $0x1  }
0x99: {  	s4 =	simm.s32 $_scs_section_size  }
0x9a: {  	s5 =	simm.s32 $_size__tile_overlayer_lowered;
	s6 =	simm.s32 $_tile_overlayer_lowered  }
0x9b: {  	s7 =	simm.s32 $0x1BFF;
	s21 =	sshll.u32 s6, $0x1;
	s4 =	sadd.s32 s4, s20  }
0x9c: {  	s22 =	simm.s32 $0x0;
	s5 =	sshll.u32 s5, $0x1;
	s6 =	sadd.s32 s21, s4  }
0x9d: {  	[timem:s22], [sflag:s7] =	dma.local [hbm:s6], s5  }
0x9e: {  	_ =	swait.ge [sflag:s7], s5  }
0x9f: {  	s5 =	ssub.s32 $0x0, s5;
	[sflag:s7] =	ssyncset.done $0x0  }
0xa0: {  	[sflag:s7] =	ssyncadd.s32 s5;
	_ =	sdelay $0x1  }
0xa1: {  	s23 =	simm.s32 $0x1B8B  }
0xa2: {  	_ =	swait.ge [sflag:s23], $0x1  }
0xa3: {  	[sflag:s23] =	ssyncset.done $0x0  }
0xa4: {  	[sflag:s23] =	ssyncadd.s32 $0xFFFFFFFF  }
0xa5: {  	s5 =	sld [smem:$0x0]  }
0xa6: {  	s6 =	sand.u32 $0xFFFFFFFE, s1  }
0xa7: {  	p0 =	sne.s32 s1, s6  }
0xa8: {  	s6 =	sshll.u32 @p0 s6, $0xE  }
0xa9: {  	s6 =	sadd.s32 @p0 $0x11B8D, s6;
	s7 =	sshll.u32 @p0 s5, $0x11  }
0xaa: {  	s6 =	sor.u32 @p0 s7, s6  }
0xab: {  	[sflag:s6] =	ssyncadd.remote.s32 @p0 $0x1;
	_ =	sdelay $0x1  }
0xac: {  	s6 =	simm.s32 @p0 $0x1B8D  }
0xad: {  	_ =	swait.eq @p0 [sflag:s6], $0x1  }
0xae: {  	[sflag:s6] =	ssyncadd.s32 @p0 $0xFFFFFFFF  }
0xaf: {  	s7 =	sshll.u32 @!p0 s1, $0xE  }
0xb0: {  	s7 =	sor.u32 @!p0 $0x4000, s7;
	s6 =	simm.s32 @!p0 $0x1B8D  }
0xb1: {  	s5 =	sshll.u32 @!p0 s5, $0x11;
	s7 =	sadd.s32 @!p0 $0x11B8D, s7;
	_ =	swait.eq @!p0 [sflag:s6], $0x1  }
0xb2: {  	s5 =	sor.u32 @!p0 s5, s7;
	[sflag:s6] =	ssyncadd.s32 @!p0 $0xFFFFFFFF  }
0xb3: {  	s25 =	simm.s32 $0x1B8E;
	s24 =	sld [smem:$0x3FFE];
	[sflag:s5] =	ssyncadd.remote.s32 @!p0 $0x1  }
0xb4: {  	s26 =	simm.s32 $execute0_lowered;
	[smem:$0x3FD2] =	sst s25  }
0xb5: {  	s6 =	sshll.u32 s26, $0x1;
	_ =	strace $0x80000052;
	[dreg:$0x1] =	wrdreg $0xFFFFFFFF  }
0xb6: {  	s28 =	simm.s32 $_size_execute0_lowered;
	s4 =	sadd.s32 s4, s6;
	[dreg:$0x0] =	wrdreg $0x0  }
0xb7: {  	s6 =	sshll.u32 s28, $0x1;
	[dreg:$0x2] =	wrdreg s4  }
0xb8: {  	[dreg:$0x3] =	wrdreg s6  }
0xb9: {  	[dreg:$0x4] =	wrdreg $0xC0  }
0xba: {  	_ =	task [dreg:s22], $0x5FFFF  }
0xbb: {  	[dreg:$0x1] =	wrdreg $0xFFFFFFFF  }
0xbc: {  	[dreg:$0x0] =	wrdreg $0x60  }
0xbd: {  	[dreg:$0x2] =	wrdreg s18  }
0xbe: {  	[dreg:$0x3] =	wrdreg s24  }
0xbf: {  	[dreg:$0x4] =	wrdreg $0x9  }
0xc0: {  	_ =	task.clear_ibuf [dreg:s22], $0x5FFFF;
	_ =	strace $0x90000052  }
0xc1: {  	s29 =	simm.s32 $0x9;
	_ =	strace $0x80000054  }
0xc2: {  	_ =	swait.ge [sflag:s29], $0x1  }
0xc3: {  	[sflag:s29] =	ssyncadd.s32 $0xFFFFFFFF  }
0xc4: {  	_ =	strace $0x90000054  }
0xc5: {  	_ =	sfence  }
0xc6: {  	s30 =	sld [smem:$0x0];
	_ =	sdelay $0x2  }
0xc7: {  	s31 =	sshll.u32 s1, $0xD;
	s1 =	sshrl.u32 s1, $0x2  }
0xc8: {  	s4 =	sand.u32 $0x4000, s31;
	s1 =	sadd.s32 s1, s30  }
0xc9: {  	s0 =	sor.u32 s4, s0;
	s1 =	sshll.u32 s1, $0x11  }
0xca: {  	s0 =	sor.u32 s1, s0  }
0xcb: {  	s0 =	sadd.s32 $0x8F2B, s0  }
0xcc: {  	[sflag:s0] =	ssyncadd.remote.s32 $0x1  }
0xcd: {  	_ =	sfence.sel $0xFFFF  }
0xce: {  	[dreg:$0x0] =	wrdreg $0xFFFFFFFF;
	(pc) =	sbr.abs _section_cstart, $3  }
0xcf: {  	[dreg:$0x1] =	wrdreg $0xFFFFFFFF  }
0xd0: {  	_ =	task.clear_ibuf [dreg:s22], $0x2FFFF;
	_ =	strace $0x9FFFFFFF  }
0xd1: {  	(tm) =	ssettm $0x7FFFFFFF  }
tec
execute0_lowered:
.L_overlay_start_1:
0x0: {  	(tag) =	ssettag $0x1  }
0x1: {  	s1 =	srdreg.scid;
	s0 =	stileid.u32  }
0x2: {  	s2 =	rddreg [dreg:$0x0];
	s6 =	sand.u32 $0x1, s1;
	s30 =	sshll.u32 s0, $0x1  }
0x3: {  	s9 =	rddreg [dreg:$0x1];
	s7 =	sor.u32 s6, s30  }
0x4: {  	s3 =	simm.s32 $0x0;
	s1 =	rddreg [dreg:$0x2];
	s4 =	smul.u32 $0x28, s7  }
0x5: {  	s8 =	simm.s32 $0x1;
	[smem:$0x7FF] =	sst s3  }
0x6: {  	_ =	strace $0x80000053;
	s11 =	ssub.s32 $0x2, s6;
	s4 =	sadd.s32 s4, s9  }
0x7: {  	s6 =	simm.s32 $0x140;
	s5 =	sadd.s32 $0x10200, s4;
	s4 =	simm.s32 $0x2  }
0x8: {  	[tilespmem:s3], [sflag:$0x2] =	stream.linear.gather [hbm4b:s5+s3], $0x140, $0x38;
	[tilespmem:$0xA180] =	vst v63  }
0x9: {  	s10 =	smul.u32 $0x1400, s7;
	s12 =	sshrl.u32 s11, $0x1;
	_ =	swait.ge [sflag:s4], $0x140  }
0xa: {  	s7 =	simm.s32 $0x180;
	s31 =	ssub.s32 s11, s12;
	[sflag:s4] =	ssyncset.done $0x0  }
0xb: {  	s9 =	sadd.s32 s10, s9;
	s10 =	smax.u32 s31, $0x1;
	[sflag:s4] =	ssyncadd.s32 $0xFFFFFEC0  }
0xc: {  	[tilespmem:s7], [sflag:$0x1] =	stream.indirect.gather [hbm4b:s2+s6], $0x80, s3, s6, $0xb8;
	[tilespmem:$0xA180] =	vst v63  }
0xd: {  	p0 =	sne.s32 s10, $0x1;
	_ =	swait.ge [sflag:s8], $0xA000  }
.Ltmp0:
0xe: {  	[sflag:s8] =	ssyncset.done $0x0;
	(pc) =	sbr.rel @!p0 .LBB2_2-.Ltmp0, $4  }
0xf: {  	s9 =	sadd.s32 $0x1B800, s9;
	[sflag:s8] =	ssyncadd.s32 $0xFFFF6000  }
0x10: {  	[hbm4b:s9+s3] =	stream.linear.scatter [tilespmem:s7], [sflag:$0x2], $0xA000, $0x38;
	[tilespmem:$0xA180] =	vst v63  }
0x11: {  	_ =	swait.ge [sflag:s4], $0xA000  }
0x12: {  	s10 =	sadd.s32 $0xFFFFFFFF, s10;
	[sflag:s4] =	ssyncset.done $0x0  }
.LBB2_1:
0x13: {  	p0 =	sne.s32 s10, $0x1;
	s10 =	sadd.s32 $0xFFFFFFFF, s10;
	[sflag:s4] =	ssyncadd.s32 $0xFFFF6000  }
0x14: {  	[tilespmem:s3], [sflag:$0x2] =	stream.linear.gather [hbm4b:s5+s3], $0x140, $0x38;
	[tilespmem:$0xA180] =	vst v63  }
0x15: {  	_ =	swait.ge [sflag:s4], $0x140  }
0x16: {  	[sflag:s4] =	ssyncset.done $0x0  }
0x17: {  	[sflag:s4] =	ssyncadd.s32 $0xFFFFFEC0  }
0x18: {  	[tilespmem:s7], [sflag:$0x1] =	stream.indirect.gather [hbm4b:s2+s6], $0x80, s3, s6, $0xb8;
	[tilespmem:$0xA180] =	vst v63  }
0x19: {  	_ =	swait.ge [sflag:s8], $0xA000  }
.Ltmp1:
0x1a: {  	[sflag:s8] =	ssyncset.done $0x0;
	(pc) =	sbr.rel @p0 .LBB2_1-.Ltmp1, $4  }
0x1b: {  	[sflag:s8] =	ssyncadd.s32 $0xFFFF6000  }
0x1c: {  	[hbm4b:s9+s3] =	stream.linear.scatter [tilespmem:s7], [sflag:$0x2], $0xA000, $0x38;
	[tilespmem:$0xA180] =	vst v63  }
0x1d: {  	_ =	swait.ge [sflag:s4], $0xA000  }
0x1e: {  	[sflag:s4] =	ssyncset.done $0x0  }
.LBB2_2:
0x1f: {  	[sflag:s4] =	ssyncadd.s32 $0xFFFF6000  }
0x20: {  	_ =	sfence.sel $0x180000  }
0x21: {  	[bflag:$0x0] =	sbarrier.arrive $0xFFFF  }
0x22: {  	p0 =	sne.s32 s0, $0x0;
	_ =	strace $0x90000053  }
0x23: {  	s0 =	sadd.s32 @!p0 $0x100000, s1;
	[bflag:$0x2] =	sbarrier.arrive $0xFFFF  }
0x24: {  	[sflag:s0] =	ssyncadd.tile.s32 @!p0 $0x1;
	_ =	shalt  }
.Lfunc_end2:
_tile_overlayer_lowered:
.L_overlay_start_2:
0x25: {  	(tag) =	ssettag $0x2  }
0x26: {  	s0 =	rddreg [dreg:$0x0];
	s2 =	stileid.u32  }
0x27: {  	s1 =	rddreg [dreg:$0x1];
	p0 =	sne.s32 s2, $0x0  }
0x28: {  	s3 =	rddreg [dreg:$0x2];
	[bflag:$0x3] =	sbarrier.arrive $0xFFFF;
	s2 =	simm.s32 @!p0 $0x1C02  }
0x29: {  	[timem:s3], [sflag:s2] =	dma.local @!p0 [hbm:s0], s1  }
0x2a: {  	s0 =	simm.s32 @!p0 $0x2  }
0x2b: {  	_ =	swait.ge @!p0 [sflag:s0], s1  }
0x2c: {  	s1 =	ssub.s32 @!p0 $0x0, s1;
	[sflag:s0] =	ssyncset.done @!p0 $0x0  }
0x2d: {  	[sflag:s0] =	ssyncadd.s32 @!p0 s1  }
0x2e: {  	[bflag:$0x3] =	sbarrier.arrive $0xFFFF  }
0x2f: {  	_ =	shalt  }

// kernel: kernel.19.cloned.1.call-start
scs
__scs_entry_jumppad:
0x0: {  	(pc) =	sbr.rel $0x88, $3  }
0x1: {  	(tag) =	ssettag $0x0;
	lr =	simm.s32 $0x1  }
0x2: {  	[smem:$0x3F91] =	sst lr;
	_ =	strace $0xD0000000  }
0x3: {  	_ = 	snop  }
0x4: {  	_ = 	snop  }
0x5: {  	_ = 	snop  }
0x6: {  	_ = 	snop  }
0x7: {  	_ = 	snop  }
__scs_overlays_trampoline_lowered:
0x8: {  	[smem:$0x3FA0] =	sst s0  }
0x9: {  	[smem:$0x3FA1] =	sst s1  }
0xa: {  	[smem:$0x3FA2] =	sst s2  }
0xb: {  	[smem:$0x3FA3] =	sst s3  }
0xc: {  	[smem:$0x3FA4] =	sst s4  }
0xd: {  	[smem:$0x3FA5] =	sst s5  }
0xe: {  	[smem:$0x3FA6] =	sst s6  }
0xf: {  	[smem:$0x3FA7] =	sst s7  }
0x10: {  	[smem:$0x3FA8] =	sst s8  }
0x11: {  	[smem:$0x3FA9] =	sst s9;
	s0 =	simm.s32 @!p0 $0x0  }
0x12: {  	s1 =	sld [smem:$0x3F8F];
	s0 =	simm.s32 @p0 $0x1  }
0x13: {  	[smem:$0x3FAA] =	sst s0;
	s0 =	simm.s32 @!p1 $0x0  }
0x14: {  	s2 =	sld [smem:$0x3F8E];
	s0 =	simm.s32 @p1 $0x1  }
0x15: {  	[smem:$0x3FAB] =	sst s0;
	s0 =	simm.s32 @!p2 $0x0  }
0x16: {  	s3 =	sld [smem:$0x3FDB];
	s0 =	simm.s32 @p2 $0x1  }
0x17: {  	s4 =	simm.s32 $0x1BF5;
	[smem:$0x3FAD] =	sst s0  }
0x18: {  	s0 =	sld [smem:$0x3F90];
	_ =	swait.ge [sflag:s4], $0x0  }
0x19: {  	s7 =	sld [smem:$0x3F91]  }
0x1a: {  	s8 =	sadd.s32 $0xFFFFE003, lr  }
0x1b: {  	s9 =	sadd.s32 $0xFFFFFEF7, lr;
	s5 =	simm.s32 $0xFFFFFFFF;
	p2 =	slt.u32 s8, $0xFFFFF086  }
0x1c: {  	p1 =	slt.u32 s9, $0xF7A;
	s5 =	simm.s32 @!p2 $0x0  }
0x1d: {  	s5 =	simm.s32 @p1 $0x1;
	p0 =	seq.s32 s7, s2  }
0x1e: {  	s7 =	smul.u32 @!p0 $0xF7A, s2;
	p2 =	seq.s32 @!p0 s5, $0x0  }
0x1f: {  	s9 =	smul.u32 $0xF7A, s1;
	s8 =	simm.s32 @!p0 $0x1BF5;
	p2 =	por !p2, p0  }
0x20: {  	[sflag:s8] =	ssyncset.s32 @!p0 $0xFFFFF086;
	s6 =	sadd.s32 @!p0 s3, s7;
	s7 =	simm.s32 @!p0 $0x108  }
0x21: {  	s3 =	sadd.s32 s3, s9;
	s6 =	sadd.s32 @!p0 $0x88, s6;
	s7 =	simm.s32 @p2 $0x1082  }
0x22: {  	[simem:s7], [sflag:s8] =	dma.local @!p0 [hbm:s6], $0xF7A  }
0x23: {  	s9 =	sor.u32 $0xD0000000, s2;
	s6 =	simm.s32 $0x108;
	_ =	swait.ge @!p0 [sflag:s8], $0x0  }
0x24: {  	s3 =	sadd.s32 $0x88, s3;
	s6 =	simm.s32 @!p1 $0x1082;
	[sflag:s4] =	ssyncset.s32 $0xFFFFF086  }
0x25: {  	[simem:s6], [sflag:s4] =	dma.local [hbm:s3], $0xF7A  }
0x26: {  	[smem:$0x3F91] =	sst s1;
	(tag) =	ssettag s2;
	_ =	strace s9  }
0x27: {  	s1 =	sld [smem:$0x3FA1]  }
0x28: {  	s2 =	sld [smem:$0x3FA2]  }
0x29: {  	s4 =	sld [smem:$0x3FA4]  }
0x2a: {  	p0 =	seq.s32 s5, $0x0;
	s5 =	sld [smem:$0x3FA5]  }
0x2b: {  	s6 =	sld [smem:$0x3FA6]  }
0x2c: {  	s7 =	sld [smem:$0x3FA7]  }
0x2d: {  	s3 =	simm.s32 $0x108;
	s8 =	sld [smem:$0x3FA8]  }
0x2e: {  	s3 =	simm.s32 @!p0 $0x1082;
	s9 =	sld [smem:$0x3FA9]  }
0x2f: {  	lr =	sadd.s32 s0, s3;
	s0 =	sld [smem:$0x3FA0]  }
0x30: {  	s3 =	sld [smem:$0x3FA3]  }
0x31: {  	[smem:$0x3FAC] =	sst s10  }
0x32: {  	s10 =	sld [smem:$0x3FAA];
	_ =	sdelay $0x3  }
0x33: {  	p0 =	seq.s32 s10, $0x1;
	s10 =	sld [smem:$0x3FAC];
	_ =	sdelay $0x3  }
0x34: {  	[smem:$0x3FAC] =	sst s10  }
0x35: {  	s10 =	sld [smem:$0x3FAB];
	_ =	sdelay $0x3  }
0x36: {  	p1 =	seq.s32 s10, $0x1;
	s10 =	sld [smem:$0x3FAC];
	_ =	sdelay $0x3  }
0x37: {  	[smem:$0x3FAC] =	sst s10  }
0x38: {  	s10 =	sld [smem:$0x3FAD]  }
0x39: {  	_ = 	snop;
	(pc) =	sbr.ind lr, $3  }
0x3a: {  	_ = 	snop  }
0x3b: {  	_ = 	snop  }
0x3c: {  	p2 =	seq.s32 s10, $0x1;
	s10 =	sld [smem:$0x3FAC]  }
0x3d: {  	_ =	shalt  }
0x3e: {  	_ =	shalt  }
0x3f: {  	_ =	shalt  }
0x40: {  	_ =	shalt  }
0x41: {  	_ =	shalt  }
0x42: {  	_ =	shalt  }
0x43: {  	_ =	shalt  }
0x44: {  	_ =	shalt  }
0x45: {  	_ =	shalt  }
0x46: {  	_ =	shalt  }
0x47: {  	_ =	shalt  }
0x48: {  	_ =	shalt  }
0x49: {  	_ =	shalt  }
0x4a: {  	_ =	shalt  }
0x4b: {  	_ =	shalt  }
0x4c: {  	_ =	shalt  }
0x4d: {  	_ =	shalt  }
0x4e: {  	_ =	shalt  }
0x4f: {  	_ =	shalt  }
0x50: {  	_ =	shalt  }
0x51: {  	_ =	shalt  }
0x52: {  	_ =	shalt  }
0x53: {  	_ =	shalt  }
0x54: {  	_ =	shalt  }
0x55: {  	_ =	shalt  }
0x56: {  	_ =	shalt  }
0x57: {  	_ =	shalt  }
0x58: {  	_ =	shalt  }
0x59: {  	_ =	shalt  }
0x5a: {  	_ =	shalt  }
0x5b: {  	_ =	shalt  }
0x5c: {  	_ =	shalt  }
0x5d: {  	_ =	shalt  }
0x5e: {  	_ =	shalt  }
0x5f: {  	_ =	shalt  }
0x60: {  	_ =	shalt  }
0x61: {  	_ =	shalt  }
0x62: {  	_ =	shalt  }
0x63: {  	_ =	shalt  }
0x64: {  	_ =	shalt  }
0x65: {  	_ =	shalt  }
0x66: {  	_ =	shalt  }
0x67: {  	_ =	shalt  }
0x68: {  	_ =	shalt  }
0x69: {  	_ =	shalt  }
0x6a: {  	_ =	shalt  }
0x6b: {  	_ =	shalt  }
0x6c: {  	_ =	shalt  }
0x6d: {  	_ =	shalt  }
0x6e: {  	_ =	shalt  }
0x6f: {  	_ =	shalt  }
0x70: {  	_ =	shalt  }
0x71: {  	_ =	shalt  }
0x72: {  	_ =	shalt  }
0x73: {  	_ =	shalt  }
0x74: {  	_ =	shalt  }
0x75: {  	_ =	shalt  }
0x76: {  	_ =	shalt  }
0x77: {  	_ =	shalt  }
0x78: {  	_ =	shalt  }
0x79: {  	_ =	shalt  }
0x7a: {  	_ =	shalt  }
0x7b: {  	_ =	shalt  }
0x7c: {  	_ =	shalt  }
0x7d: {  	_ =	shalt  }
0x7e: {  	_ =	shalt  }
0x7f: {  	_ =	shalt  }
0x80: {  	_ =	shalt  }
0x81: {  	_ =	shalt  }
0x82: {  	_ =	shalt  }
0x83: {  	_ =	shalt  }
0x84: {  	_ =	shalt  }
0x85: {  	_ =	shalt  }
0x86: {  	_ =	shalt  }
0x87: {  	_ =	shalt  }
.Lfunc_end0:
.L_simem_size_0:
called_computation.5_lowered:
.L_overlay_start_0:
0x88: {  	s2 =	sld [smem:$0x3FD9]  }
0x89: {  	s3 =	sld [smem:$0x3FFE];
	_ =	sdelay $0x1  }
0x8a: {  	s1 =	srdreg.scid  }
0x8b: {  	s0 =	sand.u32 $0x1, s1  }
0x8c: {  	s17 =	sshll.u32 s0, $0xA;
	s2 =	sadd.s32 s3, s2  }
0x8d: {  	s2 =	sadd.s32 s2, s17  }
0x8e: {  	[smem:$0x3FB8] =	sst s2  }
0x8f: {  	_ = 	snop  }
0x90: {  	s18 =	sld [smem:$0x3FC9];
	(tm) =	ssettm $0x1  }
0x91: {  	s19 =	sld [smem:$0x3FFB];
	_ =	sdelay $0x3  }
0x92: {  	_ =	strace s19  }
0x93: {  	s2 =	sld [smem:$0x3FFC];
	_ =	sdelay $0x3  }
0x94: {  	_ =	strace s2  }
0x95: {  	s2 =	sld [smem:$0x3FFD];
	_ =	sdelay $0x3  }
0x96: {  	_ =	strace s2  }
0x97: {  	_ =	strace $0x8FFFFFFF  }
0x98: {  	s20 =	sld [smem:$0x3FDB];
	_ =	sdelay $0x1  }
0x99: {  	s4 =	simm.s32 $_scs_section_size  }
0x9a: {  	s5 =	simm.s32 $_size__tile_overlayer_lowered;
	s6 =	simm.s32 $_tile_overlayer_lowered  }
0x9b: {  	s7 =	simm.s32 $0x1BFF;
	s21 =	sshll.u32 s6, $0x1;
	s4 =	sadd.s32 s4, s20  }
0x9c: {  	s22 =	simm.s32 $0x0;
	s5 =	sshll.u32 s5, $0x1;
	s6 =	sadd.s32 s21, s4  }
0x9d: {  	[timem:s22], [sflag:s7] =	dma.local [hbm:s6], s5  }
0x9e: {  	_ =	swait.ge [sflag:s7], s5  }
0x9f: {  	s5 =	ssub.s32 $0x0, s5;
	[sflag:s7] =	ssyncset.done $0x0  }
0xa0: {  	[sflag:s7] =	ssyncadd.s32 s5;
	_ =	sdelay $0x1  }
0xa1: {  	s23 =	simm.s32 $0x1B8B  }
0xa2: {  	_ =	swait.ge [sflag:s23], $0x1  }
0xa3: {  	[sflag:s23] =	ssyncset.done $0x0  }
0xa4: {  	[sflag:s23] =	ssyncadd.s32 $0xFFFFFFFF  }
0xa5: {  	s5 =	sld [smem:$0x0]  }
0xa6: {  	s6 =	sand.u32 $0xFFFFFFFE, s1  }
0xa7: {  	p0 =	sne.s32 s1, s6  }
0xa8: {  	s6 =	sshll.u32 @p0 s6, $0xE  }
0xa9: {  	s6 =	sadd.s32 @p0 $0x11B8D, s6;
	s7 =	sshll.u32 @p0 s5, $0x11  }
0xaa: {  	s6 =	sor.u32 @p0 s7, s6  }
0xab: {  	[sflag:s6] =	ssyncadd.remote.s32 @p0 $0x1;
	_ =	sdelay $0x1  }
0xac: {  	s6 =	simm.s32 @p0 $0x1B8D  }
0xad: {  	_ =	swait.eq @p0 [sflag:s6], $0x1  }
0xae: {  	[sflag:s6] =	ssyncadd.s32 @p0 $0xFFFFFFFF  }
0xaf: {  	s7 =	sshll.u32 @!p0 s1, $0xE  }
0xb0: {  	s7 =	sor.u32 @!p0 $0x4000, s7;
	s6 =	simm.s32 @!p0 $0x1B8D  }
0xb1: {  	s5 =	sshll.u32 @!p0 s5, $0x11;
	s7 =	sadd.s32 @!p0 $0x11B8D, s7;
	_ =	swait.eq @!p0 [sflag:s6], $0x1  }
0xb2: {  	s5 =	sor.u32 @!p0 s5, s7;
	[sflag:s6] =	ssyncadd.s32 @!p0 $0xFFFFFFFF  }
0xb3: {  	s25 =	simm.s32 $0x1B8E;
	s24 =	sld [smem:$0x3FFE];
	[sflag:s5] =	ssyncadd.remote.s32 @!p0 $0x1  }
0xb4: {  	s26 =	simm.s32 $execute0_lowered;
	[smem:$0x3FD2] =	sst s25  }
0xb5: {  	s6 =	sshll.u32 s26, $0x1;
	_ =	strace $0x80000055;
	[dreg:$0x1] =	wrdreg $0xFFFFFFFF  }
0xb6: {  	s28 =	simm.s32 $_size_execute0_lowered;
	s4 =	sadd.s32 s4, s6;
	[dreg:$0x0] =	wrdreg $0x0  }
0xb7: {  	s6 =	sshll.u32 s28, $0x1;
	[dreg:$0x2] =	wrdreg s4  }
0xb8: {  	[dreg:$0x3] =	wrdreg s6  }
0xb9: {  	[dreg:$0x4] =	wrdreg $0xC0  }
0xba: {  	_ =	task [dreg:s22], $0x5FFFF  }
0xbb: {  	[dreg:$0x1] =	wrdreg $0xFFFFFFFF  }
0xbc: {  	[dreg:$0x0] =	wrdreg $0x60  }
0xbd: {  	[dreg:$0x2] =	wrdreg s18  }
0xbe: {  	[dreg:$0x3] =	wrdreg s24  }
0xbf: {  	[dreg:$0x4] =	wrdreg $0xA  }
0xc0: {  	_ =	task.clear_ibuf [dreg:s22], $0x5FFFF;
	_ =	strace $0x90000055  }
0xc1: {  	s29 =	simm.s32 $0xA;
	_ =	strace $0x80000057  }
0xc2: {  	_ =	swait.ge [sflag:s29], $0x1  }
0xc3: {  	[sflag:s29] =	ssyncadd.s32 $0xFFFFFFFF  }
0xc4: {  	_ =	strace $0x90000057  }
0xc5: {  	_ =	sfence  }
0xc6: {  	s30 =	sld [smem:$0x0];
	_ =	sdelay $0x2  }
0xc7: {  	s31 =	sshll.u32 s1, $0xD;
	s1 =	sshrl.u32 s1, $0x2  }
0xc8: {  	s4 =	sand.u32 $0x4000, s31;
	s1 =	sadd.s32 s1, s30  }
0xc9: {  	s0 =	sor.u32 s4, s0;
	s1 =	sshll.u32 s1, $0x11  }
0xca: {  	s0 =	sor.u32 s1, s0  }
0xcb: {  	s0 =	sadd.s32 $0x8F2B, s0  }
0xcc: {  	[sflag:s0] =	ssyncadd.remote.s32 $0x1  }
0xcd: {  	_ =	sfence.sel $0xFFFF  }
0xce: {  	[dreg:$0x0] =	wrdreg $0xFFFFFFFF;
	(pc) =	sbr.abs _section_cstart, $3  }
0xcf: {  	[dreg:$0x1] =	wrdreg $0xFFFFFFFF  }
0xd0: {  	_ =	task.clear_ibuf [dreg:s22], $0x2FFFF;
	_ =	strace $0x9FFFFFFF  }
0xd1: {  	(tm) =	ssettm $0x7FFFFFFF  }
tec
execute0_lowered:
.L_overlay_start_1:
0x0: {  	(tag) =	ssettag $0x1  }
0x1: {  	s1 =	srdreg.scid  }
0x2: {  	s0 =	stileid.u32;
	s2 =	rddreg [dreg:$0x0]  }
0x3: {  	s6 =	rddreg [dreg:$0x1];
	s3 =	simm.s32 $0x0;
	s9 =	simm.s32 $0x100  }
0x4: {  	s10 =	simm.s32 $0xC8;
	s4 =	sand.u32 $0x1, s1;
	s5 =	smul.u32 $0x2710, s0  }
0x5: {  	s11 =	simm.s32 $0x200;
	s12 =	simm.s32 $0x1;
	s7 =	smul.u32 $0x1388, s4  }
0x6: {  	s13 =	simm.s32 $0x0;
	s1 =	rddreg [dreg:$0x2];
	s29 =	ssub.s32 $0x2, s4  }
0x7: {  	[smem:$0x7FF] =	sst s3;
	s31 =	sshrl.u32 s29, $0x1;
	s5 =	sadd.s32 s7, s5  }
0x8: {  	_ =	strace $0x80000056;
	s30 =	sshrl.u32 s5, $0x3;
	s5 =	ssub.s32 s29, s31  }
0x9: {  	s4 =	sadd.s32 $0x43800, s6;
	s8 =	sadd.s32 s30, s6;
	s5 =	smax.u32 s5, $0x1  }
0xa: {  	s6 =	sadd.s32 $0x11800, s8;
	s7 =	sadd.s32 $0x5000, s8;
	s8 =	simm.s32 $0x2  }
.LBB2_1:
0xb: {  	s14 =	sadd.s32 $0x0, s7  }
0xc: {  	[tilespmem:s3], [sflag:$0x2] =	stream.linear.gather [hbm4b:s14+s3], $0xC8, $0x38;
	[tilespmem:$0x6600] =	vst v63  }
0xd: {  	_ =	swait.ge [sflag:s8], $0xC8  }
0xe: {  	[sflag:s8] =	ssyncset.done $0x0  }
0xf: {  	s31 =	sadd.s32 $0x0, s6;
	[sflag:s8] =	ssyncadd.s32 $0xFFFFFF38  }
0x10: {  	[tilespmem:s9], [sflag:$0x2] =	stream.linear.gather [hbm4b:s31+s3], $0xC8, $0x38;
	[tilespmem:$0x6600] =	vst v63  }
0x11: {  	_ =	swait.ge [sflag:s8], $0xC8  }
0x12: {  	[sflag:s8] =	ssyncset.done $0x0  }
0x13: {  	[sflag:s8] =	ssyncadd.s32 $0xFFFFFF38  }
0x14: {  	[tilespmem:s11], [sflag:$0x1] =	stream.indirect.gather [hbm4b:s2+s10], $0x80, s3, s10, $0xb8;
	[tilespmem:$0x6600] =	vst v63  }
0x15: {  	_ =	swait.ge [sflag:s12], $0x6400  }
0x16: {  	[sflag:s12] =	ssyncset.done $0x0  }
0x17: {  	[sflag:s12] =	ssyncadd.s32 $0xFFFF9C00  }
0x18: {  	[hbm4b:s4+s10] =	stream.indirect.scatter [tilespmem:s11], [sflag:$0x1], $0x80, s9, s10, $0xb8;
	[tilespmem:$0x6600] =	vst v63  }
0x19: {  	_ =	swait.ge [sflag:s12], $0x6400  }
0x1a: {  	s15 =	simm.s32 $0x32;
	s14 =	simm.s32 $0x19;
	[sflag:s12] =	ssyncset.done $0x0  }
.LBB2_2:
0x1b: {  	s16 =	sadd.s32 s14, s7  }
0x1c: {  	[sflag:s12] =	ssyncadd.s32 $0xFFFF9C00;
	s17 =	smov.u32 s15;
	s18 =	sadd.s32 $0x19, s15  }
0x1d: {  	[tilespmem:s3], [sflag:$0x2] =	stream.linear.gather [hbm4b:s16+s3], $0xC8, $0x38;
	[tilespmem:$0x6600] =	vst v63  }
0x1e: {  	p0 =	sne.s32 s15, $0x258;
	_ =	swait.ge [sflag:s8], $0xC8  }
0x1f: {  	[sflag:s8] =	ssyncset.done $0x0  }
0x20: {  	s15 =	sadd.s32 s14, s6;
	s14 =	smov.u32 s17;
	[sflag:s8] =	ssyncadd.s32 $0xFFFFFF38  }
0x21: {  	[tilespmem:s9], [sflag:$0x2] =	stream.linear.gather [hbm4b:s15+s3], $0xC8, $0x38;
	[tilespmem:$0x6600] =	vst v63  }
0x22: {  	_ =	swait.ge [sflag:s8], $0xC8  }
0x23: {  	[sflag:s8] =	ssyncset.done $0x0  }
0x24: {  	[sflag:s8] =	ssyncadd.s32 $0xFFFFFF38  }
0x25: {  	[tilespmem:s11], [sflag:$0x1] =	stream.indirect.gather [hbm4b:s2+s10], $0x80, s3, s10, $0xb8;
	[tilespmem:$0x6600] =	vst v63  }
0x26: {  	_ =	swait.ge [sflag:s12], $0x6400  }
.Ltmp0:
0x27: {  	[sflag:s12] =	ssyncset.done $0x0;
	(pc) =	sbr.rel @p0 .LBB2_2-.Ltmp0, $4  }
0x28: {  	[sflag:s12] =	ssyncadd.s32 $0xFFFF9C00  }
0x29: {  	[hbm4b:s4+s10] =	stream.indirect.scatter [tilespmem:s11], [sflag:$0x1], $0x80, s9, s10, $0xb8;
	[tilespmem:$0x6600] =	vst v63  }
0x2a: {  	_ =	swait.ge [sflag:s12], $0x6400  }
0x2b: {  	s15 =	smov.u32 s18;
	[sflag:s12] =	ssyncset.done $0x0  }
0x2c: {  	s15 =	sadd.s32 s14, s7;
	[sflag:s12] =	ssyncadd.s32 $0xFFFF9C00  }
0x2d: {  	[tilespmem:s3], [sflag:$0x2] =	stream.linear.gather [hbm4b:s15+s3], $0xC8, $0x38;
	[tilespmem:$0x6600] =	vst v63  }
0x2e: {  	_ =	swait.ge [sflag:s8], $0xC8  }
0x2f: {  	[sflag:s8] =	ssyncset.done $0x0  }
0x30: {  	s31 =	sadd.s32 s14, s6;
	[sflag:s8] =	ssyncadd.s32 $0xFFFFFF38  }
0x31: {  	[tilespmem:s9], [sflag:$0x2] =	stream.linear.gather [hbm4b:s31+s3], $0xC8, $0x38;
	[tilespmem:$0x6600] =	vst v63  }
0x32: {  	_ =	swait.ge [sflag:s8], $0xC8  }
0x33: {  	[sflag:s8] =	ssyncset.done $0x0  }
0x34: {  	[sflag:s8] =	ssyncadd.s32 $0xFFFFFF38  }
0x35: {  	[tilespmem:s11], [sflag:$0x1] =	stream.indirect.gather [hbm4b:s2+s10], $0x80, s3, s10, $0xb8;
	[tilespmem:$0x6600] =	vst v63  }
0x36: {  	s13 =	sadd.s32 $0x1, s13;
	_ =	swait.ge [sflag:s12], $0x6400  }
0x37: {  	p0 =	sne.s32 s13, s5;
	[sflag:s12] =	ssyncset.done $0x0  }
.Ltmp1:
0x38: {  	[sflag:s12] =	ssyncadd.s32 $0xFFFF9C00;
	(pc) =	sbr.rel @p0 .LBB2_1-.Ltmp1, $4  }
0x39: {  	[hbm4b:s4+s10] =	stream.indirect.scatter [tilespmem:s11], [sflag:$0x1], $0x80, s9, s10, $0xb8;
	[tilespmem:$0x6600] =	vst v63  }
0x3a: {  	_ =	swait.ge [sflag:s12], $0x6400  }
0x3b: {  	[sflag:s12] =	ssyncset.done $0x0  }
0x3c: {  	[sflag:s12] =	ssyncadd.s32 $0xFFFF9C00  }
0x3d: {  	_ =	sfence.sel $0x180000  }
0x3e: {  	[bflag:$0x0] =	sbarrier.arrive $0xFFFF  }
0x3f: {  	p0 =	sne.s32 s0, $0x0;
	_ =	strace $0x90000056  }
0x40: {  	s0 =	sadd.s32 @!p0 $0x100000, s1;
	[bflag:$0x2] =	sbarrier.arrive $0xFFFF  }
0x41: {  	[sflag:s0] =	ssyncadd.tile.s32 @!p0 $0x1;
	_ =	shalt  }
.Lfunc_end2:
_tile_overlayer_lowered:
.L_overlay_start_2:
0x42: {  	(tag) =	ssettag $0x2  }
0x43: {  	s0 =	rddreg [dreg:$0x0];
	s2 =	stileid.u32  }
0x44: {  	s1 =	rddreg [dreg:$0x1];
	p0 =	sne.s32 s2, $0x0  }
0x45: {  	s3 =	rddreg [dreg:$0x2];
	[bflag:$0x3] =	sbarrier.arrive $0xFFFF;
	s2 =	simm.s32 @!p0 $0x1C02  }
0x46: {  	[timem:s3], [sflag:s2] =	dma.local @!p0 [hbm:s0], s1  }
0x47: {  	s0 =	simm.s32 @!p0 $0x2  }
0x48: {  	_ =	swait.ge @!p0 [sflag:s0], s1  }
0x49: {  	s1 =	ssub.s32 @!p0 $0x0, s1;
	[sflag:s0] =	ssyncset.done @!p0 $0x0  }
0x4a: {  	[sflag:s0] =	ssyncadd.s32 @!p0 s1  }
0x4b: {  	[bflag:$0x3] =	sbarrier.arrive $0xFFFF  }
0x4c: {  	_ =	shalt  }

// kernel: kernel.22.cloned.1.call-start
scs
__scs_entry_jumppad:
0x0: {  	(pc) =	sbr.rel $0x88, $3  }
0x1: {  	(tag) =	ssettag $0x0;
	lr =	simm.s32 $0x1  }
0x2: {  	[smem:$0x3F91] =	sst lr;
	_ =	strace $0xD0000000  }
0x3: {  	_ = 	snop  }
0x4: {  	_ = 	snop  }
0x5: {  	_ = 	snop  }
0x6: {  	_ = 	snop  }
0x7: {  	_ = 	snop  }
__scs_overlays_trampoline_lowered:
0x8: {  	[smem:$0x3FA0] =	sst s0  }
0x9: {  	[smem:$0x3FA1] =	sst s1  }
0xa: {  	[smem:$0x3FA2] =	sst s2  }
0xb: {  	[smem:$0x3FA3] =	sst s3  }
0xc: {  	[smem:$0x3FA4] =	sst s4  }
0xd: {  	[smem:$0x3FA5] =	sst s5  }
0xe: {  	[smem:$0x3FA6] =	sst s6  }
0xf: {  	[smem:$0x3FA7] =	sst s7  }
0x10: {  	[smem:$0x3FA8] =	sst s8  }
0x11: {  	[smem:$0x3FA9] =	sst s9;
	s0 =	simm.s32 @!p0 $0x0  }
0x12: {  	s1 =	sld [smem:$0x3F8F];
	s0 =	simm.s32 @p0 $0x1  }
0x13: {  	[smem:$0x3FAA] =	sst s0;
	s0 =	simm.s32 @!p1 $0x0  }
0x14: {  	s2 =	sld [smem:$0x3F8E];
	s0 =	simm.s32 @p1 $0x1  }
0x15: {  	[smem:$0x3FAB] =	sst s0;
	s0 =	simm.s32 @!p2 $0x0  }
0x16: {  	s3 =	sld [smem:$0x3FDB];
	s0 =	simm.s32 @p2 $0x1  }
0x17: {  	s4 =	simm.s32 $0x1BF5;
	[smem:$0x3FAD] =	sst s0  }
0x18: {  	s0 =	sld [smem:$0x3F90];
	_ =	swait.ge [sflag:s4], $0x0  }
0x19: {  	s7 =	sld [smem:$0x3F91]  }
0x1a: {  	s8 =	sadd.s32 $0xFFFFE003, lr  }
0x1b: {  	s9 =	sadd.s32 $0xFFFFFEF7, lr;
	s5 =	simm.s32 $0xFFFFFFFF;
	p2 =	slt.u32 s8, $0xFFFFF086  }
0x1c: {  	p1 =	slt.u32 s9, $0xF7A;
	s5 =	simm.s32 @!p2 $0x0  }
0x1d: {  	s5 =	simm.s32 @p1 $0x1;
	p0 =	seq.s32 s7, s2  }
0x1e: {  	s7 =	smul.u32 @!p0 $0xF7A, s2;
	p2 =	seq.s32 @!p0 s5, $0x0  }
0x1f: {  	s9 =	smul.u32 $0xF7A, s1;
	s8 =	simm.s32 @!p0 $0x1BF5;
	p2 =	por !p2, p0  }
0x20: {  	[sflag:s8] =	ssyncset.s32 @!p0 $0xFFFFF086;
	s6 =	sadd.s32 @!p0 s3, s7;
	s7 =	simm.s32 @!p0 $0x108  }
0x21: {  	s3 =	sadd.s32 s3, s9;
	s6 =	sadd.s32 @!p0 $0x88, s6;
	s7 =	simm.s32 @p2 $0x1082  }
0x22: {  	[simem:s7], [sflag:s8] =	dma.local @!p0 [hbm:s6], $0xF7A  }
0x23: {  	s9 =	sor.u32 $0xD0000000, s2;
	s6 =	simm.s32 $0x108;
	_ =	swait.ge @!p0 [sflag:s8], $0x0  }
0x24: {  	s3 =	sadd.s32 $0x88, s3;
	s6 =	simm.s32 @!p1 $0x1082;
	[sflag:s4] =	ssyncset.s32 $0xFFFFF086  }
0x25: {  	[simem:s6], [sflag:s4] =	dma.local [hbm:s3], $0xF7A  }
0x26: {  	[smem:$0x3F91] =	sst s1;
	(tag) =	ssettag s2;
	_ =	strace s9  }
0x27: {  	s1 =	sld [smem:$0x3FA1]  }
0x28: {  	s2 =	sld [smem:$0x3FA2]  }
0x29: {  	s4 =	sld [smem:$0x3FA4]  }
0x2a: {  	p0 =	seq.s32 s5, $0x0;
	s5 =	sld [smem:$0x3FA5]  }
0x2b: {  	s6 =	sld [smem:$0x3FA6]  }
0x2c: {  	s7 =	sld [smem:$0x3FA7]  }
0x2d: {  	s3 =	simm.s32 $0x108;
	s8 =	sld [smem:$0x3FA8]  }
0x2e: {  	s3 =	simm.s32 @!p0 $0x1082;
	s9 =	sld [smem:$0x3FA9]  }
0x2f: {  	lr =	sadd.s32 s0, s3;
	s0 =	sld [smem:$0x3FA0]  }
0x30: {  	s3 =	sld [smem:$0x3FA3]  }
0x31: {  	[smem:$0x3FAC] =	sst s10  }
0x32: {  	s10 =	sld [smem:$0x3FAA];
	_ =	sdelay $0x3  }
0x33: {  	p0 =	seq.s32 s10, $0x1;
	s10 =	sld [smem:$0x3FAC];
	_ =	sdelay $0x3  }
0x34: {  	[smem:$0x3FAC] =	sst s10  }
0x35: {  	s10 =	sld [smem:$0x3FAB];
	_ =	sdelay $0x3  }
0x36: {  	p1 =	seq.s32 s10, $0x1;
	s10 =	sld [smem:$0x3FAC];
	_ =	sdelay $0x3  }
0x37: {  	[smem:$0x3FAC] =	sst s10  }
0x38: {  	s10 =	sld [smem:$0x3FAD]  }
0x39: {  	_ = 	snop;
	(pc) =	sbr.ind lr, $3  }
0x3a: {  	_ = 	snop  }
0x3b: {  	_ = 	snop  }
0x3c: {  	p2 =	seq.s32 s10, $0x1;
	s10 =	sld [smem:$0x3FAC]  }
0x3d: {  	_ =	shalt  }
0x3e: {  	_ =	shalt  }
0x3f: {  	_ =	shalt  }
0x40: {  	_ =	shalt  }
0x41: {  	_ =	shalt  }
0x42: {  	_ =	shalt  }
0x43: {  	_ =	shalt  }
0x44: {  	_ =	shalt  }
0x45: {  	_ =	shalt  }
0x46: {  	_ =	shalt  }
0x47: {  	_ =	shalt  }
0x48: {  	_ =	shalt  }
0x49: {  	_ =	shalt  }
0x4a: {  	_ =	shalt  }
0x4b: {  	_ =	shalt  }
0x4c: {  	_ =	shalt  }
0x4d: {  	_ =	shalt  }
0x4e: {  	_ =	shalt  }
0x4f: {  	_ =	shalt  }
0x50: {  	_ =	shalt  }
0x51: {  	_ =	shalt  }
0x52: {  	_ =	shalt  }
0x53: {  	_ =	shalt  }
0x54: {  	_ =	shalt  }
0x55: {  	_ =	shalt  }
0x56: {  	_ =	shalt  }
0x57: {  	_ =	shalt  }
0x58: {  	_ =	shalt  }
0x59: {  	_ =	shalt  }
0x5a: {  	_ =	shalt  }
0x5b: {  	_ =	shalt  }
0x5c: {  	_ =	shalt  }
0x5d: {  	_ =	shalt  }
0x5e: {  	_ =	shalt  }
0x5f: {  	_ =	shalt  }
0x60: {  	_ =	shalt  }
0x61: {  	_ =	shalt  }
0x62: {  	_ =	shalt  }
0x63: {  	_ =	shalt  }
0x64: {  	_ =	shalt  }
0x65: {  	_ =	shalt  }
0x66: {  	_ =	shalt  }
0x67: {  	_ =	shalt  }
0x68: {  	_ =	shalt  }
0x69: {  	_ =	shalt  }
0x6a: {  	_ =	shalt  }
0x6b: {  	_ =	shalt  }
0x6c: {  	_ =	shalt  }
0x6d: {  	_ =	shalt  }
0x6e: {  	_ =	shalt  }
0x6f: {  	_ =	shalt  }
0x70: {  	_ =	shalt  }
0x71: {  	_ =	shalt  }
0x72: {  	_ =	shalt  }
0x73: {  	_ =	shalt  }
0x74: {  	_ =	shalt  }
0x75: {  	_ =	shalt  }
0x76: {  	_ =	shalt  }
0x77: {  	_ =	shalt  }
0x78: {  	_ =	shalt  }
0x79: {  	_ =	shalt  }
0x7a: {  	_ =	shalt  }
0x7b: {  	_ =	shalt  }
0x7c: {  	_ =	shalt  }
0x7d: {  	_ =	shalt  }
0x7e: {  	_ =	shalt  }
0x7f: {  	_ =	shalt  }
0x80: {  	_ =	shalt  }
0x81: {  	_ =	shalt  }
0x82: {  	_ =	shalt  }
0x83: {  	_ =	shalt  }
0x84: {  	_ =	shalt  }
0x85: {  	_ =	shalt  }
0x86: {  	_ =	shalt  }
0x87: {  	_ =	shalt  }
.Lfunc_end0:
.L_simem_size_0:
called_computation.6_lowered:
.L_overlay_start_0:
0x88: {  	s2 =	sld [smem:$0x3FD9]  }
0x89: {  	s3 =	sld [smem:$0x3FFE];
	_ =	sdelay $0x1  }
0x8a: {  	s1 =	srdreg.scid  }
0x8b: {  	s0 =	sand.u32 $0x1, s1  }
0x8c: {  	s16 =	sshll.u32 s0, $0xA;
	s2 =	sadd.s32 s3, s2  }
0x8d: {  	s2 =	sadd.s32 s2, s16  }
0x8e: {  	[smem:$0x3FB8] =	sst s2  }
0x8f: {  	_ = 	snop  }
0x90: {  	(tm) =	ssettm $0x1  }
0x91: {  	s17 =	sld [smem:$0x3FFB];
	_ =	sdelay $0x3  }
0x92: {  	_ =	strace s17  }
0x93: {  	s2 =	sld [smem:$0x3FFC];
	_ =	sdelay $0x3  }
0x94: {  	_ =	strace s2  }
0x95: {  	s2 =	sld [smem:$0x3FFD];
	_ =	sdelay $0x3  }
0x96: {  	_ =	strace s2  }
0x97: {  	_ =	strace $0x8FFFFFFF  }
0x98: {  	s18 =	sld [smem:$0x3FDB];
	_ =	sdelay $0x1  }
0x99: {  	s19 =	simm.s32 $_scs_section_size  }
0x9a: {  	s4 =	simm.s32 $_size__tile_overlayer_lowered;
	s5 =	simm.s32 $_tile_overlayer_lowered  }
0x9b: {  	s22 =	simm.s32 $0x1BFF;
	s21 =	sshll.u32 s5, $0x1;
	s2 =	sadd.s32 s19, s18  }
0x9c: {  	s6 =	simm.s32 $0x0;
	s20 =	sshll.u32 s4, $0x1;
	s4 =	sadd.s32 s21, s2  }
0x9d: {  	[timem:s6], [sflag:s22] =	dma.local [hbm:s4], s20  }
0x9e: {  	_ =	swait.ge [sflag:s22], s20  }
0x9f: {  	s3 =	ssub.s32 $0x0, s20;
	[sflag:s22] =	ssyncset.done $0x0  }
0xa0: {  	[sflag:s22] =	ssyncadd.s32 s3;
	_ =	sdelay $0x1  }
0xa1: {  	s23 =	simm.s32 $0x1B8B  }
0xa2: {  	_ =	swait.ge [sflag:s23], $0x1  }
0xa3: {  	[sflag:s23] =	ssyncset.done $0x0  }
0xa4: {  	s25 =	simm.s32 $0x1B8E;
	s24 =	sld [smem:$0x3FFE];
	[sflag:s23] =	ssyncadd.s32 $0xFFFFFFFF  }
0xa5: {  	s26 =	simm.s32 $execute0_lowered;
	[smem:$0x3FD2] =	sst s25  }
0xa6: {  	s4 =	sshll.u32 s26, $0x1;
	_ =	strace $0x80000058;
	[dreg:$0x1] =	wrdreg $0xFFFFFFFF  }
0xa7: {  	s28 =	simm.s32 $_size_execute0_lowered;
	s2 =	sadd.s32 s2, s4;
	[dreg:$0x0] =	wrdreg $0x0  }
0xa8: {  	s4 =	sshll.u32 s28, $0x1;
	[dreg:$0x2] =	wrdreg s2  }
0xa9: {  	[dreg:$0x3] =	wrdreg s4  }
0xaa: {  	[dreg:$0x4] =	wrdreg $0xC0  }
0xab: {  	_ =	task [dreg:s6], $0x5FFFF  }
0xac: {  	[dreg:$0x1] =	wrdreg $0xFFFFFFFF  }
0xad: {  	[dreg:$0x0] =	wrdreg $0x60  }
0xae: {  	[dreg:$0x2] =	wrdreg s24  }
0xaf: {  	[dreg:$0x3] =	wrdreg $0x9  }
0xb0: {  	_ =	task.clear_ibuf [dreg:s6], $0x4FFFF;
	_ =	strace $0x90000058  }
0xb1: {  	s29 =	simm.s32 $0x9;
	_ =	strace $0x8000005A  }
0xb2: {  	_ =	swait.ge [sflag:s29], $0x1  }
0xb3: {  	[sflag:s29] =	ssyncadd.s32 $0xFFFFFFFF  }
0xb4: {  	_ =	strace $0x9000005A  }
0xb5: {  	_ =	sfence  }
0xb6: {  	s30 =	sld [smem:$0x0];
	_ =	sdelay $0x2  }
0xb7: {  	s31 =	sshll.u32 s1, $0xD;
	s1 =	sshrl.u32 s1, $0x2  }
0xb8: {  	s3 =	sand.u32 $0x4000, s31;
	s1 =	sadd.s32 s1, s30  }
0xb9: {  	s0 =	sor.u32 s3, s0;
	s1 =	sshll.u32 s1, $0x11  }
0xba: {  	s0 =	sor.u32 s1, s0  }
0xbb: {  	s0 =	sadd.s32 $0x8F2B, s0  }
0xbc: {  	[sflag:s0] =	ssyncadd.remote.s32 $0x1  }
0xbd: {  	_ =	sfence.sel $0xFFFF  }
0xbe: {  	[dreg:$0x0] =	wrdreg $0xFFFFFFFF;
	(pc) =	sbr.abs _section_cstart, $3  }
0xbf: {  	[dreg:$0x1] =	wrdreg $0xFFFFFFFF  }
0xc0: {  	_ =	task.clear_ibuf [dreg:s6], $0x2FFFF;
	_ =	strace $0x9FFFFFFF  }
0xc1: {  	(tm) =	ssettm $0x7FFFFFFF  }
tec
execute0_lowered:
.L_overlay_start_1:
0x0: {  	(tag) =	ssettag $0x1  }
0x1: {  	s1 =	srdreg.scid  }
0x2: {  	s0 =	stileid.u32;
	s4 =	rddreg [dreg:$0x0]  }
0x3: {  	s2 =	simm.s32 $0x0;
	s9 =	simm.s32 $0x100;
	s10 =	simm.s32 $0xC8  }
0x4: {  	s11 =	simm.s32 $0x200;
	s3 =	sand.u32 $0x1, s1;
	s5 =	smul.u32 $0x2710, s0  }
0x5: {  	s12 =	simm.s32 $0x1;
	s1 =	rddreg [dreg:$0x1];
	s6 =	smul.u32 $0x1388, s3  }
0x6: {  	s13 =	simm.s32 $0x0;
	[smem:$0x7FF] =	sst s2;
	s30 =	ssub.s32 $0x2, s3  }
0x7: {  	_ =	strace $0x80000059;
	s7 =	sshrl.u32 s30, $0x1;
	s5 =	sadd.s32 s6, s5  }
0x8: {  	s3 =	sadd.s32 $0x1B800, s4;
	s31 =	ssub.s32 s30, s7;
	s5 =	sshrl.u32 s5, $0x3  }
0x9: {  	s8 =	sadd.s32 s5, s4;
	s4 =	sadd.s32 $0x43800, s4;
	s5 =	smax.u32 s31, $0x1  }
0xa: {  	s6 =	sadd.s32 $0x11800, s8;
	s7 =	sadd.s32 $0x16800, s8;
	s8 =	simm.s32 $0x2  }
.LBB2_1:
0xb: {  	s14 =	sadd.s32 $0x0, s7  }
0xc: {  	[tilespmem:s2], [sflag:$0x2] =	stream.linear.gather [hbm4b:s14+s2], $0xC8, $0x38;
	[tilespmem:$0x6600] =	vst v63  }
0xd: {  	_ =	swait.ge [sflag:s8], $0xC8  }
0xe: {  	[sflag:s8] =	ssyncset.done $0x0  }
0xf: {  	s31 =	sadd.s32 $0x0, s6;
	[sflag:s8] =	ssyncadd.s32 $0xFFFFFF38  }
0x10: {  	[tilespmem:s9], [sflag:$0x2] =	stream.linear.gather [hbm4b:s31+s2], $0xC8, $0x38;
	[tilespmem:$0x6600] =	vst v63  }
0x11: {  	_ =	swait.ge [sflag:s8], $0xC8  }
0x12: {  	[sflag:s8] =	ssyncset.done $0x0  }
0x13: {  	[sflag:s8] =	ssyncadd.s32 $0xFFFFFF38  }
0x14: {  	[tilespmem:s11], [sflag:$0x1] =	stream.indirect.gather [hbm4b:s3+s10], $0x80, s2, s10, $0xb8;
	[tilespmem:$0x6600] =	vst v63  }
0x15: {  	_ =	swait.ge [sflag:s12], $0x6400  }
0x16: {  	[sflag:s12] =	ssyncset.done $0x0  }
0x17: {  	[sflag:s12] =	ssyncadd.s32 $0xFFFF9C00  }
0x18: {  	[hbm4b:s4+s10] =	stream.indirect.scatter [tilespmem:s11], [sflag:$0x1], $0x80, s9, s10, $0xb8;
	[tilespmem:$0x6600] =	vst v63  }
0x19: {  	_ =	swait.ge [sflag:s12], $0x6400  }
0x1a: {  	s15 =	simm.s32 $0x32;
	s14 =	simm.s32 $0x19;
	[sflag:s12] =	ssyncset.done $0x0  }
.LBB2_2:
0x1b: {  	s16 =	sadd.s32 s14, s7  }
0x1c: {  	[sflag:s12] =	ssyncadd.s32 $0xFFFF9C00;
	s17 =	smov.u32 s15;
	s18 =	sadd.s32 $0x19, s15  }
0x1d: {  	[tilespmem:s2], [sflag:$0x2] =	stream.linear.gather [hbm4b:s16+s2], $0xC8, $0x38;
	[tilespmem:$0x6600] =	vst v63  }
0x1e: {  	p0 =	sne.s32 s15, $0x258;
	_ =	swait.ge [sflag:s8], $0xC8  }
0x1f: {  	[sflag:s8] =	ssyncset.done $0x0  }
0x20: {  	s15 =	sadd.s32 s14, s6;
	s14 =	smov.u32 s17;
	[sflag:s8] =	ssyncadd.s32 $0xFFFFFF38  }
0x21: {  	[tilespmem:s9], [sflag:$0x2] =	stream.linear.gather [hbm4b:s15+s2], $0xC8, $0x38;
	[tilespmem:$0x6600] =	vst v63  }
0x22: {  	_ =	swait.ge [sflag:s8], $0xC8  }
0x23: {  	[sflag:s8] =	ssyncset.done $0x0  }
0x24: {  	[sflag:s8] =	ssyncadd.s32 $0xFFFFFF38  }
0x25: {  	[tilespmem:s11], [sflag:$0x1] =	stream.indirect.gather [hbm4b:s3+s10], $0x80, s2, s10, $0xb8;
	[tilespmem:$0x6600] =	vst v63  }
0x26: {  	_ =	swait.ge [sflag:s12], $0x6400  }
.Ltmp0:
0x27: {  	[sflag:s12] =	ssyncset.done $0x0;
	(pc) =	sbr.rel @p0 .LBB2_2-.Ltmp0, $4  }
0x28: {  	[sflag:s12] =	ssyncadd.s32 $0xFFFF9C00  }
0x29: {  	[hbm4b:s4+s10] =	stream.indirect.scatter [tilespmem:s11], [sflag:$0x1], $0x80, s9, s10, $0xb8;
	[tilespmem:$0x6600] =	vst v63  }
0x2a: {  	_ =	swait.ge [sflag:s12], $0x6400  }
0x2b: {  	s15 =	smov.u32 s18;
	[sflag:s12] =	ssyncset.done $0x0  }
0x2c: {  	s15 =	sadd.s32 s14, s7;
	[sflag:s12] =	ssyncadd.s32 $0xFFFF9C00  }
0x2d: {  	[tilespmem:s2], [sflag:$0x2] =	stream.linear.gather [hbm4b:s15+s2], $0xC8, $0x38;
	[tilespmem:$0x6600] =	vst v63  }
0x2e: {  	_ =	swait.ge [sflag:s8], $0xC8  }
0x2f: {  	[sflag:s8] =	ssyncset.done $0x0  }
0x30: {  	s31 =	sadd.s32 s14, s6;
	[sflag:s8] =	ssyncadd.s32 $0xFFFFFF38  }
0x31: {  	[tilespmem:s9], [sflag:$0x2] =	stream.linear.gather [hbm4b:s31+s2], $0xC8, $0x38;
	[tilespmem:$0x6600] =	vst v63  }
0x32: {  	_ =	swait.ge [sflag:s8], $0xC8  }
0x33: {  	[sflag:s8] =	ssyncset.done $0x0  }
0x34: {  	[sflag:s8] =	ssyncadd.s32 $0xFFFFFF38  }
0x35: {  	[tilespmem:s11], [sflag:$0x1] =	stream.indirect.gather [hbm4b:s3+s10], $0x80, s2, s10, $0xb8;
	[tilespmem:$0x6600] =	vst v63  }
0x36: {  	s13 =	sadd.s32 $0x1, s13;
	_ =	swait.ge [sflag:s12], $0x6400  }
0x37: {  	p0 =	sne.s32 s13, s5;
	[sflag:s12] =	ssyncset.done $0x0  }
.Ltmp1:
0x38: {  	[sflag:s12] =	ssyncadd.s32 $0xFFFF9C00;
	(pc) =	sbr.rel @p0 .LBB2_1-.Ltmp1, $4  }
0x39: {  	[hbm4b:s4+s10] =	stream.indirect.scatter [tilespmem:s11], [sflag:$0x1], $0x80, s9, s10, $0xb8;
	[tilespmem:$0x6600] =	vst v63  }
0x3a: {  	_ =	swait.ge [sflag:s12], $0x6400  }
0x3b: {  	[sflag:s12] =	ssyncset.done $0x0  }
0x3c: {  	[sflag:s12] =	ssyncadd.s32 $0xFFFF9C00  }
0x3d: {  	_ =	sfence.sel $0x180000  }
0x3e: {  	[bflag:$0x0] =	sbarrier.arrive $0xFFFF  }
0x3f: {  	p0 =	sne.s32 s0, $0x0;
	_ =	strace $0x90000059  }
0x40: {  	s0 =	sadd.s32 @!p0 $0x100000, s1;
	[bflag:$0x2] =	sbarrier.arrive $0xFFFF  }
0x41: {  	[sflag:s0] =	ssyncadd.tile.s32 @!p0 $0x1;
	_ =	shalt  }
.Lfunc_end2:
_tile_overlayer_lowered:
.L_overlay_start_2:
0x42: {  	(tag) =	ssettag $0x2  }
0x43: {  	s0 =	rddreg [dreg:$0x0];
	s2 =	stileid.u32  }
0x44: {  	s1 =	rddreg [dreg:$0x1];
	p0 =	sne.s32 s2, $0x0  }
0x45: {  	s3 =	rddreg [dreg:$0x2];
	[bflag:$0x3] =	sbarrier.arrive $0xFFFF;
	s2 =	simm.s32 @!p0 $0x1C02  }
0x46: {  	[timem:s3], [sflag:s2] =	dma.local @!p0 [hbm:s0], s1  }
0x47: {  	s0 =	simm.s32 @!p0 $0x2  }
0x48: {  	_ =	swait.ge @!p0 [sflag:s0], s1  }
0x49: {  	s1 =	ssub.s32 @!p0 $0x0, s1;
	[sflag:s0] =	ssyncset.done @!p0 $0x0  }
0x4a: {  	[sflag:s0] =	ssyncadd.s32 @!p0 s1  }
0x4b: {  	[bflag:$0x3] =	sbarrier.arrive $0xFFFF  }
0x4c: {  	_ =	shalt  }

// kernel: kernel.25.cloned.1.call-start
scs
__scs_entry_jumppad:
0x0: {  	(pc) =	sbr.rel $0x88, $3  }
0x1: {  	(tag) =	ssettag $0x0;
	lr =	simm.s32 $0x1  }
0x2: {  	[smem:$0x3F91] =	sst lr;
	_ =	strace $0xD0000000  }
0x3: {  	_ = 	snop  }
0x4: {  	_ = 	snop  }
0x5: {  	_ = 	snop  }
0x6: {  	_ = 	snop  }
0x7: {  	_ = 	snop  }
__scs_overlays_trampoline_lowered:
0x8: {  	[smem:$0x3FA0] =	sst s0  }
0x9: {  	[smem:$0x3FA1] =	sst s1  }
0xa: {  	[smem:$0x3FA2] =	sst s2  }
0xb: {  	[smem:$0x3FA3] =	sst s3  }
0xc: {  	[smem:$0x3FA4] =	sst s4  }
0xd: {  	[smem:$0x3FA5] =	sst s5  }
0xe: {  	[smem:$0x3FA6] =	sst s6  }
0xf: {  	[smem:$0x3FA7] =	sst s7  }
0x10: {  	[smem:$0x3FA8] =	sst s8  }
0x11: {  	[smem:$0x3FA9] =	sst s9;
	s0 =	simm.s32 @!p0 $0x0  }
0x12: {  	s1 =	sld [smem:$0x3F8F];
	s0 =	simm.s32 @p0 $0x1  }
0x13: {  	[smem:$0x3FAA] =	sst s0;
	s0 =	simm.s32 @!p1 $0x0  }
0x14: {  	s2 =	sld [smem:$0x3F8E];
	s0 =	simm.s32 @p1 $0x1  }
0x15: {  	[smem:$0x3FAB] =	sst s0;
	s0 =	simm.s32 @!p2 $0x0  }
0x16: {  	s3 =	sld [smem:$0x3FDB];
	s0 =	simm.s32 @p2 $0x1  }
0x17: {  	s4 =	simm.s32 $0x1BF5;
	[smem:$0x3FAD] =	sst s0  }
0x18: {  	s0 =	sld [smem:$0x3F90];
	_ =	swait.ge [sflag:s4], $0x0  }
0x19: {  	s7 =	sld [smem:$0x3F91]  }
0x1a: {  	s8 =	sadd.s32 $0xFFFFE003, lr  }
0x1b: {  	s9 =	sadd.s32 $0xFFFFFEF7, lr;
	s5 =	simm.s32 $0xFFFFFFFF;
	p2 =	slt.u32 s8, $0xFFFFF086  }
0x1c: {  	p1 =	slt.u32 s9, $0xF7A;
	s5 =	simm.s32 @!p2 $0x0  }
0x1d: {  	s5 =	simm.s32 @p1 $0x1;
	p0 =	seq.s32 s7, s2  }
0x1e: {  	s7 =	smul.u32 @!p0 $0xF7A, s2;
	p2 =	seq.s32 @!p0 s5, $0x0  }
0x1f: {  	s9 =	smul.u32 $0xF7A, s1;
	s8 =	simm.s32 @!p0 $0x1BF5;
	p2 =	por !p2, p0  }
0x20: {  	[sflag:s8] =	ssyncset.s32 @!p0 $0xFFFFF086;
	s6 =	sadd.s32 @!p0 s3, s7;
	s7 =	simm.s32 @!p0 $0x108  }
0x21: {  	s3 =	sadd.s32 s3, s9;
	s6 =	sadd.s32 @!p0 $0x88, s6;
	s7 =	simm.s32 @p2 $0x1082  }
0x22: {  	[simem:s7], [sflag:s8] =	dma.local @!p0 [hbm:s6], $0xF7A  }
0x23: {  	s9 =	sor.u32 $0xD0000000, s2;
	s6 =	simm.s32 $0x108;
	_ =	swait.ge @!p0 [sflag:s8], $0x0  }
0x24: {  	s3 =	sadd.s32 $0x88, s3;
	s6 =	simm.s32 @!p1 $0x1082;
	[sflag:s4] =	ssyncset.s32 $0xFFFFF086  }
0x25: {  	[simem:s6], [sflag:s4] =	dma.local [hbm:s3], $0xF7A  }
0x26: {  	[smem:$0x3F91] =	sst s1;
	(tag) =	ssettag s2;
	_ =	strace s9  }
0x27: {  	s1 =	sld [smem:$0x3FA1]  }
0x28: {  	s2 =	sld [smem:$0x3FA2]  }
0x29: {  	s4 =	sld [smem:$0x3FA4]  }
0x2a: {  	p0 =	seq.s32 s5, $0x0;
	s5 =	sld [smem:$0x3FA5]  }
0x2b: {  	s6 =	sld [smem:$0x3FA6]  }
0x2c: {  	s7 =	sld [smem:$0x3FA7]  }
0x2d: {  	s3 =	simm.s32 $0x108;
	s8 =	sld [smem:$0x3FA8]  }
0x2e: {  	s3 =	simm.s32 @!p0 $0x1082;
	s9 =	sld [smem:$0x3FA9]  }
0x2f: {  	lr =	sadd.s32 s0, s3;
	s0 =	sld [smem:$0x3FA0]  }
0x30: {  	s3 =	sld [smem:$0x3FA3]  }
0x31: {  	[smem:$0x3FAC] =	sst s10  }
0x32: {  	s10 =	sld [smem:$0x3FAA];
	_ =	sdelay $0x3  }
0x33: {  	p0 =	seq.s32 s10, $0x1;
	s10 =	sld [smem:$0x3FAC];
	_ =	sdelay $0x3  }
0x34: {  	[smem:$0x3FAC] =	sst s10  }
0x35: {  	s10 =	sld [smem:$0x3FAB];
	_ =	sdelay $0x3  }
0x36: {  	p1 =	seq.s32 s10, $0x1;
	s10 =	sld [smem:$0x3FAC];
	_ =	sdelay $0x3  }
0x37: {  	[smem:$0x3FAC] =	sst s10  }
0x38: {  	s10 =	sld [smem:$0x3FAD]  }
0x39: {  	_ = 	snop;
	(pc) =	sbr.ind lr, $3  }
0x3a: {  	_ = 	snop  }
0x3b: {  	_ = 	snop  }
0x3c: {  	p2 =	seq.s32 s10, $0x1;
	s10 =	sld [smem:$0x3FAC]  }
0x3d: {  	_ =	shalt  }
0x3e: {  	_ =	shalt  }
0x3f: {  	_ =	shalt  }
0x40: {  	_ =	shalt  }
0x41: {  	_ =	shalt  }
0x42: {  	_ =	shalt  }
0x43: {  	_ =	shalt  }
0x44: {  	_ =	shalt  }
0x45: {  	_ =	shalt  }
0x46: {  	_ =	shalt  }
0x47: {  	_ =	shalt  }
0x48: {  	_ =	shalt  }
0x49: {  	_ =	shalt  }
0x4a: {  	_ =	shalt  }
0x4b: {  	_ =	shalt  }
0x4c: {  	_ =	shalt  }
0x4d: {  	_ =	shalt  }
0x4e: {  	_ =	shalt  }
0x4f: {  	_ =	shalt  }
0x50: {  	_ =	shalt  }
0x51: {  	_ =	shalt  }
0x52: {  	_ =	shalt  }
0x53: {  	_ =	shalt  }
0x54: {  	_ =	shalt  }
0x55: {  	_ =	shalt  }
0x56: {  	_ =	shalt  }
0x57: {  	_ =	shalt  }
0x58: {  	_ =	shalt  }
0x59: {  	_ =	shalt  }
0x5a: {  	_ =	shalt  }
0x5b: {  	_ =	shalt  }
0x5c: {  	_ =	shalt  }
0x5d: {  	_ =	shalt  }
0x5e: {  	_ =	shalt  }
0x5f: {  	_ =	shalt  }
0x60: {  	_ =	shalt  }
0x61: {  	_ =	shalt  }
0x62: {  	_ =	shalt  }
0x63: {  	_ =	shalt  }
0x64: {  	_ =	shalt  }
0x65: {  	_ =	shalt  }
0x66: {  	_ =	shalt  }
0x67: {  	_ =	shalt  }
0x68: {  	_ =	shalt  }
0x69: {  	_ =	shalt  }
0x6a: {  	_ =	shalt  }
0x6b: {  	_ =	shalt  }
0x6c: {  	_ =	shalt  }
0x6d: {  	_ =	shalt  }
0x6e: {  	_ =	shalt  }
0x6f: {  	_ =	shalt  }
0x70: {  	_ =	shalt  }
0x71: {  	_ =	shalt  }
0x72: {  	_ =	shalt  }
0x73: {  	_ =	shalt  }
0x74: {  	_ =	shalt  }
0x75: {  	_ =	shalt  }
0x76: {  	_ =	shalt  }
0x77: {  	_ =	shalt  }
0x78: {  	_ =	shalt  }
0x79: {  	_ =	shalt  }
0x7a: {  	_ =	shalt  }
0x7b: {  	_ =	shalt  }
0x7c: {  	_ =	shalt  }
0x7d: {  	_ =	shalt  }
0x7e: {  	_ =	shalt  }
0x7f: {  	_ =	shalt  }
0x80: {  	_ =	shalt  }
0x81: {  	_ =	shalt  }
0x82: {  	_ =	shalt  }
0x83: {  	_ =	shalt  }
0x84: {  	_ =	shalt  }
0x85: {  	_ =	shalt  }
0x86: {  	_ =	shalt  }
0x87: {  	_ =	shalt  }
.Lfunc_end0:
.L_simem_size_0:
called_computation.7_lowered:
.L_overlay_start_0:
0x88: {  	s2 =	sld [smem:$0x3FD9]  }
0x89: {  	s3 =	sld [smem:$0x3FFE];
	_ =	sdelay $0x1  }
0x8a: {  	s1 =	srdreg.scid  }
0x8b: {  	s0 =	sand.u32 $0x1, s1  }
0x8c: {  	s16 =	sshll.u32 s0, $0xA;
	s2 =	sadd.s32 s3, s2  }
0x8d: {  	s2 =	sadd.s32 s2, s16  }
0x8e: {  	[smem:$0x3FB8] =	sst s2  }
0x8f: {  	_ = 	snop  }
0x90: {  	(tm) =	ssettm $0x1  }
0x91: {  	s17 =	sld [smem:$0x3FFB];
	_ =	sdelay $0x3  }
0x92: {  	_ =	strace s17  }
0x93: {  	s2 =	sld [smem:$0x3FFC];
	_ =	sdelay $0x3  }
0x94: {  	_ =	strace s2  }
0x95: {  	s2 =	sld [smem:$0x3FFD];
	_ =	sdelay $0x3  }
0x96: {  	_ =	strace s2  }
0x97: {  	_ =	strace $0x8FFFFFFF  }
0x98: {  	s18 =	sld [smem:$0x3FDB];
	_ =	sdelay $0x1  }
0x99: {  	s19 =	simm.s32 $_scs_section_size  }
0x9a: {  	s4 =	simm.s32 $_size__tile_overlayer_lowered;
	s5 =	simm.s32 $_tile_overlayer_lowered  }
0x9b: {  	s22 =	simm.s32 $0x1BFF;
	s21 =	sshll.u32 s5, $0x1;
	s2 =	sadd.s32 s19, s18  }
0x9c: {  	s6 =	simm.s32 $0x0;
	s20 =	sshll.u32 s4, $0x1;
	s4 =	sadd.s32 s21, s2  }
0x9d: {  	[timem:s6], [sflag:s22] =	dma.local [hbm:s4], s20  }
0x9e: {  	_ =	swait.ge [sflag:s22], s20  }
0x9f: {  	s3 =	ssub.s32 $0x0, s20;
	[sflag:s22] =	ssyncset.done $0x0  }
0xa0: {  	[sflag:s22] =	ssyncadd.s32 s3;
	_ =	sdelay $0x1  }
0xa1: {  	s23 =	simm.s32 $0x1B8B  }
0xa2: {  	_ =	swait.ge [sflag:s23], $0x1  }
0xa3: {  	[sflag:s23] =	ssyncset.done $0x0  }
0xa4: {  	s25 =	simm.s32 $0x1B8E;
	s24 =	sld [smem:$0x3FFE];
	[sflag:s23] =	ssyncadd.s32 $0xFFFFFFFF  }
0xa5: {  	s26 =	simm.s32 $execute0_lowered;
	[smem:$0x3FD2] =	sst s25  }
0xa6: {  	s4 =	sshll.u32 s26, $0x1;
	_ =	strace $0x8000005B;
	[dreg:$0x1] =	wrdreg $0xFFFFFFFF  }
0xa7: {  	s28 =	simm.s32 $_size_execute0_lowered;
	s2 =	sadd.s32 s2, s4;
	[dreg:$0x0] =	wrdreg $0x0  }
0xa8: {  	s4 =	sshll.u32 s28, $0x1;
	[dreg:$0x2] =	wrdreg s2  }
0xa9: {  	[dreg:$0x3] =	wrdreg s4  }
0xaa: {  	[dreg:$0x4] =	wrdreg $0xC0  }
0xab: {  	_ =	task [dreg:s6], $0x5FFFF  }
0xac: {  	[dreg:$0x1] =	wrdreg $0xFFFFFFFF  }
0xad: {  	[dreg:$0x0] =	wrdreg $0x60  }
0xae: {  	[dreg:$0x2] =	wrdreg s24  }
0xaf: {  	[dreg:$0x3] =	wrdreg $0x9  }
0xb0: {  	_ =	task.clear_ibuf [dreg:s6], $0x4FFFF;
	_ =	strace $0x9000005B  }
0xb1: {  	s29 =	simm.s32 $0x9;
	_ =	strace $0x8000005D  }
0xb2: {  	_ =	swait.ge [sflag:s29], $0x1  }
0xb3: {  	[sflag:s29] =	ssyncadd.s32 $0xFFFFFFFF  }
0xb4: {  	_ =	strace $0x9000005D  }
0xb5: {  	_ =	sfence  }
0xb6: {  	s30 =	sld [smem:$0x0];
	_ =	sdelay $0x2  }
0xb7: {  	s31 =	sshll.u32 s1, $0xD;
	s1 =	sshrl.u32 s1, $0x2  }
0xb8: {  	s3 =	sand.u32 $0x4000, s31;
	s1 =	sadd.s32 s1, s30  }
0xb9: {  	s0 =	sor.u32 s3, s0;
	s1 =	sshll.u32 s1, $0x11  }
0xba: {  	s0 =	sor.u32 s1, s0  }
0xbb: {  	s0 =	sadd.s32 $0x8F2B, s0  }
0xbc: {  	[sflag:s0] =	ssyncadd.remote.s32 $0x1  }
0xbd: {  	_ =	sfence.sel $0xFFFF  }
0xbe: {  	[dreg:$0x0] =	wrdreg $0xFFFFFFFF;
	(pc) =	sbr.abs _section_cstart, $3  }
0xbf: {  	[dreg:$0x1] =	wrdreg $0xFFFFFFFF  }
0xc0: {  	_ =	task.clear_ibuf [dreg:s6], $0x2FFFF;
	_ =	strace $0x9FFFFFFF  }
0xc1: {  	(tm) =	ssettm $0x7FFFFFFF  }
tec
execute0_lowered:
.L_overlay_start_1:
0x0: {  	(tag) =	ssettag $0x1  }
0x1: {  	s1 =	srdreg.scid;
	s0 =	stileid.u32  }
0x2: {  	s9 =	rddreg [dreg:$0x0];
	s6 =	sand.u32 $0x1, s1;
	s30 =	sshll.u32 s0, $0x1  }
0x3: {  	s2 =	simm.s32 $0x0;
	s1 =	rddreg [dreg:$0x1];
	s7 =	sor.u32 s6, s30  }
0x4: {  	s8 =	simm.s32 $0x1;
	[smem:$0x7FF] =	sst s2;
	s3 =	smul.u32 $0x28, s7  }
0x5: {  	s5 =	sadd.s32 $0x600, s9;
	_ =	strace $0x8000005C;
	s11 =	ssub.s32 $0x2, s6  }
0x6: {  	s6 =	simm.s32 $0x140;
	s4 =	sadd.s32 s9, s3;
	s3 =	simm.s32 $0x2  }
0x7: {  	[tilespmem:s2], [sflag:$0x2] =	stream.linear.gather [hbm4b:s4+s2], $0x140, $0x38;
	[tilespmem:$0xA180] =	vst v63  }
0x8: {  	s10 =	smul.u32 $0x1400, s7;
	s12 =	sshrl.u32 s11, $0x1;
	_ =	swait.ge [sflag:s3], $0x140  }
0x9: {  	s7 =	simm.s32 $0x180;
	s31 =	ssub.s32 s11, s12;
	[sflag:s3] =	ssyncset.done $0x0  }
0xa: {  	s9 =	sadd.s32 s10, s9;
	s10 =	smax.u32 s31, $0x1;
	[sflag:s3] =	ssyncadd.s32 $0xFFFFFEC0  }
0xb: {  	[tilespmem:s7], [sflag:$0x1] =	stream.indirect.gather [hbm4b:s5+s6], $0x80, s2, s6, $0xb8;
	[tilespmem:$0xA180] =	vst v63  }
0xc: {  	p0 =	sne.s32 s10, $0x1;
	_ =	swait.ge [sflag:s8], $0xA000  }
.Ltmp0:
0xd: {  	[sflag:s8] =	ssyncset.done $0x0;
	(pc) =	sbr.rel @!p0 .LBB2_2-.Ltmp0, $4  }
0xe: {  	s9 =	sadd.s32 $0x28600, s9;
	[sflag:s8] =	ssyncadd.s32 $0xFFFF6000  }
0xf: {  	[hbm4b:s9+s2] =	stream.linear.scatter [tilespmem:s7], [sflag:$0x2], $0xA000, $0x38;
	[tilespmem:$0xA180] =	vst v63  }
0x10: {  	_ =	swait.ge [sflag:s3], $0xA000  }
0x11: {  	s10 =	sadd.s32 $0xFFFFFFFF, s10;
	[sflag:s3] =	ssyncset.done $0x0  }
.LBB2_1:
0x12: {  	p0 =	sne.s32 s10, $0x1;
	s10 =	sadd.s32 $0xFFFFFFFF, s10;
	[sflag:s3] =	ssyncadd.s32 $0xFFFF6000  }
0x13: {  	[tilespmem:s2], [sflag:$0x2] =	stream.linear.gather [hbm4b:s4+s2], $0x140, $0x38;
	[tilespmem:$0xA180] =	vst v63  }
0x14: {  	_ =	swait.ge [sflag:s3], $0x140  }
0x15: {  	[sflag:s3] =	ssyncset.done $0x0  }
0x16: {  	[sflag:s3] =	ssyncadd.s32 $0xFFFFFEC0  }
0x17: {  	[tilespmem:s7], [sflag:$0x1] =	stream.indirect.gather [hbm4b:s5+s6], $0x80, s2, s6, $0xb8;
	[tilespmem:$0xA180] =	vst v63  }
0x18: {  	_ =	swait.ge [sflag:s8], $0xA000  }
.Ltmp1:
0x19: {  	[sflag:s8] =	ssyncset.done $0x0;
	(pc) =	sbr.rel @p0 .LBB2_1-.Ltmp1, $4  }
0x1a: {  	[sflag:s8] =	ssyncadd.s32 $0xFFFF6000  }
0x1b: {  	[hbm4b:s9+s2] =	stream.linear.scatter [tilespmem:s7], [sflag:$0x2], $0xA000, $0x38;
	[tilespmem:$0xA180] =	vst v63  }
0x1c: {  	_ =	swait.ge [sflag:s3], $0xA000  }
0x1d: {  	[sflag:s3] =	ssyncset.done $0x0  }
.LBB2_2:
0x1e: {  	[sflag:s3] =	ssyncadd.s32 $0xFFFF6000  }
0x1f: {  	_ =	sfence.sel $0x180000  }
0x20: {  	[bflag:$0x0] =	sbarrier.arrive $0xFFFF  }
0x21: {  	p0 =	sne.s32 s0, $0x0;
	_ =	strace $0x9000005C  }
0x22: {  	s0 =	sadd.s32 @!p0 $0x100000, s1;
	[bflag:$0x2] =	sbarrier.arrive $0xFFFF  }
0x23: {  	[sflag:s0] =	ssyncadd.tile.s32 @!p0 $0x1;
	_ =	shalt  }
.Lfunc_end2:
_tile_overlayer_lowered:
.L_overlay_start_2:
0x24: {  	(tag) =	ssettag $0x2  }
0x25: {  	s0 =	rddreg [dreg:$0x0];
	s2 =	stileid.u32  }
0x26: {  	s1 =	rddreg [dreg:$0x1];
	p0 =	sne.s32 s2, $0x0  }
0x27: {  	s3 =	rddreg [dreg:$0x2];
	[bflag:$0x3] =	sbarrier.arrive $0xFFFF;
	s2 =	simm.s32 @!p0 $0x1C02  }
0x28: {  	[timem:s3], [sflag:s2] =	dma.local @!p0 [hbm:s0], s1  }
0x29: {  	s0 =	simm.s32 @!p0 $0x2  }
0x2a: {  	_ =	swait.ge @!p0 [sflag:s0], s1  }
0x2b: {  	s1 =	ssub.s32 @!p0 $0x0, s1;
	[sflag:s0] =	ssyncset.done @!p0 $0x0  }
0x2c: {  	[sflag:s0] =	ssyncadd.s32 @!p0 s1  }
0x2d: {  	[bflag:$0x3] =	sbarrier.arrive $0xFFFF  }
0x2e: {  	_ =	shalt  }

// kernel: scatter_offload_async_start
scs
__scs_entry_jumppad:
0x0: {  	(pc) =	sbr.rel $0x88, $3  }
0x1: {  	(tag) =	ssettag $0x0;
	lr =	simm.s32 $0x1  }
0x2: {  	[smem:$0x3F91] =	sst lr;
	_ =	strace $0xD0000000  }
0x3: {  	_ = 	snop  }
0x4: {  	_ = 	snop  }
0x5: {  	_ = 	snop  }
0x6: {  	_ = 	snop  }
0x7: {  	_ = 	snop  }
__scs_overlays_trampoline_lowered:
0x8: {  	[smem:$0x3FA0] =	sst s0  }
0x9: {  	[smem:$0x3FA1] =	sst s1  }
0xa: {  	[smem:$0x3FA2] =	sst s2  }
0xb: {  	[smem:$0x3FA3] =	sst s3  }
0xc: {  	[smem:$0x3FA4] =	sst s4  }
0xd: {  	[smem:$0x3FA5] =	sst s5  }
0xe: {  	[smem:$0x3FA6] =	sst s6  }
0xf: {  	[smem:$0x3FA7] =	sst s7  }
0x10: {  	[smem:$0x3FA8] =	sst s8  }
0x11: {  	[smem:$0x3FA9] =	sst s9;
	s0 =	simm.s32 @!p0 $0x0  }
0x12: {  	s1 =	sld [smem:$0x3F8F];
	s0 =	simm.s32 @p0 $0x1  }
0x13: {  	[smem:$0x3FAA] =	sst s0;
	s0 =	simm.s32 @!p1 $0x0  }
0x14: {  	s2 =	sld [smem:$0x3F8E];
	s0 =	simm.s32 @p1 $0x1  }
0x15: {  	[smem:$0x3FAB] =	sst s0;
	s0 =	simm.s32 @!p2 $0x0  }
0x16: {  	s3 =	sld [smem:$0x3FDB];
	s0 =	simm.s32 @p2 $0x1  }
0x17: {  	s4 =	simm.s32 $0x1BF5;
	[smem:$0x3FAD] =	sst s0  }
0x18: {  	s0 =	sld [smem:$0x3F90];
	_ =	swait.ge [sflag:s4], $0x0  }
0x19: {  	s7 =	sld [smem:$0x3F91]  }
0x1a: {  	s8 =	sadd.s32 $0xFFFFE003, lr  }
0x1b: {  	s9 =	sadd.s32 $0xFFFFFEF7, lr;
	s5 =	simm.s32 $0xFFFFFFFF;
	p2 =	slt.u32 s8, $0xFFFFF086  }
0x1c: {  	p1 =	slt.u32 s9, $0xF7A;
	s5 =	simm.s32 @!p2 $0x0  }
0x1d: {  	s5 =	simm.s32 @p1 $0x1;
	p0 =	seq.s32 s7, s2  }
0x1e: {  	s7 =	smul.u32 @!p0 $0xF7A, s2;
	p2 =	seq.s32 @!p0 s5, $0x0  }
0x1f: {  	s9 =	smul.u32 $0xF7A, s1;
	s8 =	simm.s32 @!p0 $0x1BF5;
	p2 =	por !p2, p0  }
0x20: {  	[sflag:s8] =	ssyncset.s32 @!p0 $0xFFFFF086;
	s6 =	sadd.s32 @!p0 s3, s7;
	s7 =	simm.s32 @!p0 $0x108  }
0x21: {  	s3 =	sadd.s32 s3, s9;
	s6 =	sadd.s32 @!p0 $0x88, s6;
	s7 =	simm.s32 @p2 $0x1082  }
0x22: {  	[simem:s7], [sflag:s8] =	dma.local @!p0 [hbm:s6], $0xF7A  }
0x23: {  	s9 =	sor.u32 $0xD0000000, s2;
	s6 =	simm.s32 $0x108;
	_ =	swait.ge @!p0 [sflag:s8], $0x0  }
0x24: {  	s3 =	sadd.s32 $0x88, s3;
	s6 =	simm.s32 @!p1 $0x1082;
	[sflag:s4] =	ssyncset.s32 $0xFFFFF086  }
0x25: {  	[simem:s6], [sflag:s4] =	dma.local [hbm:s3], $0xF7A  }
0x26: {  	[smem:$0x3F91] =	sst s1;
	(tag) =	ssettag s2;
	_ =	strace s9  }
0x27: {  	s1 =	sld [smem:$0x3FA1]  }
0x28: {  	s2 =	sld [smem:$0x3FA2]  }
0x29: {  	s4 =	sld [smem:$0x3FA4]  }
0x2a: {  	p0 =	seq.s32 s5, $0x0;
	s5 =	sld [smem:$0x3FA5]  }
0x2b: {  	s6 =	sld [smem:$0x3FA6]  }
0x2c: {  	s7 =	sld [smem:$0x3FA7]  }
0x2d: {  	s3 =	simm.s32 $0x108;
	s8 =	sld [smem:$0x3FA8]  }
0x2e: {  	s3 =	simm.s32 @!p0 $0x1082;
	s9 =	sld [smem:$0x3FA9]  }
0x2f: {  	lr =	sadd.s32 s0, s3;
	s0 =	sld [smem:$0x3FA0]  }
0x30: {  	s3 =	sld [smem:$0x3FA3]  }
0x31: {  	[smem:$0x3FAC] =	sst s10  }
0x32: {  	s10 =	sld [smem:$0x3FAA];
	_ =	sdelay $0x3  }
0x33: {  	p0 =	seq.s32 s10, $0x1;
	s10 =	sld [smem:$0x3FAC];
	_ =	sdelay $0x3  }
0x34: {  	[smem:$0x3FAC] =	sst s10  }
0x35: {  	s10 =	sld [smem:$0x3FAB];
	_ =	sdelay $0x3  }
0x36: {  	p1 =	seq.s32 s10, $0x1;
	s10 =	sld [smem:$0x3FAC];
	_ =	sdelay $0x3  }
0x37: {  	[smem:$0x3FAC] =	sst s10  }
0x38: {  	s10 =	sld [smem:$0x3FAD]  }
0x39: {  	_ = 	snop;
	(pc) =	sbr.ind lr, $3  }
0x3a: {  	_ = 	snop  }
0x3b: {  	_ = 	snop  }
0x3c: {  	p2 =	seq.s32 s10, $0x1;
	s10 =	sld [smem:$0x3FAC]  }
0x3d: {  	_ =	shalt  }
0x3e: {  	_ =	shalt  }
0x3f: {  	_ =	shalt  }
0x40: {  	_ =	shalt  }
0x41: {  	_ =	shalt  }
0x42: {  	_ =	shalt  }
0x43: {  	_ =	shalt  }
0x44: {  	_ =	shalt  }
0x45: {  	_ =	shalt  }
0x46: {  	_ =	shalt  }
0x47: {  	_ =	shalt  }
0x48: {  	_ =	shalt  }
0x49: {  	_ =	shalt  }
0x4a: {  	_ =	shalt  }
0x4b: {  	_ =	shalt  }
0x4c: {  	_ =	shalt  }
0x4d: {  	_ =	shalt  }
0x4e: {  	_ =	shalt  }
0x4f: {  	_ =	shalt  }
0x50: {  	_ =	shalt  }
0x51: {  	_ =	shalt  }
0x52: {  	_ =	shalt  }
0x53: {  	_ =	shalt  }
0x54: {  	_ =	shalt  }
0x55: {  	_ =	shalt  }
0x56: {  	_ =	shalt  }
0x57: {  	_ =	shalt  }
0x58: {  	_ =	shalt  }
0x59: {  	_ =	shalt  }
0x5a: {  	_ =	shalt  }
0x5b: {  	_ =	shalt  }
0x5c: {  	_ =	shalt  }
0x5d: {  	_ =	shalt  }
0x5e: {  	_ =	shalt  }
0x5f: {  	_ =	shalt  }
0x60: {  	_ =	shalt  }
0x61: {  	_ =	shalt  }
0x62: {  	_ =	shalt  }
0x63: {  	_ =	shalt  }
0x64: {  	_ =	shalt  }
0x65: {  	_ =	shalt  }
0x66: {  	_ =	shalt  }
0x67: {  	_ =	shalt  }
0x68: {  	_ =	shalt  }
0x69: {  	_ =	shalt  }
0x6a: {  	_ =	shalt  }
0x6b: {  	_ =	shalt  }
0x6c: {  	_ =	shalt  }
0x6d: {  	_ =	shalt  }
0x6e: {  	_ =	shalt  }
0x6f: {  	_ =	shalt  }
0x70: {  	_ =	shalt  }
0x71: {  	_ =	shalt  }
0x72: {  	_ =	shalt  }
0x73: {  	_ =	shalt  }
0x74: {  	_ =	shalt  }
0x75: {  	_ =	shalt  }
0x76: {  	_ =	shalt  }
0x77: {  	_ =	shalt  }
0x78: {  	_ =	shalt  }
0x79: {  	_ =	shalt  }
0x7a: {  	_ =	shalt  }
0x7b: {  	_ =	shalt  }
0x7c: {  	_ =	shalt  }
0x7d: {  	_ =	shalt  }
0x7e: {  	_ =	shalt  }
0x7f: {  	_ =	shalt  }
0x80: {  	_ =	shalt  }
0x81: {  	_ =	shalt  }
0x82: {  	_ =	shalt  }
0x83: {  	_ =	shalt  }
0x84: {  	_ =	shalt  }
0x85: {  	_ =	shalt  }
0x86: {  	_ =	shalt  }
0x87: {  	_ =	shalt  }
.Lfunc_end0:
.L_simem_size_0:
called_computation_lowered:
.L_overlay_start_0:
0x88: {  	s0 =	sld [smem:$0x3FD9]  }
0x89: {  	s1 =	sld [smem:$0x3FFE];
	_ =	sdelay $0x3  }
0x8a: {  	s0 =	sadd.s32 s1, s0  }
0x8b: {  	[smem:$0x3FB8] =	sst s0  }
0x8c: {  	_ = 	snop  }
0x8d: {  	(tm) =	ssettm $0x1  }
0x8e: {  	s15 =	sld [smem:$0x3FFB];
	_ =	sdelay $0x3  }
0x8f: {  	_ =	strace s15  }
0x90: {  	s0 =	sld [smem:$0x3FFC];
	_ =	sdelay $0x3  }
0x91: {  	_ =	strace s0  }
0x92: {  	s0 =	sld [smem:$0x3FFD];
	_ =	sdelay $0x3  }
0x93: {  	_ =	strace s0  }
0x94: {  	_ =	strace $0x8FFFFFFF  }
0x95: {  	s16 =	sld [smem:$0x3FDB];
	_ =	sdelay $0x1  }
0x96: {  	s17 =	simm.s32 $_scs_section_size  }
0x97: {  	s2 =	simm.s32 $_size__tile_overlayer_lowered;
	s3 =	simm.s32 $_tile_overlayer_lowered  }
0x98: {  	s20 =	simm.s32 $0x1BFF;
	s19 =	sshll.u32 s3, $0x1;
	s0 =	sadd.s32 s17, s16  }
0x99: {  	s4 =	simm.s32 $0x0;
	s18 =	sshll.u32 s2, $0x1;
	s2 =	sadd.s32 s19, s0  }
0x9a: {  	[timem:s4], [sflag:s20] =	dma.local [hbm:s2], s18  }
0x9b: {  	_ =	swait.ge [sflag:s20], s18  }
0x9c: {  	s1 =	ssub.s32 $0x0, s18;
	[sflag:s20] =	ssyncset.done $0x0  }
0x9d: {  	[sflag:s20] =	ssyncadd.s32 s1;
	_ =	sdelay $0x1  }
0x9e: {  	s21 =	simm.s32 $0x1B8B  }
0x9f: {  	_ =	swait.ge [sflag:s21], $0x1  }
0xa0: {  	[sflag:s21] =	ssyncset.done $0x0  }
0xa1: {  	s23 =	simm.s32 $0x1B8E;
	s22 =	sld [smem:$0x3FFE];
	[sflag:s21] =	ssyncadd.s32 $0xFFFFFFFF  }
0xa2: {  	s24 =	simm.s32 $execute0_lowered;
	[smem:$0x3FD2] =	sst s23  }
0xa3: {  	s2 =	sshll.u32 s24, $0x1;
	_ =	strace $0x8000004C;
	[dreg:$0x1] =	wrdreg $0xFFFFFFFF  }
0xa4: {  	s25 =	simm.s32 $_size_execute0_lowered;
	s0 =	sadd.s32 s0, s2;
	[dreg:$0x0] =	wrdreg $0x0  }
0xa5: {  	s2 =	sshll.u32 s25, $0x1;
	[dreg:$0x2] =	wrdreg s0  }
0xa6: {  	[dreg:$0x3] =	wrdreg s2  }
0xa7: {  	[dreg:$0x4] =	wrdreg $0xC0  }
0xa8: {  	_ =	task [dreg:s4], $0x5FFFF  }
0xa9: {  	[dreg:$0x1] =	wrdreg $0xFFFFFFFF  }
0xaa: {  	[dreg:$0x0] =	wrdreg $0x60  }
0xab: {  	[dreg:$0x2] =	wrdreg s22  }
0xac: {  	[dreg:$0x3] =	wrdreg $0x9  }
0xad: {  	_ =	task.clear_ibuf [dreg:s4], $0x4FFFF;
	_ =	strace $0x9000004C  }
0xae: {  	s26 =	simm.s32 $0x9;
	_ =	strace $0x8000004E  }
0xaf: {  	_ =	swait.ge [sflag:s26], $0x1  }
0xb0: {  	[sflag:s26] =	ssyncadd.s32 $0xFFFFFFFF  }
0xb1: {  	_ =	strace $0x9000004E  }
0xb2: {  	_ =	sfence  }
0xb3: {  	s28 =	sld [smem:$0x0];
	_ =	sdelay $0x1  }
0xb4: {  	s29 =	srdreg.scid  }
0xb5: {  	s30 =	sshll.u32 s29, $0xD;
	s31 =	sshrl.u32 s29, $0x2  }
0xb6: {  	s1 =	sand.u32 $0x1, s29;
	s2 =	sand.u32 $0x4000, s30;
	s0 =	sadd.s32 s31, s28  }
0xb7: {  	s1 =	sor.u32 s2, s1;
	s0 =	sshll.u32 s0, $0x11  }
0xb8: {  	s0 =	sor.u32 s0, s1  }
0xb9: {  	s0 =	sadd.s32 $0x8F2B, s0  }
0xba: {  	[sflag:s0] =	ssyncadd.remote.s32 $0x1  }
0xbb: {  	_ =	sfence.sel $0xFFFF  }
0xbc: {  	[dreg:$0x0] =	wrdreg $0xFFFFFFFF;
	(pc) =	sbr.abs _section_cstart, $3  }
0xbd: {  	[dreg:$0x1] =	wrdreg $0xFFFFFFFF  }
0xbe: {  	_ =	task.clear_ibuf [dreg:s4], $0x2FFFF;
	_ =	strace $0x9FFFFFFF  }
0xbf: {  	(tm) =	ssettm $0x7FFFFFFF  }
tec
execute0_lowered:
.L_overlay_start_1:
0x0: {  	(tag) =	ssettag $0x1  }
0x1: {  	s7 =	rddreg [dreg:$0x0]  }
0x2: {  	s0 =	rddreg [dreg:$0x1]  }
0x3: {  	_ =	strace $0x8000004D;
	s3 =	stileid.u32;
	s4 =	simm.s32 $0x3E  }
0x4: {  	s1 =	sadd.s32 $0x10800, s7;
	p0 =	sne.s32 s3, $0x0;
	[sflag:s4] =	ssyncpa.u1 $0x0  }
0x5: {  	s30 =	smin.u32 s3, $0x9;
	s2 =	simm.s32 @!p0 $0x1C3E;
	s5 =	simm.s32 @!p0 $0x0  }
0x6: {  	[spmem:s5], [sflag:s2] =	dma.local @!p0 [hbm:s1], $0x1000  }
0x7: {  	s2 =	sadd.s32 s3, s30  }
0x8: {  	p1 =	slt.u32 s3, $0x9;
	s3 =	simm.s32 $0x320;
	s2 =	smul.u32 $0x190, s2  }
0x9: {  	s3 =	simm.s32 @!p1 $0x190  }
0xa: {  	s3 =	sadd.s32 s3, s2  }
0xb: {  	s3 =	smin.u32 s3, $0x2710  }
0xc: {  	s8 =	ssub.s32 s3, s2  }
0xd: {  	p1 =	sgt.s32 s8, $0x0  }
0xe: {  	s8 =	simm.s32 @!p1 $0x0  }
0xf: {  	s6 =	sand.u32 $0xFFF0, s8  }
0x10: {  	s5 =	simm.s32 @!p0 $0x3E;
	s6 =	sshrl.u32 s6, $0x4  }
0x11: {  	_ =	swait.ge @!p0 [sflag:s5], $0x1000;
	s31 =	smul.u32 $0xA3E, s6  }
0x12: {  	[sflag:s5] =	ssyncset.done @!p0 $0x0  }
0x13: {  	[sflag:s5] =	ssyncadd.s32 @!p0 $0xFFFFF000;
	s9 =	sshrl.u32 s31, $0x10  }
0x14: {  	s11 =	simm.s32 $0x0;
	[bflag:$0x0] =	sbarrier.arrive $0xFFFF;
	s10 =	smul.u32 $0x190, s9  }
.Ltmp0:
0x15: {  	[sflag:s4] =	ssyncpa.u1 $0x1;
	s4 =	simm.s32 $0x1;
	(pc) =	sbr.rel .LBB2_1-.Ltmp0, $4  }
0x16: {  	s5 =	sadd.s32 $0xF600, s7;
	s7 =	sadd.s32 $0x11800, s7;
	[sflag:s4] =	ssyncpa.u1 $0x0  }
0x17: {  	s6 =	simm.s32 $0x2;
	p1 =	sne.s32 s8, s10;
	s8 =	simm.s32 $0x1  }
0x18: {  	(ifvalue) =	ssetifvalue $0x8000;
	[sflag:s6] =	ssyncpa.u1 $0x0;
	s8 =	simm.s32 @!p1 $0x0  }
0x19: {  	vm0 =	vmmov $0xffff;
	s10 =	smov.u32 s2;
	s8 =	sadd.s32 s9, s8;
	s9 =	simm.s32 $0x0  }
.LBB2_5:
0x1a: {  	p2 =	sne.s32 s11, s8  }
.Ltmp1:
0x1b: {  	_ = 	snop;
	(pc) =	sbr.rel @!p2 .LBB2_6-.Ltmp1, $4  }
0x1c: {  	_ = 	snop  }
0x1d: {  	s12 =	sadd.s32 $0x190, s10  }
0x1e: {  	s10 =	smov.u32 s2;
	s13 =	sadd.s32 $0x1, s11;
	p1 =	slt.s32 s12, s3  }
0x1f: {  	s11 =	smov.u32 s13;
	s10 =	smov.u32 @p1 s12  }
.LBB2_1:
0x20: {  	p1 =	sge.u32 s11, s8  }
0x21: {  	s12 =	sxor.u32 @!p1 $0xFFFFFFFF, s11  }
0x22: {  	s12 =	sand.u32 @!p1 $0x1, s12  }
0x23: {  	s12 =	smul.u32 @!p1 $0x190, s12  }
0x24: {  	s13 =	sshrl.u32 @!p1 s10, $0x3  }
0x25: {  	s16 =	sand.u32 @!p1 $0x7, s10;
	s14 =	sadd.s32 @!p1 s5, s13;
	s15 =	sor.u32 @!p1 $0x800, s12  }
0x26: {  	[tilespmem:s15], [sflag:$0x2] =	stream.linear.gather @!p1 [hbm4b:s14+s16], $0x190, $0x38;
	[tilespmem:$0xE40] =	vst v63  }
0x27: {  	s13 =	sadd.s32 @!p1 s7, s13;
	s12 =	sadd.s32 @!p1 $0xB20, s12  }
0x28: {  	[tilespmem:s12], [sflag:$0x2] =	stream.linear.gather @!p1 [hbm4b:s13+s16], $0x190, $0x38;
	[tilespmem:$0xE40] =	vst v63  }
0x29: {  	p1 =	seq.s32 s11, $0x0  }
.Ltmp2:
0x2a: {  	_ = 	snop;
	(pc) =	sbr.rel @p1 .LBB2_5-.Ltmp2, $1  }
0x2b: {  	_ =	sdelay $0x3  }
0x2c: {  	s12 =	sand.u32 $0x1, s11  }
0x2d: {  	_ =	swait.ge [sflag:s6], $0x320;
	p1 =	seq.s32 s12, $0x1;
	s12 =	simm.s32 $0x190  }
0x2e: {  	[sflag:s6] =	ssyncset.done $0x0;
	s12 =	simm.s32 @!p1 $0x0  }
0x2f: {  	[sflag:s6] =	ssyncadd.s32 $0xFFFFFCE0;
	s14 =	sor.u32 $0x800, s12  }
0x30: {  	v0 =	vld.msk [tilespmem:s14+$0x0 ss:$0x1], $0xffff;
	_ =	sdelay $0x4  }
0x31: {  	v0 =	vmin.u32 v0, $0x8000;
	_ =	sdelay $0x3  }
0x32: {  	s13 =	simm.s32 $0x0;
	s12 =	sadd.s32 $0xB20, s12;
	s14 =	sadd.s32 $0x10, s14  }
0x33: {  	[spmem:s9] =	stream.indirect_vreg.scatter.add.s32 [tilespmem:s12], [sflag:$0x1], $0x1, v0, vm0, $0x4038;
	[tilespmem:$0xE40] =	vst v63  }
.LBB2_3:
0x34: {  	v0 =	vld.msk [tilespmem:s14+$0x0 ss:$0x1], $0xffff;
	s13 =	sadd.s32 $0x10, s13  }
0x35: {  	p1 =	slt.u32 s13, $0x180;
	_ =	sdelay $0x4  }
0x36: {  	v0 =	vmin.u32 v0, $0x8000  }
.Ltmp3:
0x37: {  	(pc) =	sbr.rel @p1 .LBB2_3-.Ltmp3, $3  }
0x38: {  	_ =	sdelay $0x1  }
0x39: {  	s14 =	sadd.s32 $0x10, s14;
	s12 =	sadd.s32 $0x10, s12  }
0x3a: {  	[spmem:s9] =	stream.indirect_vreg.scatter.add.s32 [tilespmem:s12], [sflag:$0x1], $0x1, v0, vm0, $0x4038;
	[tilespmem:$0xE40] =	vst v63  }
.Ltmp4:
0x3b: {  	(pc) =	sbr.rel .LBB2_5-.Ltmp4, $4  }
0x3c: {  	_ = 	snop  }
0x3d: {  	_ =	swait.ge [sflag:s4], $0x190  }
0x3e: {  	[sflag:s4] =	ssyncset.done $0x0  }
0x3f: {  	[sflag:s4] =	ssyncadd.s32 $0xFFFFFE70  }
.LBB2_6:
0x40: {  	_ =	sfence.sel $0x180000  }
0x41: {  	s2 =	simm.s32 $0x2;
	[bflag:$0x0] =	sbarrier.arrive $0xFFFF  }
0x42: {  	s30 =	simm.s32 $0x1;
	[sflag:s2] =	ssyncpa.u1 $0x1  }
0x43: {  	[sflag:s30] =	ssyncpa.u1 $0x1  }
0x44: {  	_ =	sfence.stream.spmem  }
0x45: {  	s31 =	simm.s32 $0x3D;
	[bflag:$0x0] =	sbarrier.arrive $0xFFFF  }
0x46: {  	s2 =	simm.s32 @p0 $0x3D;
	[sflag:s31] =	ssyncpa.u1 $0x0  }
0x47: {  	[sflag:s2] =	ssyncpa.u1 @p0 $0x1  }
0x48: {  	[bflag:$0x0] =	sbarrier.arrive @p0 $0xFFFF  }
0x49: {  	_ =	strace @p0 $0x9000004D  }
0x4a: {  	s3 =	simm.s32 @!p0 $0x1C3D;
	s2 =	simm.s32 @!p0 $0x0;
	[bflag:$0x2] =	sbarrier.arrive @p0 $0xFFFF  }
0x4b: {  	[hbm:s1], [sflag:s3] =	dma.local @!p0 [spmem:s2], $0x1000  }
0x4c: {  	s1 =	simm.s32 @!p0 $0x3D  }
0x4d: {  	_ =	swait.ge @!p0 [sflag:s1], $0x1000  }
0x4e: {  	[sflag:s1] =	ssyncset.done @!p0 $0x0  }
0x4f: {  	[sflag:s1] =	ssyncadd.s32 @!p0 $0xFFFFF000  }
0x50: {  	[sflag:s1] =	ssyncpa.u1 @!p0 $0x1  }
0x51: {  	[bflag:$0x0] =	sbarrier.arrive @!p0 $0xFFFF  }
0x52: {  	_ =	strace @!p0 $0x9000004D  }
0x53: {  	s0 =	sadd.s32 @!p0 $0x100000, s0;
	[bflag:$0x2] =	sbarrier.arrive @!p0 $0xFFFF  }
0x54: {  	[sflag:s0] =	ssyncadd.tile.s32 @!p0 $0x1;
	_ =	shalt  }
.Lfunc_end2:
_tile_overlayer_lowered:
.L_overlay_start_2:
0x55: {  	(tag) =	ssettag $0x2  }
0x56: {  	s0 =	rddreg [dreg:$0x0];
	s2 =	stileid.u32  }
0x57: {  	s1 =	rddreg [dreg:$0x1];
	p0 =	sne.s32 s2, $0x0  }
0x58: {  	s3 =	rddreg [dreg:$0x2];
	[bflag:$0x3] =	sbarrier.arrive $0xFFFF;
	s2 =	simm.s32 @!p0 $0x1C01  }
0x59: {  	[timem:s3], [sflag:s2] =	dma.local @!p0 [hbm:s0], s1  }
0x5a: {  	s0 =	simm.s32 @!p0 $0x1  }
0x5b: {  	_ =	swait.ge @!p0 [sflag:s0], s1  }
0x5c: {  	s1 =	ssub.s32 @!p0 $0x0, s1;
	[sflag:s0] =	ssyncset.done @!p0 $0x0  }
0x5d: {  	[sflag:s0] =	ssyncadd.s32 @!p0 s1  }
0x5e: {  	[bflag:$0x3] =	sbarrier.arrive $0xFFFF  }
0x5f: {  	_ =	shalt  }

</sc_bundles>
